<compile_context>
chip_gen: v7x
topology: tpu7x:2x2x1
jax: 0.10.2.dev20260603
libtpu: 0.0.44.dev20260713+nightly
codegen_flags: <defaults>
</compile_context>

<pallas_src>
import functools

import jax
import jax.numpy as jnp
from jax import lax
from jax.experimental import pallas as pl
from jax.experimental.pallas import tpu as pltpu
from jax.experimental.pallas import tpu_sc as plsc

N = 10000
E = 320000
DF = 128
DE = 16
H = 128
L = 3

NC = 2
NS = 16
NW = NC * NS
CHUNK = 128
CPW = 80
EP = NW * CHUNK * CPW
NCHUNK = EP // CHUNK
NP = 10112
ZR = NP // NS
OR_ = 624
TAIL = N - NS * OR_
GRP = 8
NGRP = CPW // GRP


def _sc_scatter_kernel():
    mesh = plsc.VectorSubcoreMesh(core_axis_name="c", subcore_axis_name="s")
    out_type = [jax.ShapeDtypeStruct((NC, N, H), jnp.float32)]
    scratch = [
        pltpu.VMEM_SHARED((NP, H), jnp.float32),
        pltpu.VMEM((GRP, CHUNK), jnp.int32),
        pltpu.VMEM((GRP, CHUNK), jnp.int32),
        pltpu.VMEM((CHUNK, H), jnp.float32),
        pltpu.VMEM((CHUNK, H), jnp.float32),
        pltpu.SemaphoreType.DMA,
        pltpu.SemaphoreType.DMA,
    ]

    def body(a_hbm, srcq, dstq, z128, out_s,
             s_acc, src_v, dst_v, rows_a, rows_b, sem_a, sem_b):
        c = lax.axis_index("c")
        s = lax.axis_index("s")
        wid = c * NS + s
        pltpu.sync_copy(z128, s_acc.at[pl.ds(s * ZR, ZR)])
        plsc.subcore_barrier()

        def group(g, _):
            base = wid * CPW + g * GRP
            pltpu.sync_copy(srcq.at[c, pl.ds(base, GRP)], src_v)
            pltpu.sync_copy(dstq.at[pl.ds(base, GRP)], dst_v)
            def fire(k, buf, sem):
                pltpu.async_copy(a_hbm.at[src_v.at[k, pl.ds(0, CHUNK // 2)]],
                                 buf.at[pl.ds(0, CHUNK // 2)], sem)
                pltpu.async_copy(a_hbm.at[src_v.at[k, pl.ds(CHUNK // 2, CHUNK // 2)]],
                                 buf.at[pl.ds(CHUNK // 2, CHUNK // 2)], sem)

            def drain(k, buf, sem):
                pltpu.make_async_copy(a_hbm.at[src_v.at[k, pl.ds(0, CHUNK // 2)]],
                                      buf.at[pl.ds(0, CHUNK // 2)], sem).wait()
                pltpu.make_async_copy(a_hbm.at[src_v.at[k, pl.ds(CHUNK // 2, CHUNK // 2)]],
                                      buf.at[pl.ds(CHUNK // 2, CHUNK // 2)], sem).wait()

            fire(0, rows_a, sem_a)
            for k in range(GRP):
                buf, sem = (rows_a, sem_a) if k % 2 == 0 else (rows_b, sem_b)
                nbuf, nsem = (rows_b, sem_b) if k % 2 == 0 else (rows_a, sem_a)
                drain(k, buf, sem)
                if k + 1 < GRP:
                    fire(k + 1, nbuf, nsem)
                pltpu.sync_copy(buf, s_acc.at[dst_v.at[k]], add=True)
            return 0

        lax.fori_loop(0, NGRP, group, 0)
        plsc.subcore_barrier()
        pltpu.sync_copy(s_acc.at[pl.ds(s * OR_, OR_)],
                        out_s.at[c, pl.ds(s * OR_, OR_)])

        @pl.when(s == NS - 1)
        def _():
            base = NS * OR_
            pltpu.sync_copy(s_acc.at[pl.ds(base, TAIL)],
                            out_s.at[c, pl.ds(base, TAIL)])

    return pl.kernel(body, out_type=out_type, mesh=mesh, scratch_types=scratch)




BR = 512
GRID = (N + BR - 1) // BR


BRE = 2048
EGRID = EP // BRE


def _tc_ewide_body(ea_ref, wedge_ref, o_ref):
    e16 = jnp.dot(ea_ref[...], wedge_ref[...], preferred_element_type=jnp.float32)
    ebf = e16.astype(jnp.bfloat16).astype(jnp.float32)
    o_ref[...] = jnp.concatenate(
        [ebf, jnp.ones((BRE, 1), jnp.float32),
         jnp.zeros((BRE, H - DE - 1), jnp.float32)], axis=1)


def _tc_ewide(ea_q, wedge):
    return pl.pallas_call(
        _tc_ewide_body,
        grid=(EGRID,),
        in_specs=[
            pl.BlockSpec((BRE, DE), lambda i: (i, 0)),
            pl.BlockSpec((DE, DE), lambda i: (0, 0)),
        ],
        out_specs=pl.BlockSpec((BRE, H), lambda i: (i, 0)),
        out_shape=jax.ShapeDtypeStruct((EP, H), jnp.float32),
    )(ea_q, wedge)


def _tc_init_body(x_ref, wn_ref, wj_ref, h_ref, a_ref):
    h = jnp.dot(x_ref[...], wn_ref[...], preferred_element_type=jnp.float32)
    h_ref[...] = h
    a = jnp.dot(h, wj_ref[...], preferred_element_type=jnp.float32)
    a_ref[...] = jnp.broadcast_to(a[None], (NC, BR, H))


def _tc_init(x, w_node, wj0):
    return pl.pallas_call(
        _tc_init_body,
        grid=(GRID,),
        in_specs=[
            pl.BlockSpec((BR, DF), lambda i: (i, 0)),
            pl.BlockSpec((DF, H), lambda i: (0, 0)),
            pl.BlockSpec((H, H), lambda i: (0, 0)),
        ],
        out_specs=[
            pl.BlockSpec((BR, H), lambda i: (i, 0)),
            pl.BlockSpec((NC, BR, H), lambda i: (0, i, 0)),
        ],
        out_shape=[jax.ShapeDtypeStruct((N, H), jnp.float32),
                   jax.ShapeDtypeStruct((NC, N, H), jnp.float32)],
    )(x, w_node, wj0)


def _tc_update_body(compute_next, h_ref, sp_ref, ep_ref,
                    we_ref, wi_ref, bm_ref, wih_ref, whh_ref, bih_ref,
                    bhh_ref, wjn_ref, hn_ref, an_ref):
    h = h_ref[...]
    s = sp_ref[0] + sp_ref[1]
    e128 = ep_ref[0] + ep_ref[1]
    eagg = e128[:, :DE]
    deg = e128[:, DE:DE + 1]
    econ = jnp.dot(eagg, we_ref[...], preferred_element_type=jnp.float32,
                   precision=lax.Precision.HIGHEST)
    b = jnp.dot(h, wi_ref[...], preferred_element_type=jnp.float32)
    agg = s + econ + deg * (b + bm_ref[...])
    gi = jnp.dot(agg, wih_ref[...], preferred_element_type=jnp.float32) + bih_ref[...]
    gh = jnp.dot(h, whh_ref[...], preferred_element_type=jnp.float32) + bhh_ref[...]
    r = jax.nn.sigmoid(gi[:, :H] + gh[:, :H])
    z = jax.nn.sigmoid(gi[:, H:2 * H] + gh[:, H:2 * H])
    n = jnp.tanh(gi[:, 2 * H:] + r * gh[:, 2 * H:])
    hn = (1.0 - z) * n + z * h
    hn_ref[...] = hn
    if compute_next:
        an = jnp.dot(hn, wjn_ref[...], preferred_element_type=jnp.float32)
        an_ref[...] = jnp.broadcast_to(an[None], (NC, BR, H))


def _tc_update(compute_next, h, s_part, e_part, we, wi, bm,
               wih, whh, bih, bhh, wjn):
    body = functools.partial(_tc_update_body, compute_next)
    out_shape = [jax.ShapeDtypeStruct((N, H), jnp.float32),
                 jax.ShapeDtypeStruct((NC, N, H), jnp.float32)]
    return pl.pallas_call(
        body,
        grid=(GRID,),
        in_specs=[
            pl.BlockSpec((BR, H), lambda i: (i, 0)),
            pl.BlockSpec((NC, BR, H), lambda i: (0, i, 0)),
            pl.BlockSpec((NC, BR, H), lambda i: (0, i, 0)),
            pl.BlockSpec((DE, H), lambda i: (0, 0)),
            pl.BlockSpec((H, H), lambda i: (0, 0)),
            pl.BlockSpec((1, H), lambda i: (0, 0)),
            pl.BlockSpec((H, 3 * H), lambda i: (0, 0)),
            pl.BlockSpec((H, 3 * H), lambda i: (0, 0)),
            pl.BlockSpec((1, 3 * H), lambda i: (0, 0)),
            pl.BlockSpec((1, 3 * H), lambda i: (0, 0)),
            pl.BlockSpec((H, H), lambda i: (0, 0)),
        ],
        out_specs=[
            pl.BlockSpec((BR, H), lambda i: (i, 0)),
            pl.BlockSpec((NC, BR, H), lambda i: (0, i, 0)),
        ],
        out_shape=out_shape,
    )(h, s_part, e_part, we, wi, bm, wih, whh, bih, bhh, wjn)


def kernel(x, edge_index, edge_attr, W_node, W_edge, msg_W, msg_b,
           W_ih, W_hh, b_ih, b_hh):
    x = x.astype(jnp.float32)
    edge_attr = edge_attr.astype(jnp.float32)
    src = edge_index[0]
    dst = edge_index[1]

    pad = EP - E
    pad_ar = jnp.arange(pad, dtype=jnp.int32)
    src_pad = pad_ar % N
    dst_pad = N + pad_ar % (NP - N)
    src_q1 = jnp.concatenate([src, src_pad]).reshape(NCHUNK, CHUNK)
    src_q = jnp.stack([src_q1, src_q1 + N])
    dst_q = jnp.concatenate([dst, dst_pad]).reshape(NCHUNK, CHUNK)
    ea_q = jnp.concatenate([edge_attr, jnp.zeros((pad, DE), jnp.float32)])
    iota_q1 = jnp.arange(EP, dtype=jnp.int32).reshape(NCHUNK, CHUNK)
    iota_q = jnp.stack([iota_q1, iota_q1])
    z128 = jnp.zeros((ZR, H), jnp.float32)

    wj = [msg_W[l, :H] for l in range(L)]
    we = [msg_W[l, H:H + DE].astype(jnp.bfloat16).astype(jnp.float32)
          for l in range(L)]
    wi = [msg_W[l, H + DE:] for l in range(L)]
    bm = [msg_b[l].reshape(1, H) for l in range(L)]
    wih = [W_ih[l] for l in range(L)]
    whh = [W_hh[l] for l in range(L)]
    bih = [b_ih[l].reshape(1, 3 * H) for l in range(L)]
    bhh = [b_hh[l].reshape(1, 3 * H) for l in range(L)]

    sc_plain = _sc_scatter_kernel()

    h, a = _tc_init(x, W_node, wj[0])
    ea_wide = _tc_ewide(ea_q, W_edge)

    (s_part,) = sc_plain(a.reshape(NC * N, H), src_q, dst_q, z128)
    ea_dep, _ = lax.optimization_barrier((ea_wide, s_part))
    (e_part,) = sc_plain(ea_dep, iota_q, dst_q, z128)

    for l in range(L):
        last = l == L - 1
        h, a = _tc_update(not last, h, s_part, e_part, we[l], wi[l],
                          bm[l], wih[l], whh[l], bih[l], bhh[l],
                          wj[min(l + 1, L - 1)])
        if not last:
            (s_part,) = sc_plain(a.reshape(NC * N, H), src_q, dst_q, z128)
    return h

# --- scband reference (transcript-rebuilt; emitter-appended) ---
"""Pipeline reference for scband-mpnnembedding-45423574122974 (READ-ONLY COPY).

The authoritative reference and input builder live on the scoring server;
editing this copy changes nothing except your own understanding.
"""

import jax, jax.numpy as jnp
import numpy as np

N = 10000
E = 320000
DF = 128
DE = 16
H = 128
EH = 16
L = 3


def setup_inputs(seed: int = 0) -> dict:
    key = jax.random.key(seed)
    ks = jax.random.split(key, 10)
    x = jax.random.normal(ks[0], (N, DF), dtype=jnp.float32)
    edge_index = jax.random.randint(ks[1], (2, E), 0, N, dtype=jnp.int32)
    edge_attr = jax.random.normal(ks[2], (E, DE), dtype=jnp.float32)
    W_node = jax.random.normal(ks[3], (DF, H), dtype=jnp.float32) * 0.05
    W_edge = jax.random.normal(ks[4], (DE, EH), dtype=jnp.float32) * 0.05
    msg_W = jax.random.normal(ks[5], (L, 2 * H + EH, H), dtype=jnp.float32) * 0.05
    msg_b = jnp.zeros((L, H), dtype=jnp.float32)
    W_ih = jax.random.normal(ks[6], (L, H, 3 * H), dtype=jnp.float32) * 0.05
    W_hh = jax.random.normal(ks[7], (L, H, 3 * H), dtype=jnp.float32) * 0.05
    b_ih = jnp.zeros((L, 3 * H), dtype=jnp.float32)
    b_hh = jnp.zeros((L, 3 * H), dtype=jnp.float32)
    return {"x": x, "edge_index": edge_index, "edge_attr": edge_attr,
            "W_node": W_node, "W_edge": W_edge, "msg_W": msg_W, "msg_b": msg_b,
            "W_ih": W_ih, "W_hh": W_hh, "b_ih": b_ih, "b_hh": b_hh}


def reference(x, edge_index, edge_attr, W_node, W_edge, msg_W, msg_b, W_ih, W_hh, b_ih, b_hh):
    # MPNNEmbedding forward: node/edge linear embedding, then L MPNN layers
    # (message linear over [x_j, edge, x_i], scatter-add aggregation, GRUCell update).
    x = x.astype(jnp.float32)
    edge_attr = edge_attr.astype(jnp.float32)
    src = edge_index[0]  # j (source), messages flow source -> target
    dst = edge_index[1]  # i (target)
    h = x @ W_node          # node_embedding (no bias)
    e = edge_attr @ W_edge  # edge_embedding (no bias)
    for l in range(L):
        x_j = h[src]
        x_i = h[dst]
        m = jnp.concatenate([x_j, e, x_i], axis=-1) @ msg_W[l] + msg_b[l]
        agg = jax.ops.segment_sum(m, dst, num_segments=N)
        # PyTorch GRUCell: input = agg, hidden = h
        gi = agg @ W_ih[l] + b_ih[l]
        gh = h @ W_hh[l] + b_hh[l]
        i_r, i_z, i_n = jnp.split(gi, 3, axis=-1)
        h_r, h_z, h_n = jnp.split(gh, 3, axis=-1)
        r = jax.nn.sigmoid(i_r + h_r)
        z = jax.nn.sigmoid(i_z + h_z)
        n = jnp.tanh(i_n + r * h_n)
        h = (1.0 - z) * n + z * h
        # dropout p=0.0 -> identity
    return h

if __name__ == "__main__":
    import jax
    _d = setup_inputs()
    print(jax.jit(kernel)(*tuple(_d.values())))

</pallas_src>

<mosaic_0001>
#map = affine_map<(d0, d1) -> (0, 0)>
#map1 = affine_map<(d0, d1) -> (0, 0, 0)>
module attributes {stable_mosaic.version = 14 : i64} {
  func.func @body(%arg0: i32, %arg1: i32, %arg2: memref<20000x128xf32, #tpu.memory_space<hbm>>, %arg3: memref<2x2560x128xi32, #tpu.memory_space<hbm>>, %arg4: memref<2560x128xi32, #tpu.memory_space<hbm>>, %arg5: memref<632x128xf32, #tpu.memory_space<hbm>>, %arg6: memref<2x10000x128xf32, #tpu.memory_space<hbm>>, %arg7: memref<10112x128xf32, #tpu.memory_space<vmem_shared>>, %arg8: memref<8x128xi32, #tpu.memory_space<vmem>>, %arg9: memref<8x128xi32, #tpu.memory_space<vmem>>, %arg10: memref<128x128xf32, #tpu.memory_space<vmem>>, %arg11: memref<128x128xf32, #tpu.memory_space<vmem>>, %arg12: memref<!tpu.dma_semaphore, #tpu.memory_space<semaphore_mem>>, %arg13: memref<!tpu.dma_semaphore, #tpu.memory_space<semaphore_mem>>) attributes {dimension_semantics = [#tpu.dimension_semantics<core_parallel>, #tpu.dimension_semantics<subcore_parallel>], iteration_bounds = array<i64: 2, 16>, scalar_prefetch = 0 : i64, scratch_operands = 7 : i64, tpu.core_type = #tpu.core_type<sc_vector_subcore>, window_params = [{transform_indices = #map}, {transform_indices = #map1}, {transform_indices = #map}, {transform_indices = #map}, {transform_indices = #map1}]} {
    %mul3A = arith.constant 16 : i32
    %mul3A_0 = arith.muli %arg0, %mul3A : i32
    %add3A = arith.addi %mul3A_0, %arg1 : i32
    %mul3A_1 = arith.constant 632 : i32
    %mul3A_2 = arith.muli %arg1, %mul3A_1 : i32
    "tpu.region"() ({
      %run_scoped3A = tpu.sem_alloc : memref<!tpu.dma_semaphore, #tpu.memory_space<semaphore_mem>>
      %dma_start3A = arith.constant 0 : i32
      %dma_start3A_16 = tpu.memref_slice %arg7[%mul3A_2, %dma_start3A] : memref<10112x128xf32, #tpu.memory_space<vmem_shared>> -> memref<632x128xf32, #tpu.memory_space<vmem_shared>>
      tpu.enqueue_dma source(%arg5 : memref<632x128xf32, #tpu.memory_space<hbm>>) target(%dma_start3A_16 : memref<632x128xf32, #tpu.memory_space<vmem_shared>>) target_semaphore(%run_scoped3A : memref<!tpu.dma_semaphore, #tpu.memory_space<semaphore_mem>>)
      %dma_wait3A = arith.constant 0 : i32
      %dma_wait3A_17 = tpu.memref_slice %arg7[%mul3A_2, %dma_wait3A] : memref<10112x128xf32, #tpu.memory_space<vmem_shared>> -> memref<632x128xf32, #tpu.memory_space<vmem_shared>>
      tpu.wait_dma2 semaphore(%run_scoped3A : memref<!tpu.dma_semaphore, #tpu.memory_space<semaphore_mem>>) src(%arg5 : memref<632x128xf32, #tpu.memory_space<hbm>>) dst(%dma_wait3A_17 : memref<632x128xf32, #tpu.memory_space<vmem_shared>>)
      tpu.yield
    }) : () -> ()
    %barrier3A = arith.constant 0 : index
    tpu.barrier barrier_id(%barrier3A)
    %scan3A = arith.constant 0 : i32
    %scan3A_3 = arith.constant 0 : i32
    %scan3A_4 = arith.constant 10 : i32
    %scan3A_5 = arith.addi %scan3A_3, %scan3A_4 : i32
    %scan3A_6 = arith.constant 1 : i32
    %scan3A_7 = scf.for %scan3A_16 = %scan3A_3 to %scan3A_5 step %scan3A_6 iter_args(%scan3A_17 = %scan3A) -> (i32)  : i32 {
      %mul3A_18 = arith.constant 80 : i32
      %mul3A_19 = arith.muli %add3A, %mul3A_18 : i32
      %mul3A_20 = arith.constant 8 : i32
      %mul3A_21 = arith.muli %scan3A_16, %mul3A_20 : i32
      %add3A_22 = arith.addi %mul3A_19, %mul3A_21 : i32
      "tpu.region"() ({
        %run_scoped3A_349 = tpu.sem_alloc : memref<!tpu.dma_semaphore, #tpu.memory_space<semaphore_mem>>
        %dma_start3A_350 = arith.constant 0 : i32
        %dma_start3A_351 = tpu.memref_slice %arg3[%arg0, %add3A_22, %dma_start3A_350] : memref<2x2560x128xi32, #tpu.memory_space<hbm>> -> memref<1x8x128xi32, #tpu.memory_space<hbm>>
        %dma_start3A_352 = tpu.memref_squeeze %dma_start3A_351 : memref<1x8x128xi32, #tpu.memory_space<hbm>> -> memref<8x128xi32, #tpu.memory_space<hbm>>
        %dma_start3A_353 = arith.constant 0 : i32
        %dma_start3A_354 = tpu.memref_slice %arg3[%arg0, %add3A_22, %dma_start3A_353] : memref<2x2560x128xi32, #tpu.memory_space<hbm>> -> memref<1x8x128xi32, #tpu.memory_space<hbm>>
        %dma_start3A_355 = tpu.memref_squeeze %dma_start3A_354 : memref<1x8x128xi32, #tpu.memory_space<hbm>> -> memref<8x128xi32, #tpu.memory_space<hbm>>
        tpu.enqueue_dma source(%dma_start3A_355 : memref<8x128xi32, #tpu.memory_space<hbm>>) target(%arg8 : memref<8x128xi32, #tpu.memory_space<vmem>>) target_semaphore(%run_scoped3A_349 : memref<!tpu.dma_semaphore, #tpu.memory_space<semaphore_mem>>)
        %dma_wait3A_356 = arith.constant 0 : i32
        %dma_wait3A_357 = tpu.memref_slice %arg3[%arg0, %add3A_22, %dma_wait3A_356] : memref<2x2560x128xi32, #tpu.memory_space<hbm>> -> memref<1x8x128xi32, #tpu.memory_space<hbm>>
        %dma_wait3A_358 = tpu.memref_squeeze %dma_wait3A_357 : memref<1x8x128xi32, #tpu.memory_space<hbm>> -> memref<8x128xi32, #tpu.memory_space<hbm>>
        %dma_wait3A_359 = arith.constant 0 : i32
        %dma_wait3A_360 = tpu.memref_slice %arg3[%arg0, %add3A_22, %dma_wait3A_359] : memref<2x2560x128xi32, #tpu.memory_space<hbm>> -> memref<1x8x128xi32, #tpu.memory_space<hbm>>
        %dma_wait3A_361 = tpu.memref_squeeze %dma_wait3A_360 : memref<1x8x128xi32, #tpu.memory_space<hbm>> -> memref<8x128xi32, #tpu.memory_space<hbm>>
        tpu.wait_dma2 semaphore(%run_scoped3A_349 : memref<!tpu.dma_semaphore, #tpu.memory_space<semaphore_mem>>) src(%dma_wait3A_361 : memref<8x128xi32, #tpu.memory_space<hbm>>) dst(%arg8 : memref<8x128xi32, #tpu.memory_space<vmem>>)
        tpu.yield
      }) : () -> ()
      "tpu.region"() ({
        %run_scoped3A_349 = tpu.sem_alloc : memref<!tpu.dma_semaphore, #tpu.memory_space<semaphore_mem>>
        %dma_start3A_350 = arith.constant 0 : i32
        %dma_start3A_351 = tpu.memref_slice %arg4[%add3A_22, %dma_start3A_350] : memref<2560x128xi32, #tpu.memory_space<hbm>> -> memref<8x128xi32, #tpu.memory_space<hbm>>
        %dma_start3A_352 = arith.constant 0 : i32
        %dma_start3A_353 = tpu.memref_slice %arg4[%add3A_22, %dma_start3A_352] : memref<2560x128xi32, #tpu.memory_space<hbm>> -> memref<8x128xi32, #tpu.memory_space<hbm>>
        tpu.enqueue_dma source(%dma_start3A_353 : memref<8x128xi32, #tpu.memory_space<hbm>>) target(%arg9 : memref<8x128xi32, #tpu.memory_space<vmem>>) target_semaphore(%run_scoped3A_349 : memref<!tpu.dma_semaphore, #tpu.memory_space<semaphore_mem>>)
        %dma_wait3A_354 = arith.constant 0 : i32
        %dma_wait3A_355 = tpu.memref_slice %arg4[%add3A_22, %dma_wait3A_354] : memref<2560x128xi32, #tpu.memory_space<hbm>> -> memref<8x128xi32, #tpu.memory_space<hbm>>
        %dma_wait3A_356 = arith.constant 0 : i32
        %dma_wait3A_357 = tpu.memref_slice %arg4[%add3A_22, %dma_wait3A_356] : memref<2560x128xi32, #tpu.memory_space<hbm>> -> memref<8x128xi32, #tpu.memory_space<hbm>>
        tpu.wait_dma2 semaphore(%run_scoped3A_349 : memref<!tpu.dma_semaphore, #tpu.memory_space<semaphore_mem>>) src(%dma_wait3A_357 : memref<8x128xi32, #tpu.memory_space<hbm>>) dst(%arg9 : memref<8x128xi32, #tpu.memory_space<vmem>>)
        tpu.yield
      }) : () -> ()
      %dma_start3A = arith.constant 0 : i32
      %dma_start3A_23 = arith.constant 0 : i32
      %dma_start3A_24 = arith.constant 0 : i32
      %dma_start3A_25 = tpu.memref_slice %arg10[%dma_start3A_23, %dma_start3A_24] : memref<128x128xf32, #tpu.memory_space<vmem>> -> memref<64x128xf32, #tpu.memory_space<vmem>>
      %dma_start3A_26 = arith.constant 0 : i32
      %dma_start3A_27 = tpu.memref_slice %arg8[%dma_start3A, %dma_start3A_26] : memref<8x128xi32, #tpu.memory_space<vmem>> -> memref<1x64xi32, #tpu.memory_space<vmem>>
      %dma_start3A_28 = tpu.memref_squeeze %dma_start3A_27 : memref<1x64xi32, #tpu.memory_space<vmem>> -> memref<64xi32, #tpu.memory_space<vmem>>
      %dma_start3A_29 = arith.constant 0 : i32
      %dma_start3A_30 = arith.constant 0 : i32
      %dma_start3A_31 = tpu.memref_slice %arg2[%dma_start3A_29, %dma_start3A_30] : memref<20000x128xf32, #tpu.memory_space<hbm>> -> memref<20000x128xf32, #tpu.memory_space<hbm>>
      tpu.enqueue_indirect_dma source(%dma_start3A_31 : memref<20000x128xf32, #tpu.memory_space<hbm>>) target(%dma_start3A_25 : memref<64x128xf32, #tpu.memory_space<vmem>>) offsets(%dma_start3A_28 : memref<64xi32, #tpu.memory_space<vmem>>) semaphore(%arg12 : memref<!tpu.dma_semaphore, #tpu.memory_space<semaphore_mem>>)
      %dma_start3A_32 = arith.constant 0 : i32
      %dma_start3A_33 = arith.constant 64 : i32
      %dma_start3A_34 = arith.constant 0 : i32
      %dma_start3A_35 = tpu.memref_slice %arg10[%dma_start3A_33, %dma_start3A_34] : memref<128x128xf32, #tpu.memory_space<vmem>> -> memref<64x128xf32, #tpu.memory_space<vmem>>
      %dma_start3A_36 = arith.constant 64 : i32
      %dma_start3A_37 = tpu.memref_slice %arg8[%dma_start3A_32, %dma_start3A_36] : memref<8x128xi32, #tpu.memory_space<vmem>> -> memref<1x64xi32, #tpu.memory_space<vmem>>
      %dma_start3A_38 = tpu.memref_squeeze %dma_start3A_37 : memref<1x64xi32, #tpu.memory_space<vmem>> -> memref<64xi32, #tpu.memory_space<vmem>>
      %dma_start3A_39 = arith.constant 0 : i32
      %dma_start3A_40 = arith.constant 0 : i32
      %dma_start3A_41 = tpu.memref_slice %arg2[%dma_start3A_39, %dma_start3A_40] : memref<20000x128xf32, #tpu.memory_space<hbm>> -> memref<20000x128xf32, #tpu.memory_space<hbm>>
      tpu.enqueue_indirect_dma source(%dma_start3A_41 : memref<20000x128xf32, #tpu.memory_space<hbm>>) target(%dma_start3A_35 : memref<64x128xf32, #tpu.memory_space<vmem>>) offsets(%dma_start3A_38 : memref<64xi32, #tpu.memory_space<vmem>>) semaphore(%arg12 : memref<!tpu.dma_semaphore, #tpu.memory_space<semaphore_mem>>)
      %dma_wait3A = arith.constant 0 : i32
      %dma_wait3A_42 = arith.constant 0 : i32
      %dma_wait3A_43 = arith.constant 0 : i32
      %dma_wait3A_44 = tpu.memref_slice %arg10[%dma_wait3A_42, %dma_wait3A_43] : memref<128x128xf32, #tpu.memory_space<vmem>> -> memref<64x128xf32, #tpu.memory_space<vmem>>
      %dma_wait3A_45 = arith.constant 0 : i32
      %dma_wait3A_46 = tpu.memref_slice %arg8[%dma_wait3A, %dma_wait3A_45] : memref<8x128xi32, #tpu.memory_space<vmem>> -> memref<1x64xi32, #tpu.memory_space<vmem>>
      %dma_wait3A_47 = tpu.memref_squeeze %dma_wait3A_46 : memref<1x64xi32, #tpu.memory_space<vmem>> -> memref<64xi32, #tpu.memory_space<vmem>>
      %dma_wait3A_48 = arith.constant 0 : i32
      %dma_wait3A_49 = arith.constant 0 : i32
      %dma_wait3A_50 = tpu.memref_slice %arg2[%dma_wait3A_48, %dma_wait3A_49] : memref<20000x128xf32, #tpu.memory_space<hbm>> -> memref<20000x128xf32, #tpu.memory_space<hbm>>
      tpu.wait_indirect_dma semaphore(%arg12 : memref<!tpu.dma_semaphore, #tpu.memory_space<semaphore_mem>>) src(%dma_wait3A_50 : memref<20000x128xf32, #tpu.memory_space<hbm>>) dst(%dma_wait3A_44 : memref<64x128xf32, #tpu.memory_space<vmem>>)
      %dma_wait3A_51 = arith.constant 0 : i32
      %dma_wait3A_52 = arith.constant 64 : i32
      %dma_wait3A_53 = arith.constant 0 : i32
      %dma_wait3A_54 = tpu.memref_slice %arg10[%dma_wait3A_52, %dma_wait3A_53] : memref<128x128xf32, #tpu.memory_space<vmem>> -> memref<64x128xf32, #tpu.memory_space<vmem>>
      %dma_wait3A_55 = arith.constant 64 : i32
      %dma_wait3A_56 = tpu.memref_slice %arg8[%dma_wait3A_51, %dma_wait3A_55] : memref<8x128xi32, #tpu.memory_space<vmem>> -> memref<1x64xi32, #tpu.memory_space<vmem>>
      %dma_wait3A_57 = tpu.memref_squeeze %dma_wait3A_56 : memref<1x64xi32, #tpu.memory_space<vmem>> -> memref<64xi32, #tpu.memory_space<vmem>>
      %dma_wait3A_58 = arith.constant 0 : i32
      %dma_wait3A_59 = arith.constant 0 : i32
      %dma_wait3A_60 = tpu.memref_slice %arg2[%dma_wait3A_58, %dma_wait3A_59] : memref<20000x128xf32, #tpu.memory_space<hbm>> -> memref<20000x128xf32, #tpu.memory_space<hbm>>
      tpu.wait_indirect_dma semaphore(%arg12 : memref<!tpu.dma_semaphore, #tpu.memory_space<semaphore_mem>>) src(%dma_wait3A_60 : memref<20000x128xf32, #tpu.memory_space<hbm>>) dst(%dma_wait3A_54 : memref<64x128xf32, #tpu.memory_space<vmem>>)
      %dma_start3A_61 = arith.constant 1 : i32
      %dma_start3A_62 = arith.constant 0 : i32
      %dma_start3A_63 = arith.constant 0 : i32
      %dma_start3A_64 = tpu.memref_slice %arg11[%dma_start3A_62, %dma_start3A_63] : memref<128x128xf32, #tpu.memory_space<vmem>> -> memref<64x128xf32, #tpu.memory_space<vmem>>
      %dma_start3A_65 = arith.constant 0 : i32
      %dma_start3A_66 = tpu.memref_slice %arg8[%dma_start3A_61, %dma_start3A_65] : memref<8x128xi32, #tpu.memory_space<vmem>> -> memref<1x64xi32, #tpu.memory_space<vmem>>
      %dma_start3A_67 = tpu.memref_squeeze %dma_start3A_66 : memref<1x64xi32, #tpu.memory_space<vmem>> -> memref<64xi32, #tpu.memory_space<vmem>>
      %dma_start3A_68 = arith.constant 0 : i32
      %dma_start3A_69 = arith.constant 0 : i32
      %dma_start3A_70 = tpu.memref_slice %arg2[%dma_start3A_68, %dma_start3A_69] : memref<20000x128xf32, #tpu.memory_space<hbm>> -> memref<20000x128xf32, #tpu.memory_space<hbm>>
      tpu.enqueue_indirect_dma source(%dma_start3A_70 : memref<20000x128xf32, #tpu.memory_space<hbm>>) target(%dma_start3A_64 : memref<64x128xf32, #tpu.memory_space<vmem>>) offsets(%dma_start3A_67 : memref<64xi32, #tpu.memory_space<vmem>>) semaphore(%arg13 : memref<!tpu.dma_semaphore, #tpu.memory_space<semaphore_mem>>)
      %dma_start3A_71 = arith.constant 1 : i32
      %dma_start3A_72 = arith.constant 64 : i32
      %dma_start3A_73 = arith.constant 0 : i32
      %dma_start3A_74 = tpu.memref_slice %arg11[%dma_start3A_72, %dma_start3A_73] : memref<128x128xf32, #tpu.memory_space<vmem>> -> memref<64x128xf32, #tpu.memory_space<vmem>>
      %dma_start3A_75 = arith.constant 64 : i32
      %dma_start3A_76 = tpu.memref_slice %arg8[%dma_start3A_71, %dma_start3A_75] : memref<8x128xi32, #tpu.memory_space<vmem>> -> memref<1x64xi32, #tpu.memory_space<vmem>>
      %dma_start3A_77 = tpu.memref_squeeze %dma_start3A_76 : memref<1x64xi32, #tpu.memory_space<vmem>> -> memref<64xi32, #tpu.memory_space<vmem>>
      %dma_start3A_78 = arith.constant 0 : i32
      %dma_start3A_79 = arith.constant 0 : i32
      %dma_start3A_80 = tpu.memref_slice %arg2[%dma_start3A_78, %dma_start3A_79] : memref<20000x128xf32, #tpu.memory_space<hbm>> -> memref<20000x128xf32, #tpu.memory_space<hbm>>
      tpu.enqueue_indirect_dma source(%dma_start3A_80 : memref<20000x128xf32, #tpu.memory_space<hbm>>) target(%dma_start3A_74 : memref<64x128xf32, #tpu.memory_space<vmem>>) offsets(%dma_start3A_77 : memref<64xi32, #tpu.memory_space<vmem>>) semaphore(%arg13 : memref<!tpu.dma_semaphore, #tpu.memory_space<semaphore_mem>>)
      %run_scoped3A = arith.constant 0 : i32
      "tpu.region"() ({
        %run_scoped3A_349 = tpu.sem_alloc : memref<!tpu.dma_semaphore, #tpu.memory_space<semaphore_mem>>
        %dma_start3A_350 = arith.constant 0 : i32
        %dma_start3A_351 = tpu.memref_slice %arg9[%run_scoped3A, %dma_start3A_350] : memref<8x128xi32, #tpu.memory_space<vmem>> -> memref<1x128xi32, #tpu.memory_space<vmem>>
        %dma_start3A_352 = tpu.memref_squeeze %dma_start3A_351 : memref<1x128xi32, #tpu.memory_space<vmem>> -> memref<128xi32, #tpu.memory_space<vmem>>
        %dma_start3A_353 = arith.constant 0 : i32
        %dma_start3A_354 = arith.constant 0 : i32
        %dma_start3A_355 = tpu.memref_slice %arg7[%dma_start3A_353, %dma_start3A_354] : memref<10112x128xf32, #tpu.memory_space<vmem_shared>> -> memref<10112x128xf32, #tpu.memory_space<vmem_shared>>
        tpu.enqueue_indirect_dma source(%arg10 : memref<128x128xf32, #tpu.memory_space<vmem>>) target(%dma_start3A_355 : memref<10112x128xf32, #tpu.memory_space<vmem_shared>>) offsets(%dma_start3A_352 : memref<128xi32, #tpu.memory_space<vmem>>) semaphore(%run_scoped3A_349 : memref<!tpu.dma_semaphore, #tpu.memory_space<semaphore_mem>>) {add = true}
        %dma_wait3A_356 = arith.constant 0 : i32
        %dma_wait3A_357 = tpu.memref_slice %arg9[%run_scoped3A, %dma_wait3A_356] : memref<8x128xi32, #tpu.memory_space<vmem>> -> memref<1x128xi32, #tpu.memory_space<vmem>>
        %dma_wait3A_358 = tpu.memref_squeeze %dma_wait3A_357 : memref<1x128xi32, #tpu.memory_space<vmem>> -> memref<128xi32, #tpu.memory_space<vmem>>
        %dma_wait3A_359 = arith.constant 0 : i32
        %dma_wait3A_360 = arith.constant 0 : i32
        %dma_wait3A_361 = tpu.memref_slice %arg7[%dma_wait3A_359, %dma_wait3A_360] : memref<10112x128xf32, #tpu.memory_space<vmem_shared>> -> memref<10112x128xf32, #tpu.memory_space<vmem_shared>>
        tpu.wait_indirect_dma semaphore(%run_scoped3A_349 : memref<!tpu.dma_semaphore, #tpu.memory_space<semaphore_mem>>) src(%arg10 : memref<128x128xf32, #tpu.memory_space<vmem>>) dst(%dma_wait3A_361 : memref<10112x128xf32, #tpu.memory_space<vmem_shared>>)
        tpu.yield
      }) : () -> ()
      %dma_wait3A_81 = arith.constant 1 : i32
      %dma_wait3A_82 = arith.constant 0 : i32
      %dma_wait3A_83 = arith.constant 0 : i32
      %dma_wait3A_84 = tpu.memref_slice %arg11[%dma_wait3A_82, %dma_wait3A_83] : memref<128x128xf32, #tpu.memory_space<vmem>> -> memref<64x128xf32, #tpu.memory_space<vmem>>
      %dma_wait3A_85 = arith.constant 0 : i32
      %dma_wait3A_86 = tpu.memref_slice %arg8[%dma_wait3A_81, %dma_wait3A_85] : memref<8x128xi32, #tpu.memory_space<vmem>> -> memref<1x64xi32, #tpu.memory_space<vmem>>
      %dma_wait3A_87 = tpu.memref_squeeze %dma_wait3A_86 : memref<1x64xi32, #tpu.memory_space<vmem>> -> memref<64xi32, #tpu.memory_space<vmem>>
      %dma_wait3A_88 = arith.constant 0 : i32
      %dma_wait3A_89 = arith.constant 0 : i32
      %dma_wait3A_90 = tpu.memref_slice %arg2[%dma_wait3A_88, %dma_wait3A_89] : memref<20000x128xf32, #tpu.memory_space<hbm>> -> memref<20000x128xf32, #tpu.memory_space<hbm>>
      tpu.wait_indirect_dma semaphore(%arg13 : memref<!tpu.dma_semaphore, #tpu.memory_space<semaphore_mem>>) src(%dma_wait3A_90 : memref<20000x128xf32, #tpu.memory_space<hbm>>) dst(%dma_wait3A_84 : memref<64x128xf32, #tpu.memory_space<vmem>>)
      %dma_wait3A_91 = arith.constant 1 : i32
      %dma_wait3A_92 = arith.constant 64 : i32
      %dma_wait3A_93 = arith.constant 0 : i32
      %dma_wait3A_94 = tpu.memref_slice %arg11[%dma_wait3A_92, %dma_wait3A_93] : memref<128x128xf32, #tpu.memory_space<vmem>> -> memref<64x128xf32, #tpu.memory_space<vmem>>
      %dma_wait3A_95 = arith.constant 64 : i32
      %dma_wait3A_96 = tpu.memref_slice %arg8[%dma_wait3A_91, %dma_wait3A_95] : memref<8x128xi32, #tpu.memory_space<vmem>> -> memref<1x64xi32, #tpu.memory_space<vmem>>
      %dma_wait3A_97 = tpu.memref_squeeze %dma_wait3A_96 : memref<1x64xi32, #tpu.memory_space<vmem>> -> memref<64xi32, #tpu.memory_space<vmem>>
      %dma_wait3A_98 = arith.constant 0 : i32
      %dma_wait3A_99 = arith.constant 0 : i32
      %dma_wait3A_100 = tpu.memref_slice %arg2[%dma_wait3A_98, %dma_wait3A_99] : memref<20000x128xf32, #tpu.memory_space<hbm>> -> memref<20000x128xf32, #tpu.memory_space<hbm>>
      tpu.wait_indirect_dma semaphore(%arg13 : memref<!tpu.dma_semaphore, #tpu.memory_space<semaphore_mem>>) src(%dma_wait3A_100 : memref<20000x128xf32, #tpu.memory_space<hbm>>) dst(%dma_wait3A_94 : memref<64x128xf32, #tpu.memory_space<vmem>>)
      %dma_start3A_101 = arith.constant 2 : i32
      %dma_start3A_102 = arith.constant 0 : i32
      %dma_start3A_103 = arith.constant 0 : i32
      %dma_start3A_104 = tpu.memref_slice %arg10[%dma_start3A_102, %dma_start3A_103] : memref<128x128xf32, #tpu.memory_space<vmem>> -> memref<64x128xf32, #tpu.memory_space<vmem>>
      %dma_start3A_105 = arith.constant 0 : i32
      %dma_start3A_106 = tpu.memref_slice %arg8[%dma_start3A_101, %dma_start3A_105] : memref<8x128xi32, #tpu.memory_space<vmem>> -> memref<1x64xi32, #tpu.memory_space<vmem>>
      %dma_start3A_107 = tpu.memref_squeeze %dma_start3A_106 : memref<1x64xi32, #tpu.memory_space<vmem>> -> memref<64xi32, #tpu.memory_space<vmem>>
      %dma_start3A_108 = arith.constant 0 : i32
      %dma_start3A_109 = arith.constant 0 : i32
      %dma_start3A_110 = tpu.memref_slice %arg2[%dma_start3A_108, %dma_start3A_109] : memref<20000x128xf32, #tpu.memory_space<hbm>> -> memref<20000x128xf32, #tpu.memory_space<hbm>>
      tpu.enqueue_indirect_dma source(%dma_start3A_110 : memref<20000x128xf32, #tpu.memory_space<hbm>>) target(%dma_start3A_104 : memref<64x128xf32, #tpu.memory_space<vmem>>) offsets(%dma_start3A_107 : memref<64xi32, #tpu.memory_space<vmem>>) semaphore(%arg12 : memref<!tpu.dma_semaphore, #tpu.memory_space<semaphore_mem>>)
      %dma_start3A_111 = arith.constant 2 : i32
      %dma_start3A_112 = arith.constant 64 : i32
      %dma_start3A_113 = arith.constant 0 : i32
      %dma_start3A_114 = tpu.memref_slice %arg10[%dma_start3A_112, %dma_start3A_113] : memref<128x128xf32, #tpu.memory_space<vmem>> -> memref<64x128xf32, #tpu.memory_space<vmem>>
      %dma_start3A_115 = arith.constant 64 : i32
      %dma_start3A_116 = tpu.memref_slice %arg8[%dma_start3A_111, %dma_start3A_115] : memref<8x128xi32, #tpu.memory_space<vmem>> -> memref<1x64xi32, #tpu.memory_space<vmem>>
      %dma_start3A_117 = tpu.memref_squeeze %dma_start3A_116 : memref<1x64xi32, #tpu.memory_space<vmem>> -> memref<64xi32, #tpu.memory_space<vmem>>
      %dma_start3A_118 = arith.constant 0 : i32
      %dma_start3A_119 = arith.constant 0 : i32
      %dma_start3A_120 = tpu.memref_slice %arg2[%dma_start3A_118, %dma_start3A_119] : memref<20000x128xf32, #tpu.memory_space<hbm>> -> memref<20000x128xf32, #tpu.memory_space<hbm>>
      tpu.enqueue_indirect_dma source(%dma_start3A_120 : memref<20000x128xf32, #tpu.memory_space<hbm>>) target(%dma_start3A_114 : memref<64x128xf32, #tpu.memory_space<vmem>>) offsets(%dma_start3A_117 : memref<64xi32, #tpu.memory_space<vmem>>) semaphore(%arg12 : memref<!tpu.dma_semaphore, #tpu.memory_space<semaphore_mem>>)
      %run_scoped3A_121 = arith.constant 1 : i32
      "tpu.region"() ({
        %run_scoped3A_349 = tpu.sem_alloc : memref<!tpu.dma_semaphore, #tpu.memory_space<semaphore_mem>>
        %dma_start3A_350 = arith.constant 0 : i32
        %dma_start3A_351 = tpu.memref_slice %arg9[%run_scoped3A_121, %dma_start3A_350] : memref<8x128xi32, #tpu.memory_space<vmem>> -> memref<1x128xi32, #tpu.memory_space<vmem>>
        %dma_start3A_352 = tpu.memref_squeeze %dma_start3A_351 : memref<1x128xi32, #tpu.memory_space<vmem>> -> memref<128xi32, #tpu.memory_space<vmem>>
        %dma_start3A_353 = arith.constant 0 : i32
        %dma_start3A_354 = arith.constant 0 : i32
        %dma_start3A_355 = tpu.memref_slice %arg7[%dma_start3A_353, %dma_start3A_354] : memref<10112x128xf32, #tpu.memory_space<vmem_shared>> -> memref<10112x128xf32, #tpu.memory_space<vmem_shared>>
        tpu.enqueue_indirect_dma source(%arg11 : memref<128x128xf32, #tpu.memory_space<vmem>>) target(%dma_start3A_355 : memref<10112x128xf32, #tpu.memory_space<vmem_shared>>) offsets(%dma_start3A_352 : memref<128xi32, #tpu.memory_space<vmem>>) semaphore(%run_scoped3A_349 : memref<!tpu.dma_semaphore, #tpu.memory_space<semaphore_mem>>) {add = true}
        %dma_wait3A_356 = arith.constant 0 : i32
        %dma_wait3A_357 = tpu.memref_slice %arg9[%run_scoped3A_121, %dma_wait3A_356] : memref<8x128xi32, #tpu.memory_space<vmem>> -> memref<1x128xi32, #tpu.memory_space<vmem>>
        %dma_wait3A_358 = tpu.memref_squeeze %dma_wait3A_357 : memref<1x128xi32, #tpu.memory_space<vmem>> -> memref<128xi32, #tpu.memory_space<vmem>>
        %dma_wait3A_359 = arith.constant 0 : i32
        %dma_wait3A_360 = arith.constant 0 : i32
        %dma_wait3A_361 = tpu.memref_slice %arg7[%dma_wait3A_359, %dma_wait3A_360] : memref<10112x128xf32, #tpu.memory_space<vmem_shared>> -> memref<10112x128xf32, #tpu.memory_space<vmem_shared>>
        tpu.wait_indirect_dma semaphore(%run_scoped3A_349 : memref<!tpu.dma_semaphore, #tpu.memory_space<semaphore_mem>>) src(%arg11 : memref<128x128xf32, #tpu.memory_space<vmem>>) dst(%dma_wait3A_361 : memref<10112x128xf32, #tpu.memory_space<vmem_shared>>)
        tpu.yield
      }) : () -> ()
      %dma_wait3A_122 = arith.constant 2 : i32
      %dma_wait3A_123 = arith.constant 0 : i32
      %dma_wait3A_124 = arith.constant 0 : i32
      %dma_wait3A_125 = tpu.memref_slice %arg10[%dma_wait3A_123, %dma_wait3A_124] : memref<128x128xf32, #tpu.memory_space<vmem>> -> memref<64x128xf32, #tpu.memory_space<vmem>>
      %dma_wait3A_126 = arith.constant 0 : i32
      %dma_wait3A_127 = tpu.memref_slice %arg8[%dma_wait3A_122, %dma_wait3A_126] : memref<8x128xi32, #tpu.memory_space<vmem>> -> memref<1x64xi32, #tpu.memory_space<vmem>>
      %dma_wait3A_128 = tpu.memref_squeeze %dma_wait3A_127 : memref<1x64xi32, #tpu.memory_space<vmem>> -> memref<64xi32, #tpu.memory_space<vmem>>
      %dma_wait3A_129 = arith.constant 0 : i32
      %dma_wait3A_130 = arith.constant 0 : i32
      %dma_wait3A_131 = tpu.memref_slice %arg2[%dma_wait3A_129, %dma_wait3A_130] : memref<20000x128xf32, #tpu.memory_space<hbm>> -> memref<20000x128xf32, #tpu.memory_space<hbm>>
      tpu.wait_indirect_dma semaphore(%arg12 : memref<!tpu.dma_semaphore, #tpu.memory_space<semaphore_mem>>) src(%dma_wait3A_131 : memref<20000x128xf32, #tpu.memory_space<hbm>>) dst(%dma_wait3A_125 : memref<64x128xf32, #tpu.memory_space<vmem>>)
      %dma_wait3A_132 = arith.constant 2 : i32
      %dma_wait3A_133 = arith.constant 64 : i32
      %dma_wait3A_134 = arith.constant 0 : i32
      %dma_wait3A_135 = tpu.memref_slice %arg10[%dma_wait3A_133, %dma_wait3A_134] : memref<128x128xf32, #tpu.memory_space<vmem>> -> memref<64x128xf32, #tpu.memory_space<vmem>>
      %dma_wait3A_136 = arith.constant 64 : i32
      %dma_wait3A_137 = tpu.memref_slice %arg8[%dma_wait3A_132, %dma_wait3A_136] : memref<8x128xi32, #tpu.memory_space<vmem>> -> memref<1x64xi32, #tpu.memory_space<vmem>>
      %dma_wait3A_138 = tpu.memref_squeeze %dma_wait3A_137 : memref<1x64xi32, #tpu.memory_space<vmem>> -> memref<64xi32, #tpu.memory_space<vmem>>
      %dma_wait3A_139 = arith.constant 0 : i32
      %dma_wait3A_140 = arith.constant 0 : i32
      %dma_wait3A_141 = tpu.memref_slice %arg2[%dma_wait3A_139, %dma_wait3A_140] : memref<20000x128xf32, #tpu.memory_space<hbm>> -> memref<20000x128xf32, #tpu.memory_space<hbm>>
      tpu.wait_indirect_dma semaphore(%arg12 : memref<!tpu.dma_semaphore, #tpu.memory_space<semaphore_mem>>) src(%dma_wait3A_141 : memref<20000x128xf32, #tpu.memory_space<hbm>>) dst(%dma_wait3A_135 : memref<64x128xf32, #tpu.memory_space<vmem>>)
      %dma_start3A_142 = arith.constant 3 : i32
      %dma_start3A_143 = arith.constant 0 : i32
      %dma_start3A_144 = arith.constant 0 : i32
      %dma_start3A_145 = tpu.memref_slice %arg11[%dma_start3A_143, %dma_start3A_144] : memref<128x128xf32, #tpu.memory_space<vmem>> -> memref<64x128xf32, #tpu.memory_space<vmem>>
      %dma_start3A_146 = arith.constant 0 : i32
      %dma_start3A_147 = tpu.memref_slice %arg8[%dma_start3A_142, %dma_start3A_146] : memref<8x128xi32, #tpu.memory_space<vmem>> -> memref<1x64xi32, #tpu.memory_space<vmem>>
      %dma_start3A_148 = tpu.memref_squeeze %dma_start3A_147 : memref<1x64xi32, #tpu.memory_space<vmem>> -> memref<64xi32, #tpu.memory_space<vmem>>
      %dma_start3A_149 = arith.constant 0 : i32
      %dma_start3A_150 = arith.constant 0 : i32
      %dma_start3A_151 = tpu.memref_slice %arg2[%dma_start3A_149, %dma_start3A_150] : memref<20000x128xf32, #tpu.memory_space<hbm>> -> memref<20000x128xf32, #tpu.memory_space<hbm>>
      tpu.enqueue_indirect_dma source(%dma_start3A_151 : memref<20000x128xf32, #tpu.memory_space<hbm>>) target(%dma_start3A_145 : memref<64x128xf32, #tpu.memory_space<vmem>>) offsets(%dma_start3A_148 : memref<64xi32, #tpu.memory_space<vmem>>) semaphore(%arg13 : memref<!tpu.dma_semaphore, #tpu.memory_space<semaphore_mem>>)
      %dma_start3A_152 = arith.constant 3 : i32
      %dma_start3A_153 = arith.constant 64 : i32
      %dma_start3A_154 = arith.constant 0 : i32
      %dma_start3A_155 = tpu.memref_slice %arg11[%dma_start3A_153, %dma_start3A_154] : memref<128x128xf32, #tpu.memory_space<vmem>> -> memref<64x128xf32, #tpu.memory_space<vmem>>
      %dma_start3A_156 = arith.constant 64 : i32
      %dma_start3A_157 = tpu.memref_slice %arg8[%dma_start3A_152, %dma_start3A_156] : memref<8x128xi32, #tpu.memory_space<vmem>> -> memref<1x64xi32, #tpu.memory_space<vmem>>
      %dma_start3A_158 = tpu.memref_squeeze %dma_start3A_157 : memref<1x64xi32, #tpu.memory_space<vmem>> -> memref<64xi32, #tpu.memory_space<vmem>>
      %dma_start3A_159 = arith.constant 0 : i32
      %dma_start3A_160 = arith.constant 0 : i32
      %dma_start3A_161 = tpu.memref_slice %arg2[%dma_start3A_159, %dma_start3A_160] : memref<20000x128xf32, #tpu.memory_space<hbm>> -> memref<20000x128xf32, #tpu.memory_space<hbm>>
      tpu.enqueue_indirect_dma source(%dma_start3A_161 : memref<20000x128xf32, #tpu.memory_space<hbm>>) target(%dma_start3A_155 : memref<64x128xf32, #tpu.memory_space<vmem>>) offsets(%dma_start3A_158 : memref<64xi32, #tpu.memory_space<vmem>>) semaphore(%arg13 : memref<!tpu.dma_semaphore, #tpu.memory_space<semaphore_mem>>)
      %run_scoped3A_162 = arith.constant 2 : i32
      "tpu.region"() ({
        %run_scoped3A_349 = tpu.sem_alloc : memref<!tpu.dma_semaphore, #tpu.memory_space<semaphore_mem>>
        %dma_start3A_350 = arith.constant 0 : i32
        %dma_start3A_351 = tpu.memref_slice %arg9[%run_scoped3A_162, %dma_start3A_350] : memref<8x128xi32, #tpu.memory_space<vmem>> -> memref<1x128xi32, #tpu.memory_space<vmem>>
        %dma_start3A_352 = tpu.memref_squeeze %dma_start3A_351 : memref<1x128xi32, #tpu.memory_space<vmem>> -> memref<128xi32, #tpu.memory_space<vmem>>
        %dma_start3A_353 = arith.constant 0 : i32
        %dma_start3A_354 = arith.constant 0 : i32
        %dma_start3A_355 = tpu.memref_slice %arg7[%dma_start3A_353, %dma_start3A_354] : memref<10112x128xf32, #tpu.memory_space<vmem_shared>> -> memref<10112x128xf32, #tpu.memory_space<vmem_shared>>
        tpu.enqueue_indirect_dma source(%arg10 : memref<128x128xf32, #tpu.memory_space<vmem>>) target(%dma_start3A_355 : memref<10112x128xf32, #tpu.memory_space<vmem_shared>>) offsets(%dma_start3A_352 : memref<128xi32, #tpu.memory_space<vmem>>) semaphore(%run_scoped3A_349 : memref<!tpu.dma_semaphore, #tpu.memory_space<semaphore_mem>>) {add = true}
        %dma_wait3A_356 = arith.constant 0 : i32
        %dma_wait3A_357 = tpu.memref_slice %arg9[%run_scoped3A_162, %dma_wait3A_356] : memref<8x128xi32, #tpu.memory_space<vmem>> -> memref<1x128xi32, #tpu.memory_space<vmem>>
        %dma_wait3A_358 = tpu.memref_squeeze %dma_wait3A_357 : memref<1x128xi32, #tpu.memory_space<vmem>> -> memref<128xi32, #tpu.memory_space<vmem>>
        %dma_wait3A_359 = arith.constant 0 : i32
        %dma_wait3A_360 = arith.constant 0 : i32
        %dma_wait3A_361 = tpu.memref_slice %arg7[%dma_wait3A_359, %dma_wait3A_360] : memref<10112x128xf32, #tpu.memory_space<vmem_shared>> -> memref<10112x128xf32, #tpu.memory_space<vmem_shared>>
        tpu.wait_indirect_dma semaphore(%run_scoped3A_349 : memref<!tpu.dma_semaphore, #tpu.memory_space<semaphore_mem>>) src(%arg10 : memref<128x128xf32, #tpu.memory_space<vmem>>) dst(%dma_wait3A_361 : memref<10112x128xf32, #tpu.memory_space<vmem_shared>>)
        tpu.yield
      }) : () -> ()
      %dma_wait3A_163 = arith.constant 3 : i32
      %dma_wait3A_164 = arith.constant 0 : i32
      %dma_wait3A_165 = arith.constant 0 : i32
      %dma_wait3A_166 = tpu.memref_slice %arg11[%dma_wait3A_164, %dma_wait3A_165] : memref<128x128xf32, #tpu.memory_space<vmem>> -> memref<64x128xf32, #tpu.memory_space<vmem>>
      %dma_wait3A_167 = arith.constant 0 : i32
      %dma_wait3A_168 = tpu.memref_slice %arg8[%dma_wait3A_163, %dma_wait3A_167] : memref<8x128xi32, #tpu.memory_space<vmem>> -> memref<1x64xi32, #tpu.memory_space<vmem>>
      %dma_wait3A_169 = tpu.memref_squeeze %dma_wait3A_168 : memref<1x64xi32, #tpu.memory_space<vmem>> -> memref<64xi32, #tpu.memory_space<vmem>>
      %dma_wait3A_170 = arith.constant 0 : i32
      %dma_wait3A_171 = arith.constant 0 : i32
      %dma_wait3A_172 = tpu.memref_slice %arg2[%dma_wait3A_170, %dma_wait3A_171] : memref<20000x128xf32, #tpu.memory_space<hbm>> -> memref<20000x128xf32, #tpu.memory_space<hbm>>
      tpu.wait_indirect_dma semaphore(%arg13 : memref<!tpu.dma_semaphore, #tpu.memory_space<semaphore_mem>>) src(%dma_wait3A_172 : memref<20000x128xf32, #tpu.memory_space<hbm>>) dst(%dma_wait3A_166 : memref<64x128xf32, #tpu.memory_space<vmem>>)
      %dma_wait3A_173 = arith.constant 3 : i32
      %dma_wait3A_174 = arith.constant 64 : i32
      %dma_wait3A_175 = arith.constant 0 : i32
      %dma_wait3A_176 = tpu.memref_slice %arg11[%dma_wait3A_174, %dma_wait3A_175] : memref<128x128xf32, #tpu.memory_space<vmem>> -> memref<64x128xf32, #tpu.memory_space<vmem>>
      %dma_wait3A_177 = arith.constant 64 : i32
      %dma_wait3A_178 = tpu.memref_slice %arg8[%dma_wait3A_173, %dma_wait3A_177] : memref<8x128xi32, #tpu.memory_space<vmem>> -> memref<1x64xi32, #tpu.memory_space<vmem>>
      %dma_wait3A_179 = tpu.memref_squeeze %dma_wait3A_178 : memref<1x64xi32, #tpu.memory_space<vmem>> -> memref<64xi32, #tpu.memory_space<vmem>>
      %dma_wait3A_180 = arith.constant 0 : i32
      %dma_wait3A_181 = arith.constant 0 : i32
      %dma_wait3A_182 = tpu.memref_slice %arg2[%dma_wait3A_180, %dma_wait3A_181] : memref<20000x128xf32, #tpu.memory_space<hbm>> -> memref<20000x128xf32, #tpu.memory_space<hbm>>
      tpu.wait_indirect_dma semaphore(%arg13 : memref<!tpu.dma_semaphore, #tpu.memory_space<semaphore_mem>>) src(%dma_wait3A_182 : memref<20000x128xf32, #tpu.memory_space<hbm>>) dst(%dma_wait3A_176 : memref<64x128xf32, #tpu.memory_space<vmem>>)
      %dma_start3A_183 = arith.constant 4 : i32
      %dma_start3A_184 = arith.constant 0 : i32
      %dma_start3A_185 = arith.constant 0 : i32
      %dma_start3A_186 = tpu.memref_slice %arg10[%dma_start3A_184, %dma_start3A_185] : memref<128x128xf32, #tpu.memory_space<vmem>> -> memref<64x128xf32, #tpu.memory_space<vmem>>
      %dma_start3A_187 = arith.constant 0 : i32
      %dma_start3A_188 = tpu.memref_slice %arg8[%dma_start3A_183, %dma_start3A_187] : memref<8x128xi32, #tpu.memory_space<vmem>> -> memref<1x64xi32, #tpu.memory_space<vmem>>
      %dma_start3A_189 = tpu.memref_squeeze %dma_start3A_188 : memref<1x64xi32, #tpu.memory_space<vmem>> -> memref<64xi32, #tpu.memory_space<vmem>>
      %dma_start3A_190 = arith.constant 0 : i32
      %dma_start3A_191 = arith.constant 0 : i32
      %dma_start3A_192 = tpu.memref_slice %arg2[%dma_start3A_190, %dma_start3A_191] : memref<20000x128xf32, #tpu.memory_space<hbm>> -> memref<20000x128xf32, #tpu.memory_space<hbm>>
      tpu.enqueue_indirect_dma source(%dma_start3A_192 : memref<20000x128xf32, #tpu.memory_space<hbm>>) target(%dma_start3A_186 : memref<64x128xf32, #tpu.memory_space<vmem>>) offsets(%dma_start3A_189 : memref<64xi32, #tpu.memory_space<vmem>>) semaphore(%arg12 : memref<!tpu.dma_semaphore, #tpu.memory_space<semaphore_mem>>)
      %dma_start3A_193 = arith.constant 4 : i32
      %dma_start3A_194 = arith.constant 64 : i32
      %dma_start3A_195 = arith.constant 0 : i32
      %dma_start3A_196 = tpu.memref_slice %arg10[%dma_start3A_194, %dma_start3A_195] : memref<128x128xf32, #tpu.memory_space<vmem>> -> memref<64x128xf32, #tpu.memory_space<vmem>>
      %dma_start3A_197 = arith.constant 64 : i32
      %dma_start3A_198 = tpu.memref_slice %arg8[%dma_start3A_193, %dma_start3A_197] : memref<8x128xi32, #tpu.memory_space<vmem>> -> memref<1x64xi32, #tpu.memory_space<vmem>>
      %dma_start3A_199 = tpu.memref_squeeze %dma_start3A_198 : memref<1x64xi32, #tpu.memory_space<vmem>> -> memref<64xi32, #tpu.memory_space<vmem>>
      %dma_start3A_200 = arith.constant 0 : i32
      %dma_start3A_201 = arith.constant 0 : i32
      %dma_start3A_202 = tpu.memref_slice %arg2[%dma_start3A_200, %dma_start3A_201] : memref<20000x128xf32, #tpu.memory_space<hbm>> -> memref<20000x128xf32, #tpu.memory_space<hbm>>
      tpu.enqueue_indirect_dma source(%dma_start3A_202 : memref<20000x128xf32, #tpu.memory_space<hbm>>) target(%dma_start3A_196 : memref<64x128xf32, #tpu.memory_space<vmem>>) offsets(%dma_start3A_199 : memref<64xi32, #tpu.memory_space<vmem>>) semaphore(%arg12 : memref<!tpu.dma_semaphore, #tpu.memory_space<semaphore_mem>>)
      %run_scoped3A_203 = arith.constant 3 : i32
      "tpu.region"() ({
        %run_scoped3A_349 = tpu.sem_alloc : memref<!tpu.dma_semaphore, #tpu.memory_space<semaphore_mem>>
        %dma_start3A_350 = arith.constant 0 : i32
        %dma_start3A_351 = tpu.memref_slice %arg9[%run_scoped3A_203, %dma_start3A_350] : memref<8x128xi32, #tpu.memory_space<vmem>> -> memref<1x128xi32, #tpu.memory_space<vmem>>
        %dma_start3A_352 = tpu.memref_squeeze %dma_start3A_351 : memref<1x128xi32, #tpu.memory_space<vmem>> -> memref<128xi32, #tpu.memory_space<vmem>>
        %dma_start3A_353 = arith.constant 0 : i32
        %dma_start3A_354 = arith.constant 0 : i32
        %dma_start3A_355 = tpu.memref_slice %arg7[%dma_start3A_353, %dma_start3A_354] : memref<10112x128xf32, #tpu.memory_space<vmem_shared>> -> memref<10112x128xf32, #tpu.memory_space<vmem_shared>>
        tpu.enqueue_indirect_dma source(%arg11 : memref<128x128xf32, #tpu.memory_space<vmem>>) target(%dma_start3A_355 : memref<10112x128xf32, #tpu.memory_space<vmem_shared>>) offsets(%dma_start3A_352 : memref<128xi32, #tpu.memory_space<vmem>>) semaphore(%run_scoped3A_349 : memref<!tpu.dma_semaphore, #tpu.memory_space<semaphore_mem>>) {add = true}
        %dma_wait3A_356 = arith.constant 0 : i32
        %dma_wait3A_357 = tpu.memref_slice %arg9[%run_scoped3A_203, %dma_wait3A_356] : memref<8x128xi32, #tpu.memory_space<vmem>> -> memref<1x128xi32, #tpu.memory_space<vmem>>
        %dma_wait3A_358 = tpu.memref_squeeze %dma_wait3A_357 : memref<1x128xi32, #tpu.memory_space<vmem>> -> memref<128xi32, #tpu.memory_space<vmem>>
        %dma_wait3A_359 = arith.constant 0 : i32
        %dma_wait3A_360 = arith.constant 0 : i32
        %dma_wait3A_361 = tpu.memref_slice %arg7[%dma_wait3A_359, %dma_wait3A_360] : memref<10112x128xf32, #tpu.memory_space<vmem_shared>> -> memref<10112x128xf32, #tpu.memory_space<vmem_shared>>
        tpu.wait_indirect_dma semaphore(%run_scoped3A_349 : memref<!tpu.dma_semaphore, #tpu.memory_space<semaphore_mem>>) src(%arg11 : memref<128x128xf32, #tpu.memory_space<vmem>>) dst(%dma_wait3A_361 : memref<10112x128xf32, #tpu.memory_space<vmem_shared>>)
        tpu.yield
      }) : () -> ()
      %dma_wait3A_204 = arith.constant 4 : i32
      %dma_wait3A_205 = arith.constant 0 : i32
      %dma_wait3A_206 = arith.constant 0 : i32
      %dma_wait3A_207 = tpu.memref_slice %arg10[%dma_wait3A_205, %dma_wait3A_206] : memref<128x128xf32, #tpu.memory_space<vmem>> -> memref<64x128xf32, #tpu.memory_space<vmem>>
      %dma_wait3A_208 = arith.constant 0 : i32
      %dma_wait3A_209 = tpu.memref_slice %arg8[%dma_wait3A_204, %dma_wait3A_208] : memref<8x128xi32, #tpu.memory_space<vmem>> -> memref<1x64xi32, #tpu.memory_space<vmem>>
      %dma_wait3A_210 = tpu.memref_squeeze %dma_wait3A_209 : memref<1x64xi32, #tpu.memory_space<vmem>> -> memref<64xi32, #tpu.memory_space<vmem>>
      %dma_wait3A_211 = arith.constant 0 : i32
      %dma_wait3A_212 = arith.constant 0 : i32
      %dma_wait3A_213 = tpu.memref_slice %arg2[%dma_wait3A_211, %dma_wait3A_212] : memref<20000x128xf32, #tpu.memory_space<hbm>> -> memref<20000x128xf32, #tpu.memory_space<hbm>>
      tpu.wait_indirect_dma semaphore(%arg12 : memref<!tpu.dma_semaphore, #tpu.memory_space<semaphore_mem>>) src(%dma_wait3A_213 : memref<20000x128xf32, #tpu.memory_space<hbm>>) dst(%dma_wait3A_207 : memref<64x128xf32, #tpu.memory_space<vmem>>)
      %dma_wait3A_214 = arith.constant 4 : i32
      %dma_wait3A_215 = arith.constant 64 : i32
      %dma_wait3A_216 = arith.constant 0 : i32
      %dma_wait3A_217 = tpu.memref_slice %arg10[%dma_wait3A_215, %dma_wait3A_216] : memref<128x128xf32, #tpu.memory_space<vmem>> -> memref<64x128xf32, #tpu.memory_space<vmem>>
      %dma_wait3A_218 = arith.constant 64 : i32
      %dma_wait3A_219 = tpu.memref_slice %arg8[%dma_wait3A_214, %dma_wait3A_218] : memref<8x128xi32, #tpu.memory_space<vmem>> -> memref<1x64xi32, #tpu.memory_space<vmem>>
      %dma_wait3A_220 = tpu.memref_squeeze %dma_wait3A_219 : memref<1x64xi32, #tpu.memory_space<vmem>> -> memref<64xi32, #tpu.memory_space<vmem>>
      %dma_wait3A_221 = arith.constant 0 : i32
      %dma_wait3A_222 = arith.constant 0 : i32
      %dma_wait3A_223 = tpu.memref_slice %arg2[%dma_wait3A_221, %dma_wait3A_222] : memref<20000x128xf32, #tpu.memory_space<hbm>> -> memref<20000x128xf32, #tpu.memory_space<hbm>>
      tpu.wait_indirect_dma semaphore(%arg12 : memref<!tpu.dma_semaphore, #tpu.memory_space<semaphore_mem>>) src(%dma_wait3A_223 : memref<20000x128xf32, #tpu.memory_space<hbm>>) dst(%dma_wait3A_217 : memref<64x128xf32, #tpu.memory_space<vmem>>)
      %dma_start3A_224 = arith.constant 5 : i32
      %dma_start3A_225 = arith.constant 0 : i32
      %dma_start3A_226 = arith.constant 0 : i32
      %dma_start3A_227 = tpu.memref_slice %arg11[%dma_start3A_225, %dma_start3A_226] : memref<128x128xf32, #tpu.memory_space<vmem>> -> memref<64x128xf32, #tpu.memory_space<vmem>>
      %dma_start3A_228 = arith.constant 0 : i32
      %dma_start3A_229 = tpu.memref_slice %arg8[%dma_start3A_224, %dma_start3A_228] : memref<8x128xi32, #tpu.memory_space<vmem>> -> memref<1x64xi32, #tpu.memory_space<vmem>>
      %dma_start3A_230 = tpu.memref_squeeze %dma_start3A_229 : memref<1x64xi32, #tpu.memory_space<vmem>> -> memref<64xi32, #tpu.memory_space<vmem>>
      %dma_start3A_231 = arith.constant 0 : i32
      %dma_start3A_232 = arith.constant 0 : i32
      %dma_start3A_233 = tpu.memref_slice %arg2[%dma_start3A_231, %dma_start3A_232] : memref<20000x128xf32, #tpu.memory_space<hbm>> -> memref<20000x128xf32, #tpu.memory_space<hbm>>
      tpu.enqueue_indirect_dma source(%dma_start3A_233 : memref<20000x128xf32, #tpu.memory_space<hbm>>) target(%dma_start3A_227 : memref<64x128xf32, #tpu.memory_space<vmem>>) offsets(%dma_start3A_230 : memref<64xi32, #tpu.memory_space<vmem>>) semaphore(%arg13 : memref<!tpu.dma_semaphore, #tpu.memory_space<semaphore_mem>>)
      %dma_start3A_234 = arith.constant 5 : i32
      %dma_start3A_235 = arith.constant 64 : i32
      %dma_start3A_236 = arith.constant 0 : i32
      %dma_start3A_237 = tpu.memref_slice %arg11[%dma_start3A_235, %dma_start3A_236] : memref<128x128xf32, #tpu.memory_space<vmem>> -> memref<64x128xf32, #tpu.memory_space<vmem>>
      %dma_start3A_238 = arith.constant 64 : i32
      %dma_start3A_239 = tpu.memref_slice %arg8[%dma_start3A_234, %dma_start3A_238] : memref<8x128xi32, #tpu.memory_space<vmem>> -> memref<1x64xi32, #tpu.memory_space<vmem>>
      %dma_start3A_240 = tpu.memref_squeeze %dma_start3A_239 : memref<1x64xi32, #tpu.memory_space<vmem>> -> memref<64xi32, #tpu.memory_space<vmem>>
      %dma_start3A_241 = arith.constant 0 : i32
      %dma_start3A_242 = arith.constant 0 : i32
      %dma_start3A_243 = tpu.memref_slice %arg2[%dma_start3A_241, %dma_start3A_242] : memref<20000x128xf32, #tpu.memory_space<hbm>> -> memref<20000x128xf32, #tpu.memory_space<hbm>>
      tpu.enqueue_indirect_dma source(%dma_start3A_243 : memref<20000x128xf32, #tpu.memory_space<hbm>>) target(%dma_start3A_237 : memref<64x128xf32, #tpu.memory_space<vmem>>) offsets(%dma_start3A_240 : memref<64xi32, #tpu.memory_space<vmem>>) semaphore(%arg13 : memref<!tpu.dma_semaphore, #tpu.memory_space<semaphore_mem>>)
      %run_scoped3A_244 = arith.constant 4 : i32
      "tpu.region"() ({
        %run_scoped3A_349 = tpu.sem_alloc : memref<!tpu.dma_semaphore, #tpu.memory_space<semaphore_mem>>
        %dma_start3A_350 = arith.constant 0 : i32
        %dma_start3A_351 = tpu.memref_slice %arg9[%run_scoped3A_244, %dma_start3A_350] : memref<8x128xi32, #tpu.memory_space<vmem>> -> memref<1x128xi32, #tpu.memory_space<vmem>>
        %dma_start3A_352 = tpu.memref_squeeze %dma_start3A_351 : memref<1x128xi32, #tpu.memory_space<vmem>> -> memref<128xi32, #tpu.memory_space<vmem>>
        %dma_start3A_353 = arith.constant 0 : i32
        %dma_start3A_354 = arith.constant 0 : i32
        %dma_start3A_355 = tpu.memref_slice %arg7[%dma_start3A_353, %dma_start3A_354] : memref<10112x128xf32, #tpu.memory_space<vmem_shared>> -> memref<10112x128xf32, #tpu.memory_space<vmem_shared>>
        tpu.enqueue_indirect_dma source(%arg10 : memref<128x128xf32, #tpu.memory_space<vmem>>) target(%dma_start3A_355 : memref<10112x128xf32, #tpu.memory_space<vmem_shared>>) offsets(%dma_start3A_352 : memref<128xi32, #tpu.memory_space<vmem>>) semaphore(%run_scoped3A_349 : memref<!tpu.dma_semaphore, #tpu.memory_space<semaphore_mem>>) {add = true}
        %dma_wait3A_356 = arith.constant 0 : i32
        %dma_wait3A_357 = tpu.memref_slice %arg9[%run_scoped3A_244, %dma_wait3A_356] : memref<8x128xi32, #tpu.memory_space<vmem>> -> memref<1x128xi32, #tpu.memory_space<vmem>>
        %dma_wait3A_358 = tpu.memref_squeeze %dma_wait3A_357 : memref<1x128xi32, #tpu.memory_space<vmem>> -> memref<128xi32, #tpu.memory_space<vmem>>
        %dma_wait3A_359 = arith.constant 0 : i32
        %dma_wait3A_360 = arith.constant 0 : i32
        %dma_wait3A_361 = tpu.memref_slice %arg7[%dma_wait3A_359, %dma_wait3A_360] : memref<10112x128xf32, #tpu.memory_space<vmem_shared>> -> memref<10112x128xf32, #tpu.memory_space<vmem_shared>>
        tpu.wait_indirect_dma semaphore(%run_scoped3A_349 : memref<!tpu.dma_semaphore, #tpu.memory_space<semaphore_mem>>) src(%arg10 : memref<128x128xf32, #tpu.memory_space<vmem>>) dst(%dma_wait3A_361 : memref<10112x128xf32, #tpu.memory_space<vmem_shared>>)
        tpu.yield
      }) : () -> ()
      %dma_wait3A_245 = arith.constant 5 : i32
      %dma_wait3A_246 = arith.constant 0 : i32
      %dma_wait3A_247 = arith.constant 0 : i32
      %dma_wait3A_248 = tpu.memref_slice %arg11[%dma_wait3A_246, %dma_wait3A_247] : memref<128x128xf32, #tpu.memory_space<vmem>> -> memref<64x128xf32, #tpu.memory_space<vmem>>
      %dma_wait3A_249 = arith.constant 0 : i32
      %dma_wait3A_250 = tpu.memref_slice %arg8[%dma_wait3A_245, %dma_wait3A_249] : memref<8x128xi32, #tpu.memory_space<vmem>> -> memref<1x64xi32, #tpu.memory_space<vmem>>
      %dma_wait3A_251 = tpu.memref_squeeze %dma_wait3A_250 : memref<1x64xi32, #tpu.memory_space<vmem>> -> memref<64xi32, #tpu.memory_space<vmem>>
      %dma_wait3A_252 = arith.constant 0 : i32
      %dma_wait3A_253 = arith.constant 0 : i32
      %dma_wait3A_254 = tpu.memref_slice %arg2[%dma_wait3A_252, %dma_wait3A_253] : memref<20000x128xf32, #tpu.memory_space<hbm>> -> memref<20000x128xf32, #tpu.memory_space<hbm>>
      tpu.wait_indirect_dma semaphore(%arg13 : memref<!tpu.dma_semaphore, #tpu.memory_space<semaphore_mem>>) src(%dma_wait3A_254 : memref<20000x128xf32, #tpu.memory_space<hbm>>) dst(%dma_wait3A_248 : memref<64x128xf32, #tpu.memory_space<vmem>>)
      %dma_wait3A_255 = arith.constant 5 : i32
      %dma_wait3A_256 = arith.constant 64 : i32
      %dma_wait3A_257 = arith.constant 0 : i32
      %dma_wait3A_258 = tpu.memref_slice %arg11[%dma_wait3A_256, %dma_wait3A_257] : memref<128x128xf32, #tpu.memory_space<vmem>> -> memref<64x128xf32, #tpu.memory_space<vmem>>
      %dma_wait3A_259 = arith.constant 64 : i32
      %dma_wait3A_260 = tpu.memref_slice %arg8[%dma_wait3A_255, %dma_wait3A_259] : memref<8x128xi32, #tpu.memory_space<vmem>> -> memref<1x64xi32, #tpu.memory_space<vmem>>
      %dma_wait3A_261 = tpu.memref_squeeze %dma_wait3A_260 : memref<1x64xi32, #tpu.memory_space<vmem>> -> memref<64xi32, #tpu.memory_space<vmem>>
      %dma_wait3A_262 = arith.constant 0 : i32
      %dma_wait3A_263 = arith.constant 0 : i32
      %dma_wait3A_264 = tpu.memref_slice %arg2[%dma_wait3A_262, %dma_wait3A_263] : memref<20000x128xf32, #tpu.memory_space<hbm>> -> memref<20000x128xf32, #tpu.memory_space<hbm>>
      tpu.wait_indirect_dma semaphore(%arg13 : memref<!tpu.dma_semaphore, #tpu.memory_space<semaphore_mem>>) src(%dma_wait3A_264 : memref<20000x128xf32, #tpu.memory_space<hbm>>) dst(%dma_wait3A_258 : memref<64x128xf32, #tpu.memory_space<vmem>>)
      %dma_start3A_265 = arith.constant 6 : i32
      %dma_start3A_266 = arith.constant 0 : i32
      %dma_start3A_267 = arith.constant 0 : i32
      %dma_start3A_268 = tpu.memref_slice %arg10[%dma_start3A_266, %dma_start3A_267] : memref<128x128xf32, #tpu.memory_space<vmem>> -> memref<64x128xf32, #tpu.memory_space<vmem>>
      %dma_start3A_269 = arith.constant 0 : i32
      %dma_start3A_270 = tpu.memref_slice %arg8[%dma_start3A_265, %dma_start3A_269] : memref<8x128xi32, #tpu.memory_space<vmem>> -> memref<1x64xi32, #tpu.memory_space<vmem>>
      %dma_start3A_271 = tpu.memref_squeeze %dma_start3A_270 : memref<1x64xi32, #tpu.memory_space<vmem>> -> memref<64xi32, #tpu.memory_space<vmem>>
      %dma_start3A_272 = arith.constant 0 : i32
      %dma_start3A_273 = arith.constant 0 : i32
      %dma_start3A_274 = tpu.memref_slice %arg2[%dma_start3A_272, %dma_start3A_273] : memref<20000x128xf32, #tpu.memory_space<hbm>> -> memref<20000x128xf32, #tpu.memory_space<hbm>>
      tpu.enqueue_indirect_dma source(%dma_start3A_274 : memref<20000x128xf32, #tpu.memory_space<hbm>>) target(%dma_start3A_268 : memref<64x128xf32, #tpu.memory_space<vmem>>) offsets(%dma_start3A_271 : memref<64xi32, #tpu.memory_space<vmem>>) semaphore(%arg12 : memref<!tpu.dma_semaphore, #tpu.memory_space<semaphore_mem>>)
      %dma_start3A_275 = arith.constant 6 : i32
      %dma_start3A_276 = arith.constant 64 : i32
      %dma_start3A_277 = arith.constant 0 : i32
      %dma_start3A_278 = tpu.memref_slice %arg10[%dma_start3A_276, %dma_start3A_277] : memref<128x128xf32, #tpu.memory_space<vmem>> -> memref<64x128xf32, #tpu.memory_space<vmem>>
      %dma_start3A_279 = arith.constant 64 : i32
      %dma_start3A_280 = tpu.memref_slice %arg8[%dma_start3A_275, %dma_start3A_279] : memref<8x128xi32, #tpu.memory_space<vmem>> -> memref<1x64xi32, #tpu.memory_space<vmem>>
      %dma_start3A_281 = tpu.memref_squeeze %dma_start3A_280 : memref<1x64xi32, #tpu.memory_space<vmem>> -> memref<64xi32, #tpu.memory_space<vmem>>
      %dma_start3A_282 = arith.constant 0 : i32
      %dma_start3A_283 = arith.constant 0 : i32
      %dma_start3A_284 = tpu.memref_slice %arg2[%dma_start3A_282, %dma_start3A_283] : memref<20000x128xf32, #tpu.memory_space<hbm>> -> memref<20000x128xf32, #tpu.memory_space<hbm>>
      tpu.enqueue_indirect_dma source(%dma_start3A_284 : memref<20000x128xf32, #tpu.memory_space<hbm>>) target(%dma_start3A_278 : memref<64x128xf32, #tpu.memory_space<vmem>>) offsets(%dma_start3A_281 : memref<64xi32, #tpu.memory_space<vmem>>) semaphore(%arg12 : memref<!tpu.dma_semaphore, #tpu.memory_space<semaphore_mem>>)
      %run_scoped3A_285 = arith.constant 5 : i32
      "tpu.region"() ({
        %run_scoped3A_349 = tpu.sem_alloc : memref<!tpu.dma_semaphore, #tpu.memory_space<semaphore_mem>>
        %dma_start3A_350 = arith.constant 0 : i32
        %dma_start3A_351 = tpu.memref_slice %arg9[%run_scoped3A_285, %dma_start3A_350] : memref<8x128xi32, #tpu.memory_space<vmem>> -> memref<1x128xi32, #tpu.memory_space<vmem>>
        %dma_start3A_352 = tpu.memref_squeeze %dma_start3A_351 : memref<1x128xi32, #tpu.memory_space<vmem>> -> memref<128xi32, #tpu.memory_space<vmem>>
        %dma_start3A_353 = arith.constant 0 : i32
        %dma_start3A_354 = arith.constant 0 : i32
        %dma_start3A_355 = tpu.memref_slice %arg7[%dma_start3A_353, %dma_start3A_354] : memref<10112x128xf32, #tpu.memory_space<vmem_shared>> -> memref<10112x128xf32, #tpu.memory_space<vmem_shared>>
        tpu.enqueue_indirect_dma source(%arg11 : memref<128x128xf32, #tpu.memory_space<vmem>>) target(%dma_start3A_355 : memref<10112x128xf32, #tpu.memory_space<vmem_shared>>) offsets(%dma_start3A_352 : memref<128xi32, #tpu.memory_space<vmem>>) semaphore(%run_scoped3A_349 : memref<!tpu.dma_semaphore, #tpu.memory_space<semaphore_mem>>) {add = true}
        %dma_wait3A_356 = arith.constant 0 : i32
        %dma_wait3A_357 = tpu.memref_slice %arg9[%run_scoped3A_285, %dma_wait3A_356] : memref<8x128xi32, #tpu.memory_space<vmem>> -> memref<1x128xi32, #tpu.memory_space<vmem>>
        %dma_wait3A_358 = tpu.memref_squeeze %dma_wait3A_357 : memref<1x128xi32, #tpu.memory_space<vmem>> -> memref<128xi32, #tpu.memory_space<vmem>>
        %dma_wait3A_359 = arith.constant 0 : i32
        %dma_wait3A_360 = arith.constant 0 : i32
        %dma_wait3A_361 = tpu.memref_slice %arg7[%dma_wait3A_359, %dma_wait3A_360] : memref<10112x128xf32, #tpu.memory_space<vmem_shared>> -> memref<10112x128xf32, #tpu.memory_space<vmem_shared>>
        tpu.wait_indirect_dma semaphore(%run_scoped3A_349 : memref<!tpu.dma_semaphore, #tpu.memory_space<semaphore_mem>>) src(%arg11 : memref<128x128xf32, #tpu.memory_space<vmem>>) dst(%dma_wait3A_361 : memref<10112x128xf32, #tpu.memory_space<vmem_shared>>)
        tpu.yield
      }) : () -> ()
      %dma_wait3A_286 = arith.constant 6 : i32
      %dma_wait3A_287 = arith.constant 0 : i32
      %dma_wait3A_288 = arith.constant 0 : i32
      %dma_wait3A_289 = tpu.memref_slice %arg10[%dma_wait3A_287, %dma_wait3A_288] : memref<128x128xf32, #tpu.memory_space<vmem>> -> memref<64x128xf32, #tpu.memory_space<vmem>>
      %dma_wait3A_290 = arith.constant 0 : i32
      %dma_wait3A_291 = tpu.memref_slice %arg8[%dma_wait3A_286, %dma_wait3A_290] : memref<8x128xi32, #tpu.memory_space<vmem>> -> memref<1x64xi32, #tpu.memory_space<vmem>>
      %dma_wait3A_292 = tpu.memref_squeeze %dma_wait3A_291 : memref<1x64xi32, #tpu.memory_space<vmem>> -> memref<64xi32, #tpu.memory_space<vmem>>
      %dma_wait3A_293 = arith.constant 0 : i32
      %dma_wait3A_294 = arith.constant 0 : i32
      %dma_wait3A_295 = tpu.memref_slice %arg2[%dma_wait3A_293, %dma_wait3A_294] : memref<20000x128xf32, #tpu.memory_space<hbm>> -> memref<20000x128xf32, #tpu.memory_space<hbm>>
      tpu.wait_indirect_dma semaphore(%arg12 : memref<!tpu.dma_semaphore, #tpu.memory_space<semaphore_mem>>) src(%dma_wait3A_295 : memref<20000x128xf32, #tpu.memory_space<hbm>>) dst(%dma_wait3A_289 : memref<64x128xf32, #tpu.memory_space<vmem>>)
      %dma_wait3A_296 = arith.constant 6 : i32
      %dma_wait3A_297 = arith.constant 64 : i32
      %dma_wait3A_298 = arith.constant 0 : i32
      %dma_wait3A_299 = tpu.memref_slice %arg10[%dma_wait3A_297, %dma_wait3A_298] : memref<128x128xf32, #tpu.memory_space<vmem>> -> memref<64x128xf32, #tpu.memory_space<vmem>>
      %dma_wait3A_300 = arith.constant 64 : i32
      %dma_wait3A_301 = tpu.memref_slice %arg8[%dma_wait3A_296, %dma_wait3A_300] : memref<8x128xi32, #tpu.memory_space<vmem>> -> memref<1x64xi32, #tpu.memory_space<vmem>>
      %dma_wait3A_302 = tpu.memref_squeeze %dma_wait3A_301 : memref<1x64xi32, #tpu.memory_space<vmem>> -> memref<64xi32, #tpu.memory_space<vmem>>
      %dma_wait3A_303 = arith.constant 0 : i32
      %dma_wait3A_304 = arith.constant 0 : i32
      %dma_wait3A_305 = tpu.memref_slice %arg2[%dma_wait3A_303, %dma_wait3A_304] : memref<20000x128xf32, #tpu.memory_space<hbm>> -> memref<20000x128xf32, #tpu.memory_space<hbm>>
      tpu.wait_indirect_dma semaphore(%arg12 : memref<!tpu.dma_semaphore, #tpu.memory_space<semaphore_mem>>) src(%dma_wait3A_305 : memref<20000x128xf32, #tpu.memory_space<hbm>>) dst(%dma_wait3A_299 : memref<64x128xf32, #tpu.memory_space<vmem>>)
      %dma_start3A_306 = arith.constant 7 : i32
      %dma_start3A_307 = arith.constant 0 : i32
      %dma_start3A_308 = arith.constant 0 : i32
      %dma_start3A_309 = tpu.memref_slice %arg11[%dma_start3A_307, %dma_start3A_308] : memref<128x128xf32, #tpu.memory_space<vmem>> -> memref<64x128xf32, #tpu.memory_space<vmem>>
      %dma_start3A_310 = arith.constant 0 : i32
      %dma_start3A_311 = tpu.memref_slice %arg8[%dma_start3A_306, %dma_start3A_310] : memref<8x128xi32, #tpu.memory_space<vmem>> -> memref<1x64xi32, #tpu.memory_space<vmem>>
      %dma_start3A_312 = tpu.memref_squeeze %dma_start3A_311 : memref<1x64xi32, #tpu.memory_space<vmem>> -> memref<64xi32, #tpu.memory_space<vmem>>
      %dma_start3A_313 = arith.constant 0 : i32
      %dma_start3A_314 = arith.constant 0 : i32
      %dma_start3A_315 = tpu.memref_slice %arg2[%dma_start3A_313, %dma_start3A_314] : memref<20000x128xf32, #tpu.memory_space<hbm>> -> memref<20000x128xf32, #tpu.memory_space<hbm>>
      tpu.enqueue_indirect_dma source(%dma_start3A_315 : memref<20000x128xf32, #tpu.memory_space<hbm>>) target(%dma_start3A_309 : memref<64x128xf32, #tpu.memory_space<vmem>>) offsets(%dma_start3A_312 : memref<64xi32, #tpu.memory_space<vmem>>) semaphore(%arg13 : memref<!tpu.dma_semaphore, #tpu.memory_space<semaphore_mem>>)
      %dma_start3A_316 = arith.constant 7 : i32
      %dma_start3A_317 = arith.constant 64 : i32
      %dma_start3A_318 = arith.constant 0 : i32
      %dma_start3A_319 = tpu.memref_slice %arg11[%dma_start3A_317, %dma_start3A_318] : memref<128x128xf32, #tpu.memory_space<vmem>> -> memref<64x128xf32, #tpu.memory_space<vmem>>
      %dma_start3A_320 = arith.constant 64 : i32
      %dma_start3A_321 = tpu.memref_slice %arg8[%dma_start3A_316, %dma_start3A_320] : memref<8x128xi32, #tpu.memory_space<vmem>> -> memref<1x64xi32, #tpu.memory_space<vmem>>
      %dma_start3A_322 = tpu.memref_squeeze %dma_start3A_321 : memref<1x64xi32, #tpu.memory_space<vmem>> -> memref<64xi32, #tpu.memory_space<vmem>>
      %dma_start3A_323 = arith.constant 0 : i32
      %dma_start3A_324 = arith.constant 0 : i32
      %dma_start3A_325 = tpu.memref_slice %arg2[%dma_start3A_323, %dma_start3A_324] : memref<20000x128xf32, #tpu.memory_space<hbm>> -> memref<20000x128xf32, #tpu.memory_space<hbm>>
      tpu.enqueue_indirect_dma source(%dma_start3A_325 : memref<20000x128xf32, #tpu.memory_space<hbm>>) target(%dma_start3A_319 : memref<64x128xf32, #tpu.memory_space<vmem>>) offsets(%dma_start3A_322 : memref<64xi32, #tpu.memory_space<vmem>>) semaphore(%arg13 : memref<!tpu.dma_semaphore, #tpu.memory_space<semaphore_mem>>)
      %run_scoped3A_326 = arith.constant 6 : i32
      "tpu.region"() ({
        %run_scoped3A_349 = tpu.sem_alloc : memref<!tpu.dma_semaphore, #tpu.memory_space<semaphore_mem>>
        %dma_start3A_350 = arith.constant 0 : i32
        %dma_start3A_351 = tpu.memref_slice %arg9[%run_scoped3A_326, %dma_start3A_350] : memref<8x128xi32, #tpu.memory_space<vmem>> -> memref<1x128xi32, #tpu.memory_space<vmem>>
        %dma_start3A_352 = tpu.memref_squeeze %dma_start3A_351 : memref<1x128xi32, #tpu.memory_space<vmem>> -> memref<128xi32, #tpu.memory_space<vmem>>
        %dma_start3A_353 = arith.constant 0 : i32
        %dma_start3A_354 = arith.constant 0 : i32
        %dma_start3A_355 = tpu.memref_slice %arg7[%dma_start3A_353, %dma_start3A_354] : memref<10112x128xf32, #tpu.memory_space<vmem_shared>> -> memref<10112x128xf32, #tpu.memory_space<vmem_shared>>
        tpu.enqueue_indirect_dma source(%arg10 : memref<128x128xf32, #tpu.memory_space<vmem>>) target(%dma_start3A_355 : memref<10112x128xf32, #tpu.memory_space<vmem_shared>>) offsets(%dma_start3A_352 : memref<128xi32, #tpu.memory_space<vmem>>) semaphore(%run_scoped3A_349 : memref<!tpu.dma_semaphore, #tpu.memory_space<semaphore_mem>>) {add = true}
        %dma_wait3A_356 = arith.constant 0 : i32
        %dma_wait3A_357 = tpu.memref_slice %arg9[%run_scoped3A_326, %dma_wait3A_356] : memref<8x128xi32, #tpu.memory_space<vmem>> -> memref<1x128xi32, #tpu.memory_space<vmem>>
        %dma_wait3A_358 = tpu.memref_squeeze %dma_wait3A_357 : memref<1x128xi32, #tpu.memory_space<vmem>> -> memref<128xi32, #tpu.memory_space<vmem>>
        %dma_wait3A_359 = arith.constant 0 : i32
        %dma_wait3A_360 = arith.constant 0 : i32
        %dma_wait3A_361 = tpu.memref_slice %arg7[%dma_wait3A_359, %dma_wait3A_360] : memref<10112x128xf32, #tpu.memory_space<vmem_shared>> -> memref<10112x128xf32, #tpu.memory_space<vmem_shared>>
        tpu.wait_indirect_dma semaphore(%run_scoped3A_349 : memref<!tpu.dma_semaphore, #tpu.memory_space<semaphore_mem>>) src(%arg10 : memref<128x128xf32, #tpu.memory_space<vmem>>) dst(%dma_wait3A_361 : memref<10112x128xf32, #tpu.memory_space<vmem_shared>>)
        tpu.yield
      }) : () -> ()
      %dma_wait3A_327 = arith.constant 7 : i32
      %dma_wait3A_328 = arith.constant 0 : i32
      %dma_wait3A_329 = arith.constant 0 : i32
      %dma_wait3A_330 = tpu.memref_slice %arg11[%dma_wait3A_328, %dma_wait3A_329] : memref<128x128xf32, #tpu.memory_space<vmem>> -> memref<64x128xf32, #tpu.memory_space<vmem>>
      %dma_wait3A_331 = arith.constant 0 : i32
      %dma_wait3A_332 = tpu.memref_slice %arg8[%dma_wait3A_327, %dma_wait3A_331] : memref<8x128xi32, #tpu.memory_space<vmem>> -> memref<1x64xi32, #tpu.memory_space<vmem>>
      %dma_wait3A_333 = tpu.memref_squeeze %dma_wait3A_332 : memref<1x64xi32, #tpu.memory_space<vmem>> -> memref<64xi32, #tpu.memory_space<vmem>>
      %dma_wait3A_334 = arith.constant 0 : i32
      %dma_wait3A_335 = arith.constant 0 : i32
      %dma_wait3A_336 = tpu.memref_slice %arg2[%dma_wait3A_334, %dma_wait3A_335] : memref<20000x128xf32, #tpu.memory_space<hbm>> -> memref<20000x128xf32, #tpu.memory_space<hbm>>
      tpu.wait_indirect_dma semaphore(%arg13 : memref<!tpu.dma_semaphore, #tpu.memory_space<semaphore_mem>>) src(%dma_wait3A_336 : memref<20000x128xf32, #tpu.memory_space<hbm>>) dst(%dma_wait3A_330 : memref<64x128xf32, #tpu.memory_space<vmem>>)
      %dma_wait3A_337 = arith.constant 7 : i32
      %dma_wait3A_338 = arith.constant 64 : i32
      %dma_wait3A_339 = arith.constant 0 : i32
      %dma_wait3A_340 = tpu.memref_slice %arg11[%dma_wait3A_338, %dma_wait3A_339] : memref<128x128xf32, #tpu.memory_space<vmem>> -> memref<64x128xf32, #tpu.memory_space<vmem>>
      %dma_wait3A_341 = arith.constant 64 : i32
      %dma_wait3A_342 = tpu.memref_slice %arg8[%dma_wait3A_337, %dma_wait3A_341] : memref<8x128xi32, #tpu.memory_space<vmem>> -> memref<1x64xi32, #tpu.memory_space<vmem>>
      %dma_wait3A_343 = tpu.memref_squeeze %dma_wait3A_342 : memref<1x64xi32, #tpu.memory_space<vmem>> -> memref<64xi32, #tpu.memory_space<vmem>>
      %dma_wait3A_344 = arith.constant 0 : i32
      %dma_wait3A_345 = arith.constant 0 : i32
      %dma_wait3A_346 = tpu.memref_slice %arg2[%dma_wait3A_344, %dma_wait3A_345] : memref<20000x128xf32, #tpu.memory_space<hbm>> -> memref<20000x128xf32, #tpu.memory_space<hbm>>
      tpu.wait_indirect_dma semaphore(%arg13 : memref<!tpu.dma_semaphore, #tpu.memory_space<semaphore_mem>>) src(%dma_wait3A_346 : memref<20000x128xf32, #tpu.memory_space<hbm>>) dst(%dma_wait3A_340 : memref<64x128xf32, #tpu.memory_space<vmem>>)
      %run_scoped3A_347 = arith.constant 7 : i32
      "tpu.region"() ({
        %run_scoped3A_349 = tpu.sem_alloc : memref<!tpu.dma_semaphore, #tpu.memory_space<semaphore_mem>>
        %dma_start3A_350 = arith.constant 0 : i32
        %dma_start3A_351 = tpu.memref_slice %arg9[%run_scoped3A_347, %dma_start3A_350] : memref<8x128xi32, #tpu.memory_space<vmem>> -> memref<1x128xi32, #tpu.memory_space<vmem>>
        %dma_start3A_352 = tpu.memref_squeeze %dma_start3A_351 : memref<1x128xi32, #tpu.memory_space<vmem>> -> memref<128xi32, #tpu.memory_space<vmem>>
        %dma_start3A_353 = arith.constant 0 : i32
        %dma_start3A_354 = arith.constant 0 : i32
        %dma_start3A_355 = tpu.memref_slice %arg7[%dma_start3A_353, %dma_start3A_354] : memref<10112x128xf32, #tpu.memory_space<vmem_shared>> -> memref<10112x128xf32, #tpu.memory_space<vmem_shared>>
        tpu.enqueue_indirect_dma source(%arg11 : memref<128x128xf32, #tpu.memory_space<vmem>>) target(%dma_start3A_355 : memref<10112x128xf32, #tpu.memory_space<vmem_shared>>) offsets(%dma_start3A_352 : memref<128xi32, #tpu.memory_space<vmem>>) semaphore(%run_scoped3A_349 : memref<!tpu.dma_semaphore, #tpu.memory_space<semaphore_mem>>) {add = true}
        %dma_wait3A_356 = arith.constant 0 : i32
        %dma_wait3A_357 = tpu.memref_slice %arg9[%run_scoped3A_347, %dma_wait3A_356] : memref<8x128xi32, #tpu.memory_space<vmem>> -> memref<1x128xi32, #tpu.memory_space<vmem>>
        %dma_wait3A_358 = tpu.memref_squeeze %dma_wait3A_357 : memref<1x128xi32, #tpu.memory_space<vmem>> -> memref<128xi32, #tpu.memory_space<vmem>>
        %dma_wait3A_359 = arith.constant 0 : i32
        %dma_wait3A_360 = arith.constant 0 : i32
        %dma_wait3A_361 = tpu.memref_slice %arg7[%dma_wait3A_359, %dma_wait3A_360] : memref<10112x128xf32, #tpu.memory_space<vmem_shared>> -> memref<10112x128xf32, #tpu.memory_space<vmem_shared>>
        tpu.wait_indirect_dma semaphore(%run_scoped3A_349 : memref<!tpu.dma_semaphore, #tpu.memory_space<semaphore_mem>>) src(%arg11 : memref<128x128xf32, #tpu.memory_space<vmem>>) dst(%dma_wait3A_361 : memref<10112x128xf32, #tpu.memory_space<vmem_shared>>)
        tpu.yield
      }) : () -> ()
      %scan3A_348 = arith.constant 0 : i32
      scf.yield %scan3A_348 : i32
    }
    %scan3A_8 = arith.constant 10 : i32
    %barrier3A_9 = arith.constant 0 : index
    tpu.barrier barrier_id(%barrier3A_9)
    %mul3A_10 = arith.constant 624 : i32
    %mul3A_11 = arith.muli %arg1, %mul3A_10 : i32
    %mul3A_12 = arith.constant 624 : i32
    %mul3A_13 = arith.muli %arg1, %mul3A_12 : i32
    "tpu.region"() ({
      %run_scoped3A = tpu.sem_alloc : memref<!tpu.dma_semaphore, #tpu.memory_space<semaphore_mem>>
      %dma_start3A = arith.constant 0 : i32
      %dma_start3A_16 = tpu.memref_slice %arg6[%arg0, %mul3A_13, %dma_start3A] : memref<2x10000x128xf32, #tpu.memory_space<hbm>> -> memref<1x624x128xf32, #tpu.memory_space<hbm>>
      %dma_start3A_17 = tpu.memref_squeeze %dma_start3A_16 : memref<1x624x128xf32, #tpu.memory_space<hbm>> -> memref<624x128xf32, #tpu.memory_space<hbm>>
      %dma_start3A_18 = arith.constant 0 : i32
      %dma_start3A_19 = tpu.memref_slice %arg7[%mul3A_11, %dma_start3A_18] : memref<10112x128xf32, #tpu.memory_space<vmem_shared>> -> memref<624x128xf32, #tpu.memory_space<vmem_shared>>
      tpu.enqueue_dma source(%dma_start3A_19 : memref<624x128xf32, #tpu.memory_space<vmem_shared>>) target(%dma_start3A_17 : memref<624x128xf32, #tpu.memory_space<hbm>>) target_semaphore(%run_scoped3A : memref<!tpu.dma_semaphore, #tpu.memory_space<semaphore_mem>>)
      %dma_wait3A = arith.constant 0 : i32
      %dma_wait3A_20 = tpu.memref_slice %arg6[%arg0, %mul3A_13, %dma_wait3A] : memref<2x10000x128xf32, #tpu.memory_space<hbm>> -> memref<1x624x128xf32, #tpu.memory_space<hbm>>
      %dma_wait3A_21 = tpu.memref_squeeze %dma_wait3A_20 : memref<1x624x128xf32, #tpu.memory_space<hbm>> -> memref<624x128xf32, #tpu.memory_space<hbm>>
      %dma_wait3A_22 = arith.constant 0 : i32
      %dma_wait3A_23 = tpu.memref_slice %arg7[%mul3A_11, %dma_wait3A_22] : memref<10112x128xf32, #tpu.memory_space<vmem_shared>> -> memref<624x128xf32, #tpu.memory_space<vmem_shared>>
      tpu.wait_dma2 semaphore(%run_scoped3A : memref<!tpu.dma_semaphore, #tpu.memory_space<semaphore_mem>>) src(%dma_wait3A_23 : memref<624x128xf32, #tpu.memory_space<vmem_shared>>) dst(%dma_wait3A_21 : memref<624x128xf32, #tpu.memory_space<hbm>>)
      tpu.yield
    }) : () -> ()
    %eq3A = arith.constant 15 : i32
    %eq3A_14 = arith.cmpi eq, %arg1, %eq3A : i32
    %convert_element_type3A = arith.extui %eq3A_14 : i1 to i32
    %cond3A = arith.constant 0 : i32
    %cond3A_15 = arith.cmpi ne, %convert_element_type3A, %cond3A : i32
    scf.if %cond3A_15 {
      "tpu.region"() ({
        %run_scoped3A = tpu.sem_alloc : memref<!tpu.dma_semaphore, #tpu.memory_space<semaphore_mem>>
        %dma_start3A = arith.constant 9984 : i32
        %dma_start3A_16 = arith.constant 0 : i32
        %dma_start3A_17 = tpu.memref_slice %arg6[%arg0, %dma_start3A, %dma_start3A_16] : memref<2x10000x128xf32, #tpu.memory_space<hbm>> -> memref<1x16x128xf32, #tpu.memory_space<hbm>>
        %dma_start3A_18 = tpu.memref_squeeze %dma_start3A_17 : memref<1x16x128xf32, #tpu.memory_space<hbm>> -> memref<16x128xf32, #tpu.memory_space<hbm>>
        %dma_start3A_19 = arith.constant 9984 : i32
        %dma_start3A_20 = arith.constant 0 : i32
        %dma_start3A_21 = tpu.memref_slice %arg7[%dma_start3A_19, %dma_start3A_20] : memref<10112x128xf32, #tpu.memory_space<vmem_shared>> -> memref<16x128xf32, #tpu.memory_space<vmem_shared>>
        tpu.enqueue_dma source(%dma_start3A_21 : memref<16x128xf32, #tpu.memory_space<vmem_shared>>) target(%dma_start3A_18 : memref<16x128xf32, #tpu.memory_space<hbm>>) target_semaphore(%run_scoped3A : memref<!tpu.dma_semaphore, #tpu.memory_space<semaphore_mem>>)
        %dma_wait3A = arith.constant 9984 : i32
        %dma_wait3A_22 = arith.constant 0 : i32
        %dma_wait3A_23 = tpu.memref_slice %arg6[%arg0, %dma_wait3A, %dma_wait3A_22] : memref<2x10000x128xf32, #tpu.memory_space<hbm>> -> memref<1x16x128xf32, #tpu.memory_space<hbm>>
        %dma_wait3A_24 = tpu.memref_squeeze %dma_wait3A_23 : memref<1x16x128xf32, #tpu.memory_space<hbm>> -> memref<16x128xf32, #tpu.memory_space<hbm>>
        %dma_wait3A_25 = arith.constant 9984 : i32
        %dma_wait3A_26 = arith.constant 0 : i32
        %dma_wait3A_27 = tpu.memref_slice %arg7[%dma_wait3A_25, %dma_wait3A_26] : memref<10112x128xf32, #tpu.memory_space<vmem_shared>> -> memref<16x128xf32, #tpu.memory_space<vmem_shared>>
        tpu.wait_dma2 semaphore(%run_scoped3A : memref<!tpu.dma_semaphore, #tpu.memory_space<semaphore_mem>>) src(%dma_wait3A_27 : memref<16x128xf32, #tpu.memory_space<vmem_shared>>) dst(%dma_wait3A_24 : memref<16x128xf32, #tpu.memory_space<hbm>>)
        tpu.yield
      }) : () -> ()
    } else {
    }
    return
  }
}

#map = affine_map<(d0, d1) -> (0, 0)>
#map1 = affine_map<(d0, d1) -> (0, 0, 0)>
module attributes {stable_mosaic.version = 14 : i64} {
  func.func @body(%arg0: i32, %arg1: i32, %arg2: memref<20000x128xf32, #tpu.memory_space<hbm>>, %arg3: memref<2x2560x128xi32, #tpu.memory_space<hbm>>, %arg4: memref<2560x128xi32, #tpu.memory_space<hbm>>, %arg5: memref<632x128xf32, #tpu.memory_space<hbm>>, %arg6: memref<2x10000x128xf32, #tpu.memory_space<hbm>>, %arg7: memref<10112x128xf32, #tpu.memory_space<vmem_shared>>, %arg8: memref<8x128xi32, #tpu.memory_space<vmem>>, %arg9: memref<8x128xi32, #tpu.memory_space<vmem>>, %arg10: memref<128x128xf32, #tpu.memory_space<vmem>>, %arg11: memref<128x128xf32, #tpu.memory_space<vmem>>, %arg12: memref<!tpu.dma_semaphore, #tpu.memory_space<semaphore_mem>>, %arg13: memref<!tpu.dma_semaphore, #tpu.memory_space<semaphore_mem>>) attributes {dimension_semantics = [#tpu.dimension_semantics<core_parallel>, #tpu.dimension_semantics<subcore_parallel>], iteration_bounds = array<i64: 2, 16>, scalar_prefetch = 0 : i64, scratch_operands = 7 : i64, tpu.core_type = #tpu.core_type<sc_vector_subcore>, window_params = [{transform_indices = #map}, {transform_indices = #map1}, {transform_indices = #map}, {transform_indices = #map}, {transform_indices = #map1}]} {
    %mul3A = arith.constant 16 : i32
    %mul3A_0 = arith.muli %arg0, %mul3A : i32
    %add3A = arith.addi %mul3A_0, %arg1 : i32
    %mul3A_1 = arith.constant 632 : i32
    %mul3A_2 = arith.muli %arg1, %mul3A_1 : i32
    "tpu.region"() ({
      %run_scoped3A = tpu.sem_alloc : memref<!tpu.dma_semaphore, #tpu.memory_space<semaphore_mem>>
      %dma_start3A = arith.constant 0 : i32
      %dma_start3A_16 = tpu.memref_slice %arg7[%mul3A_2, %dma_start3A] : memref<10112x128xf32, #tpu.memory_space<vmem_shared>> -> memref<632x128xf32, #tpu.memory_space<vmem_shared>>
      tpu.enqueue_dma source(%arg5 : memref<632x128xf32, #tpu.memory_space<hbm>>) target(%dma_start3A_16 : memref<632x128xf32, #tpu.memory_space<vmem_shared>>) target_semaphore(%run_scoped3A : memref<!tpu.dma_semaphore, #tpu.memory_space<semaphore_mem>>)
      %dma_wait3A = arith.constant 0 : i32
      %dma_wait3A_17 = tpu.memref_slice %arg7[%mul3A_2, %dma_wait3A] : memref<10112x128xf32, #tpu.memory_space<vmem_shared>> -> memref<632x128xf32, #tpu.memory_space<vmem_shared>>
      tpu.wait_dma2 semaphore(%run_scoped3A : memref<!tpu.dma_semaphore, #tpu.memory_space<semaphore_mem>>) src(%arg5 : memref<632x128xf32, #tpu.memory_space<hbm>>) dst(%dma_wait3A_17 : memref<632x128xf32, #tpu.memory_space<vmem_shared>>)
      tpu.yield
    }) : () -> ()
    %barrier3A = arith.constant 0 : index
    tpu.barrier barrier_id(%barrier3A)
    %scan3A = arith.constant 0 : i32
    %scan3A_3 = arith.constant 0 : i32
    %scan3A_4 = arith.constant 10 : i32
    %scan3A_5 = arith.addi %scan3A_3, %scan3A_4 : i32
    %scan3A_6 = arith.constant 1 : i32
    %scan3A_7 = scf.for %scan3A_16 = %scan3A_3 to %scan3A_5 step %scan3A_6 iter_args(%scan3A_17 = %scan3A) -> (i32)  : i32 {
      %mul3A_18 = arith.constant 80 : i32
      %mul3A_19 = arith.muli %add3A, %mul3A_18 : i32
      %mul3A_20 = arith.constant 8 : i32
      %mul3A_21 = arith.muli %scan3A_16, %mul3A_20 : i32
      %add3A_22 = arith.addi %mul3A_19, %mul3A_21 : i32
      "tpu.region"() ({
        %run_scoped3A_349 = tpu.sem_alloc : memref<!tpu.dma_semaphore, #tpu.memory_space<semaphore_mem>>
        %dma_start3A_350 = arith.constant 0 : i32
        %dma_start3A_351 = tpu.memref_slice %arg3[%arg0, %add3A_22, %dma_start3A_350] : memref<2x2560x128xi32, #tpu.memory_space<hbm>> -> memref<1x8x128xi32, #tpu.memory_space<hbm>>
        %dma_start3A_352 = tpu.memref_squeeze %dma_start3A_351 : memref<1x8x128xi32, #tpu.memory_space<hbm>> -> memref<8x128xi32, #tpu.memory_space<hbm>>
        %dma_start3A_353 = arith.constant 0 : i32
        %dma_start3A_354 = tpu.memref_slice %arg3[%arg0, %add3A_22, %dma_start3A_353] : memref<2x2560x128xi32, #tpu.memory_space<hbm>> -> memref<1x8x128xi32, #tpu.memory_space<hbm>>
        %dma_start3A_355 = tpu.memref_squeeze %dma_start3A_354 : memref<1x8x128xi32, #tpu.memory_space<hbm>> -> memref<8x128xi32, #tpu.memory_space<hbm>>
        tpu.enqueue_dma source(%dma_start3A_355 : memref<8x128xi32, #tpu.memory_space<hbm>>) target(%arg8 : memref<8x128xi32, #tpu.memory_space<vmem>>) target_semaphore(%run_scoped3A_349 : memref<!tpu.dma_semaphore, #tpu.memory_space<semaphore_mem>>)
        %dma_wait3A_356 = arith.constant 0 : i32
        %dma_wait3A_357 = tpu.memref_slice %arg3[%arg0, %add3A_22, %dma_wait3A_356] : memref<2x2560x128xi32, #tpu.memory_space<hbm>> -> memref<1x8x128xi32, #tpu.memory_space<hbm>>
        %dma_wait3A_358 = tpu.memref_squeeze %dma_wait3A_357 : memref<1x8x128xi32, #tpu.memory_space<hbm>> -> memref<8x128xi32, #tpu.memory_space<hbm>>
        %dma_wait3A_359 = arith.constant 0 : i32
        %dma_wait3A_360 = tpu.memref_slice %arg3[%arg0, %add3A_22, %dma_wait3A_359] : memref<2x2560x128xi32, #tpu.memory_space<hbm>> -> memref<1x8x128xi32, #tpu.memory_space<hbm>>
        %dma_wait3A_361 = tpu.memref_squeeze %dma_wait3A_360 : memref<1x8x128xi32, #tpu.memory_space<hbm>> -> memref<8x128xi32, #tpu.memory_space<hbm>>
        tpu.wait_dma2 semaphore(%run_scoped3A_349 : memref<!tpu.dma_semaphore, #tpu.memory_space<semaphore_mem>>) src(%dma_wait3A_361 : memref<8x128xi32, #tpu.memory_space<hbm>>) dst(%arg8 : memref<8x128xi32, #tpu.memory_space<vmem>>)
        tpu.yield
      }) : () -> ()
      "tpu.region"() ({
        %run_scoped3A_349 = tpu.sem_alloc : memref<!tpu.dma_semaphore, #tpu.memory_space<semaphore_mem>>
        %dma_start3A_350 = arith.constant 0 : i32
        %dma_start3A_351 = tpu.memref_slice %arg4[%add3A_22, %dma_start3A_350] : memref<2560x128xi32, #tpu.memory_space<hbm>> -> memref<8x128xi32, #tpu.memory_space<hbm>>
        %dma_start3A_352 = arith.constant 0 : i32
        %dma_start3A_353 = tpu.memref_slice %arg4[%add3A_22, %dma_start3A_352] : memref<2560x128xi32, #tpu.memory_space<hbm>> -> memref<8x128xi32, #tpu.memory_space<hbm>>
        tpu.enqueue_dma source(%dma_start3A_353 : memref<8x128xi32, #tpu.memory_space<hbm>>) target(%arg9 : memref<8x128xi32, #tpu.memory_space<vmem>>) target_semaphore(%run_scoped3A_349 : memref<!tpu.dma_semaphore, #tpu.memory_space<semaphore_mem>>)
        %dma_wait3A_354 = arith.constant 0 : i32
        %dma_wait3A_355 = tpu.memref_slice %arg4[%add3A_22, %dma_wait3A_354] : memref<2560x128xi32, #tpu.memory_space<hbm>> -> memref<8x128xi32, #tpu.memory_space<hbm>>
        %dma_wait3A_356 = arith.constant 0 : i32
        %dma_wait3A_357 = tpu.memref_slice %arg4[%add3A_22, %dma_wait3A_356] : memref<2560x128xi32, #tpu.memory_space<hbm>> -> memref<8x128xi32, #tpu.memory_space<hbm>>
        tpu.wait_dma2 semaphore(%run_scoped3A_349 : memref<!tpu.dma_semaphore, #tpu.memory_space<semaphore_mem>>) src(%dma_wait3A_357 : memref<8x128xi32, #tpu.memory_space<hbm>>) dst(%arg9 : memref<8x128xi32, #tpu.memory_space<vmem>>)
        tpu.yield
      }) : () -> ()
      %dma_start3A = arith.constant 0 : i32
      %dma_start3A_23 = arith.constant 0 : i32
      %dma_start3A_24 = arith.constant 0 : i32
      %dma_start3A_25 = tpu.memref_slice %arg10[%dma_start3A_23, %dma_start3A_24] : memref<128x128xf32, #tpu.memory_space<vmem>> -> memref<64x128xf32, #tpu.memory_space<vmem>>
      %dma_start3A_26 = arith.constant 0 : i32
      %dma_start3A_27 = tpu.memref_slice %arg8[%dma_start3A, %dma_start3A_26] : memref<8x128xi32, #tpu.memory_space<vmem>> -> memref<1x64xi32, #tpu.memory_space<vmem>>
      %dma_start3A_28 = tpu.memref_squeeze %dma_start3A_27 : memref<1x64xi32, #tpu.memory_space<vmem>> -> memref<64xi32, #tpu.memory_space<vmem>>
      %dma_start3A_29 = arith.constant 0 : i32
      %dma_start3A_30 = arith.constant 0 : i32
      %dma_start3A_31 = tpu.memref_slice %arg2[%dma_start3A_29, %dma_start3A_30] : memref<20000x128xf32, #tpu.memory_space<hbm>> -> memref<20000x128xf32, #tpu.memory_space<hbm>>
      tpu.enqueue_indirect_dma source(%dma_start3A_31 : memref<20000x128xf32, #tpu.memory_space<hbm>>) target(%dma_start3A_25 : memref<64x128xf32, #tpu.memory_space<vmem>>) offsets(%dma_start3A_28 : memref<64xi32, #tpu.memory_space<vmem>>) semaphore(%arg12 : memref<!tpu.dma_semaphore, #tpu.memory_space<semaphore_mem>>)
      %dma_start3A_32 = arith.constant 0 : i32
      %dma_start3A_33 = arith.constant 64 : i32
      %dma_start3A_34 = arith.constant 0 : i32
      %dma_start3A_35 = tpu.memref_slice %arg10[%dma_start3A_33, %dma_start3A_34] : memref<128x128xf32, #tpu.memory_space<vmem>> -> memref<64x128xf32, #tpu.memory_space<vmem>>
      %dma_start3A_36 = arith.constant 64 : i32
      %dma_start3A_37 = tpu.memref_slice %arg8[%dma_start3A_32, %dma_start3A_36] : memref<8x128xi32, #tpu.memory_space<vmem>> -> memref<1x64xi32, #tpu.memory_space<vmem>>
      %dma_start3A_38 = tpu.memref_squeeze %dma_start3A_37 : memref<1x64xi32, #tpu.memory_space<vmem>> -> memref<64xi32, #tpu.memory_space<vmem>>
      %dma_start3A_39 = arith.constant 0 : i32
      %dma_start3A_40 = arith.constant 0 : i32
      %dma_start3A_41 = tpu.memref_slice %arg2[%dma_start3A_39, %dma_start3A_40] : memref<20000x128xf32, #tpu.memory_space<hbm>> -> memref<20000x128xf32, #tpu.memory_space<hbm>>
      tpu.enqueue_indirect_dma source(%dma_start3A_41 : memref<20000x128xf32, #tpu.memory_space<hbm>>) target(%dma_start3A_35 : memref<64x128xf32, #tpu.memory_space<vmem>>) offsets(%dma_start3A_38 : memref<64xi32, #tpu.memory_space<vmem>>) semaphore(%arg12 : memref<!tpu.dma_semaphore, #tpu.memory_space<semaphore_mem>>)
      %dma_wait3A = arith.constant 0 : i32
      %dma_wait3A_42 = arith.constant 0 : i32
      %dma_wait3A_43 = arith.constant 0 : i32
      %dma_wait3A_44 = tpu.memref_slice %arg10[%dma_wait3A_42, %dma_wait3A_43] : memref<128x128xf32, #tpu.memory_space<vmem>> -> memref<64x128xf32, #tpu.memory_space<vmem>>
      %dma_wait3A_45 = arith.constant 0 : i32
      %dma_wait3A_46 = tpu.memref_slice %arg8[%dma_wait3A, %dma_wait3A_45] : memref<8x128xi32, #tpu.memory_space<vmem>> -> memref<1x64xi32, #tpu.memory_space<vmem>>
      %dma_wait3A_47 = tpu.memref_squeeze %dma_wait3A_46 : memref<1x64xi32, #tpu.memory_space<vmem>> -> memref<64xi32, #tpu.memory_space<vmem>>
      %dma_wait3A_48 = arith.constant 0 : i32
      %dma_wait3A_49 = arith.constant 0 : i32
      %dma_wait3A_50 = tpu.memref_slice %arg2[%dma_wait3A_48, %dma_wait3A_49] : memref<20000x128xf32, #tpu.memory_space<hbm>> -> memref<20000x128xf32, #tpu.memory_space<hbm>>
      tpu.wait_indirect_dma semaphore(%arg12 : memref<!tpu.dma_semaphore, #tpu.memory_space<semaphore_mem>>) src(%dma_wait3A_50 : memref<20000x128xf32, #tpu.memory_space<hbm>>) dst(%dma_wait3A_44 : memref<64x128xf32, #tpu.memory_space<vmem>>)
      %dma_wait3A_51 = arith.constant 0 : i32
      %dma_wait3A_52 = arith.constant 64 : i32
      %dma_wait3A_53 = arith.constant 0 : i32
      %dma_wait3A_54 = tpu.memref_slice %arg10[%dma_wait3A_52, %dma_wait3A_53] : memref<128x128xf32, #tpu.memory_space<vmem>> -> memref<64x128xf32, #tpu.memory_space<vmem>>
      %dma_wait3A_55 = arith.constant 64 : i32
      %dma_wait3A_56 = tpu.memref_slice %arg8[%dma_wait3A_51, %dma_wait3A_55] : memref<8x128xi32, #tpu.memory_space<vmem>> -> memref<1x64xi32, #tpu.memory_space<vmem>>
      %dma_wait3A_57 = tpu.memref_squeeze %dma_wait3A_56 : memref<1x64xi32, #tpu.memory_space<vmem>> -> memref<64xi32, #tpu.memory_space<vmem>>
      %dma_wait3A_58 = arith.constant 0 : i32
      %dma_wait3A_59 = arith.constant 0 : i32
      %dma_wait3A_60 = tpu.memref_slice %arg2[%dma_wait3A_58, %dma_wait3A_59] : memref<20000x128xf32, #tpu.memory_space<hbm>> -> memref<20000x128xf32, #tpu.memory_space<hbm>>
      tpu.wait_indirect_dma semaphore(%arg12 : memref<!tpu.dma_semaphore, #tpu.memory_space<semaphore_mem>>) src(%dma_wait3A_60 : memref<20000x128xf32, #tpu.memory_space<hbm>>) dst(%dma_wait3A_54 : memref<64x128xf32, #tpu.memory_space<vmem>>)
      %dma_start3A_61 = arith.constant 1 : i32
      %dma_start3A_62 = arith.constant 0 : i32
      %dma_start3A_63 = arith.constant 0 : i32
      %dma_start3A_64 = tpu.memref_slice %arg11[%dma_start3A_62, %dma_start3A_63] : memref<128x128xf32, #tpu.memory_space<vmem>> -> memref<64x128xf32, #tpu.memory_space<vmem>>
      %dma_start3A_65 = arith.constant 0 : i32
      %dma_start3A_66 = tpu.memref_slice %arg8[%dma_start3A_61, %dma_start3A_65] : memref<8x128xi32, #tpu.memory_space<vmem>> -> memref<1x64xi32, #tpu.memory_space<vmem>>
      %dma_start3A_67 = tpu.memref_squeeze %dma_start3A_66 : memref<1x64xi32, #tpu.memory_space<vmem>> -> memref<64xi32, #tpu.memory_space<vmem>>
      %dma_start3A_68 = arith.constant 0 : i32
      %dma_start3A_69 = arith.constant 0 : i32
      %dma_start3A_70 = tpu.memref_slice %arg2[%dma_start3A_68, %dma_start3A_69] : memref<20000x128xf32, #tpu.memory_space<hbm>> -> memref<20000x128xf32, #tpu.memory_space<hbm>>
      tpu.enqueue_indirect_dma source(%dma_start3A_70 : memref<20000x128xf32, #tpu.memory_space<hbm>>) target(%dma_start3A_64 : memref<64x128xf32, #tpu.memory_space<vmem>>) offsets(%dma_start3A_67 : memref<64xi32, #tpu.memory_space<vmem>>) semaphore(%arg13 : memref<!tpu.dma_semaphore, #tpu.memory_space<semaphore_mem>>)
      %dma_start3A_71 = arith.constant 1 : i32
      %dma_start3A_72 = arith.constant 64 : i32
      %dma_start3A_73 = arith.constant 0 : i32
      %dma_start3A_74 = tpu.memref_slice %arg11[%dma_start3A_72, %dma_start3A_73] : memref<128x128xf32, #tpu.memory_space<vmem>> -> memref<64x128xf32, #tpu.memory_space<vmem>>
      %dma_start3A_75 = arith.constant 64 : i32
      %dma_start3A_76 = tpu.memref_slice %arg8[%dma_start3A_71, %dma_start3A_75] : memref<8x128xi32, #tpu.memory_space<vmem>> -> memref<1x64xi32, #tpu.memory_space<vmem>>
      %dma_start3A_77 = tpu.memref_squeeze %dma_start3A_76 : memref<1x64xi32, #tpu.memory_space<vmem>> -> memref<64xi32, #tpu.memory_space<vmem>>
      %dma_start3A_78 = arith.constant 0 : i32
      %dma_start3A_79 = arith.constant 0 : i32
      %dma_start3A_80 = tpu.memref_slice %arg2[%dma_start3A_78, %dma_start3A_79] : memref<20000x128xf32, #tpu.memory_space<hbm>> -> memref<20000x128xf32, #tpu.memory_space<hbm>>
      tpu.enqueue_indirect_dma source(%dma_start3A_80 : memref<20000x128xf32, #tpu.memory_space<hbm>>) target(%dma_start3A_74 : memref<64x128xf32, #tpu.memory_space<vmem>>) offsets(%dma_start3A_77 : memref<64xi32, #tpu.memory_space<vmem>>) semaphore(%arg13 : memref<!tpu.dma_semaphore, #tpu.memory_space<semaphore_mem>>)
      %run_scoped3A = arith.constant 0 : i32
      "tpu.region"() ({
        %run_scoped3A_349 = tpu.sem_alloc : memref<!tpu.dma_semaphore, #tpu.memory_space<semaphore_mem>>
        %dma_start3A_350 = arith.constant 0 : i32
        %dma_start3A_351 = tpu.memref_slice %arg9[%run_scoped3A, %dma_start3A_350] : memref<8x128xi32, #tpu.memory_space<vmem>> -> memref<1x128xi32, #tpu.memory_space<vmem>>
        %dma_start3A_352 = tpu.memref_squeeze %dma_start3A_351 : memref<1x128xi32, #tpu.memory_space<vmem>> -> memref<128xi32, #tpu.memory_space<vmem>>
        %dma_start3A_353 = arith.constant 0 : i32
        %dma_start3A_354 = arith.constant 0 : i32
        %dma_start3A_355 = tpu.memref_slice %arg7[%dma_start3A_353, %dma_start3A_354] : memref<10112x128xf32, #tpu.memory_space<vmem_shared>> -> memref<10112x128xf32, #tpu.memory_space<vmem_shared>>
        tpu.enqueue_indirect_dma source(%arg10 : memref<128x128xf32, #tpu.memory_space<vmem>>) target(%dma_start3A_355 : memref<10112x128xf32, #tpu.memory_space<vmem_shared>>) offsets(%dma_start3A_352 : memref<128xi32, #tpu.memory_space<vmem>>) semaphore(%run_scoped3A_349 : memref<!tpu.dma_semaphore, #tpu.memory_space<semaphore_mem>>) {add = true}
        %dma_wait3A_356 = arith.constant 0 : i32
        %dma_wait3A_357 = tpu.memref_slice %arg9[%run_scoped3A, %dma_wait3A_356] : memref<8x128xi32, #tpu.memory_space<vmem>> -> memref<1x128xi32, #tpu.memory_space<vmem>>
        %dma_wait3A_358 = tpu.memref_squeeze %dma_wait3A_357 : memref<1x128xi32, #tpu.memory_space<vmem>> -> memref<128xi32, #tpu.memory_space<vmem>>
        %dma_wait3A_359 = arith.constant 0 : i32
        %dma_wait3A_360 = arith.constant 0 : i32
        %dma_wait3A_361 = tpu.memref_slice %arg7[%dma_wait3A_359, %dma_wait3A_360] : memref<10112x128xf32, #tpu.memory_space<vmem_shared>> -> memref<10112x128xf32, #tpu.memory_space<vmem_shared>>
        tpu.wait_indirect_dma semaphore(%run_scoped3A_349 : memref<!tpu.dma_semaphore, #tpu.memory_space<semaphore_mem>>) src(%arg10 : memref<128x128xf32, #tpu.memory_space<vmem>>) dst(%dma_wait3A_361 : memref<10112x128xf32, #tpu.memory_space<vmem_shared>>)
        tpu.yield
      }) : () -> ()
      %dma_wait3A_81 = arith.constant 1 : i32
      %dma_wait3A_82 = arith.constant 0 : i32
      %dma_wait3A_83 = arith.constant 0 : i32
      %dma_wait3A_84 = tpu.memref_slice %arg11[%dma_wait3A_82, %dma_wait3A_83] : memref<128x128xf32, #tpu.memory_space<vmem>> -> memref<64x128xf32, #tpu.memory_space<vmem>>
      %dma_wait3A_85 = arith.constant 0 : i32
      %dma_wait3A_86 = tpu.memref_slice %arg8[%dma_wait3A_81, %dma_wait3A_85] : memref<8x128xi32, #tpu.memory_space<vmem>> -> memref<1x64xi32, #tpu.memory_space<vmem>>
      %dma_wait3A_87 = tpu.memref_squeeze %dma_wait3A_86 : memref<1x64xi32, #tpu.memory_space<vmem>> -> memref<64xi32, #tpu.memory_space<vmem>>
      %dma_wait3A_88 = arith.constant 0 : i32
      %dma_wait3A_89 = arith.constant 0 : i32
      %dma_wait3A_90 = tpu.memref_slice %arg2[%dma_wait3A_88, %dma_wait3A_89] : memref<20000x128xf32, #tpu.memory_space<hbm>> -> memref<20000x128xf32, #tpu.memory_space<hbm>>
      tpu.wait_indirect_dma semaphore(%arg13 : memref<!tpu.dma_semaphore, #tpu.memory_space<semaphore_mem>>) src(%dma_wait3A_90 : memref<20000x128xf32, #tpu.memory_space<hbm>>) dst(%dma_wait3A_84 : memref<64x128xf32, #tpu.memory_space<vmem>>)
      %dma_wait3A_91 = arith.constant 1 : i32
      %dma_wait3A_92 = arith.constant 64 : i32
      %dma_wait3A_93 = arith.constant 0 : i32
      %dma_wait3A_94 = tpu.memref_slice %arg11[%dma_wait3A_92, %dma_wait3A_93] : memref<128x128xf32, #tpu.memory_space<vmem>> -> memref<64x128xf32, #tpu.memory_space<vmem>>
      %dma_wait3A_95 = arith.constant 64 : i32
      %dma_wait3A_96 = tpu.memref_slice %arg8[%dma_wait3A_91, %dma_wait3A_95] : memref<8x128xi32, #tpu.memory_space<vmem>> -> memref<1x64xi32, #tpu.memory_space<vmem>>
      %dma_wait3A_97 = tpu.memref_squeeze %dma_wait3A_96 : memref<1x64xi32, #tpu.memory_space<vmem>> -> memref<64xi32, #tpu.memory_space<vmem>>
      %dma_wait3A_98 = arith.constant 0 : i32
      %dma_wait3A_99 = arith.constant 0 : i32
      %dma_wait3A_100 = tpu.memref_slice %arg2[%dma_wait3A_98, %dma_wait3A_99] : memref<20000x128xf32, #tpu.memory_space<hbm>> -> memref<20000x128xf32, #tpu.memory_space<hbm>>
      tpu.wait_indirect_dma semaphore(%arg13 : memref<!tpu.dma_semaphore, #tpu.memory_space<semaphore_mem>>) src(%dma_wait3A_100 : memref<20000x128xf32, #tpu.memory_space<hbm>>) dst(%dma_wait3A_94 : memref<64x128xf32, #tpu.memory_space<vmem>>)
      %dma_start3A_101 = arith.constant 2 : i32
      %dma_start3A_102 = arith.constant 0 : i32
      %dma_start3A_103 = arith.constant 0 : i32
      %dma_start3A_104 = tpu.memref_slice %arg10[%dma_start3A_102, %dma_start3A_103] : memref<128x128xf32, #tpu.memory_space<vmem>> -> memref<64x128xf32, #tpu.memory_space<vmem>>
      %dma_start3A_105 = arith.constant 0 : i32
      %dma_start3A_106 = tpu.memref_slice %arg8[%dma_start3A_101, %dma_start3A_105] : memref<8x128xi32, #tpu.memory_space<vmem>> -> memref<1x64xi32, #tpu.memory_space<vmem>>
      %dma_start3A_107 = tpu.memref_squeeze %dma_start3A_106 : memref<1x64xi32, #tpu.memory_space<vmem>> -> memref<64xi32, #tpu.memory_space<vmem>>
      %dma_start3A_108 = arith.constant 0 : i32
      %dma_start3A_109 = arith.constant 0 : i32
      %dma_start3A_110 = tpu.memref_slice %arg2[%dma_start3A_108, %dma_start3A_109] : memref<20000x128xf32, #tpu.memory_space<hbm>> -> memref<20000x128xf32, #tpu.memory_space<hbm>>
      tpu.enqueue_indirect_dma source(%dma_start3A_110 : memref<20000x128xf32, #tpu.memory_space<hbm>>) target(%dma_start3A_104 : memref<64x128xf32, #tpu.memory_space<vmem>>) offsets(%dma_start3A_107 : memref<64xi32, #tpu.memory_space<vmem>>) semaphore(%arg12 : memref<!tpu.dma_semaphore, #tpu.memory_space<semaphore_mem>>)
      %dma_start3A_111 = arith.constant 2 : i32
      %dma_start3A_112 = arith.constant 64 : i32
      %dma_start3A_113 = arith.constant 0 : i32
      %dma_start3A_114 = tpu.memref_slice %arg10[%dma_start3A_112, %dma_start3A_113] : memref<128x128xf32, #tpu.memory_space<vmem>> -> memref<64x128xf32, #tpu.memory_space<vmem>>
      %dma_start3A_115 = arith.constant 64 : i32
      %dma_start3A_116 = tpu.memref_slice %arg8[%dma_start3A_111, %dma_start3A_115] : memref<8x128xi32, #tpu.memory_space<vmem>> -> memref<1x64xi32, #tpu.memory_space<vmem>>
      %dma_start3A_117 = tpu.memref_squeeze %dma_start3A_116 : memref<1x64xi32, #tpu.memory_space<vmem>> -> memref<64xi32, #tpu.memory_space<vmem>>
      %dma_start3A_118 = arith.constant 0 : i32
      %dma_start3A_119 = arith.constant 0 : i32
      %dma_start3A_120 = tpu.memref_slice %arg2[%dma_start3A_118, %dma_start3A_119] : memref<20000x128xf32, #tpu.memory_space<hbm>> -> memref<20000x128xf32, #tpu.memory_space<hbm>>
      tpu.enqueue_indirect_dma source(%dma_start3A_120 : memref<20000x128xf32, #tpu.memory_space<hbm>>) target(%dma_start3A_114 : memref<64x128xf32, #tpu.memory_space<vmem>>) offsets(%dma_start3A_117 : memref<64xi32, #tpu.memory_space<vmem>>) semaphore(%arg12 : memref<!tpu.dma_semaphore, #tpu.memory_space<semaphore_mem>>)
      %run_scoped3A_121 = arith.constant 1 : i32
      "tpu.region"() ({
        %run_scoped3A_349 = tpu.sem_alloc : memref<!tpu.dma_semaphore, #tpu.memory_space<semaphore_mem>>
        %dma_start3A_350 = arith.constant 0 : i32
        %dma_start3A_351 = tpu.memref_slice %arg9[%run_scoped3A_121, %dma_start3A_350] : memref<8x128xi32, #tpu.memory_space<vmem>> -> memref<1x128xi32, #tpu.memory_space<vmem>>
        %dma_start3A_352 = tpu.memref_squeeze %dma_start3A_351 : memref<1x128xi32, #tpu.memory_space<vmem>> -> memref<128xi32, #tpu.memory_space<vmem>>
        %dma_start3A_353 = arith.constant 0 : i32
        %dma_start3A_354 = arith.constant 0 : i32
        %dma_start3A_355 = tpu.memref_slice %arg7[%dma_start3A_353, %dma_start3A_354] : memref<10112x128xf32, #tpu.memory_space<vmem_shared>> -> memref<10112x128xf32, #tpu.memory_space<vmem_shared>>
        tpu.enqueue_indirect_dma source(%arg11 : memref<128x128xf32, #tpu.memory_space<vmem>>) target(%dma_start3A_355 : memref<10112x128xf32, #tpu.memory_space<vmem_shared>>) offsets(%dma_start3A_352 : memref<128xi32, #tpu.memory_space<vmem>>) semaphore(%run_scoped3A_349 : memref<!tpu.dma_semaphore, #tpu.memory_space<semaphore_mem>>) {add = true}
        %dma_wait3A_356 = arith.constant 0 : i32
        %dma_wait3A_357 = tpu.memref_slice %arg9[%run_scoped3A_121, %dma_wait3A_356] : memref<8x128xi32, #tpu.memory_space<vmem>> -> memref<1x128xi32, #tpu.memory_space<vmem>>
        %dma_wait3A_358 = tpu.memref_squeeze %dma_wait3A_357 : memref<1x128xi32, #tpu.memory_space<vmem>> -> memref<128xi32, #tpu.memory_space<vmem>>
        %dma_wait3A_359 = arith.constant 0 : i32
        %dma_wait3A_360 = arith.constant 0 : i32
        %dma_wait3A_361 = tpu.memref_slice %arg7[%dma_wait3A_359, %dma_wait3A_360] : memref<10112x128xf32, #tpu.memory_space<vmem_shared>> -> memref<10112x128xf32, #tpu.memory_space<vmem_shared>>
        tpu.wait_indirect_dma semaphore(%run_scoped3A_349 : memref<!tpu.dma_semaphore, #tpu.memory_space<semaphore_mem>>) src(%arg11 : memref<128x128xf32, #tpu.memory_space<vmem>>) dst(%dma_wait3A_361 : memref<10112x128xf32, #tpu.memory_space<vmem_shared>>)
        tpu.yield
      }) : () -> ()
      %dma_wait3A_122 = arith.constant 2 : i32
      %dma_wait3A_123 = arith.constant 0 : i32
      %dma_wait3A_124 = arith.constant 0 : i32
      %dma_wait3A_125 = tpu.memref_slice %arg10[%dma_wait3A_123, %dma_wait3A_124] : memref<128x128xf32, #tpu.memory_space<vmem>> -> memref<64x128xf32, #tpu.memory_space<vmem>>
      %dma_wait3A_126 = arith.constant 0 : i32
      %dma_wait3A_127 = tpu.memref_slice %arg8[%dma_wait3A_122, %dma_wait3A_126] : memref<8x128xi32, #tpu.memory_space<vmem>> -> memref<1x64xi32, #tpu.memory_space<vmem>>
      %dma_wait3A_128 = tpu.memref_squeeze %dma_wait3A_127 : memref<1x64xi32, #tpu.memory_space<vmem>> -> memref<64xi32, #tpu.memory_space<vmem>>
      %dma_wait3A_129 = arith.constant 0 : i32
      %dma_wait3A_130 = arith.constant 0 : i32
      %dma_wait3A_131 = tpu.memref_slice %arg2[%dma_wait3A_129, %dma_wait3A_130] : memref<20000x128xf32, #tpu.memory_space<hbm>> -> memref<20000x128xf32, #tpu.memory_space<hbm>>
      tpu.wait_indirect_dma semaphore(%arg12 : memref<!tpu.dma_semaphore, #tpu.memory_space<semaphore_mem>>) src(%dma_wait3A_131 : memref<20000x128xf32, #tpu.memory_space<hbm>>) dst(%dma_wait3A_125 : memref<64x128xf32, #tpu.memory_space<vmem>>)
      %dma_wait3A_132 = arith.constant 2 : i32
      %dma_wait3A_133 = arith.constant 64 : i32
      %dma_wait3A_134 = arith.constant 0 : i32
      %dma_wait3A_135 = tpu.memref_slice %arg10[%dma_wait3A_133, %dma_wait3A_134] : memref<128x128xf32, #tpu.memory_space<vmem>> -> memref<64x128xf32, #tpu.memory_space<vmem>>
      %dma_wait3A_136 = arith.constant 64 : i32
      %dma_wait3A_137 = tpu.memref_slice %arg8[%dma_wait3A_132, %dma_wait3A_136] : memref<8x128xi32, #tpu.memory_space<vmem>> -> memref<1x64xi32, #tpu.memory_space<vmem>>
      %dma_wait3A_138 = tpu.memref_squeeze %dma_wait3A_137 : memref<1x64xi32, #tpu.memory_space<vmem>> -> memref<64xi32, #tpu.memory_space<vmem>>
      %dma_wait3A_139 = arith.constant 0 : i32
      %dma_wait3A_140 = arith.constant 0 : i32
      %dma_wait3A_141 = tpu.memref_slice %arg2[%dma_wait3A_139, %dma_wait3A_140] : memref<20000x128xf32, #tpu.memory_space<hbm>> -> memref<20000x128xf32, #tpu.memory_space<hbm>>
      tpu.wait_indirect_dma semaphore(%arg12 : memref<!tpu.dma_semaphore, #tpu.memory_space<semaphore_mem>>) src(%dma_wait3A_141 : memref<20000x128xf32, #tpu.memory_space<hbm>>) dst(%dma_wait3A_135 : memref<64x128xf32, #tpu.memory_space<vmem>>)
      %dma_start3A_142 = arith.constant 3 : i32
      %dma_start3A_143 = arith.constant 0 : i32
      %dma_start3A_144 = arith.constant 0 : i32
      %dma_start3A_145 = tpu.memref_slice %arg11[%dma_start3A_143, %dma_start3A_144] : memref<128x128xf32, #tpu.memory_space<vmem>> -> memref<64x128xf32, #tpu.memory_space<vmem>>
      %dma_start3A_146 = arith.constant 0 : i32
      %dma_start3A_147 = tpu.memref_slice %arg8[%dma_start3A_142, %dma_start3A_146] : memref<8x128xi32, #tpu.memory_space<vmem>> -> memref<1x64xi32, #tpu.memory_space<vmem>>
      %dma_start3A_148 = tpu.memref_squeeze %dma_start3A_147 : memref<1x64xi32, #tpu.memory_space<vmem>> -> memref<64xi32, #tpu.memory_space<vmem>>
      %dma_start3A_149 = arith.constant 0 : i32
      %dma_start3A_150 = arith.constant 0 : i32
      %dma_start3A_151 = tpu.memref_slice %arg2[%dma_start3A_149, %dma_start3A_150] : memref<20000x128xf32, #tpu.memory_space<hbm>> -> memref<20000x128xf32, #tpu.memory_space<hbm>>
      tpu.enqueue_indirect_dma source(%dma_start3A_151 : memref<20000x128xf32, #tpu.memory_space<hbm>>) target(%dma_start3A_145 : memref<64x128xf32, #tpu.memory_space<vmem>>) offsets(%dma_start3A_148 : memref<64xi32, #tpu.memory_space<vmem>>) semaphore(%arg13 : memref<!tpu.dma_semaphore, #tpu.memory_space<semaphore_mem>>)
      %dma_start3A_152 = arith.constant 3 : i32
      %dma_start3A_153 = arith.constant 64 : i32
      %dma_start3A_154 = arith.constant 0 : i32
      %dma_start3A_155 = tpu.memref_slice %arg11[%dma_start3A_153, %dma_start3A_154] : memref<128x128xf32, #tpu.memory_space<vmem>> -> memref<64x128xf32, #tpu.memory_space<vmem>>
      %dma_start3A_156 = arith.constant 64 : i32
      %dma_start3A_157 = tpu.memref_slice %arg8[%dma_start3A_152, %dma_start3A_156] : memref<8x128xi32, #tpu.memory_space<vmem>> -> memref<1x64xi32, #tpu.memory_space<vmem>>
      %dma_start3A_158 = tpu.memref_squeeze %dma_start3A_157 : memref<1x64xi32, #tpu.memory_space<vmem>> -> memref<64xi32, #tpu.memory_space<vmem>>
      %dma_start3A_159 = arith.constant 0 : i32
      %dma_start3A_160 = arith.constant 0 : i32
      %dma_start3A_161 = tpu.memref_slice %arg2[%dma_start3A_159, %dma_start3A_160] : memref<20000x128xf32, #tpu.memory_space<hbm>> -> memref<20000x128xf32, #tpu.memory_space<hbm>>
      tpu.enqueue_indirect_dma source(%dma_start3A_161 : memref<20000x128xf32, #tpu.memory_space<hbm>>) target(%dma_start3A_155 : memref<64x128xf32, #tpu.memory_space<vmem>>) offsets(%dma_start3A_158 : memref<64xi32, #tpu.memory_space<vmem>>) semaphore(%arg13 : memref<!tpu.dma_semaphore, #tpu.memory_space<semaphore_mem>>)
      %run_scoped3A_162 = arith.constant 2 : i32
      "tpu.region"() ({
        %run_scoped3A_349 = tpu.sem_alloc : memref<!tpu.dma_semaphore, #tpu.memory_space<semaphore_mem>>
        %dma_start3A_350 = arith.constant 0 : i32
        %dma_start3A_351 = tpu.memref_slice %arg9[%run_scoped3A_162, %dma_start3A_350] : memref<8x128xi32, #tpu.memory_space<vmem>> -> memref<1x128xi32, #tpu.memory_space<vmem>>
        %dma_start3A_352 = tpu.memref_squeeze %dma_start3A_351 : memref<1x128xi32, #tpu.memory_space<vmem>> -> memref<128xi32, #tpu.memory_space<vmem>>
        %dma_start3A_353 = arith.constant 0 : i32
        %dma_start3A_354 = arith.constant 0 : i32
        %dma_start3A_355 = tpu.memref_slice %arg7[%dma_start3A_353, %dma_start3A_354] : memref<10112x128xf32, #tpu.memory_space<vmem_shared>> -> memref<10112x128xf32, #tpu.memory_space<vmem_shared>>
        tpu.enqueue_indirect_dma source(%arg10 : memref<128x128xf32, #tpu.memory_space<vmem>>) target(%dma_start3A_355 : memref<10112x128xf32, #tpu.memory_space<vmem_shared>>) offsets(%dma_start3A_352 : memref<128xi32, #tpu.memory_space<vmem>>) semaphore(%run_scoped3A_349 : memref<!tpu.dma_semaphore, #tpu.memory_space<semaphore_mem>>) {add = true}
        %dma_wait3A_356 = arith.constant 0 : i32
        %dma_wait3A_357 = tpu.memref_slice %arg9[%run_scoped3A_162, %dma_wait3A_356] : memref<8x128xi32, #tpu.memory_space<vmem>> -> memref<1x128xi32, #tpu.memory_space<vmem>>
        %dma_wait3A_358 = tpu.memref_squeeze %dma_wait3A_357 : memref<1x128xi32, #tpu.memory_space<vmem>> -> memref<128xi32, #tpu.memory_space<vmem>>
        %dma_wait3A_359 = arith.constant 0 : i32
        %dma_wait3A_360 = arith.constant 0 : i32
        %dma_wait3A_361 = tpu.memref_slice %arg7[%dma_wait3A_359, %dma_wait3A_360] : memref<10112x128xf32, #tpu.memory_space<vmem_shared>> -> memref<10112x128xf32, #tpu.memory_space<vmem_shared>>
        tpu.wait_indirect_dma semaphore(%run_scoped3A_349 : memref<!tpu.dma_semaphore, #tpu.memory_space<semaphore_mem>>) src(%arg10 : memref<128x128xf32, #tpu.memory_space<vmem>>) dst(%dma_wait3A_361 : memref<10112x128xf32, #tpu.memory_space<vmem_shared>>)
        tpu.yield
      }) : () -> ()
      %dma_wait3A_163 = arith.constant 3 : i32
      %dma_wait3A_164 = arith.constant 0 : i32
      %dma_wait3A_165 = arith.constant 0 : i32
      %dma_wait3A_166 = tpu.memref_slice %arg11[%dma_wait3A_164, %dma_wait3A_165] : memref<128x128xf32, #tpu.memory_space<vmem>> -> memref<64x128xf32, #tpu.memory_space<vmem>>
      %dma_wait3A_167 = arith.constant 0 : i32
      %dma_wait3A_168 = tpu.memref_slice %arg8[%dma_wait3A_163, %dma_wait3A_167] : memref<8x128xi32, #tpu.memory_space<vmem>> -> memref<1x64xi32, #tpu.memory_space<vmem>>
      %dma_wait3A_169 = tpu.memref_squeeze %dma_wait3A_168 : memref<1x64xi32, #tpu.memory_space<vmem>> -> memref<64xi32, #tpu.memory_space<vmem>>
      %dma_wait3A_170 = arith.constant 0 : i32
      %dma_wait3A_171 = arith.constant 0 : i32
      %dma_wait3A_172 = tpu.memref_slice %arg2[%dma_wait3A_170, %dma_wait3A_171] : memref<20000x128xf32, #tpu.memory_space<hbm>> -> memref<20000x128xf32, #tpu.memory_space<hbm>>
      tpu.wait_indirect_dma semaphore(%arg13 : memref<!tpu.dma_semaphore, #tpu.memory_space<semaphore_mem>>) src(%dma_wait3A_172 : memref<20000x128xf32, #tpu.memory_space<hbm>>) dst(%dma_wait3A_166 : memref<64x128xf32, #tpu.memory_space<vmem>>)
      %dma_wait3A_173 = arith.constant 3 : i32
      %dma_wait3A_174 = arith.constant 64 : i32
      %dma_wait3A_175 = arith.constant 0 : i32
      %dma_wait3A_176 = tpu.memref_slice %arg11[%dma_wait3A_174, %dma_wait3A_175] : memref<128x128xf32, #tpu.memory_space<vmem>> -> memref<64x128xf32, #tpu.memory_space<vmem>>
      %dma_wait3A_177 = arith.constant 64 : i32
      %dma_wait3A_178 = tpu.memref_slice %arg8[%dma_wait3A_173, %dma_wait3A_177] : memref<8x128xi32, #tpu.memory_space<vmem>> -> memref<1x64xi32, #tpu.memory_space<vmem>>
      %dma_wait3A_179 = tpu.memref_squeeze %dma_wait3A_178 : memref<1x64xi32, #tpu.memory_space<vmem>> -> memref<64xi32, #tpu.memory_space<vmem>>
      %dma_wait3A_180 = arith.constant 0 : i32
      %dma_wait3A_181 = arith.constant 0 : i32
      %dma_wait3A_182 = tpu.memref_slice %arg2[%dma_wait3A_180, %dma_wait3A_181] : memref<20000x128xf32, #tpu.memory_space<hbm>> -> memref<20000x128xf32, #tpu.memory_space<hbm>>
      tpu.wait_indirect_dma semaphore(%arg13 : memref<!tpu.dma_semaphore, #tpu.memory_space<semaphore_mem>>) src(%dma_wait3A_182 : memref<20000x128xf32, #tpu.memory_space<hbm>>) dst(%dma_wait3A_176 : memref<64x128xf32, #tpu.memory_space<vmem>>)
      %dma_start3A_183 = arith.constant 4 : i32
      %dma_start3A_184 = arith.constant 0 : i32
      %dma_start3A_185 = arith.constant 0 : i32
      %dma_start3A_186 = tpu.memref_slice %arg10[%dma_start3A_184, %dma_start3A_185] : memref<128x128xf32, #tpu.memory_space<vmem>> -> memref<64x128xf32, #tpu.memory_space<vmem>>
      %dma_start3A_187 = arith.constant 0 : i32
      %dma_start3A_188 = tpu.memref_slice %arg8[%dma_start3A_183, %dma_start3A_187] : memref<8x128xi32, #tpu.memory_space<vmem>> -> memref<1x64xi32, #tpu.memory_space<vmem>>
      %dma_start3A_189 = tpu.memref_squeeze %dma_start3A_188 : memref<1x64xi32, #tpu.memory_space<vmem>> -> memref<64xi32, #tpu.memory_space<vmem>>
      %dma_start3A_190 = arith.constant 0 : i32
      %dma_start3A_191 = arith.constant 0 : i32
      %dma_start3A_192 = tpu.memref_slice %arg2[%dma_start3A_190, %dma_start3A_191] : memref<20000x128xf32, #tpu.memory_space<hbm>> -> memref<20000x128xf32, #tpu.memory_space<hbm>>
      tpu.enqueue_indirect_dma source(%dma_start3A_192 : memref<20000x128xf32, #tpu.memory_space<hbm>>) target(%dma_start3A_186 : memref<64x128xf32, #tpu.memory_space<vmem>>) offsets(%dma_start3A_189 : memref<64xi32, #tpu.memory_space<vmem>>) semaphore(%arg12 : memref<!tpu.dma_semaphore, #tpu.memory_space<semaphore_mem>>)
      %dma_start3A_193 = arith.constant 4 : i32
      %dma_start3A_194 = arith.constant 64 : i32
      %dma_start3A_195 = arith.constant 0 : i32
      %dma_start3A_196 = tpu.memref_slice %arg10[%dma_start3A_194, %dma_start3A_195] : memref<128x128xf32, #tpu.memory_space<vmem>> -> memref<64x128xf32, #tpu.memory_space<vmem>>
      %dma_start3A_197 = arith.constant 64 : i32
      %dma_start3A_198 = tpu.memref_slice %arg8[%dma_start3A_193, %dma_start3A_197] : memref<8x128xi32, #tpu.memory_space<vmem>> -> memref<1x64xi32, #tpu.memory_space<vmem>>
      %dma_start3A_199 = tpu.memref_squeeze %dma_start3A_198 : memref<1x64xi32, #tpu.memory_space<vmem>> -> memref<64xi32, #tpu.memory_space<vmem>>
      %dma_start3A_200 = arith.constant 0 : i32
      %dma_start3A_201 = arith.constant 0 : i32
      %dma_start3A_202 = tpu.memref_slice %arg2[%dma_start3A_200, %dma_start3A_201] : memref<20000x128xf32, #tpu.memory_space<hbm>> -> memref<20000x128xf32, #tpu.memory_space<hbm>>
      tpu.enqueue_indirect_dma source(%dma_start3A_202 : memref<20000x128xf32, #tpu.memory_space<hbm>>) target(%dma_start3A_196 : memref<64x128xf32, #tpu.memory_space<vmem>>) offsets(%dma_start3A_199 : memref<64xi32, #tpu.memory_space<vmem>>) semaphore(%arg12 : memref<!tpu.dma_semaphore, #tpu.memory_space<semaphore_mem>>)
      %run_scoped3A_203 = arith.constant 3 : i32
      "tpu.region"() ({
        %run_scoped3A_349 = tpu.sem_alloc : memref<!tpu.dma_semaphore, #tpu.memory_space<semaphore_mem>>
        %dma_start3A_350 = arith.constant 0 : i32
        %dma_start3A_351 = tpu.memref_slice %arg9[%run_scoped3A_203, %dma_start3A_350] : memref<8x128xi32, #tpu.memory_space<vmem>> -> memref<1x128xi32, #tpu.memory_space<vmem>>
        %dma_start3A_352 = tpu.memref_squeeze %dma_start3A_351 : memref<1x128xi32, #tpu.memory_space<vmem>> -> memref<128xi32, #tpu.memory_space<vmem>>
        %dma_start3A_353 = arith.constant 0 : i32
        %dma_start3A_354 = arith.constant 0 : i32
        %dma_start3A_355 = tpu.memref_slice %arg7[%dma_start3A_353, %dma_start3A_354] : memref<10112x128xf32, #tpu.memory_space<vmem_shared>> -> memref<10112x128xf32, #tpu.memory_space<vmem_shared>>
        tpu.enqueue_indirect_dma source(%arg11 : memref<128x128xf32, #tpu.memory_space<vmem>>) target(%dma_start3A_355 : memref<10112x128xf32, #tpu.memory_space<vmem_shared>>) offsets(%dma_start3A_352 : memref<128xi32, #tpu.memory_space<vmem>>) semaphore(%run_scoped3A_349 : memref<!tpu.dma_semaphore, #tpu.memory_space<semaphore_mem>>) {add = true}
        %dma_wait3A_356 = arith.constant 0 : i32
        %dma_wait3A_357 = tpu.memref_slice %arg9[%run_scoped3A_203, %dma_wait3A_356] : memref<8x128xi32, #tpu.memory_space<vmem>> -> memref<1x128xi32, #tpu.memory_space<vmem>>
        %dma_wait3A_358 = tpu.memref_squeeze %dma_wait3A_357 : memref<1x128xi32, #tpu.memory_space<vmem>> -> memref<128xi32, #tpu.memory_space<vmem>>
        %dma_wait3A_359 = arith.constant 0 : i32
        %dma_wait3A_360 = arith.constant 0 : i32
        %dma_wait3A_361 = tpu.memref_slice %arg7[%dma_wait3A_359, %dma_wait3A_360] : memref<10112x128xf32, #tpu.memory_space<vmem_shared>> -> memref<10112x128xf32, #tpu.memory_space<vmem_shared>>
        tpu.wait_indirect_dma semaphore(%run_scoped3A_349 : memref<!tpu.dma_semaphore, #tpu.memory_space<semaphore_mem>>) src(%arg11 : memref<128x128xf32, #tpu.memory_space<vmem>>) dst(%dma_wait3A_361 : memref<10112x128xf32, #tpu.memory_space<vmem_shared>>)
        tpu.yield
      }) : () -> ()
      %dma_wait3A_204 = arith.constant 4 : i32
      %dma_wait3A_205 = arith.constant 0 : i32
      %dma_wait3A_206 = arith.constant 0 : i32
      %dma_wait3A_207 = tpu.memref_slice %arg10[%dma_wait3A_205, %dma_wait3A_206] : memref<128x128xf32, #tpu.memory_space<vmem>> -> memref<64x128xf32, #tpu.memory_space<vmem>>
      %dma_wait3A_208 = arith.constant 0 : i32
      %dma_wait3A_209 = tpu.memref_slice %arg8[%dma_wait3A_204, %dma_wait3A_208] : memref<8x128xi32, #tpu.memory_space<vmem>> -> memref<1x64xi32, #tpu.memory_space<vmem>>
      %dma_wait3A_210 = tpu.memref_squeeze %dma_wait3A_209 : memref<1x64xi32, #tpu.memory_space<vmem>> -> memref<64xi32, #tpu.memory_space<vmem>>
      %dma_wait3A_211 = arith.constant 0 : i32
      %dma_wait3A_212 = arith.constant 0 : i32
      %dma_wait3A_213 = tpu.memref_slice %arg2[%dma_wait3A_211, %dma_wait3A_212] : memref<20000x128xf32, #tpu.memory_space<hbm>> -> memref<20000x128xf32, #tpu.memory_space<hbm>>
      tpu.wait_indirect_dma semaphore(%arg12 : memref<!tpu.dma_semaphore, #tpu.memory_space<semaphore_mem>>) src(%dma_wait3A_213 : memref<20000x128xf32, #tpu.memory_space<hbm>>) dst(%dma_wait3A_207 : memref<64x128xf32, #tpu.memory_space<vmem>>)
      %dma_wait3A_214 = arith.constant 4 : i32
      %dma_wait3A_215 = arith.constant 64 : i32
      %dma_wait3A_216 = arith.constant 0 : i32
      %dma_wait3A_217 = tpu.memref_slice %arg10[%dma_wait3A_215, %dma_wait3A_216] : memref<128x128xf32, #tpu.memory_space<vmem>> -> memref<64x128xf32, #tpu.memory_space<vmem>>
      %dma_wait3A_218 = arith.constant 64 : i32
      %dma_wait3A_219 = tpu.memref_slice %arg8[%dma_wait3A_214, %dma_wait3A_218] : memref<8x128xi32, #tpu.memory_space<vmem>> -> memref<1x64xi32, #tpu.memory_space<vmem>>
      %dma_wait3A_220 = tpu.memref_squeeze %dma_wait3A_219 : memref<1x64xi32, #tpu.memory_space<vmem>> -> memref<64xi32, #tpu.memory_space<vmem>>
      %dma_wait3A_221 = arith.constant 0 : i32
      %dma_wait3A_222 = arith.constant 0 : i32
      %dma_wait3A_223 = tpu.memref_slice %arg2[%dma_wait3A_221, %dma_wait3A_222] : memref<20000x128xf32, #tpu.memory_space<hbm>> -> memref<20000x128xf32, #tpu.memory_space<hbm>>
      tpu.wait_indirect_dma semaphore(%arg12 : memref<!tpu.dma_semaphore, #tpu.memory_space<semaphore_mem>>) src(%dma_wait3A_223 : memref<20000x128xf32, #tpu.memory_space<hbm>>) dst(%dma_wait3A_217 : memref<64x128xf32, #tpu.memory_space<vmem>>)
      %dma_start3A_224 = arith.constant 5 : i32
      %dma_start3A_225 = arith.constant 0 : i32
      %dma_start3A_226 = arith.constant 0 : i32
      %dma_start3A_227 = tpu.memref_slice %arg11[%dma_start3A_225, %dma_start3A_226] : memref<128x128xf32, #tpu.memory_space<vmem>> -> memref<64x128xf32, #tpu.memory_space<vmem>>
      %dma_start3A_228 = arith.constant 0 : i32
      %dma_start3A_229 = tpu.memref_slice %arg8[%dma_start3A_224, %dma_start3A_228] : memref<8x128xi32, #tpu.memory_space<vmem>> -> memref<1x64xi32, #tpu.memory_space<vmem>>
      %dma_start3A_230 = tpu.memref_squeeze %dma_start3A_229 : memref<1x64xi32, #tpu.memory_space<vmem>> -> memref<64xi32, #tpu.memory_space<vmem>>
      %dma_start3A_231 = arith.constant 0 : i32
      %dma_start3A_232 = arith.constant 0 : i32
      %dma_start3A_233 = tpu.memref_slice %arg2[%dma_start3A_231, %dma_start3A_232] : memref<20000x128xf32, #tpu.memory_space<hbm>> -> memref<20000x128xf32, #tpu.memory_space<hbm>>
      tpu.enqueue_indirect_dma source(%dma_start3A_233 : memref<20000x128xf32, #tpu.memory_space<hbm>>) target(%dma_start3A_227 : memref<64x128xf32, #tpu.memory_space<vmem>>) offsets(%dma_start3A_230 : memref<64xi32, #tpu.memory_space<vmem>>) semaphore(%arg13 : memref<!tpu.dma_semaphore, #tpu.memory_space<semaphore_mem>>)
      %dma_start3A_234 = arith.constant 5 : i32
      %dma_start3A_235 = arith.constant 64 : i32
      %dma_start3A_236 = arith.constant 0 : i32
      %dma_start3A_237 = tpu.memref_slice %arg11[%dma_start3A_235, %dma_start3A_236] : memref<128x128xf32, #tpu.memory_space<vmem>> -> memref<64x128xf32, #tpu.memory_space<vmem>>
      %dma_start3A_238 = arith.constant 64 : i32
      %dma_start3A_239 = tpu.memref_slice %arg8[%dma_start3A_234, %dma_start3A_238] : memref<8x128xi32, #tpu.memory_space<vmem>> -> memref<1x64xi32, #tpu.memory_space<vmem>>
      %dma_start3A_240 = tpu.memref_squeeze %dma_start3A_239 : memref<1x64xi32, #tpu.memory_space<vmem>> -> memref<64xi32, #tpu.memory_space<vmem>>
      %dma_start3A_241 = arith.constant 0 : i32
      %dma_start3A_242 = arith.constant 0 : i32
      %dma_start3A_243 = tpu.memref_slice %arg2[%dma_start3A_241, %dma_start3A_242] : memref<20000x128xf32, #tpu.memory_space<hbm>> -> memref<20000x128xf32, #tpu.memory_space<hbm>>
      tpu.enqueue_indirect_dma source(%dma_start3A_243 : memref<20000x128xf32, #tpu.memory_space<hbm>>) target(%dma_start3A_237 : memref<64x128xf32, #tpu.memory_space<vmem>>) offsets(%dma_start3A_240 : memref<64xi32, #tpu.memory_space<vmem>>) semaphore(%arg13 : memref<!tpu.dma_semaphore, #tpu.memory_space<semaphore_mem>>)
      %run_scoped3A_244 = arith.constant 4 : i32
      "tpu.region"() ({
        %run_scoped3A_349 = tpu.sem_alloc : memref<!tpu.dma_semaphore, #tpu.memory_space<semaphore_mem>>
        %dma_start3A_350 = arith.constant 0 : i32
        %dma_start3A_351 = tpu.memref_slice %arg9[%run_scoped3A_244, %dma_start3A_350] : memref<8x128xi32, #tpu.memory_space<vmem>> -> memref<1x128xi32, #tpu.memory_space<vmem>>
        %dma_start3A_352 = tpu.memref_squeeze %dma_start3A_351 : memref<1x128xi32, #tpu.memory_space<vmem>> -> memref<128xi32, #tpu.memory_space<vmem>>
        %dma_start3A_353 = arith.constant 0 : i32
        %dma_start3A_354 = arith.constant 0 : i32
        %dma_start3A_355 = tpu.memref_slice %arg7[%dma_start3A_353, %dma_start3A_354] : memref<10112x128xf32, #tpu.memory_space<vmem_shared>> -> memref<10112x128xf32, #tpu.memory_space<vmem_shared>>
        tpu.enqueue_indirect_dma source(%arg10 : memref<128x128xf32, #tpu.memory_space<vmem>>) target(%dma_start3A_355 : memref<10112x128xf32, #tpu.memory_space<vmem_shared>>) offsets(%dma_start3A_352 : memref<128xi32, #tpu.memory_space<vmem>>) semaphore(%run_scoped3A_349 : memref<!tpu.dma_semaphore, #tpu.memory_space<semaphore_mem>>) {add = true}
        %dma_wait3A_356 = arith.constant 0 : i32
        %dma_wait3A_357 = tpu.memref_slice %arg9[%run_scoped3A_244, %dma_wait3A_356] : memref<8x128xi32, #tpu.memory_space<vmem>> -> memref<1x128xi32, #tpu.memory_space<vmem>>
        %dma_wait3A_358 = tpu.memref_squeeze %dma_wait3A_357 : memref<1x128xi32, #tpu.memory_space<vmem>> -> memref<128xi32, #tpu.memory_space<vmem>>
        %dma_wait3A_359 = arith.constant 0 : i32
        %dma_wait3A_360 = arith.constant 0 : i32
        %dma_wait3A_361 = tpu.memref_slice %arg7[%dma_wait3A_359, %dma_wait3A_360] : memref<10112x128xf32, #tpu.memory_space<vmem_shared>> -> memref<10112x128xf32, #tpu.memory_space<vmem_shared>>
        tpu.wait_indirect_dma semaphore(%run_scoped3A_349 : memref<!tpu.dma_semaphore, #tpu.memory_space<semaphore_mem>>) src(%arg10 : memref<128x128xf32, #tpu.memory_space<vmem>>) dst(%dma_wait3A_361 : memref<10112x128xf32, #tpu.memory_space<vmem_shared>>)
        tpu.yield
      }) : () -> ()
      %dma_wait3A_245 = arith.constant 5 : i32
      %dma_wait3A_246 = arith.constant 0 : i32
      %dma_wait3A_247 = arith.constant 0 : i32
      %dma_wait3A_248 = tpu.memref_slice %arg11[%dma_wait3A_246, %dma_wait3A_247] : memref<128x128xf32, #tpu.memory_space<vmem>> -> memref<64x128xf32, #tpu.memory_space<vmem>>
      %dma_wait3A_249 = arith.constant 0 : i32
      %dma_wait3A_250 = tpu.memref_slice %arg8[%dma_wait3A_245, %dma_wait3A_249] : memref<8x128xi32, #tpu.memory_space<vmem>> -> memref<1x64xi32, #tpu.memory_space<vmem>>
      %dma_wait3A_251 = tpu.memref_squeeze %dma_wait3A_250 : memref<1x64xi32, #tpu.memory_space<vmem>> -> memref<64xi32, #tpu.memory_space<vmem>>
      %dma_wait3A_252 = arith.constant 0 : i32
      %dma_wait3A_253 = arith.constant 0 : i32
      %dma_wait3A_254 = tpu.memref_slice %arg2[%dma_wait3A_252, %dma_wait3A_253] : memref<20000x128xf32, #tpu.memory_space<hbm>> -> memref<20000x128xf32, #tpu.memory_space<hbm>>
      tpu.wait_indirect_dma semaphore(%arg13 : memref<!tpu.dma_semaphore, #tpu.memory_space<semaphore_mem>>) src(%dma_wait3A_254 : memref<20000x128xf32, #tpu.memory_space<hbm>>) dst(%dma_wait3A_248 : memref<64x128xf32, #tpu.memory_space<vmem>>)
      %dma_wait3A_255 = arith.constant 5 : i32
      %dma_wait3A_256 = arith.constant 64 : i32
      %dma_wait3A_257 = arith.constant 0 : i32
      %dma_wait3A_258 = tpu.memref_slice %arg11[%dma_wait3A_256, %dma_wait3A_257] : memref<128x128xf32, #tpu.memory_space<vmem>> -> memref<64x128xf32, #tpu.memory_space<vmem>>
      %dma_wait3A_259 = arith.constant 64 : i32
      %dma_wait3A_260 = tpu.memref_slice %arg8[%dma_wait3A_255, %dma_wait3A_259] : memref<8x128xi32, #tpu.memory_space<vmem>> -> memref<1x64xi32, #tpu.memory_space<vmem>>
      %dma_wait3A_261 = tpu.memref_squeeze %dma_wait3A_260 : memref<1x64xi32, #tpu.memory_space<vmem>> -> memref<64xi32, #tpu.memory_space<vmem>>
      %dma_wait3A_262 = arith.constant 0 : i32
      %dma_wait3A_263 = arith.constant 0 : i32
      %dma_wait3A_264 = tpu.memref_slice %arg2[%dma_wait3A_262, %dma_wait3A_263] : memref<20000x128xf32, #tpu.memory_space<hbm>> -> memref<20000x128xf32, #tpu.memory_space<hbm>>
      tpu.wait_indirect_dma semaphore(%arg13 : memref<!tpu.dma_semaphore, #tpu.memory_space<semaphore_mem>>) src(%dma_wait3A_264 : memref<20000x128xf32, #tpu.memory_space<hbm>>) dst(%dma_wait3A_258 : memref<64x128xf32, #tpu.memory_space<vmem>>)
      %dma_start3A_265 = arith.constant 6 : i32
      %dma_start3A_266 = arith.constant 0 : i32
      %dma_start3A_267 = arith.constant 0 : i32
      %dma_start3A_268 = tpu.memref_slice %arg10[%dma_start3A_266, %dma_start3A_267] : memref<128x128xf32, #tpu.memory_space<vmem>> -> memref<64x128xf32, #tpu.memory_space<vmem>>
      %dma_start3A_269 = arith.constant 0 : i32
      %dma_start3A_270 = tpu.memref_slice %arg8[%dma_start3A_265, %dma_start3A_269] : memref<8x128xi32, #tpu.memory_space<vmem>> -> memref<1x64xi32, #tpu.memory_space<vmem>>
      %dma_start3A_271 = tpu.memref_squeeze %dma_start3A_270 : memref<1x64xi32, #tpu.memory_space<vmem>> -> memref<64xi32, #tpu.memory_space<vmem>>
      %dma_start3A_272 = arith.constant 0 : i32
      %dma_start3A_273 = arith.constant 0 : i32
      %dma_start3A_274 = tpu.memref_slice %arg2[%dma_start3A_272, %dma_start3A_273] : memref<20000x128xf32, #tpu.memory_space<hbm>> -> memref<20000x128xf32, #tpu.memory_space<hbm>>
      tpu.enqueue_indirect_dma source(%dma_start3A_274 : memref<20000x128xf32, #tpu.memory_space<hbm>>) target(%dma_start3A_268 : memref<64x128xf32, #tpu.memory_space<vmem>>) offsets(%dma_start3A_271 : memref<64xi32, #tpu.memory_space<vmem>>) semaphore(%arg12 : memref<!tpu.dma_semaphore, #tpu.memory_space<semaphore_mem>>)
      %dma_start3A_275 = arith.constant 6 : i32
      %dma_start3A_276 = arith.constant 64 : i32
      %dma_start3A_277 = arith.constant 0 : i32
      %dma_start3A_278 = tpu.memref_slice %arg10[%dma_start3A_276, %dma_start3A_277] : memref<128x128xf32, #tpu.memory_space<vmem>> -> memref<64x128xf32, #tpu.memory_space<vmem>>
      %dma_start3A_279 = arith.constant 64 : i32
      %dma_start3A_280 = tpu.memref_slice %arg8[%dma_start3A_275, %dma_start3A_279] : memref<8x128xi32, #tpu.memory_space<vmem>> -> memref<1x64xi32, #tpu.memory_space<vmem>>
      %dma_start3A_281 = tpu.memref_squeeze %dma_start3A_280 : memref<1x64xi32, #tpu.memory_space<vmem>> -> memref<64xi32, #tpu.memory_space<vmem>>
      %dma_start3A_282 = arith.constant 0 : i32
      %dma_start3A_283 = arith.constant 0 : i32
      %dma_start3A_284 = tpu.memref_slice %arg2[%dma_start3A_282, %dma_start3A_283] : memref<20000x128xf32, #tpu.memory_space<hbm>> -> memref<20000x128xf32, #tpu.memory_space<hbm>>
      tpu.enqueue_indirect_dma source(%dma_start3A_284 : memref<20000x128xf32, #tpu.memory_space<hbm>>) target(%dma_start3A_278 : memref<64x128xf32, #tpu.memory_space<vmem>>) offsets(%dma_start3A_281 : memref<64xi32, #tpu.memory_space<vmem>>) semaphore(%arg12 : memref<!tpu.dma_semaphore, #tpu.memory_space<semaphore_mem>>)
      %run_scoped3A_285 = arith.constant 5 : i32
      "tpu.region"() ({
        %run_scoped3A_349 = tpu.sem_alloc : memref<!tpu.dma_semaphore, #tpu.memory_space<semaphore_mem>>
        %dma_start3A_350 = arith.constant 0 : i32
        %dma_start3A_351 = tpu.memref_slice %arg9[%run_scoped3A_285, %dma_start3A_350] : memref<8x128xi32, #tpu.memory_space<vmem>> -> memref<1x128xi32, #tpu.memory_space<vmem>>
        %dma_start3A_352 = tpu.memref_squeeze %dma_start3A_351 : memref<1x128xi32, #tpu.memory_space<vmem>> -> memref<128xi32, #tpu.memory_space<vmem>>
        %dma_start3A_353 = arith.constant 0 : i32
        %dma_start3A_354 = arith.constant 0 : i32
        %dma_start3A_355 = tpu.memref_slice %arg7[%dma_start3A_353, %dma_start3A_354] : memref<10112x128xf32, #tpu.memory_space<vmem_shared>> -> memref<10112x128xf32, #tpu.memory_space<vmem_shared>>
        tpu.enqueue_indirect_dma source(%arg11 : memref<128x128xf32, #tpu.memory_space<vmem>>) target(%dma_start3A_355 : memref<10112x128xf32, #tpu.memory_space<vmem_shared>>) offsets(%dma_start3A_352 : memref<128xi32, #tpu.memory_space<vmem>>) semaphore(%run_scoped3A_349 : memref<!tpu.dma_semaphore, #tpu.memory_space<semaphore_mem>>) {add = true}
        %dma_wait3A_356 = arith.constant 0 : i32
        %dma_wait3A_357 = tpu.memref_slice %arg9[%run_scoped3A_285, %dma_wait3A_356] : memref<8x128xi32, #tpu.memory_space<vmem>> -> memref<1x128xi32, #tpu.memory_space<vmem>>
        %dma_wait3A_358 = tpu.memref_squeeze %dma_wait3A_357 : memref<1x128xi32, #tpu.memory_space<vmem>> -> memref<128xi32, #tpu.memory_space<vmem>>
        %dma_wait3A_359 = arith.constant 0 : i32
        %dma_wait3A_360 = arith.constant 0 : i32
        %dma_wait3A_361 = tpu.memref_slice %arg7[%dma_wait3A_359, %dma_wait3A_360] : memref<10112x128xf32, #tpu.memory_space<vmem_shared>> -> memref<10112x128xf32, #tpu.memory_space<vmem_shared>>
        tpu.wait_indirect_dma semaphore(%run_scoped3A_349 : memref<!tpu.dma_semaphore, #tpu.memory_space<semaphore_mem>>) src(%arg11 : memref<128x128xf32, #tpu.memory_space<vmem>>) dst(%dma_wait3A_361 : memref<10112x128xf32, #tpu.memory_space<vmem_shared>>)
        tpu.yield
      }) : () -> ()
      %dma_wait3A_286 = arith.constant 6 : i32
      %dma_wait3A_287 = arith.constant 0 : i32
      %dma_wait3A_288 = arith.constant 0 : i32
      %dma_wait3A_289 = tpu.memref_slice %arg10[%dma_wait3A_287, %dma_wait3A_288] : memref<128x128xf32, #tpu.memory_space<vmem>> -> memref<64x128xf32, #tpu.memory_space<vmem>>
      %dma_wait3A_290 = arith.constant 0 : i32
      %dma_wait3A_291 = tpu.memref_slice %arg8[%dma_wait3A_286, %dma_wait3A_290] : memref<8x128xi32, #tpu.memory_space<vmem>> -> memref<1x64xi32, #tpu.memory_space<vmem>>
      %dma_wait3A_292 = tpu.memref_squeeze %dma_wait3A_291 : memref<1x64xi32, #tpu.memory_space<vmem>> -> memref<64xi32, #tpu.memory_space<vmem>>
      %dma_wait3A_293 = arith.constant 0 : i32
      %dma_wait3A_294 = arith.constant 0 : i32
      %dma_wait3A_295 = tpu.memref_slice %arg2[%dma_wait3A_293, %dma_wait3A_294] : memref<20000x128xf32, #tpu.memory_space<hbm>> -> memref<20000x128xf32, #tpu.memory_space<hbm>>
      tpu.wait_indirect_dma semaphore(%arg12 : memref<!tpu.dma_semaphore, #tpu.memory_space<semaphore_mem>>) src(%dma_wait3A_295 : memref<20000x128xf32, #tpu.memory_space<hbm>>) dst(%dma_wait3A_289 : memref<64x128xf32, #tpu.memory_space<vmem>>)
      %dma_wait3A_296 = arith.constant 6 : i32
      %dma_wait3A_297 = arith.constant 64 : i32
      %dma_wait3A_298 = arith.constant 0 : i32
      %dma_wait3A_299 = tpu.memref_slice %arg10[%dma_wait3A_297, %dma_wait3A_298] : memref<128x128xf32, #tpu.memory_space<vmem>> -> memref<64x128xf32, #tpu.memory_space<vmem>>
      %dma_wait3A_300 = arith.constant 64 : i32
      %dma_wait3A_301 = tpu.memref_slice %arg8[%dma_wait3A_296, %dma_wait3A_300] : memref<8x128xi32, #tpu.memory_space<vmem>> -> memref<1x64xi32, #tpu.memory_space<vmem>>
      %dma_wait3A_302 = tpu.memref_squeeze %dma_wait3A_301 : memref<1x64xi32, #tpu.memory_space<vmem>> -> memref<64xi32, #tpu.memory_space<vmem>>
      %dma_wait3A_303 = arith.constant 0 : i32
      %dma_wait3A_304 = arith.constant 0 : i32
      %dma_wait3A_305 = tpu.memref_slice %arg2[%dma_wait3A_303, %dma_wait3A_304] : memref<20000x128xf32, #tpu.memory_space<hbm>> -> memref<20000x128xf32, #tpu.memory_space<hbm>>
      tpu.wait_indirect_dma semaphore(%arg12 : memref<!tpu.dma_semaphore, #tpu.memory_space<semaphore_mem>>) src(%dma_wait3A_305 : memref<20000x128xf32, #tpu.memory_space<hbm>>) dst(%dma_wait3A_299 : memref<64x128xf32, #tpu.memory_space<vmem>>)
      %dma_start3A_306 = arith.constant 7 : i32
      %dma_start3A_307 = arith.constant 0 : i32
      %dma_start3A_308 = arith.constant 0 : i32
      %dma_start3A_309 = tpu.memref_slice %arg11[%dma_start3A_307, %dma_start3A_308] : memref<128x128xf32, #tpu.memory_space<vmem>> -> memref<64x128xf32, #tpu.memory_space<vmem>>
      %dma_start3A_310 = arith.constant 0 : i32
      %dma_start3A_311 = tpu.memref_slice %arg8[%dma_start3A_306, %dma_start3A_310] : memref<8x128xi32, #tpu.memory_space<vmem>> -> memref<1x64xi32, #tpu.memory_space<vmem>>
      %dma_start3A_312 = tpu.memref_squeeze %dma_start3A_311 : memref<1x64xi32, #tpu.memory_space<vmem>> -> memref<64xi32, #tpu.memory_space<vmem>>
      %dma_start3A_313 = arith.constant 0 : i32
      %dma_start3A_314 = arith.constant 0 : i32
      %dma_start3A_315 = tpu.memref_slice %arg2[%dma_start3A_313, %dma_start3A_314] : memref<20000x128xf32, #tpu.memory_space<hbm>> -> memref<20000x128xf32, #tpu.memory_space<hbm>>
      tpu.enqueue_indirect_dma source(%dma_start3A_315 : memref<20000x128xf32, #tpu.memory_space<hbm>>) target(%dma_start3A_309 : memref<64x128xf32, #tpu.memory_space<vmem>>) offsets(%dma_start3A_312 : memref<64xi32, #tpu.memory_space<vmem>>) semaphore(%arg13 : memref<!tpu.dma_semaphore, #tpu.memory_space<semaphore_mem>>)
      %dma_start3A_316 = arith.constant 7 : i32
      %dma_start3A_317 = arith.constant 64 : i32
      %dma_start3A_318 = arith.constant 0 : i32
      %dma_start3A_319 = tpu.memref_slice %arg11[%dma_start3A_317, %dma_start3A_318] : memref<128x128xf32, #tpu.memory_space<vmem>> -> memref<64x128xf32, #tpu.memory_space<vmem>>
      %dma_start3A_320 = arith.constant 64 : i32
      %dma_start3A_321 = tpu.memref_slice %arg8[%dma_start3A_316, %dma_start3A_320] : memref<8x128xi32, #tpu.memory_space<vmem>> -> memref<1x64xi32, #tpu.memory_space<vmem>>
      %dma_start3A_322 = tpu.memref_squeeze %dma_start3A_321 : memref<1x64xi32, #tpu.memory_space<vmem>> -> memref<64xi32, #tpu.memory_space<vmem>>
      %dma_start3A_323 = arith.constant 0 : i32
      %dma_start3A_324 = arith.constant 0 : i32
      %dma_start3A_325 = tpu.memref_slice %arg2[%dma_start3A_323, %dma_start3A_324] : memref<20000x128xf32, #tpu.memory_space<hbm>> -> memref<20000x128xf32, #tpu.memory_space<hbm>>
      tpu.enqueue_indirect_dma source(%dma_start3A_325 : memref<20000x128xf32, #tpu.memory_space<hbm>>) target(%dma_start3A_319 : memref<64x128xf32, #tpu.memory_space<vmem>>) offsets(%dma_start3A_322 : memref<64xi32, #tpu.memory_space<vmem>>) semaphore(%arg13 : memref<!tpu.dma_semaphore, #tpu.memory_space<semaphore_mem>>)
      %run_scoped3A_326 = arith.constant 6 : i32
      "tpu.region"() ({
        %run_scoped3A_349 = tpu.sem_alloc : memref<!tpu.dma_semaphore, #tpu.memory_space<semaphore_mem>>
        %dma_start3A_350 = arith.constant 0 : i32
        %dma_start3A_351 = tpu.memref_slice %arg9[%run_scoped3A_326, %dma_start3A_350] : memref<8x128xi32, #tpu.memory_space<vmem>> -> memref<1x128xi32, #tpu.memory_space<vmem>>
        %dma_start3A_352 = tpu.memref_squeeze %dma_start3A_351 : memref<1x128xi32, #tpu.memory_space<vmem>> -> memref<128xi32, #tpu.memory_space<vmem>>
        %dma_start3A_353 = arith.constant 0 : i32
        %dma_start3A_354 = arith.constant 0 : i32
        %dma_start3A_355 = tpu.memref_slice %arg7[%dma_start3A_353, %dma_start3A_354] : memref<10112x128xf32, #tpu.memory_space<vmem_shared>> -> memref<10112x128xf32, #tpu.memory_space<vmem_shared>>
        tpu.enqueue_indirect_dma source(%arg10 : memref<128x128xf32, #tpu.memory_space<vmem>>) target(%dma_start3A_355 : memref<10112x128xf32, #tpu.memory_space<vmem_shared>>) offsets(%dma_start3A_352 : memref<128xi32, #tpu.memory_space<vmem>>) semaphore(%run_scoped3A_349 : memref<!tpu.dma_semaphore, #tpu.memory_space<semaphore_mem>>) {add = true}
        %dma_wait3A_356 = arith.constant 0 : i32
        %dma_wait3A_357 = tpu.memref_slice %arg9[%run_scoped3A_326, %dma_wait3A_356] : memref<8x128xi32, #tpu.memory_space<vmem>> -> memref<1x128xi32, #tpu.memory_space<vmem>>
        %dma_wait3A_358 = tpu.memref_squeeze %dma_wait3A_357 : memref<1x128xi32, #tpu.memory_space<vmem>> -> memref<128xi32, #tpu.memory_space<vmem>>
        %dma_wait3A_359 = arith.constant 0 : i32
        %dma_wait3A_360 = arith.constant 0 : i32
        %dma_wait3A_361 = tpu.memref_slice %arg7[%dma_wait3A_359, %dma_wait3A_360] : memref<10112x128xf32, #tpu.memory_space<vmem_shared>> -> memref<10112x128xf32, #tpu.memory_space<vmem_shared>>
        tpu.wait_indirect_dma semaphore(%run_scoped3A_349 : memref<!tpu.dma_semaphore, #tpu.memory_space<semaphore_mem>>) src(%arg10 : memref<128x128xf32, #tpu.memory_space<vmem>>) dst(%dma_wait3A_361 : memref<10112x128xf32, #tpu.memory_space<vmem_shared>>)
        tpu.yield
      }) : () -> ()
      %dma_wait3A_327 = arith.constant 7 : i32
      %dma_wait3A_328 = arith.constant 0 : i32
      %dma_wait3A_329 = arith.constant 0 : i32
      %dma_wait3A_330 = tpu.memref_slice %arg11[%dma_wait3A_328, %dma_wait3A_329] : memref<128x128xf32, #tpu.memory_space<vmem>> -> memref<64x128xf32, #tpu.memory_space<vmem>>
      %dma_wait3A_331 = arith.constant 0 : i32
      %dma_wait3A_332 = tpu.memref_slice %arg8[%dma_wait3A_327, %dma_wait3A_331] : memref<8x128xi32, #tpu.memory_space<vmem>> -> memref<1x64xi32, #tpu.memory_space<vmem>>
      %dma_wait3A_333 = tpu.memref_squeeze %dma_wait3A_332 : memref<1x64xi32, #tpu.memory_space<vmem>> -> memref<64xi32, #tpu.memory_space<vmem>>
      %dma_wait3A_334 = arith.constant 0 : i32
      %dma_wait3A_335 = arith.constant 0 : i32
      %dma_wait3A_336 = tpu.memref_slice %arg2[%dma_wait3A_334, %dma_wait3A_335] : memref<20000x128xf32, #tpu.memory_space<hbm>> -> memref<20000x128xf32, #tpu.memory_space<hbm>>
      tpu.wait_indirect_dma semaphore(%arg13 : memref<!tpu.dma_semaphore, #tpu.memory_space<semaphore_mem>>) src(%dma_wait3A_336 : memref<20000x128xf32, #tpu.memory_space<hbm>>) dst(%dma_wait3A_330 : memref<64x128xf32, #tpu.memory_space<vmem>>)
      %dma_wait3A_337 = arith.constant 7 : i32
      %dma_wait3A_338 = arith.constant 64 : i32
      %dma_wait3A_339 = arith.constant 0 : i32
      %dma_wait3A_340 = tpu.memref_slice %arg11[%dma_wait3A_338, %dma_wait3A_339] : memref<128x128xf32, #tpu.memory_space<vmem>> -> memref<64x128xf32, #tpu.memory_space<vmem>>
      %dma_wait3A_341 = arith.constant 64 : i32
      %dma_wait3A_342 = tpu.memref_slice %arg8[%dma_wait3A_337, %dma_wait3A_341] : memref<8x128xi32, #tpu.memory_space<vmem>> -> memref<1x64xi32, #tpu.memory_space<vmem>>
      %dma_wait3A_343 = tpu.memref_squeeze %dma_wait3A_342 : memref<1x64xi32, #tpu.memory_space<vmem>> -> memref<64xi32, #tpu.memory_space<vmem>>
      %dma_wait3A_344 = arith.constant 0 : i32
      %dma_wait3A_345 = arith.constant 0 : i32
      %dma_wait3A_346 = tpu.memref_slice %arg2[%dma_wait3A_344, %dma_wait3A_345] : memref<20000x128xf32, #tpu.memory_space<hbm>> -> memref<20000x128xf32, #tpu.memory_space<hbm>>
      tpu.wait_indirect_dma semaphore(%arg13 : memref<!tpu.dma_semaphore, #tpu.memory_space<semaphore_mem>>) src(%dma_wait3A_346 : memref<20000x128xf32, #tpu.memory_space<hbm>>) dst(%dma_wait3A_340 : memref<64x128xf32, #tpu.memory_space<vmem>>)
      %run_scoped3A_347 = arith.constant 7 : i32
      "tpu.region"() ({
        %run_scoped3A_349 = tpu.sem_alloc : memref<!tpu.dma_semaphore, #tpu.memory_space<semaphore_mem>>
        %dma_start3A_350 = arith.constant 0 : i32
        %dma_start3A_351 = tpu.memref_slice %arg9[%run_scoped3A_347, %dma_start3A_350] : memref<8x128xi32, #tpu.memory_space<vmem>> -> memref<1x128xi32, #tpu.memory_space<vmem>>
        %dma_start3A_352 = tpu.memref_squeeze %dma_start3A_351 : memref<1x128xi32, #tpu.memory_space<vmem>> -> memref<128xi32, #tpu.memory_space<vmem>>
        %dma_start3A_353 = arith.constant 0 : i32
        %dma_start3A_354 = arith.constant 0 : i32
        %dma_start3A_355 = tpu.memref_slice %arg7[%dma_start3A_353, %dma_start3A_354] : memref<10112x128xf32, #tpu.memory_space<vmem_shared>> -> memref<10112x128xf32, #tpu.memory_space<vmem_shared>>
        tpu.enqueue_indirect_dma source(%arg11 : memref<128x128xf32, #tpu.memory_space<vmem>>) target(%dma_start3A_355 : memref<10112x128xf32, #tpu.memory_space<vmem_shared>>) offsets(%dma_start3A_352 : memref<128xi32, #tpu.memory_space<vmem>>) semaphore(%run_scoped3A_349 : memref<!tpu.dma_semaphore, #tpu.memory_space<semaphore_mem>>) {add = true}
        %dma_wait3A_356 = arith.constant 0 : i32
        %dma_wait3A_357 = tpu.memref_slice %arg9[%run_scoped3A_347, %dma_wait3A_356] : memref<8x128xi32, #tpu.memory_space<vmem>> -> memref<1x128xi32, #tpu.memory_space<vmem>>
        %dma_wait3A_358 = tpu.memref_squeeze %dma_wait3A_357 : memref<1x128xi32, #tpu.memory_space<vmem>> -> memref<128xi32, #tpu.memory_space<vmem>>
        %dma_wait3A_359 = arith.constant 0 : i32
        %dma_wait3A_360 = arith.constant 0 : i32
        %dma_wait3A_361 = tpu.memref_slice %arg7[%dma_wait3A_359, %dma_wait3A_360] : memref<10112x128xf32, #tpu.memory_space<vmem_shared>> -> memref<10112x128xf32, #tpu.memory_space<vmem_shared>>
        tpu.wait_indirect_dma semaphore(%run_scoped3A_349 : memref<!tpu.dma_semaphore, #tpu.memory_space<semaphore_mem>>) src(%arg11 : memref<128x128xf32, #tpu.memory_space<vmem>>) dst(%dma_wait3A_361 : memref<10112x128xf32, #tpu.memory_space<vmem_shared>>)
        tpu.yield
      }) : () -> ()
      %scan3A_348 = arith.constant 0 : i32
      scf.yield %scan3A_348 : i32
    }
    %scan3A_8 = arith.constant 10 : i32
    %barrier3A_9 = arith.constant 0 : index
    tpu.barrier barrier_id(%barrier3A_9)
    %mul3A_10 = arith.constant 624 : i32
    %mul3A_11 = arith.muli %arg1, %mul3A_10 : i32
    %mul3A_12 = arith.constant 624 : i32
    %mul3A_13 = arith.muli %arg1, %mul3A_12 : i32
    "tpu.region"() ({
      %run_scoped3A = tpu.sem_alloc : memref<!tpu.dma_semaphore, #tpu.memory_space<semaphore_mem>>
      %dma_start3A = arith.constant 0 : i32
      %dma_start3A_16 = tpu.memref_slice %arg6[%arg0, %mul3A_13, %dma_start3A] : memref<2x10000x128xf32, #tpu.memory_space<hbm>> -> memref<1x624x128xf32, #tpu.memory_space<hbm>>
      %dma_start3A_17 = tpu.memref_squeeze %dma_start3A_16 : memref<1x624x128xf32, #tpu.memory_space<hbm>> -> memref<624x128xf32, #tpu.memory_space<hbm>>
      %dma_start3A_18 = arith.constant 0 : i32
      %dma_start3A_19 = tpu.memref_slice %arg7[%mul3A_11, %dma_start3A_18] : memref<10112x128xf32, #tpu.memory_space<vmem_shared>> -> memref<624x128xf32, #tpu.memory_space<vmem_shared>>
      tpu.enqueue_dma source(%dma_start3A_19 : memref<624x128xf32, #tpu.memory_space<vmem_shared>>) target(%dma_start3A_17 : memref<624x128xf32, #tpu.memory_space<hbm>>) target_semaphore(%run_scoped3A : memref<!tpu.dma_semaphore, #tpu.memory_space<semaphore_mem>>)
      %dma_wait3A = arith.constant 0 : i32
      %dma_wait3A_20 = tpu.memref_slice %arg6[%arg0, %mul3A_13, %dma_wait3A] : memref<2x10000x128xf32, #tpu.memory_space<hbm>> -> memref<1x624x128xf32, #tpu.memory_space<hbm>>
      %dma_wait3A_21 = tpu.memref_squeeze %dma_wait3A_20 : memref<1x624x128xf32, #tpu.memory_space<hbm>> -> memref<624x128xf32, #tpu.memory_space<hbm>>
      %dma_wait3A_22 = arith.constant 0 : i32
      %dma_wait3A_23 = tpu.memref_slice %arg7[%mul3A_11, %dma_wait3A_22] : memref<10112x128xf32, #tpu.memory_space<vmem_shared>> -> memref<624x128xf32, #tpu.memory_space<vmem_shared>>
      tpu.wait_dma2 semaphore(%run_scoped3A : memref<!tpu.dma_semaphore, #tpu.memory_space<semaphore_mem>>) src(%dma_wait3A_23 : memref<624x128xf32, #tpu.memory_space<vmem_shared>>) dst(%dma_wait3A_21 : memref<624x128xf32, #tpu.memory_space<hbm>>)
      tpu.yield
    }) : () -> ()
    %eq3A = arith.constant 15 : i32
    %eq3A_14 = arith.cmpi eq, %arg1, %eq3A : i32
    %convert_element_type3A = arith.extui %eq3A_14 : i1 to i32
    %cond3A = arith.constant 0 : i32
    %cond3A_15 = arith.cmpi ne, %convert_element_type3A, %cond3A : i32
    scf.if %cond3A_15 {
      "tpu.region"() ({
        %run_scoped3A = tpu.sem_alloc : memref<!tpu.dma_semaphore, #tpu.memory_space<semaphore_mem>>
        %dma_start3A = arith.constant 9984 : i32
        %dma_start3A_16 = arith.constant 0 : i32
        %dma_start3A_17 = tpu.memref_slice %arg6[%arg0, %dma_start3A, %dma_start3A_16] : memref<2x10000x128xf32, #tpu.memory_space<hbm>> -> memref<1x16x128xf32, #tpu.memory_space<hbm>>
        %dma_start3A_18 = tpu.memref_squeeze %dma_start3A_17 : memref<1x16x128xf32, #tpu.memory_space<hbm>> -> memref<16x128xf32, #tpu.memory_space<hbm>>
        %dma_start3A_19 = arith.constant 9984 : i32
        %dma_start3A_20 = arith.constant 0 : i32
        %dma_start3A_21 = tpu.memref_slice %arg7[%dma_start3A_19, %dma_start3A_20] : memref<10112x128xf32, #tpu.memory_space<vmem_shared>> -> memref<16x128xf32, #tpu.memory_space<vmem_shared>>
        tpu.enqueue_dma source(%dma_start3A_21 : memref<16x128xf32, #tpu.memory_space<vmem_shared>>) target(%dma_start3A_18 : memref<16x128xf32, #tpu.memory_space<hbm>>) target_semaphore(%run_scoped3A : memref<!tpu.dma_semaphore, #tpu.memory_space<semaphore_mem>>)
        %dma_wait3A = arith.constant 9984 : i32
        %dma_wait3A_22 = arith.constant 0 : i32
        %dma_wait3A_23 = tpu.memref_slice %arg6[%arg0, %dma_wait3A, %dma_wait3A_22] : memref<2x10000x128xf32, #tpu.memory_space<hbm>> -> memref<1x16x128xf32, #tpu.memory_space<hbm>>
        %dma_wait3A_24 = tpu.memref_squeeze %dma_wait3A_23 : memref<1x16x128xf32, #tpu.memory_space<hbm>> -> memref<16x128xf32, #tpu.memory_space<hbm>>
        %dma_wait3A_25 = arith.constant 9984 : i32
        %dma_wait3A_26 = arith.constant 0 : i32
        %dma_wait3A_27 = tpu.memref_slice %arg7[%dma_wait3A_25, %dma_wait3A_26] : memref<10112x128xf32, #tpu.memory_space<vmem_shared>> -> memref<16x128xf32, #tpu.memory_space<vmem_shared>>
        tpu.wait_dma2 semaphore(%run_scoped3A : memref<!tpu.dma_semaphore, #tpu.memory_space<semaphore_mem>>) src(%dma_wait3A_27 : memref<16x128xf32, #tpu.memory_space<vmem_shared>>) dst(%dma_wait3A_24 : memref<16x128xf32, #tpu.memory_space<hbm>>)
        tpu.yield
      }) : () -> ()
    } else {
    }
    return
  }
}

#map = affine_map<(d0, d1) -> (0, 0)>
#map1 = affine_map<(d0, d1) -> (0, 0, 0)>
module attributes {stable_mosaic.version = 14 : i64} {
  func.func @body(%arg0: i32, %arg1: i32, %arg2: memref<327680x128xf32, #tpu.memory_space<hbm>>, %arg3: memref<2x2560x128xi32, #tpu.memory_space<hbm>>, %arg4: memref<2560x128xi32, #tpu.memory_space<hbm>>, %arg5: memref<632x128xf32, #tpu.memory_space<hbm>>, %arg6: memref<2x10000x128xf32, #tpu.memory_space<hbm>>, %arg7: memref<10112x128xf32, #tpu.memory_space<vmem_shared>>, %arg8: memref<8x128xi32, #tpu.memory_space<vmem>>, %arg9: memref<8x128xi32, #tpu.memory_space<vmem>>, %arg10: memref<128x128xf32, #tpu.memory_space<vmem>>, %arg11: memref<128x128xf32, #tpu.memory_space<vmem>>, %arg12: memref<!tpu.dma_semaphore, #tpu.memory_space<semaphore_mem>>, %arg13: memref<!tpu.dma_semaphore, #tpu.memory_space<semaphore_mem>>) attributes {dimension_semantics = [#tpu.dimension_semantics<core_parallel>, #tpu.dimension_semantics<subcore_parallel>], iteration_bounds = array<i64: 2, 16>, scalar_prefetch = 0 : i64, scratch_operands = 7 : i64, tpu.core_type = #tpu.core_type<sc_vector_subcore>, window_params = [{transform_indices = #map}, {transform_indices = #map1}, {transform_indices = #map}, {transform_indices = #map}, {transform_indices = #map1}]} {
    %mul3A = arith.constant 16 : i32
    %mul3A_0 = arith.muli %arg0, %mul3A : i32
    %add3A = arith.addi %mul3A_0, %arg1 : i32
    %mul3A_1 = arith.constant 632 : i32
    %mul3A_2 = arith.muli %arg1, %mul3A_1 : i32
    "tpu.region"() ({
      %run_scoped3A = tpu.sem_alloc : memref<!tpu.dma_semaphore, #tpu.memory_space<semaphore_mem>>
      %dma_start3A = arith.constant 0 : i32
      %dma_start3A_16 = tpu.memref_slice %arg7[%mul3A_2, %dma_start3A] : memref<10112x128xf32, #tpu.memory_space<vmem_shared>> -> memref<632x128xf32, #tpu.memory_space<vmem_shared>>
      tpu.enqueue_dma source(%arg5 : memref<632x128xf32, #tpu.memory_space<hbm>>) target(%dma_start3A_16 : memref<632x128xf32, #tpu.memory_space<vmem_shared>>) target_semaphore(%run_scoped3A : memref<!tpu.dma_semaphore, #tpu.memory_space<semaphore_mem>>)
      %dma_wait3A = arith.constant 0 : i32
      %dma_wait3A_17 = tpu.memref_slice %arg7[%mul3A_2, %dma_wait3A] : memref<10112x128xf32, #tpu.memory_space<vmem_shared>> -> memref<632x128xf32, #tpu.memory_space<vmem_shared>>
      tpu.wait_dma2 semaphore(%run_scoped3A : memref<!tpu.dma_semaphore, #tpu.memory_space<semaphore_mem>>) src(%arg5 : memref<632x128xf32, #tpu.memory_space<hbm>>) dst(%dma_wait3A_17 : memref<632x128xf32, #tpu.memory_space<vmem_shared>>)
      tpu.yield
    }) : () -> ()
    %barrier3A = arith.constant 0 : index
    tpu.barrier barrier_id(%barrier3A)
    %scan3A = arith.constant 0 : i32
    %scan3A_3 = arith.constant 0 : i32
    %scan3A_4 = arith.constant 10 : i32
    %scan3A_5 = arith.addi %scan3A_3, %scan3A_4 : i32
    %scan3A_6 = arith.constant 1 : i32
    %scan3A_7 = scf.for %scan3A_16 = %scan3A_3 to %scan3A_5 step %scan3A_6 iter_args(%scan3A_17 = %scan3A) -> (i32)  : i32 {
      %mul3A_18 = arith.constant 80 : i32
      %mul3A_19 = arith.muli %add3A, %mul3A_18 : i32
      %mul3A_20 = arith.constant 8 : i32
      %mul3A_21 = arith.muli %scan3A_16, %mul3A_20 : i32
      %add3A_22 = arith.addi %mul3A_19, %mul3A_21 : i32
      "tpu.region"() ({
        %run_scoped3A_349 = tpu.sem_alloc : memref<!tpu.dma_semaphore, #tpu.memory_space<semaphore_mem>>
        %dma_start3A_350 = arith.constant 0 : i32
        %dma_start3A_351 = tpu.memref_slice %arg3[%arg0, %add3A_22, %dma_start3A_350] : memref<2x2560x128xi32, #tpu.memory_space<hbm>> -> memref<1x8x128xi32, #tpu.memory_space<hbm>>
        %dma_start3A_352 = tpu.memref_squeeze %dma_start3A_351 : memref<1x8x128xi32, #tpu.memory_space<hbm>> -> memref<8x128xi32, #tpu.memory_space<hbm>>
        %dma_start3A_353 = arith.constant 0 : i32
        %dma_start3A_354 = tpu.memref_slice %arg3[%arg0, %add3A_22, %dma_start3A_353] : memref<2x2560x128xi32, #tpu.memory_space<hbm>> -> memref<1x8x128xi32, #tpu.memory_space<hbm>>
        %dma_start3A_355 = tpu.memref_squeeze %dma_start3A_354 : memref<1x8x128xi32, #tpu.memory_space<hbm>> -> memref<8x128xi32, #tpu.memory_space<hbm>>
        tpu.enqueue_dma source(%dma_start3A_355 : memref<8x128xi32, #tpu.memory_space<hbm>>) target(%arg8 : memref<8x128xi32, #tpu.memory_space<vmem>>) target_semaphore(%run_scoped3A_349 : memref<!tpu.dma_semaphore, #tpu.memory_space<semaphore_mem>>)
        %dma_wait3A_356 = arith.constant 0 : i32
        %dma_wait3A_357 = tpu.memref_slice %arg3[%arg0, %add3A_22, %dma_wait3A_356] : memref<2x2560x128xi32, #tpu.memory_space<hbm>> -> memref<1x8x128xi32, #tpu.memory_space<hbm>>
        %dma_wait3A_358 = tpu.memref_squeeze %dma_wait3A_357 : memref<1x8x128xi32, #tpu.memory_space<hbm>> -> memref<8x128xi32, #tpu.memory_space<hbm>>
        %dma_wait3A_359 = arith.constant 0 : i32
        %dma_wait3A_360 = tpu.memref_slice %arg3[%arg0, %add3A_22, %dma_wait3A_359] : memref<2x2560x128xi32, #tpu.memory_space<hbm>> -> memref<1x8x128xi32, #tpu.memory_space<hbm>>
        %dma_wait3A_361 = tpu.memref_squeeze %dma_wait3A_360 : memref<1x8x128xi32, #tpu.memory_space<hbm>> -> memref<8x128xi32, #tpu.memory_space<hbm>>
        tpu.wait_dma2 semaphore(%run_scoped3A_349 : memref<!tpu.dma_semaphore, #tpu.memory_space<semaphore_mem>>) src(%dma_wait3A_361 : memref<8x128xi32, #tpu.memory_space<hbm>>) dst(%arg8 : memref<8x128xi32, #tpu.memory_space<vmem>>)
        tpu.yield
      }) : () -> ()
      "tpu.region"() ({
        %run_scoped3A_349 = tpu.sem_alloc : memref<!tpu.dma_semaphore, #tpu.memory_space<semaphore_mem>>
        %dma_start3A_350 = arith.constant 0 : i32
        %dma_start3A_351 = tpu.memref_slice %arg4[%add3A_22, %dma_start3A_350] : memref<2560x128xi32, #tpu.memory_space<hbm>> -> memref<8x128xi32, #tpu.memory_space<hbm>>
        %dma_start3A_352 = arith.constant 0 : i32
        %dma_start3A_353 = tpu.memref_slice %arg4[%add3A_22, %dma_start3A_352] : memref<2560x128xi32, #tpu.memory_space<hbm>> -> memref<8x128xi32, #tpu.memory_space<hbm>>
        tpu.enqueue_dma source(%dma_start3A_353 : memref<8x128xi32, #tpu.memory_space<hbm>>) target(%arg9 : memref<8x128xi32, #tpu.memory_space<vmem>>) target_semaphore(%run_scoped3A_349 : memref<!tpu.dma_semaphore, #tpu.memory_space<semaphore_mem>>)
        %dma_wait3A_354 = arith.constant 0 : i32
        %dma_wait3A_355 = tpu.memref_slice %arg4[%add3A_22, %dma_wait3A_354] : memref<2560x128xi32, #tpu.memory_space<hbm>> -> memref<8x128xi32, #tpu.memory_space<hbm>>
        %dma_wait3A_356 = arith.constant 0 : i32
        %dma_wait3A_357 = tpu.memref_slice %arg4[%add3A_22, %dma_wait3A_356] : memref<2560x128xi32, #tpu.memory_space<hbm>> -> memref<8x128xi32, #tpu.memory_space<hbm>>
        tpu.wait_dma2 semaphore(%run_scoped3A_349 : memref<!tpu.dma_semaphore, #tpu.memory_space<semaphore_mem>>) src(%dma_wait3A_357 : memref<8x128xi32, #tpu.memory_space<hbm>>) dst(%arg9 : memref<8x128xi32, #tpu.memory_space<vmem>>)
        tpu.yield
      }) : () -> ()
      %dma_start3A = arith.constant 0 : i32
      %dma_start3A_23 = arith.constant 0 : i32
      %dma_start3A_24 = arith.constant 0 : i32
      %dma_start3A_25 = tpu.memref_slice %arg10[%dma_start3A_23, %dma_start3A_24] : memref<128x128xf32, #tpu.memory_space<vmem>> -> memref<64x128xf32, #tpu.memory_space<vmem>>
      %dma_start3A_26 = arith.constant 0 : i32
      %dma_start3A_27 = tpu.memref_slice %arg8[%dma_start3A, %dma_start3A_26] : memref<8x128xi32, #tpu.memory_space<vmem>> -> memref<1x64xi32, #tpu.memory_space<vmem>>
      %dma_start3A_28 = tpu.memref_squeeze %dma_start3A_27 : memref<1x64xi32, #tpu.memory_space<vmem>> -> memref<64xi32, #tpu.memory_space<vmem>>
      %dma_start3A_29 = arith.constant 0 : i32
      %dma_start3A_30 = arith.constant 0 : i32
      %dma_start3A_31 = tpu.memref_slice %arg2[%dma_start3A_29, %dma_start3A_30] : memref<327680x128xf32, #tpu.memory_space<hbm>> -> memref<327680x128xf32, #tpu.memory_space<hbm>>
      tpu.enqueue_indirect_dma source(%dma_start3A_31 : memref<327680x128xf32, #tpu.memory_space<hbm>>) target(%dma_start3A_25 : memref<64x128xf32, #tpu.memory_space<vmem>>) offsets(%dma_start3A_28 : memref<64xi32, #tpu.memory_space<vmem>>) semaphore(%arg12 : memref<!tpu.dma_semaphore, #tpu.memory_space<semaphore_mem>>)
      %dma_start3A_32 = arith.constant 0 : i32
      %dma_start3A_33 = arith.constant 64 : i32
      %dma_start3A_34 = arith.constant 0 : i32
      %dma_start3A_35 = tpu.memref_slice %arg10[%dma_start3A_33, %dma_start3A_34] : memref<128x128xf32, #tpu.memory_space<vmem>> -> memref<64x128xf32, #tpu.memory_space<vmem>>
      %dma_start3A_36 = arith.constant 64 : i32
      %dma_start3A_37 = tpu.memref_slice %arg8[%dma_start3A_32, %dma_start3A_36] : memref<8x128xi32, #tpu.memory_space<vmem>> -> memref<1x64xi32, #tpu.memory_space<vmem>>
      %dma_start3A_38 = tpu.memref_squeeze %dma_start3A_37 : memref<1x64xi32, #tpu.memory_space<vmem>> -> memref<64xi32, #tpu.memory_space<vmem>>
      %dma_start3A_39 = arith.constant 0 : i32
      %dma_start3A_40 = arith.constant 0 : i32
      %dma_start3A_41 = tpu.memref_slice %arg2[%dma_start3A_39, %dma_start3A_40] : memref<327680x128xf32, #tpu.memory_space<hbm>> -> memref<327680x128xf32, #tpu.memory_space<hbm>>
      tpu.enqueue_indirect_dma source(%dma_start3A_41 : memref<327680x128xf32, #tpu.memory_space<hbm>>) target(%dma_start3A_35 : memref<64x128xf32, #tpu.memory_space<vmem>>) offsets(%dma_start3A_38 : memref<64xi32, #tpu.memory_space<vmem>>) semaphore(%arg12 : memref<!tpu.dma_semaphore, #tpu.memory_space<semaphore_mem>>)
      %dma_wait3A = arith.constant 0 : i32
      %dma_wait3A_42 = arith.constant 0 : i32
      %dma_wait3A_43 = arith.constant 0 : i32
      %dma_wait3A_44 = tpu.memref_slice %arg10[%dma_wait3A_42, %dma_wait3A_43] : memref<128x128xf32, #tpu.memory_space<vmem>> -> memref<64x128xf32, #tpu.memory_space<vmem>>
      %dma_wait3A_45 = arith.constant 0 : i32
      %dma_wait3A_46 = tpu.memref_slice %arg8[%dma_wait3A, %dma_wait3A_45] : memref<8x128xi32, #tpu.memory_space<vmem>> -> memref<1x64xi32, #tpu.memory_space<vmem>>
      %dma_wait3A_47 = tpu.memref_squeeze %dma_wait3A_46 : memref<1x64xi32, #tpu.memory_space<vmem>> -> memref<64xi32, #tpu.memory_space<vmem>>
      %dma_wait3A_48 = arith.constant 0 : i32
      %dma_wait3A_49 = arith.constant 0 : i32
      %dma_wait3A_50 = tpu.memref_slice %arg2[%dma_wait3A_48, %dma_wait3A_49] : memref<327680x128xf32, #tpu.memory_space<hbm>> -> memref<327680x128xf32, #tpu.memory_space<hbm>>
      tpu.wait_indirect_dma semaphore(%arg12 : memref<!tpu.dma_semaphore, #tpu.memory_space<semaphore_mem>>) src(%dma_wait3A_50 : memref<327680x128xf32, #tpu.memory_space<hbm>>) dst(%dma_wait3A_44 : memref<64x128xf32, #tpu.memory_space<vmem>>)
      %dma_wait3A_51 = arith.constant 0 : i32
      %dma_wait3A_52 = arith.constant 64 : i32
      %dma_wait3A_53 = arith.constant 0 : i32
      %dma_wait3A_54 = tpu.memref_slice %arg10[%dma_wait3A_52, %dma_wait3A_53] : memref<128x128xf32, #tpu.memory_space<vmem>> -> memref<64x128xf32, #tpu.memory_space<vmem>>
      %dma_wait3A_55 = arith.constant 64 : i32
      %dma_wait3A_56 = tpu.memref_slice %arg8[%dma_wait3A_51, %dma_wait3A_55] : memref<8x128xi32, #tpu.memory_space<vmem>> -> memref<1x64xi32, #tpu.memory_space<vmem>>
      %dma_wait3A_57 = tpu.memref_squeeze %dma_wait3A_56 : memref<1x64xi32, #tpu.memory_space<vmem>> -> memref<64xi32, #tpu.memory_space<vmem>>
      %dma_wait3A_58 = arith.constant 0 : i32
      %dma_wait3A_59 = arith.constant 0 : i32
      %dma_wait3A_60 = tpu.memref_slice %arg2[%dma_wait3A_58, %dma_wait3A_59] : memref<327680x128xf32, #tpu.memory_space<hbm>> -> memref<327680x128xf32, #tpu.memory_space<hbm>>
      tpu.wait_indirect_dma semaphore(%arg12 : memref<!tpu.dma_semaphore, #tpu.memory_space<semaphore_mem>>) src(%dma_wait3A_60 : memref<327680x128xf32, #tpu.memory_space<hbm>>) dst(%dma_wait3A_54 : memref<64x128xf32, #tpu.memory_space<vmem>>)
      %dma_start3A_61 = arith.constant 1 : i32
      %dma_start3A_62 = arith.constant 0 : i32
      %dma_start3A_63 = arith.constant 0 : i32
      %dma_start3A_64 = tpu.memref_slice %arg11[%dma_start3A_62, %dma_start3A_63] : memref<128x128xf32, #tpu.memory_space<vmem>> -> memref<64x128xf32, #tpu.memory_space<vmem>>
      %dma_start3A_65 = arith.constant 0 : i32
      %dma_start3A_66 = tpu.memref_slice %arg8[%dma_start3A_61, %dma_start3A_65] : memref<8x128xi32, #tpu.memory_space<vmem>> -> memref<1x64xi32, #tpu.memory_space<vmem>>
      %dma_start3A_67 = tpu.memref_squeeze %dma_start3A_66 : memref<1x64xi32, #tpu.memory_space<vmem>> -> memref<64xi32, #tpu.memory_space<vmem>>
      %dma_start3A_68 = arith.constant 0 : i32
      %dma_start3A_69 = arith.constant 0 : i32
      %dma_start3A_70 = tpu.memref_slice %arg2[%dma_start3A_68, %dma_start3A_69] : memref<327680x128xf32, #tpu.memory_space<hbm>> -> memref<327680x128xf32, #tpu.memory_space<hbm>>
      tpu.enqueue_indirect_dma source(%dma_start3A_70 : memref<327680x128xf32, #tpu.memory_space<hbm>>) target(%dma_start3A_64 : memref<64x128xf32, #tpu.memory_space<vmem>>) offsets(%dma_start3A_67 : memref<64xi32, #tpu.memory_space<vmem>>) semaphore(%arg13 : memref<!tpu.dma_semaphore, #tpu.memory_space<semaphore_mem>>)
      %dma_start3A_71 = arith.constant 1 : i32
      %dma_start3A_72 = arith.constant 64 : i32
      %dma_start3A_73 = arith.constant 0 : i32
      %dma_start3A_74 = tpu.memref_slice %arg11[%dma_start3A_72, %dma_start3A_73] : memref<128x128xf32, #tpu.memory_space<vmem>> -> memref<64x128xf32, #tpu.memory_space<vmem>>
      %dma_start3A_75 = arith.constant 64 : i32
      %dma_start3A_76 = tpu.memref_slice %arg8[%dma_start3A_71, %dma_start3A_75] : memref<8x128xi32, #tpu.memory_space<vmem>> -> memref<1x64xi32, #tpu.memory_space<vmem>>
      %dma_start3A_77 = tpu.memref_squeeze %dma_start3A_76 : memref<1x64xi32, #tpu.memory_space<vmem>> -> memref<64xi32, #tpu.memory_space<vmem>>
      %dma_start3A_78 = arith.constant 0 : i32
      %dma_start3A_79 = arith.constant 0 : i32
      %dma_start3A_80 = tpu.memref_slice %arg2[%dma_start3A_78, %dma_start3A_79] : memref<327680x128xf32, #tpu.memory_space<hbm>> -> memref<327680x128xf32, #tpu.memory_space<hbm>>
      tpu.enqueue_indirect_dma source(%dma_start3A_80 : memref<327680x128xf32, #tpu.memory_space<hbm>>) target(%dma_start3A_74 : memref<64x128xf32, #tpu.memory_space<vmem>>) offsets(%dma_start3A_77 : memref<64xi32, #tpu.memory_space<vmem>>) semaphore(%arg13 : memref<!tpu.dma_semaphore, #tpu.memory_space<semaphore_mem>>)
      %run_scoped3A = arith.constant 0 : i32
      "tpu.region"() ({
        %run_scoped3A_349 = tpu.sem_alloc : memref<!tpu.dma_semaphore, #tpu.memory_space<semaphore_mem>>
        %dma_start3A_350 = arith.constant 0 : i32
        %dma_start3A_351 = tpu.memref_slice %arg9[%run_scoped3A, %dma_start3A_350] : memref<8x128xi32, #tpu.memory_space<vmem>> -> memref<1x128xi32, #tpu.memory_space<vmem>>
        %dma_start3A_352 = tpu.memref_squeeze %dma_start3A_351 : memref<1x128xi32, #tpu.memory_space<vmem>> -> memref<128xi32, #tpu.memory_space<vmem>>
        %dma_start3A_353 = arith.constant 0 : i32
        %dma_start3A_354 = arith.constant 0 : i32
        %dma_start3A_355 = tpu.memref_slice %arg7[%dma_start3A_353, %dma_start3A_354] : memref<10112x128xf32, #tpu.memory_space<vmem_shared>> -> memref<10112x128xf32, #tpu.memory_space<vmem_shared>>
        tpu.enqueue_indirect_dma source(%arg10 : memref<128x128xf32, #tpu.memory_space<vmem>>) target(%dma_start3A_355 : memref<10112x128xf32, #tpu.memory_space<vmem_shared>>) offsets(%dma_start3A_352 : memref<128xi32, #tpu.memory_space<vmem>>) semaphore(%run_scoped3A_349 : memref<!tpu.dma_semaphore, #tpu.memory_space<semaphore_mem>>) {add = true}
        %dma_wait3A_356 = arith.constant 0 : i32
        %dma_wait3A_357 = tpu.memref_slice %arg9[%run_scoped3A, %dma_wait3A_356] : memref<8x128xi32, #tpu.memory_space<vmem>> -> memref<1x128xi32, #tpu.memory_space<vmem>>
        %dma_wait3A_358 = tpu.memref_squeeze %dma_wait3A_357 : memref<1x128xi32, #tpu.memory_space<vmem>> -> memref<128xi32, #tpu.memory_space<vmem>>
        %dma_wait3A_359 = arith.constant 0 : i32
        %dma_wait3A_360 = arith.constant 0 : i32
        %dma_wait3A_361 = tpu.memref_slice %arg7[%dma_wait3A_359, %dma_wait3A_360] : memref<10112x128xf32, #tpu.memory_space<vmem_shared>> -> memref<10112x128xf32, #tpu.memory_space<vmem_shared>>
        tpu.wait_indirect_dma semaphore(%run_scoped3A_349 : memref<!tpu.dma_semaphore, #tpu.memory_space<semaphore_mem>>) src(%arg10 : memref<128x128xf32, #tpu.memory_space<vmem>>) dst(%dma_wait3A_361 : memref<10112x128xf32, #tpu.memory_space<vmem_shared>>)
        tpu.yield
      }) : () -> ()
      %dma_wait3A_81 = arith.constant 1 : i32
      %dma_wait3A_82 = arith.constant 0 : i32
      %dma_wait3A_83 = arith.constant 0 : i32
      %dma_wait3A_84 = tpu.memref_slice %arg11[%dma_wait3A_82, %dma_wait3A_83] : memref<128x128xf32, #tpu.memory_space<vmem>> -> memref<64x128xf32, #tpu.memory_space<vmem>>
      %dma_wait3A_85 = arith.constant 0 : i32
      %dma_wait3A_86 = tpu.memref_slice %arg8[%dma_wait3A_81, %dma_wait3A_85] : memref<8x128xi32, #tpu.memory_space<vmem>> -> memref<1x64xi32, #tpu.memory_space<vmem>>
      %dma_wait3A_87 = tpu.memref_squeeze %dma_wait3A_86 : memref<1x64xi32, #tpu.memory_space<vmem>> -> memref<64xi32, #tpu.memory_space<vmem>>
      %dma_wait3A_88 = arith.constant 0 : i32
      %dma_wait3A_89 = arith.constant 0 : i32
      %dma_wait3A_90 = tpu.memref_slice %arg2[%dma_wait3A_88, %dma_wait3A_89] : memref<327680x128xf32, #tpu.memory_space<hbm>> -> memref<327680x128xf32, #tpu.memory_space<hbm>>
      tpu.wait_indirect_dma semaphore(%arg13 : memref<!tpu.dma_semaphore, #tpu.memory_space<semaphore_mem>>) src(%dma_wait3A_90 : memref<327680x128xf32, #tpu.memory_space<hbm>>) dst(%dma_wait3A_84 : memref<64x128xf32, #tpu.memory_space<vmem>>)
      %dma_wait3A_91 = arith.constant 1 : i32
      %dma_wait3A_92 = arith.constant 64 : i32
      %dma_wait3A_93 = arith.constant 0 : i32
      %dma_wait3A_94 = tpu.memref_slice %arg11[%dma_wait3A_92, %dma_wait3A_93] : memref<128x128xf32, #tpu.memory_space<vmem>> -> memref<64x128xf32, #tpu.memory_space<vmem>>
      %dma_wait3A_95 = arith.constant 64 : i32
      %dma_wait3A_96 = tpu.memref_slice %arg8[%dma_wait3A_91, %dma_wait3A_95] : memref<8x128xi32, #tpu.memory_space<vmem>> -> memref<1x64xi32, #tpu.memory_space<vmem>>
      %dma_wait3A_97 = tpu.memref_squeeze %dma_wait3A_96 : memref<1x64xi32, #tpu.memory_space<vmem>> -> memref<64xi32, #tpu.memory_space<vmem>>
      %dma_wait3A_98 = arith.constant 0 : i32
      %dma_wait3A_99 = arith.constant 0 : i32
      %dma_wait3A_100 = tpu.memref_slice %arg2[%dma_wait3A_98, %dma_wait3A_99] : memref<327680x128xf32, #tpu.memory_space<hbm>> -> memref<327680x128xf32, #tpu.memory_space<hbm>>
      tpu.wait_indirect_dma semaphore(%arg13 : memref<!tpu.dma_semaphore, #tpu.memory_space<semaphore_mem>>) src(%dma_wait3A_100 : memref<327680x128xf32, #tpu.memory_space<hbm>>) dst(%dma_wait3A_94 : memref<64x128xf32, #tpu.memory_space<vmem>>)
      %dma_start3A_101 = arith.constant 2 : i32
      %dma_start3A_102 = arith.constant 0 : i32
      %dma_start3A_103 = arith.constant 0 : i32
      %dma_start3A_104 = tpu.memref_slice %arg10[%dma_start3A_102, %dma_start3A_103] : memref<128x128xf32, #tpu.memory_space<vmem>> -> memref<64x128xf32, #tpu.memory_space<vmem>>
      %dma_start3A_105 = arith.constant 0 : i32
      %dma_start3A_106 = tpu.memref_slice %arg8[%dma_start3A_101, %dma_start3A_105] : memref<8x128xi32, #tpu.memory_space<vmem>> -> memref<1x64xi32, #tpu.memory_space<vmem>>
      %dma_start3A_107 = tpu.memref_squeeze %dma_start3A_106 : memref<1x64xi32, #tpu.memory_space<vmem>> -> memref<64xi32, #tpu.memory_space<vmem>>
      %dma_start3A_108 = arith.constant 0 : i32
      %dma_start3A_109 = arith.constant 0 : i32
      %dma_start3A_110 = tpu.memref_slice %arg2[%dma_start3A_108, %dma_start3A_109] : memref<327680x128xf32, #tpu.memory_space<hbm>> -> memref<327680x128xf32, #tpu.memory_space<hbm>>
      tpu.enqueue_indirect_dma source(%dma_start3A_110 : memref<327680x128xf32, #tpu.memory_space<hbm>>) target(%dma_start3A_104 : memref<64x128xf32, #tpu.memory_space<vmem>>) offsets(%dma_start3A_107 : memref<64xi32, #tpu.memory_space<vmem>>) semaphore(%arg12 : memref<!tpu.dma_semaphore, #tpu.memory_space<semaphore_mem>>)
      %dma_start3A_111 = arith.constant 2 : i32
      %dma_start3A_112 = arith.constant 64 : i32
      %dma_start3A_113 = arith.constant 0 : i32
      %dma_start3A_114 = tpu.memref_slice %arg10[%dma_start3A_112, %dma_start3A_113] : memref<128x128xf32, #tpu.memory_space<vmem>> -> memref<64x128xf32, #tpu.memory_space<vmem>>
      %dma_start3A_115 = arith.constant 64 : i32
      %dma_start3A_116 = tpu.memref_slice %arg8[%dma_start3A_111, %dma_start3A_115] : memref<8x128xi32, #tpu.memory_space<vmem>> -> memref<1x64xi32, #tpu.memory_space<vmem>>
      %dma_start3A_117 = tpu.memref_squeeze %dma_start3A_116 : memref<1x64xi32, #tpu.memory_space<vmem>> -> memref<64xi32, #tpu.memory_space<vmem>>
      %dma_start3A_118 = arith.constant 0 : i32
      %dma_start3A_119 = arith.constant 0 : i32
      %dma_start3A_120 = tpu.memref_slice %arg2[%dma_start3A_118, %dma_start3A_119] : memref<327680x128xf32, #tpu.memory_space<hbm>> -> memref<327680x128xf32, #tpu.memory_space<hbm>>
      tpu.enqueue_indirect_dma source(%dma_start3A_120 : memref<327680x128xf32, #tpu.memory_space<hbm>>) target(%dma_start3A_114 : memref<64x128xf32, #tpu.memory_space<vmem>>) offsets(%dma_start3A_117 : memref<64xi32, #tpu.memory_space<vmem>>) semaphore(%arg12 : memref<!tpu.dma_semaphore, #tpu.memory_space<semaphore_mem>>)
      %run_scoped3A_121 = arith.constant 1 : i32
      "tpu.region"() ({
        %run_scoped3A_349 = tpu.sem_alloc : memref<!tpu.dma_semaphore, #tpu.memory_space<semaphore_mem>>
        %dma_start3A_350 = arith.constant 0 : i32
        %dma_start3A_351 = tpu.memref_slice %arg9[%run_scoped3A_121, %dma_start3A_350] : memref<8x128xi32, #tpu.memory_space<vmem>> -> memref<1x128xi32, #tpu.memory_space<vmem>>
        %dma_start3A_352 = tpu.memref_squeeze %dma_start3A_351 : memref<1x128xi32, #tpu.memory_space<vmem>> -> memref<128xi32, #tpu.memory_space<vmem>>
        %dma_start3A_353 = arith.constant 0 : i32
        %dma_start3A_354 = arith.constant 0 : i32
        %dma_start3A_355 = tpu.memref_slice %arg7[%dma_start3A_353, %dma_start3A_354] : memref<10112x128xf32, #tpu.memory_space<vmem_shared>> -> memref<10112x128xf32, #tpu.memory_space<vmem_shared>>
        tpu.enqueue_indirect_dma source(%arg11 : memref<128x128xf32, #tpu.memory_space<vmem>>) target(%dma_start3A_355 : memref<10112x128xf32, #tpu.memory_space<vmem_shared>>) offsets(%dma_start3A_352 : memref<128xi32, #tpu.memory_space<vmem>>) semaphore(%run_scoped3A_349 : memref<!tpu.dma_semaphore, #tpu.memory_space<semaphore_mem>>) {add = true}
        %dma_wait3A_356 = arith.constant 0 : i32
        %dma_wait3A_357 = tpu.memref_slice %arg9[%run_scoped3A_121, %dma_wait3A_356] : memref<8x128xi32, #tpu.memory_space<vmem>> -> memref<1x128xi32, #tpu.memory_space<vmem>>
        %dma_wait3A_358 = tpu.memref_squeeze %dma_wait3A_357 : memref<1x128xi32, #tpu.memory_space<vmem>> -> memref<128xi32, #tpu.memory_space<vmem>>
        %dma_wait3A_359 = arith.constant 0 : i32
        %dma_wait3A_360 = arith.constant 0 : i32
        %dma_wait3A_361 = tpu.memref_slice %arg7[%dma_wait3A_359, %dma_wait3A_360] : memref<10112x128xf32, #tpu.memory_space<vmem_shared>> -> memref<10112x128xf32, #tpu.memory_space<vmem_shared>>
        tpu.wait_indirect_dma semaphore(%run_scoped3A_349 : memref<!tpu.dma_semaphore, #tpu.memory_space<semaphore_mem>>) src(%arg11 : memref<128x128xf32, #tpu.memory_space<vmem>>) dst(%dma_wait3A_361 : memref<10112x128xf32, #tpu.memory_space<vmem_shared>>)
        tpu.yield
      }) : () -> ()
      %dma_wait3A_122 = arith.constant 2 : i32
      %dma_wait3A_123 = arith.constant 0 : i32
      %dma_wait3A_124 = arith.constant 0 : i32
      %dma_wait3A_125 = tpu.memref_slice %arg10[%dma_wait3A_123, %dma_wait3A_124] : memref<128x128xf32, #tpu.memory_space<vmem>> -> memref<64x128xf32, #tpu.memory_space<vmem>>
      %dma_wait3A_126 = arith.constant 0 : i32
      %dma_wait3A_127 = tpu.memref_slice %arg8[%dma_wait3A_122, %dma_wait3A_126] : memref<8x128xi32, #tpu.memory_space<vmem>> -> memref<1x64xi32, #tpu.memory_space<vmem>>
      %dma_wait3A_128 = tpu.memref_squeeze %dma_wait3A_127 : memref<1x64xi32, #tpu.memory_space<vmem>> -> memref<64xi32, #tpu.memory_space<vmem>>
      %dma_wait3A_129 = arith.constant 0 : i32
      %dma_wait3A_130 = arith.constant 0 : i32
      %dma_wait3A_131 = tpu.memref_slice %arg2[%dma_wait3A_129, %dma_wait3A_130] : memref<327680x128xf32, #tpu.memory_space<hbm>> -> memref<327680x128xf32, #tpu.memory_space<hbm>>
      tpu.wait_indirect_dma semaphore(%arg12 : memref<!tpu.dma_semaphore, #tpu.memory_space<semaphore_mem>>) src(%dma_wait3A_131 : memref<327680x128xf32, #tpu.memory_space<hbm>>) dst(%dma_wait3A_125 : memref<64x128xf32, #tpu.memory_space<vmem>>)
      %dma_wait3A_132 = arith.constant 2 : i32
      %dma_wait3A_133 = arith.constant 64 : i32
      %dma_wait3A_134 = arith.constant 0 : i32
      %dma_wait3A_135 = tpu.memref_slice %arg10[%dma_wait3A_133, %dma_wait3A_134] : memref<128x128xf32, #tpu.memory_space<vmem>> -> memref<64x128xf32, #tpu.memory_space<vmem>>
      %dma_wait3A_136 = arith.constant 64 : i32
      %dma_wait3A_137 = tpu.memref_slice %arg8[%dma_wait3A_132, %dma_wait3A_136] : memref<8x128xi32, #tpu.memory_space<vmem>> -> memref<1x64xi32, #tpu.memory_space<vmem>>
      %dma_wait3A_138 = tpu.memref_squeeze %dma_wait3A_137 : memref<1x64xi32, #tpu.memory_space<vmem>> -> memref<64xi32, #tpu.memory_space<vmem>>
      %dma_wait3A_139 = arith.constant 0 : i32
      %dma_wait3A_140 = arith.constant 0 : i32
      %dma_wait3A_141 = tpu.memref_slice %arg2[%dma_wait3A_139, %dma_wait3A_140] : memref<327680x128xf32, #tpu.memory_space<hbm>> -> memref<327680x128xf32, #tpu.memory_space<hbm>>
      tpu.wait_indirect_dma semaphore(%arg12 : memref<!tpu.dma_semaphore, #tpu.memory_space<semaphore_mem>>) src(%dma_wait3A_141 : memref<327680x128xf32, #tpu.memory_space<hbm>>) dst(%dma_wait3A_135 : memref<64x128xf32, #tpu.memory_space<vmem>>)
      %dma_start3A_142 = arith.constant 3 : i32
      %dma_start3A_143 = arith.constant 0 : i32
      %dma_start3A_144 = arith.constant 0 : i32
      %dma_start3A_145 = tpu.memref_slice %arg11[%dma_start3A_143, %dma_start3A_144] : memref<128x128xf32, #tpu.memory_space<vmem>> -> memref<64x128xf32, #tpu.memory_space<vmem>>
      %dma_start3A_146 = arith.constant 0 : i32
      %dma_start3A_147 = tpu.memref_slice %arg8[%dma_start3A_142, %dma_start3A_146] : memref<8x128xi32, #tpu.memory_space<vmem>> -> memref<1x64xi32, #tpu.memory_space<vmem>>
      %dma_start3A_148 = tpu.memref_squeeze %dma_start3A_147 : memref<1x64xi32, #tpu.memory_space<vmem>> -> memref<64xi32, #tpu.memory_space<vmem>>
      %dma_start3A_149 = arith.constant 0 : i32
      %dma_start3A_150 = arith.constant 0 : i32
      %dma_start3A_151 = tpu.memref_slice %arg2[%dma_start3A_149, %dma_start3A_150] : memref<327680x128xf32, #tpu.memory_space<hbm>> -> memref<327680x128xf32, #tpu.memory_space<hbm>>
      tpu.enqueue_indirect_dma source(%dma_start3A_151 : memref<327680x128xf32, #tpu.memory_space<hbm>>) target(%dma_start3A_145 : memref<64x128xf32, #tpu.memory_space<vmem>>) offsets(%dma_start3A_148 : memref<64xi32, #tpu.memory_space<vmem>>) semaphore(%arg13 : memref<!tpu.dma_semaphore, #tpu.memory_space<semaphore_mem>>)
      %dma_start3A_152 = arith.constant 3 : i32
      %dma_start3A_153 = arith.constant 64 : i32
      %dma_start3A_154 = arith.constant 0 : i32
      %dma_start3A_155 = tpu.memref_slice %arg11[%dma_start3A_153, %dma_start3A_154] : memref<128x128xf32, #tpu.memory_space<vmem>> -> memref<64x128xf32, #tpu.memory_space<vmem>>
      %dma_start3A_156 = arith.constant 64 : i32
      %dma_start3A_157 = tpu.memref_slice %arg8[%dma_start3A_152, %dma_start3A_156] : memref<8x128xi32, #tpu.memory_space<vmem>> -> memref<1x64xi32, #tpu.memory_space<vmem>>
      %dma_start3A_158 = tpu.memref_squeeze %dma_start3A_157 : memref<1x64xi32, #tpu.memory_space<vmem>> -> memref<64xi32, #tpu.memory_space<vmem>>
      %dma_start3A_159 = arith.constant 0 : i32
      %dma_start3A_160 = arith.constant 0 : i32
      %dma_start3A_161 = tpu.memref_slice %arg2[%dma_start3A_159, %dma_start3A_160] : memref<327680x128xf32, #tpu.memory_space<hbm>> -> memref<327680x128xf32, #tpu.memory_space<hbm>>
      tpu.enqueue_indirect_dma source(%dma_start3A_161 : memref<327680x128xf32, #tpu.memory_space<hbm>>) target(%dma_start3A_155 : memref<64x128xf32, #tpu.memory_space<vmem>>) offsets(%dma_start3A_158 : memref<64xi32, #tpu.memory_space<vmem>>) semaphore(%arg13 : memref<!tpu.dma_semaphore, #tpu.memory_space<semaphore_mem>>)
      %run_scoped3A_162 = arith.constant 2 : i32
      "tpu.region"() ({
        %run_scoped3A_349 = tpu.sem_alloc : memref<!tpu.dma_semaphore, #tpu.memory_space<semaphore_mem>>
        %dma_start3A_350 = arith.constant 0 : i32
        %dma_start3A_351 = tpu.memref_slice %arg9[%run_scoped3A_162, %dma_start3A_350] : memref<8x128xi32, #tpu.memory_space<vmem>> -> memref<1x128xi32, #tpu.memory_space<vmem>>
        %dma_start3A_352 = tpu.memref_squeeze %dma_start3A_351 : memref<1x128xi32, #tpu.memory_space<vmem>> -> memref<128xi32, #tpu.memory_space<vmem>>
        %dma_start3A_353 = arith.constant 0 : i32
        %dma_start3A_354 = arith.constant 0 : i32
        %dma_start3A_355 = tpu.memref_slice %arg7[%dma_start3A_353, %dma_start3A_354] : memref<10112x128xf32, #tpu.memory_space<vmem_shared>> -> memref<10112x128xf32, #tpu.memory_space<vmem_shared>>
        tpu.enqueue_indirect_dma source(%arg10 : memref<128x128xf32, #tpu.memory_space<vmem>>) target(%dma_start3A_355 : memref<10112x128xf32, #tpu.memory_space<vmem_shared>>) offsets(%dma_start3A_352 : memref<128xi32, #tpu.memory_space<vmem>>) semaphore(%run_scoped3A_349 : memref<!tpu.dma_semaphore, #tpu.memory_space<semaphore_mem>>) {add = true}
        %dma_wait3A_356 = arith.constant 0 : i32
        %dma_wait3A_357 = tpu.memref_slice %arg9[%run_scoped3A_162, %dma_wait3A_356] : memref<8x128xi32, #tpu.memory_space<vmem>> -> memref<1x128xi32, #tpu.memory_space<vmem>>
        %dma_wait3A_358 = tpu.memref_squeeze %dma_wait3A_357 : memref<1x128xi32, #tpu.memory_space<vmem>> -> memref<128xi32, #tpu.memory_space<vmem>>
        %dma_wait3A_359 = arith.constant 0 : i32
        %dma_wait3A_360 = arith.constant 0 : i32
        %dma_wait3A_361 = tpu.memref_slice %arg7[%dma_wait3A_359, %dma_wait3A_360] : memref<10112x128xf32, #tpu.memory_space<vmem_shared>> -> memref<10112x128xf32, #tpu.memory_space<vmem_shared>>
        tpu.wait_indirect_dma semaphore(%run_scoped3A_349 : memref<!tpu.dma_semaphore, #tpu.memory_space<semaphore_mem>>) src(%arg10 : memref<128x128xf32, #tpu.memory_space<vmem>>) dst(%dma_wait3A_361 : memref<10112x128xf32, #tpu.memory_space<vmem_shared>>)
        tpu.yield
      }) : () -> ()
      %dma_wait3A_163 = arith.constant 3 : i32
      %dma_wait3A_164 = arith.constant 0 : i32
      %dma_wait3A_165 = arith.constant 0 : i32
      %dma_wait3A_166 = tpu.memref_slice %arg11[%dma_wait3A_164, %dma_wait3A_165] : memref<128x128xf32, #tpu.memory_space<vmem>> -> memref<64x128xf32, #tpu.memory_space<vmem>>
      %dma_wait3A_167 = arith.constant 0 : i32
      %dma_wait3A_168 = tpu.memref_slice %arg8[%dma_wait3A_163, %dma_wait3A_167] : memref<8x128xi32, #tpu.memory_space<vmem>> -> memref<1x64xi32, #tpu.memory_space<vmem>>
      %dma_wait3A_169 = tpu.memref_squeeze %dma_wait3A_168 : memref<1x64xi32, #tpu.memory_space<vmem>> -> memref<64xi32, #tpu.memory_space<vmem>>
      %dma_wait3A_170 = arith.constant 0 : i32
      %dma_wait3A_171 = arith.constant 0 : i32
      %dma_wait3A_172 = tpu.memref_slice %arg2[%dma_wait3A_170, %dma_wait3A_171] : memref<327680x128xf32, #tpu.memory_space<hbm>> -> memref<327680x128xf32, #tpu.memory_space<hbm>>
      tpu.wait_indirect_dma semaphore(%arg13 : memref<!tpu.dma_semaphore, #tpu.memory_space<semaphore_mem>>) src(%dma_wait3A_172 : memref<327680x128xf32, #tpu.memory_space<hbm>>) dst(%dma_wait3A_166 : memref<64x128xf32, #tpu.memory_space<vmem>>)
      %dma_wait3A_173 = arith.constant 3 : i32
      %dma_wait3A_174 = arith.constant 64 : i32
      %dma_wait3A_175 = arith.constant 0 : i32
      %dma_wait3A_176 = tpu.memref_slice %arg11[%dma_wait3A_174, %dma_wait3A_175] : memref<128x128xf32, #tpu.memory_space<vmem>> -> memref<64x128xf32, #tpu.memory_space<vmem>>
      %dma_wait3A_177 = arith.constant 64 : i32
      %dma_wait3A_178 = tpu.memref_slice %arg8[%dma_wait3A_173, %dma_wait3A_177] : memref<8x128xi32, #tpu.memory_space<vmem>> -> memref<1x64xi32, #tpu.memory_space<vmem>>
      %dma_wait3A_179 = tpu.memref_squeeze %dma_wait3A_178 : memref<1x64xi32, #tpu.memory_space<vmem>> -> memref<64xi32, #tpu.memory_space<vmem>>
      %dma_wait3A_180 = arith.constant 0 : i32
      %dma_wait3A_181 = arith.constant 0 : i32
      %dma_wait3A_182 = tpu.memref_slice %arg2[%dma_wait3A_180, %dma_wait3A_181] : memref<327680x128xf32, #tpu.memory_space<hbm>> -> memref<327680x128xf32, #tpu.memory_space<hbm>>
      tpu.wait_indirect_dma semaphore(%arg13 : memref<!tpu.dma_semaphore, #tpu.memory_space<semaphore_mem>>) src(%dma_wait3A_182 : memref<327680x128xf32, #tpu.memory_space<hbm>>) dst(%dma_wait3A_176 : memref<64x128xf32, #tpu.memory_space<vmem>>)
      %dma_start3A_183 = arith.constant 4 : i32
      %dma_start3A_184 = arith.constant 0 : i32
      %dma_start3A_185 = arith.constant 0 : i32
      %dma_start3A_186 = tpu.memref_slice %arg10[%dma_start3A_184, %dma_start3A_185] : memref<128x128xf32, #tpu.memory_space<vmem>> -> memref<64x128xf32, #tpu.memory_space<vmem>>
      %dma_start3A_187 = arith.constant 0 : i32
      %dma_start3A_188 = tpu.memref_slice %arg8[%dma_start3A_183, %dma_start3A_187] : memref<8x128xi32, #tpu.memory_space<vmem>> -> memref<1x64xi32, #tpu.memory_space<vmem>>
      %dma_start3A_189 = tpu.memref_squeeze %dma_start3A_188 : memref<1x64xi32, #tpu.memory_space<vmem>> -> memref<64xi32, #tpu.memory_space<vmem>>
      %dma_start3A_190 = arith.constant 0 : i32
      %dma_start3A_191 = arith.constant 0 : i32
      %dma_start3A_192 = tpu.memref_slice %arg2[%dma_start3A_190, %dma_start3A_191] : memref<327680x128xf32, #tpu.memory_space<hbm>> -> memref<327680x128xf32, #tpu.memory_space<hbm>>
      tpu.enqueue_indirect_dma source(%dma_start3A_192 : memref<327680x128xf32, #tpu.memory_space<hbm>>) target(%dma_start3A_186 : memref<64x128xf32, #tpu.memory_space<vmem>>) offsets(%dma_start3A_189 : memref<64xi32, #tpu.memory_space<vmem>>) semaphore(%arg12 : memref<!tpu.dma_semaphore, #tpu.memory_space<semaphore_mem>>)
      %dma_start3A_193 = arith.constant 4 : i32
      %dma_start3A_194 = arith.constant 64 : i32
      %dma_start3A_195 = arith.constant 0 : i32
      %dma_start3A_196 = tpu.memref_slice %arg10[%dma_start3A_194, %dma_start3A_195] : memref<128x128xf32, #tpu.memory_space<vmem>> -> memref<64x128xf32, #tpu.memory_space<vmem>>
      %dma_start3A_197 = arith.constant 64 : i32
      %dma_start3A_198 = tpu.memref_slice %arg8[%dma_start3A_193, %dma_start3A_197] : memref<8x128xi32, #tpu.memory_space<vmem>> -> memref<1x64xi32, #tpu.memory_space<vmem>>
      %dma_start3A_199 = tpu.memref_squeeze %dma_start3A_198 : memref<1x64xi32, #tpu.memory_space<vmem>> -> memref<64xi32, #tpu.memory_space<vmem>>
      %dma_start3A_200 = arith.constant 0 : i32
      %dma_start3A_201 = arith.constant 0 : i32
      %dma_start3A_202 = tpu.memref_slice %arg2[%dma_start3A_200, %dma_start3A_201] : memref<327680x128xf32, #tpu.memory_space<hbm>> -> memref<327680x128xf32, #tpu.memory_space<hbm>>
      tpu.enqueue_indirect_dma source(%dma_start3A_202 : memref<327680x128xf32, #tpu.memory_space<hbm>>) target(%dma_start3A_196 : memref<64x128xf32, #tpu.memory_space<vmem>>) offsets(%dma_start3A_199 : memref<64xi32, #tpu.memory_space<vmem>>) semaphore(%arg12 : memref<!tpu.dma_semaphore, #tpu.memory_space<semaphore_mem>>)
      %run_scoped3A_203 = arith.constant 3 : i32
      "tpu.region"() ({
        %run_scoped3A_349 = tpu.sem_alloc : memref<!tpu.dma_semaphore, #tpu.memory_space<semaphore_mem>>
        %dma_start3A_350 = arith.constant 0 : i32
        %dma_start3A_351 = tpu.memref_slice %arg9[%run_scoped3A_203, %dma_start3A_350] : memref<8x128xi32, #tpu.memory_space<vmem>> -> memref<1x128xi32, #tpu.memory_space<vmem>>
        %dma_start3A_352 = tpu.memref_squeeze %dma_start3A_351 : memref<1x128xi32, #tpu.memory_space<vmem>> -> memref<128xi32, #tpu.memory_space<vmem>>
        %dma_start3A_353 = arith.constant 0 : i32
        %dma_start3A_354 = arith.constant 0 : i32
        %dma_start3A_355 = tpu.memref_slice %arg7[%dma_start3A_353, %dma_start3A_354] : memref<10112x128xf32, #tpu.memory_space<vmem_shared>> -> memref<10112x128xf32, #tpu.memory_space<vmem_shared>>
        tpu.enqueue_indirect_dma source(%arg11 : memref<128x128xf32, #tpu.memory_space<vmem>>) target(%dma_start3A_355 : memref<10112x128xf32, #tpu.memory_space<vmem_shared>>) offsets(%dma_start3A_352 : memref<128xi32, #tpu.memory_space<vmem>>) semaphore(%run_scoped3A_349 : memref<!tpu.dma_semaphore, #tpu.memory_space<semaphore_mem>>) {add = true}
        %dma_wait3A_356 = arith.constant 0 : i32
        %dma_wait3A_357 = tpu.memref_slice %arg9[%run_scoped3A_203, %dma_wait3A_356] : memref<8x128xi32, #tpu.memory_space<vmem>> -> memref<1x128xi32, #tpu.memory_space<vmem>>
        %dma_wait3A_358 = tpu.memref_squeeze %dma_wait3A_357 : memref<1x128xi32, #tpu.memory_space<vmem>> -> memref<128xi32, #tpu.memory_space<vmem>>
        %dma_wait3A_359 = arith.constant 0 : i32
        %dma_wait3A_360 = arith.constant 0 : i32
        %dma_wait3A_361 = tpu.memref_slice %arg7[%dma_wait3A_359, %dma_wait3A_360] : memref<10112x128xf32, #tpu.memory_space<vmem_shared>> -> memref<10112x128xf32, #tpu.memory_space<vmem_shared>>
        tpu.wait_indirect_dma semaphore(%run_scoped3A_349 : memref<!tpu.dma_semaphore, #tpu.memory_space<semaphore_mem>>) src(%arg11 : memref<128x128xf32, #tpu.memory_space<vmem>>) dst(%dma_wait3A_361 : memref<10112x128xf32, #tpu.memory_space<vmem_shared>>)
        tpu.yield
      }) : () -> ()
      %dma_wait3A_204 = arith.constant 4 : i32
      %dma_wait3A_205 = arith.constant 0 : i32
      %dma_wait3A_206 = arith.constant 0 : i32
      %dma_wait3A_207 = tpu.memref_slice %arg10[%dma_wait3A_205, %dma_wait3A_206] : memref<128x128xf32, #tpu.memory_space<vmem>> -> memref<64x128xf32, #tpu.memory_space<vmem>>
      %dma_wait3A_208 = arith.constant 0 : i32
      %dma_wait3A_209 = tpu.memref_slice %arg8[%dma_wait3A_204, %dma_wait3A_208] : memref<8x128xi32, #tpu.memory_space<vmem>> -> memref<1x64xi32, #tpu.memory_space<vmem>>
      %dma_wait3A_210 = tpu.memref_squeeze %dma_wait3A_209 : memref<1x64xi32, #tpu.memory_space<vmem>> -> memref<64xi32, #tpu.memory_space<vmem>>
      %dma_wait3A_211 = arith.constant 0 : i32
      %dma_wait3A_212 = arith.constant 0 : i32
      %dma_wait3A_213 = tpu.memref_slice %arg2[%dma_wait3A_211, %dma_wait3A_212] : memref<327680x128xf32, #tpu.memory_space<hbm>> -> memref<327680x128xf32, #tpu.memory_space<hbm>>
      tpu.wait_indirect_dma semaphore(%arg12 : memref<!tpu.dma_semaphore, #tpu.memory_space<semaphore_mem>>) src(%dma_wait3A_213 : memref<327680x128xf32, #tpu.memory_space<hbm>>) dst(%dma_wait3A_207 : memref<64x128xf32, #tpu.memory_space<vmem>>)
      %dma_wait3A_214 = arith.constant 4 : i32
      %dma_wait3A_215 = arith.constant 64 : i32
      %dma_wait3A_216 = arith.constant 0 : i32
      %dma_wait3A_217 = tpu.memref_slice %arg10[%dma_wait3A_215, %dma_wait3A_216] : memref<128x128xf32, #tpu.memory_space<vmem>> -> memref<64x128xf32, #tpu.memory_space<vmem>>
      %dma_wait3A_218 = arith.constant 64 : i32
      %dma_wait3A_219 = tpu.memref_slice %arg8[%dma_wait3A_214, %dma_wait3A_218] : memref<8x128xi32, #tpu.memory_space<vmem>> -> memref<1x64xi32, #tpu.memory_space<vmem>>
      %dma_wait3A_220 = tpu.memref_squeeze %dma_wait3A_219 : memref<1x64xi32, #tpu.memory_space<vmem>> -> memref<64xi32, #tpu.memory_space<vmem>>
      %dma_wait3A_221 = arith.constant 0 : i32
      %dma_wait3A_222 = arith.constant 0 : i32
      %dma_wait3A_223 = tpu.memref_slice %arg2[%dma_wait3A_221, %dma_wait3A_222] : memref<327680x128xf32, #tpu.memory_space<hbm>> -> memref<327680x128xf32, #tpu.memory_space<hbm>>
      tpu.wait_indirect_dma semaphore(%arg12 : memref<!tpu.dma_semaphore, #tpu.memory_space<semaphore_mem>>) src(%dma_wait3A_223 : memref<327680x128xf32, #tpu.memory_space<hbm>>) dst(%dma_wait3A_217 : memref<64x128xf32, #tpu.memory_space<vmem>>)
      %dma_start3A_224 = arith.constant 5 : i32
      %dma_start3A_225 = arith.constant 0 : i32
      %dma_start3A_226 = arith.constant 0 : i32
      %dma_start3A_227 = tpu.memref_slice %arg11[%dma_start3A_225, %dma_start3A_226] : memref<128x128xf32, #tpu.memory_space<vmem>> -> memref<64x128xf32, #tpu.memory_space<vmem>>
      %dma_start3A_228 = arith.constant 0 : i32
      %dma_start3A_229 = tpu.memref_slice %arg8[%dma_start3A_224, %dma_start3A_228] : memref<8x128xi32, #tpu.memory_space<vmem>> -> memref<1x64xi32, #tpu.memory_space<vmem>>
      %dma_start3A_230 = tpu.memref_squeeze %dma_start3A_229 : memref<1x64xi32, #tpu.memory_space<vmem>> -> memref<64xi32, #tpu.memory_space<vmem>>
      %dma_start3A_231 = arith.constant 0 : i32
      %dma_start3A_232 = arith.constant 0 : i32
      %dma_start3A_233 = tpu.memref_slice %arg2[%dma_start3A_231, %dma_start3A_232] : memref<327680x128xf32, #tpu.memory_space<hbm>> -> memref<327680x128xf32, #tpu.memory_space<hbm>>
      tpu.enqueue_indirect_dma source(%dma_start3A_233 : memref<327680x128xf32, #tpu.memory_space<hbm>>) target(%dma_start3A_227 : memref<64x128xf32, #tpu.memory_space<vmem>>) offsets(%dma_start3A_230 : memref<64xi32, #tpu.memory_space<vmem>>) semaphore(%arg13 : memref<!tpu.dma_semaphore, #tpu.memory_space<semaphore_mem>>)
      %dma_start3A_234 = arith.constant 5 : i32
      %dma_start3A_235 = arith.constant 64 : i32
      %dma_start3A_236 = arith.constant 0 : i32
      %dma_start3A_237 = tpu.memref_slice %arg11[%dma_start3A_235, %dma_start3A_236] : memref<128x128xf32, #tpu.memory_space<vmem>> -> memref<64x128xf32, #tpu.memory_space<vmem>>
      %dma_start3A_238 = arith.constant 64 : i32
      %dma_start3A_239 = tpu.memref_slice %arg8[%dma_start3A_234, %dma_start3A_238] : memref<8x128xi32, #tpu.memory_space<vmem>> -> memref<1x64xi32, #tpu.memory_space<vmem>>
      %dma_start3A_240 = tpu.memref_squeeze %dma_start3A_239 : memref<1x64xi32, #tpu.memory_space<vmem>> -> memref<64xi32, #tpu.memory_space<vmem>>
      %dma_start3A_241 = arith.constant 0 : i32
      %dma_start3A_242 = arith.constant 0 : i32
      %dma_start3A_243 = tpu.memref_slice %arg2[%dma_start3A_241, %dma_start3A_242] : memref<327680x128xf32, #tpu.memory_space<hbm>> -> memref<327680x128xf32, #tpu.memory_space<hbm>>
      tpu.enqueue_indirect_dma source(%dma_start3A_243 : memref<327680x128xf32, #tpu.memory_space<hbm>>) target(%dma_start3A_237 : memref<64x128xf32, #tpu.memory_space<vmem>>) offsets(%dma_start3A_240 : memref<64xi32, #tpu.memory_space<vmem>>) semaphore(%arg13 : memref<!tpu.dma_semaphore, #tpu.memory_space<semaphore_mem>>)
      %run_scoped3A_244 = arith.constant 4 : i32
      "tpu.region"() ({
        %run_scoped3A_349 = tpu.sem_alloc : memref<!tpu.dma_semaphore, #tpu.memory_space<semaphore_mem>>
        %dma_start3A_350 = arith.constant 0 : i32
        %dma_start3A_351 = tpu.memref_slice %arg9[%run_scoped3A_244, %dma_start3A_350] : memref<8x128xi32, #tpu.memory_space<vmem>> -> memref<1x128xi32, #tpu.memory_space<vmem>>
        %dma_start3A_352 = tpu.memref_squeeze %dma_start3A_351 : memref<1x128xi32, #tpu.memory_space<vmem>> -> memref<128xi32, #tpu.memory_space<vmem>>
        %dma_start3A_353 = arith.constant 0 : i32
        %dma_start3A_354 = arith.constant 0 : i32
        %dma_start3A_355 = tpu.memref_slice %arg7[%dma_start3A_353, %dma_start3A_354] : memref<10112x128xf32, #tpu.memory_space<vmem_shared>> -> memref<10112x128xf32, #tpu.memory_space<vmem_shared>>
        tpu.enqueue_indirect_dma source(%arg10 : memref<128x128xf32, #tpu.memory_space<vmem>>) target(%dma_start3A_355 : memref<10112x128xf32, #tpu.memory_space<vmem_shared>>) offsets(%dma_start3A_352 : memref<128xi32, #tpu.memory_space<vmem>>) semaphore(%run_scoped3A_349 : memref<!tpu.dma_semaphore, #tpu.memory_space<semaphore_mem>>) {add = true}
        %dma_wait3A_356 = arith.constant 0 : i32
        %dma_wait3A_357 = tpu.memref_slice %arg9[%run_scoped3A_244, %dma_wait3A_356] : memref<8x128xi32, #tpu.memory_space<vmem>> -> memref<1x128xi32, #tpu.memory_space<vmem>>
        %dma_wait3A_358 = tpu.memref_squeeze %dma_wait3A_357 : memref<1x128xi32, #tpu.memory_space<vmem>> -> memref<128xi32, #tpu.memory_space<vmem>>
        %dma_wait3A_359 = arith.constant 0 : i32
        %dma_wait3A_360 = arith.constant 0 : i32
        %dma_wait3A_361 = tpu.memref_slice %arg7[%dma_wait3A_359, %dma_wait3A_360] : memref<10112x128xf32, #tpu.memory_space<vmem_shared>> -> memref<10112x128xf32, #tpu.memory_space<vmem_shared>>
        tpu.wait_indirect_dma semaphore(%run_scoped3A_349 : memref<!tpu.dma_semaphore, #tpu.memory_space<semaphore_mem>>) src(%arg10 : memref<128x128xf32, #tpu.memory_space<vmem>>) dst(%dma_wait3A_361 : memref<10112x128xf32, #tpu.memory_space<vmem_shared>>)
        tpu.yield
      }) : () -> ()
      %dma_wait3A_245 = arith.constant 5 : i32
      %dma_wait3A_246 = arith.constant 0 : i32
      %dma_wait3A_247 = arith.constant 0 : i32
      %dma_wait3A_248 = tpu.memref_slice %arg11[%dma_wait3A_246, %dma_wait3A_247] : memref<128x128xf32, #tpu.memory_space<vmem>> -> memref<64x128xf32, #tpu.memory_space<vmem>>
      %dma_wait3A_249 = arith.constant 0 : i32
      %dma_wait3A_250 = tpu.memref_slice %arg8[%dma_wait3A_245, %dma_wait3A_249] : memref<8x128xi32, #tpu.memory_space<vmem>> -> memref<1x64xi32, #tpu.memory_space<vmem>>
      %dma_wait3A_251 = tpu.memref_squeeze %dma_wait3A_250 : memref<1x64xi32, #tpu.memory_space<vmem>> -> memref<64xi32, #tpu.memory_space<vmem>>
      %dma_wait3A_252 = arith.constant 0 : i32
      %dma_wait3A_253 = arith.constant 0 : i32
      %dma_wait3A_254 = tpu.memref_slice %arg2[%dma_wait3A_252, %dma_wait3A_253] : memref<327680x128xf32, #tpu.memory_space<hbm>> -> memref<327680x128xf32, #tpu.memory_space<hbm>>
      tpu.wait_indirect_dma semaphore(%arg13 : memref<!tpu.dma_semaphore, #tpu.memory_space<semaphore_mem>>) src(%dma_wait3A_254 : memref<327680x128xf32, #tpu.memory_space<hbm>>) dst(%dma_wait3A_248 : memref<64x128xf32, #tpu.memory_space<vmem>>)
      %dma_wait3A_255 = arith.constant 5 : i32
      %dma_wait3A_256 = arith.constant 64 : i32
      %dma_wait3A_257 = arith.constant 0 : i32
      %dma_wait3A_258 = tpu.memref_slice %arg11[%dma_wait3A_256, %dma_wait3A_257] : memref<128x128xf32, #tpu.memory_space<vmem>> -> memref<64x128xf32, #tpu.memory_space<vmem>>
      %dma_wait3A_259 = arith.constant 64 : i32
      %dma_wait3A_260 = tpu.memref_slice %arg8[%dma_wait3A_255, %dma_wait3A_259] : memref<8x128xi32, #tpu.memory_space<vmem>> -> memref<1x64xi32, #tpu.memory_space<vmem>>
      %dma_wait3A_261 = tpu.memref_squeeze %dma_wait3A_260 : memref<1x64xi32, #tpu.memory_space<vmem>> -> memref<64xi32, #tpu.memory_space<vmem>>
      %dma_wait3A_262 = arith.constant 0 : i32
      %dma_wait3A_263 = arith.constant 0 : i32
      %dma_wait3A_264 = tpu.memref_slice %arg2[%dma_wait3A_262, %dma_wait3A_263] : memref<327680x128xf32, #tpu.memory_space<hbm>> -> memref<327680x128xf32, #tpu.memory_space<hbm>>
      tpu.wait_indirect_dma semaphore(%arg13 : memref<!tpu.dma_semaphore, #tpu.memory_space<semaphore_mem>>) src(%dma_wait3A_264 : memref<327680x128xf32, #tpu.memory_space<hbm>>) dst(%dma_wait3A_258 : memref<64x128xf32, #tpu.memory_space<vmem>>)
      %dma_start3A_265 = arith.constant 6 : i32
      %dma_start3A_266 = arith.constant 0 : i32
      %dma_start3A_267 = arith.constant 0 : i32
      %dma_start3A_268 = tpu.memref_slice %arg10[%dma_start3A_266, %dma_start3A_267] : memref<128x128xf32, #tpu.memory_space<vmem>> -> memref<64x128xf32, #tpu.memory_space<vmem>>
      %dma_start3A_269 = arith.constant 0 : i32
      %dma_start3A_270 = tpu.memref_slice %arg8[%dma_start3A_265, %dma_start3A_269] : memref<8x128xi32, #tpu.memory_space<vmem>> -> memref<1x64xi32, #tpu.memory_space<vmem>>
      %dma_start3A_271 = tpu.memref_squeeze %dma_start3A_270 : memref<1x64xi32, #tpu.memory_space<vmem>> -> memref<64xi32, #tpu.memory_space<vmem>>
      %dma_start3A_272 = arith.constant 0 : i32
      %dma_start3A_273 = arith.constant 0 : i32
      %dma_start3A_274 = tpu.memref_slice %arg2[%dma_start3A_272, %dma_start3A_273] : memref<327680x128xf32, #tpu.memory_space<hbm>> -> memref<327680x128xf32, #tpu.memory_space<hbm>>
      tpu.enqueue_indirect_dma source(%dma_start3A_274 : memref<327680x128xf32, #tpu.memory_space<hbm>>) target(%dma_start3A_268 : memref<64x128xf32, #tpu.memory_space<vmem>>) offsets(%dma_start3A_271 : memref<64xi32, #tpu.memory_space<vmem>>) semaphore(%arg12 : memref<!tpu.dma_semaphore, #tpu.memory_space<semaphore_mem>>)
      %dma_start3A_275 = arith.constant 6 : i32
      %dma_start3A_276 = arith.constant 64 : i32
      %dma_start3A_277 = arith.constant 0 : i32
      %dma_start3A_278 = tpu.memref_slice %arg10[%dma_start3A_276, %dma_start3A_277] : memref<128x128xf32, #tpu.memory_space<vmem>> -> memref<64x128xf32, #tpu.memory_space<vmem>>
      %dma_start3A_279 = arith.constant 64 : i32
      %dma_start3A_280 = tpu.memref_slice %arg8[%dma_start3A_275, %dma_start3A_279] : memref<8x128xi32, #tpu.memory_space<vmem>> -> memref<1x64xi32, #tpu.memory_space<vmem>>
      %dma_start3A_281 = tpu.memref_squeeze %dma_start3A_280 : memref<1x64xi32, #tpu.memory_space<vmem>> -> memref<64xi32, #tpu.memory_space<vmem>>
      %dma_start3A_282 = arith.constant 0 : i32
      %dma_start3A_283 = arith.constant 0 : i32
      %dma_start3A_284 = tpu.memref_slice %arg2[%dma_start3A_282, %dma_start3A_283] : memref<327680x128xf32, #tpu.memory_space<hbm>> -> memref<327680x128xf32, #tpu.memory_space<hbm>>
      tpu.enqueue_indirect_dma source(%dma_start3A_284 : memref<327680x128xf32, #tpu.memory_space<hbm>>) target(%dma_start3A_278 : memref<64x128xf32, #tpu.memory_space<vmem>>) offsets(%dma_start3A_281 : memref<64xi32, #tpu.memory_space<vmem>>) semaphore(%arg12 : memref<!tpu.dma_semaphore, #tpu.memory_space<semaphore_mem>>)
      %run_scoped3A_285 = arith.constant 5 : i32
      "tpu.region"() ({
        %run_scoped3A_349 = tpu.sem_alloc : memref<!tpu.dma_semaphore, #tpu.memory_space<semaphore_mem>>
        %dma_start3A_350 = arith.constant 0 : i32
        %dma_start3A_351 = tpu.memref_slice %arg9[%run_scoped3A_285, %dma_start3A_350] : memref<8x128xi32, #tpu.memory_space<vmem>> -> memref<1x128xi32, #tpu.memory_space<vmem>>
        %dma_start3A_352 = tpu.memref_squeeze %dma_start3A_351 : memref<1x128xi32, #tpu.memory_space<vmem>> -> memref<128xi32, #tpu.memory_space<vmem>>
        %dma_start3A_353 = arith.constant 0 : i32
        %dma_start3A_354 = arith.constant 0 : i32
        %dma_start3A_355 = tpu.memref_slice %arg7[%dma_start3A_353, %dma_start3A_354] : memref<10112x128xf32, #tpu.memory_space<vmem_shared>> -> memref<10112x128xf32, #tpu.memory_space<vmem_shared>>
        tpu.enqueue_indirect_dma source(%arg11 : memref<128x128xf32, #tpu.memory_space<vmem>>) target(%dma_start3A_355 : memref<10112x128xf32, #tpu.memory_space<vmem_shared>>) offsets(%dma_start3A_352 : memref<128xi32, #tpu.memory_space<vmem>>) semaphore(%run_scoped3A_349 : memref<!tpu.dma_semaphore, #tpu.memory_space<semaphore_mem>>) {add = true}
        %dma_wait3A_356 = arith.constant 0 : i32
        %dma_wait3A_357 = tpu.memref_slice %arg9[%run_scoped3A_285, %dma_wait3A_356] : memref<8x128xi32, #tpu.memory_space<vmem>> -> memref<1x128xi32, #tpu.memory_space<vmem>>
        %dma_wait3A_358 = tpu.memref_squeeze %dma_wait3A_357 : memref<1x128xi32, #tpu.memory_space<vmem>> -> memref<128xi32, #tpu.memory_space<vmem>>
        %dma_wait3A_359 = arith.constant 0 : i32
        %dma_wait3A_360 = arith.constant 0 : i32
        %dma_wait3A_361 = tpu.memref_slice %arg7[%dma_wait3A_359, %dma_wait3A_360] : memref<10112x128xf32, #tpu.memory_space<vmem_shared>> -> memref<10112x128xf32, #tpu.memory_space<vmem_shared>>
        tpu.wait_indirect_dma semaphore(%run_scoped3A_349 : memref<!tpu.dma_semaphore, #tpu.memory_space<semaphore_mem>>) src(%arg11 : memref<128x128xf32, #tpu.memory_space<vmem>>) dst(%dma_wait3A_361 : memref<10112x128xf32, #tpu.memory_space<vmem_shared>>)
        tpu.yield
      }) : () -> ()
      %dma_wait3A_286 = arith.constant 6 : i32
      %dma_wait3A_287 = arith.constant 0 : i32
      %dma_wait3A_288 = arith.constant 0 : i32
      %dma_wait3A_289 = tpu.memref_slice %arg10[%dma_wait3A_287, %dma_wait3A_288] : memref<128x128xf32, #tpu.memory_space<vmem>> -> memref<64x128xf32, #tpu.memory_space<vmem>>
      %dma_wait3A_290 = arith.constant 0 : i32
      %dma_wait3A_291 = tpu.memref_slice %arg8[%dma_wait3A_286, %dma_wait3A_290] : memref<8x128xi32, #tpu.memory_space<vmem>> -> memref<1x64xi32, #tpu.memory_space<vmem>>
      %dma_wait3A_292 = tpu.memref_squeeze %dma_wait3A_291 : memref<1x64xi32, #tpu.memory_space<vmem>> -> memref<64xi32, #tpu.memory_space<vmem>>
      %dma_wait3A_293 = arith.constant 0 : i32
      %dma_wait3A_294 = arith.constant 0 : i32
      %dma_wait3A_295 = tpu.memref_slice %arg2[%dma_wait3A_293, %dma_wait3A_294] : memref<327680x128xf32, #tpu.memory_space<hbm>> -> memref<327680x128xf32, #tpu.memory_space<hbm>>
      tpu.wait_indirect_dma semaphore(%arg12 : memref<!tpu.dma_semaphore, #tpu.memory_space<semaphore_mem>>) src(%dma_wait3A_295 : memref<327680x128xf32, #tpu.memory_space<hbm>>) dst(%dma_wait3A_289 : memref<64x128xf32, #tpu.memory_space<vmem>>)
      %dma_wait3A_296 = arith.constant 6 : i32
      %dma_wait3A_297 = arith.constant 64 : i32
      %dma_wait3A_298 = arith.constant 0 : i32
      %dma_wait3A_299 = tpu.memref_slice %arg10[%dma_wait3A_297, %dma_wait3A_298] : memref<128x128xf32, #tpu.memory_space<vmem>> -> memref<64x128xf32, #tpu.memory_space<vmem>>
      %dma_wait3A_300 = arith.constant 64 : i32
      %dma_wait3A_301 = tpu.memref_slice %arg8[%dma_wait3A_296, %dma_wait3A_300] : memref<8x128xi32, #tpu.memory_space<vmem>> -> memref<1x64xi32, #tpu.memory_space<vmem>>
      %dma_wait3A_302 = tpu.memref_squeeze %dma_wait3A_301 : memref<1x64xi32, #tpu.memory_space<vmem>> -> memref<64xi32, #tpu.memory_space<vmem>>
      %dma_wait3A_303 = arith.constant 0 : i32
      %dma_wait3A_304 = arith.constant 0 : i32
      %dma_wait3A_305 = tpu.memref_slice %arg2[%dma_wait3A_303, %dma_wait3A_304] : memref<327680x128xf32, #tpu.memory_space<hbm>> -> memref<327680x128xf32, #tpu.memory_space<hbm>>
      tpu.wait_indirect_dma semaphore(%arg12 : memref<!tpu.dma_semaphore, #tpu.memory_space<semaphore_mem>>) src(%dma_wait3A_305 : memref<327680x128xf32, #tpu.memory_space<hbm>>) dst(%dma_wait3A_299 : memref<64x128xf32, #tpu.memory_space<vmem>>)
      %dma_start3A_306 = arith.constant 7 : i32
      %dma_start3A_307 = arith.constant 0 : i32
      %dma_start3A_308 = arith.constant 0 : i32
      %dma_start3A_309 = tpu.memref_slice %arg11[%dma_start3A_307, %dma_start3A_308] : memref<128x128xf32, #tpu.memory_space<vmem>> -> memref<64x128xf32, #tpu.memory_space<vmem>>
      %dma_start3A_310 = arith.constant 0 : i32
      %dma_start3A_311 = tpu.memref_slice %arg8[%dma_start3A_306, %dma_start3A_310] : memref<8x128xi32, #tpu.memory_space<vmem>> -> memref<1x64xi32, #tpu.memory_space<vmem>>
      %dma_start3A_312 = tpu.memref_squeeze %dma_start3A_311 : memref<1x64xi32, #tpu.memory_space<vmem>> -> memref<64xi32, #tpu.memory_space<vmem>>
      %dma_start3A_313 = arith.constant 0 : i32
      %dma_start3A_314 = arith.constant 0 : i32
      %dma_start3A_315 = tpu.memref_slice %arg2[%dma_start3A_313, %dma_start3A_314] : memref<327680x128xf32, #tpu.memory_space<hbm>> -> memref<327680x128xf32, #tpu.memory_space<hbm>>
      tpu.enqueue_indirect_dma source(%dma_start3A_315 : memref<327680x128xf32, #tpu.memory_space<hbm>>) target(%dma_start3A_309 : memref<64x128xf32, #tpu.memory_space<vmem>>) offsets(%dma_start3A_312 : memref<64xi32, #tpu.memory_space<vmem>>) semaphore(%arg13 : memref<!tpu.dma_semaphore, #tpu.memory_space<semaphore_mem>>)
      %dma_start3A_316 = arith.constant 7 : i32
      %dma_start3A_317 = arith.constant 64 : i32
      %dma_start3A_318 = arith.constant 0 : i32
      %dma_start3A_319 = tpu.memref_slice %arg11[%dma_start3A_317, %dma_start3A_318] : memref<128x128xf32, #tpu.memory_space<vmem>> -> memref<64x128xf32, #tpu.memory_space<vmem>>
      %dma_start3A_320 = arith.constant 64 : i32
      %dma_start3A_321 = tpu.memref_slice %arg8[%dma_start3A_316, %dma_start3A_320] : memref<8x128xi32, #tpu.memory_space<vmem>> -> memref<1x64xi32, #tpu.memory_space<vmem>>
      %dma_start3A_322 = tpu.memref_squeeze %dma_start3A_321 : memref<1x64xi32, #tpu.memory_space<vmem>> -> memref<64xi32, #tpu.memory_space<vmem>>
      %dma_start3A_323 = arith.constant 0 : i32
      %dma_start3A_324 = arith.constant 0 : i32
      %dma_start3A_325 = tpu.memref_slice %arg2[%dma_start3A_323, %dma_start3A_324] : memref<327680x128xf32, #tpu.memory_space<hbm>> -> memref<327680x128xf32, #tpu.memory_space<hbm>>
      tpu.enqueue_indirect_dma source(%dma_start3A_325 : memref<327680x128xf32, #tpu.memory_space<hbm>>) target(%dma_start3A_319 : memref<64x128xf32, #tpu.memory_space<vmem>>) offsets(%dma_start3A_322 : memref<64xi32, #tpu.memory_space<vmem>>) semaphore(%arg13 : memref<!tpu.dma_semaphore, #tpu.memory_space<semaphore_mem>>)
      %run_scoped3A_326 = arith.constant 6 : i32
      "tpu.region"() ({
        %run_scoped3A_349 = tpu.sem_alloc : memref<!tpu.dma_semaphore, #tpu.memory_space<semaphore_mem>>
        %dma_start3A_350 = arith.constant 0 : i32
        %dma_start3A_351 = tpu.memref_slice %arg9[%run_scoped3A_326, %dma_start3A_350] : memref<8x128xi32, #tpu.memory_space<vmem>> -> memref<1x128xi32, #tpu.memory_space<vmem>>
        %dma_start3A_352 = tpu.memref_squeeze %dma_start3A_351 : memref<1x128xi32, #tpu.memory_space<vmem>> -> memref<128xi32, #tpu.memory_space<vmem>>
        %dma_start3A_353 = arith.constant 0 : i32
        %dma_start3A_354 = arith.constant 0 : i32
        %dma_start3A_355 = tpu.memref_slice %arg7[%dma_start3A_353, %dma_start3A_354] : memref<10112x128xf32, #tpu.memory_space<vmem_shared>> -> memref<10112x128xf32, #tpu.memory_space<vmem_shared>>
        tpu.enqueue_indirect_dma source(%arg10 : memref<128x128xf32, #tpu.memory_space<vmem>>) target(%dma_start3A_355 : memref<10112x128xf32, #tpu.memory_space<vmem_shared>>) offsets(%dma_start3A_352 : memref<128xi32, #tpu.memory_space<vmem>>) semaphore(%run_scoped3A_349 : memref<!tpu.dma_semaphore, #tpu.memory_space<semaphore_mem>>) {add = true}
        %dma_wait3A_356 = arith.constant 0 : i32
        %dma_wait3A_357 = tpu.memref_slice %arg9[%run_scoped3A_326, %dma_wait3A_356] : memref<8x128xi32, #tpu.memory_space<vmem>> -> memref<1x128xi32, #tpu.memory_space<vmem>>
        %dma_wait3A_358 = tpu.memref_squeeze %dma_wait3A_357 : memref<1x128xi32, #tpu.memory_space<vmem>> -> memref<128xi32, #tpu.memory_space<vmem>>
        %dma_wait3A_359 = arith.constant 0 : i32
        %dma_wait3A_360 = arith.constant 0 : i32
        %dma_wait3A_361 = tpu.memref_slice %arg7[%dma_wait3A_359, %dma_wait3A_360] : memref<10112x128xf32, #tpu.memory_space<vmem_shared>> -> memref<10112x128xf32, #tpu.memory_space<vmem_shared>>
        tpu.wait_indirect_dma semaphore(%run_scoped3A_349 : memref<!tpu.dma_semaphore, #tpu.memory_space<semaphore_mem>>) src(%arg10 : memref<128x128xf32, #tpu.memory_space<vmem>>) dst(%dma_wait3A_361 : memref<10112x128xf32, #tpu.memory_space<vmem_shared>>)
        tpu.yield
      }) : () -> ()
      %dma_wait3A_327 = arith.constant 7 : i32
      %dma_wait3A_328 = arith.constant 0 : i32
      %dma_wait3A_329 = arith.constant 0 : i32
      %dma_wait3A_330 = tpu.memref_slice %arg11[%dma_wait3A_328, %dma_wait3A_329] : memref<128x128xf32, #tpu.memory_space<vmem>> -> memref<64x128xf32, #tpu.memory_space<vmem>>
      %dma_wait3A_331 = arith.constant 0 : i32
      %dma_wait3A_332 = tpu.memref_slice %arg8[%dma_wait3A_327, %dma_wait3A_331] : memref<8x128xi32, #tpu.memory_space<vmem>> -> memref<1x64xi32, #tpu.memory_space<vmem>>
      %dma_wait3A_333 = tpu.memref_squeeze %dma_wait3A_332 : memref<1x64xi32, #tpu.memory_space<vmem>> -> memref<64xi32, #tpu.memory_space<vmem>>
      %dma_wait3A_334 = arith.constant 0 : i32
      %dma_wait3A_335 = arith.constant 0 : i32
      %dma_wait3A_336 = tpu.memref_slice %arg2[%dma_wait3A_334, %dma_wait3A_335] : memref<327680x128xf32, #tpu.memory_space<hbm>> -> memref<327680x128xf32, #tpu.memory_space<hbm>>
      tpu.wait_indirect_dma semaphore(%arg13 : memref<!tpu.dma_semaphore, #tpu.memory_space<semaphore_mem>>) src(%dma_wait3A_336 : memref<327680x128xf32, #tpu.memory_space<hbm>>) dst(%dma_wait3A_330 : memref<64x128xf32, #tpu.memory_space<vmem>>)
      %dma_wait3A_337 = arith.constant 7 : i32
      %dma_wait3A_338 = arith.constant 64 : i32
      %dma_wait3A_339 = arith.constant 0 : i32
      %dma_wait3A_340 = tpu.memref_slice %arg11[%dma_wait3A_338, %dma_wait3A_339] : memref<128x128xf32, #tpu.memory_space<vmem>> -> memref<64x128xf32, #tpu.memory_space<vmem>>
      %dma_wait3A_341 = arith.constant 64 : i32
      %dma_wait3A_342 = tpu.memref_slice %arg8[%dma_wait3A_337, %dma_wait3A_341] : memref<8x128xi32, #tpu.memory_space<vmem>> -> memref<1x64xi32, #tpu.memory_space<vmem>>
      %dma_wait3A_343 = tpu.memref_squeeze %dma_wait3A_342 : memref<1x64xi32, #tpu.memory_space<vmem>> -> memref<64xi32, #tpu.memory_space<vmem>>
      %dma_wait3A_344 = arith.constant 0 : i32
      %dma_wait3A_345 = arith.constant 0 : i32
      %dma_wait3A_346 = tpu.memref_slice %arg2[%dma_wait3A_344, %dma_wait3A_345] : memref<327680x128xf32, #tpu.memory_space<hbm>> -> memref<327680x128xf32, #tpu.memory_space<hbm>>
      tpu.wait_indirect_dma semaphore(%arg13 : memref<!tpu.dma_semaphore, #tpu.memory_space<semaphore_mem>>) src(%dma_wait3A_346 : memref<327680x128xf32, #tpu.memory_space<hbm>>) dst(%dma_wait3A_340 : memref<64x128xf32, #tpu.memory_space<vmem>>)
      %run_scoped3A_347 = arith.constant 7 : i32
      "tpu.region"() ({
        %run_scoped3A_349 = tpu.sem_alloc : memref<!tpu.dma_semaphore, #tpu.memory_space<semaphore_mem>>
        %dma_start3A_350 = arith.constant 0 : i32
        %dma_start3A_351 = tpu.memref_slice %arg9[%run_scoped3A_347, %dma_start3A_350] : memref<8x128xi32, #tpu.memory_space<vmem>> -> memref<1x128xi32, #tpu.memory_space<vmem>>
        %dma_start3A_352 = tpu.memref_squeeze %dma_start3A_351 : memref<1x128xi32, #tpu.memory_space<vmem>> -> memref<128xi32, #tpu.memory_space<vmem>>
        %dma_start3A_353 = arith.constant 0 : i32
        %dma_start3A_354 = arith.constant 0 : i32
        %dma_start3A_355 = tpu.memref_slice %arg7[%dma_start3A_353, %dma_start3A_354] : memref<10112x128xf32, #tpu.memory_space<vmem_shared>> -> memref<10112x128xf32, #tpu.memory_space<vmem_shared>>
        tpu.enqueue_indirect_dma source(%arg11 : memref<128x128xf32, #tpu.memory_space<vmem>>) target(%dma_start3A_355 : memref<10112x128xf32, #tpu.memory_space<vmem_shared>>) offsets(%dma_start3A_352 : memref<128xi32, #tpu.memory_space<vmem>>) semaphore(%run_scoped3A_349 : memref<!tpu.dma_semaphore, #tpu.memory_space<semaphore_mem>>) {add = true}
        %dma_wait3A_356 = arith.constant 0 : i32
        %dma_wait3A_357 = tpu.memref_slice %arg9[%run_scoped3A_347, %dma_wait3A_356] : memref<8x128xi32, #tpu.memory_space<vmem>> -> memref<1x128xi32, #tpu.memory_space<vmem>>
        %dma_wait3A_358 = tpu.memref_squeeze %dma_wait3A_357 : memref<1x128xi32, #tpu.memory_space<vmem>> -> memref<128xi32, #tpu.memory_space<vmem>>
        %dma_wait3A_359 = arith.constant 0 : i32
        %dma_wait3A_360 = arith.constant 0 : i32
        %dma_wait3A_361 = tpu.memref_slice %arg7[%dma_wait3A_359, %dma_wait3A_360] : memref<10112x128xf32, #tpu.memory_space<vmem_shared>> -> memref<10112x128xf32, #tpu.memory_space<vmem_shared>>
        tpu.wait_indirect_dma semaphore(%run_scoped3A_349 : memref<!tpu.dma_semaphore, #tpu.memory_space<semaphore_mem>>) src(%arg11 : memref<128x128xf32, #tpu.memory_space<vmem>>) dst(%dma_wait3A_361 : memref<10112x128xf32, #tpu.memory_space<vmem_shared>>)
        tpu.yield
      }) : () -> ()
      %scan3A_348 = arith.constant 0 : i32
      scf.yield %scan3A_348 : i32
    }
    %scan3A_8 = arith.constant 10 : i32
    %barrier3A_9 = arith.constant 0 : index
    tpu.barrier barrier_id(%barrier3A_9)
    %mul3A_10 = arith.constant 624 : i32
    %mul3A_11 = arith.muli %arg1, %mul3A_10 : i32
    %mul3A_12 = arith.constant 624 : i32
    %mul3A_13 = arith.muli %arg1, %mul3A_12 : i32
    "tpu.region"() ({
      %run_scoped3A = tpu.sem_alloc : memref<!tpu.dma_semaphore, #tpu.memory_space<semaphore_mem>>
      %dma_start3A = arith.constant 0 : i32
      %dma_start3A_16 = tpu.memref_slice %arg6[%arg0, %mul3A_13, %dma_start3A] : memref<2x10000x128xf32, #tpu.memory_space<hbm>> -> memref<1x624x128xf32, #tpu.memory_space<hbm>>
      %dma_start3A_17 = tpu.memref_squeeze %dma_start3A_16 : memref<1x624x128xf32, #tpu.memory_space<hbm>> -> memref<624x128xf32, #tpu.memory_space<hbm>>
      %dma_start3A_18 = arith.constant 0 : i32
      %dma_start3A_19 = tpu.memref_slice %arg7[%mul3A_11, %dma_start3A_18] : memref<10112x128xf32, #tpu.memory_space<vmem_shared>> -> memref<624x128xf32, #tpu.memory_space<vmem_shared>>
      tpu.enqueue_dma source(%dma_start3A_19 : memref<624x128xf32, #tpu.memory_space<vmem_shared>>) target(%dma_start3A_17 : memref<624x128xf32, #tpu.memory_space<hbm>>) target_semaphore(%run_scoped3A : memref<!tpu.dma_semaphore, #tpu.memory_space<semaphore_mem>>)
      %dma_wait3A = arith.constant 0 : i32
      %dma_wait3A_20 = tpu.memref_slice %arg6[%arg0, %mul3A_13, %dma_wait3A] : memref<2x10000x128xf32, #tpu.memory_space<hbm>> -> memref<1x624x128xf32, #tpu.memory_space<hbm>>
      %dma_wait3A_21 = tpu.memref_squeeze %dma_wait3A_20 : memref<1x624x128xf32, #tpu.memory_space<hbm>> -> memref<624x128xf32, #tpu.memory_space<hbm>>
      %dma_wait3A_22 = arith.constant 0 : i32
      %dma_wait3A_23 = tpu.memref_slice %arg7[%mul3A_11, %dma_wait3A_22] : memref<10112x128xf32, #tpu.memory_space<vmem_shared>> -> memref<624x128xf32, #tpu.memory_space<vmem_shared>>
      tpu.wait_dma2 semaphore(%run_scoped3A : memref<!tpu.dma_semaphore, #tpu.memory_space<semaphore_mem>>) src(%dma_wait3A_23 : memref<624x128xf32, #tpu.memory_space<vmem_shared>>) dst(%dma_wait3A_21 : memref<624x128xf32, #tpu.memory_space<hbm>>)
      tpu.yield
    }) : () -> ()
    %eq3A = arith.constant 15 : i32
    %eq3A_14 = arith.cmpi eq, %arg1, %eq3A : i32
    %convert_element_type3A = arith.extui %eq3A_14 : i1 to i32
    %cond3A = arith.constant 0 : i32
    %cond3A_15 = arith.cmpi ne, %convert_element_type3A, %cond3A : i32
    scf.if %cond3A_15 {
      "tpu.region"() ({
        %run_scoped3A = tpu.sem_alloc : memref<!tpu.dma_semaphore, #tpu.memory_space<semaphore_mem>>
        %dma_start3A = arith.constant 9984 : i32
        %dma_start3A_16 = arith.constant 0 : i32
        %dma_start3A_17 = tpu.memref_slice %arg6[%arg0, %dma_start3A, %dma_start3A_16] : memref<2x10000x128xf32, #tpu.memory_space<hbm>> -> memref<1x16x128xf32, #tpu.memory_space<hbm>>
        %dma_start3A_18 = tpu.memref_squeeze %dma_start3A_17 : memref<1x16x128xf32, #tpu.memory_space<hbm>> -> memref<16x128xf32, #tpu.memory_space<hbm>>
        %dma_start3A_19 = arith.constant 9984 : i32
        %dma_start3A_20 = arith.constant 0 : i32
        %dma_start3A_21 = tpu.memref_slice %arg7[%dma_start3A_19, %dma_start3A_20] : memref<10112x128xf32, #tpu.memory_space<vmem_shared>> -> memref<16x128xf32, #tpu.memory_space<vmem_shared>>
        tpu.enqueue_dma source(%dma_start3A_21 : memref<16x128xf32, #tpu.memory_space<vmem_shared>>) target(%dma_start3A_18 : memref<16x128xf32, #tpu.memory_space<hbm>>) target_semaphore(%run_scoped3A : memref<!tpu.dma_semaphore, #tpu.memory_space<semaphore_mem>>)
        %dma_wait3A = arith.constant 9984 : i32
        %dma_wait3A_22 = arith.constant 0 : i32
        %dma_wait3A_23 = tpu.memref_slice %arg6[%arg0, %dma_wait3A, %dma_wait3A_22] : memref<2x10000x128xf32, #tpu.memory_space<hbm>> -> memref<1x16x128xf32, #tpu.memory_space<hbm>>
        %dma_wait3A_24 = tpu.memref_squeeze %dma_wait3A_23 : memref<1x16x128xf32, #tpu.memory_space<hbm>> -> memref<16x128xf32, #tpu.memory_space<hbm>>
        %dma_wait3A_25 = arith.constant 9984 : i32
        %dma_wait3A_26 = arith.constant 0 : i32
        %dma_wait3A_27 = tpu.memref_slice %arg7[%dma_wait3A_25, %dma_wait3A_26] : memref<10112x128xf32, #tpu.memory_space<vmem_shared>> -> memref<16x128xf32, #tpu.memory_space<vmem_shared>>
        tpu.wait_dma2 semaphore(%run_scoped3A : memref<!tpu.dma_semaphore, #tpu.memory_space<semaphore_mem>>) src(%dma_wait3A_27 : memref<16x128xf32, #tpu.memory_space<vmem_shared>>) dst(%dma_wait3A_24 : memref<16x128xf32, #tpu.memory_space<hbm>>)
        tpu.yield
      }) : () -> ()
    } else {
    }
    return
  }
}

#map = affine_map<(d0, d1) -> (0, 0)>
#map1 = affine_map<(d0, d1) -> (0, 0, 0)>
module attributes {stable_mosaic.version = 14 : i64} {
  func.func @body(%arg0: i32, %arg1: i32, %arg2: memref<20000x128xf32, #tpu.memory_space<hbm>>, %arg3: memref<2x2560x128xi32, #tpu.memory_space<hbm>>, %arg4: memref<2560x128xi32, #tpu.memory_space<hbm>>, %arg5: memref<632x128xf32, #tpu.memory_space<hbm>>, %arg6: memref<2x10000x128xf32, #tpu.memory_space<hbm>>, %arg7: memref<10112x128xf32, #tpu.memory_space<vmem_shared>>, %arg8: memref<8x128xi32, #tpu.memory_space<vmem>>, %arg9: memref<8x128xi32, #tpu.memory_space<vmem>>, %arg10: memref<128x128xf32, #tpu.memory_space<vmem>>, %arg11: memref<128x128xf32, #tpu.memory_space<vmem>>, %arg12: memref<!tpu.dma_semaphore, #tpu.memory_space<semaphore_mem>>, %arg13: memref<!tpu.dma_semaphore, #tpu.memory_space<semaphore_mem>>) attributes {dimension_semantics = [#tpu.dimension_semantics<core_parallel>, #tpu.dimension_semantics<subcore_parallel>], iteration_bounds = array<i64: 2, 16>, scalar_prefetch = 0 : i64, scratch_operands = 7 : i64, tpu.core_type = #tpu.core_type<sc_vector_subcore>, window_params = [{transform_indices = #map}, {transform_indices = #map1}, {transform_indices = #map}, {transform_indices = #map}, {transform_indices = #map1}]} {
    %mul3A = arith.constant 16 : i32
    %mul3A_0 = arith.muli %arg0, %mul3A : i32
    %add3A = arith.addi %mul3A_0, %arg1 : i32
    %mul3A_1 = arith.constant 632 : i32
    %mul3A_2 = arith.muli %arg1, %mul3A_1 : i32
    "tpu.region"() ({
      %run_scoped3A = tpu.sem_alloc : memref<!tpu.dma_semaphore, #tpu.memory_space<semaphore_mem>>
      %dma_start3A = arith.constant 0 : i32
      %dma_start3A_16 = tpu.memref_slice %arg7[%mul3A_2, %dma_start3A] : memref<10112x128xf32, #tpu.memory_space<vmem_shared>> -> memref<632x128xf32, #tpu.memory_space<vmem_shared>>
      tpu.enqueue_dma source(%arg5 : memref<632x128xf32, #tpu.memory_space<hbm>>) target(%dma_start3A_16 : memref<632x128xf32, #tpu.memory_space<vmem_shared>>) target_semaphore(%run_scoped3A : memref<!tpu.dma_semaphore, #tpu.memory_space<semaphore_mem>>)
      %dma_wait3A = arith.constant 0 : i32
      %dma_wait3A_17 = tpu.memref_slice %arg7[%mul3A_2, %dma_wait3A] : memref<10112x128xf32, #tpu.memory_space<vmem_shared>> -> memref<632x128xf32, #tpu.memory_space<vmem_shared>>
      tpu.wait_dma2 semaphore(%run_scoped3A : memref<!tpu.dma_semaphore, #tpu.memory_space<semaphore_mem>>) src(%arg5 : memref<632x128xf32, #tpu.memory_space<hbm>>) dst(%dma_wait3A_17 : memref<632x128xf32, #tpu.memory_space<vmem_shared>>)
      tpu.yield
    }) : () -> ()
    %barrier3A = arith.constant 0 : index
    tpu.barrier barrier_id(%barrier3A)
    %scan3A = arith.constant 0 : i32
    %scan3A_3 = arith.constant 0 : i32
    %scan3A_4 = arith.constant 10 : i32
    %scan3A_5 = arith.addi %scan3A_3, %scan3A_4 : i32
    %scan3A_6 = arith.constant 1 : i32
    %scan3A_7 = scf.for %scan3A_16 = %scan3A_3 to %scan3A_5 step %scan3A_6 iter_args(%scan3A_17 = %scan3A) -> (i32)  : i32 {
      %mul3A_18 = arith.constant 80 : i32
      %mul3A_19 = arith.muli %add3A, %mul3A_18 : i32
      %mul3A_20 = arith.constant 8 : i32
      %mul3A_21 = arith.muli %scan3A_16, %mul3A_20 : i32
      %add3A_22 = arith.addi %mul3A_19, %mul3A_21 : i32
      "tpu.region"() ({
        %run_scoped3A_349 = tpu.sem_alloc : memref<!tpu.dma_semaphore, #tpu.memory_space<semaphore_mem>>
        %dma_start3A_350 = arith.constant 0 : i32
        %dma_start3A_351 = tpu.memref_slice %arg3[%arg0, %add3A_22, %dma_start3A_350] : memref<2x2560x128xi32, #tpu.memory_space<hbm>> -> memref<1x8x128xi32, #tpu.memory_space<hbm>>
        %dma_start3A_352 = tpu.memref_squeeze %dma_start3A_351 : memref<1x8x128xi32, #tpu.memory_space<hbm>> -> memref<8x128xi32, #tpu.memory_space<hbm>>
        %dma_start3A_353 = arith.constant 0 : i32
        %dma_start3A_354 = tpu.memref_slice %arg3[%arg0, %add3A_22, %dma_start3A_353] : memref<2x2560x128xi32, #tpu.memory_space<hbm>> -> memref<1x8x128xi32, #tpu.memory_space<hbm>>
        %dma_start3A_355 = tpu.memref_squeeze %dma_start3A_354 : memref<1x8x128xi32, #tpu.memory_space<hbm>> -> memref<8x128xi32, #tpu.memory_space<hbm>>
        tpu.enqueue_dma source(%dma_start3A_355 : memref<8x128xi32, #tpu.memory_space<hbm>>) target(%arg8 : memref<8x128xi32, #tpu.memory_space<vmem>>) target_semaphore(%run_scoped3A_349 : memref<!tpu.dma_semaphore, #tpu.memory_space<semaphore_mem>>)
        %dma_wait3A_356 = arith.constant 0 : i32
        %dma_wait3A_357 = tpu.memref_slice %arg3[%arg0, %add3A_22, %dma_wait3A_356] : memref<2x2560x128xi32, #tpu.memory_space<hbm>> -> memref<1x8x128xi32, #tpu.memory_space<hbm>>
        %dma_wait3A_358 = tpu.memref_squeeze %dma_wait3A_357 : memref<1x8x128xi32, #tpu.memory_space<hbm>> -> memref<8x128xi32, #tpu.memory_space<hbm>>
        %dma_wait3A_359 = arith.constant 0 : i32
        %dma_wait3A_360 = tpu.memref_slice %arg3[%arg0, %add3A_22, %dma_wait3A_359] : memref<2x2560x128xi32, #tpu.memory_space<hbm>> -> memref<1x8x128xi32, #tpu.memory_space<hbm>>
        %dma_wait3A_361 = tpu.memref_squeeze %dma_wait3A_360 : memref<1x8x128xi32, #tpu.memory_space<hbm>> -> memref<8x128xi32, #tpu.memory_space<hbm>>
        tpu.wait_dma2 semaphore(%run_scoped3A_349 : memref<!tpu.dma_semaphore, #tpu.memory_space<semaphore_mem>>) src(%dma_wait3A_361 : memref<8x128xi32, #tpu.memory_space<hbm>>) dst(%arg8 : memref<8x128xi32, #tpu.memory_space<vmem>>)
        tpu.yield
      }) : () -> ()
      "tpu.region"() ({
        %run_scoped3A_349 = tpu.sem_alloc : memref<!tpu.dma_semaphore, #tpu.memory_space<semaphore_mem>>
        %dma_start3A_350 = arith.constant 0 : i32
        %dma_start3A_351 = tpu.memref_slice %arg4[%add3A_22, %dma_start3A_350] : memref<2560x128xi32, #tpu.memory_space<hbm>> -> memref<8x128xi32, #tpu.memory_space<hbm>>
        %dma_start3A_352 = arith.constant 0 : i32
        %dma_start3A_353 = tpu.memref_slice %arg4[%add3A_22, %dma_start3A_352] : memref<2560x128xi32, #tpu.memory_space<hbm>> -> memref<8x128xi32, #tpu.memory_space<hbm>>
        tpu.enqueue_dma source(%dma_start3A_353 : memref<8x128xi32, #tpu.memory_space<hbm>>) target(%arg9 : memref<8x128xi32, #tpu.memory_space<vmem>>) target_semaphore(%run_scoped3A_349 : memref<!tpu.dma_semaphore, #tpu.memory_space<semaphore_mem>>)
        %dma_wait3A_354 = arith.constant 0 : i32
        %dma_wait3A_355 = tpu.memref_slice %arg4[%add3A_22, %dma_wait3A_354] : memref<2560x128xi32, #tpu.memory_space<hbm>> -> memref<8x128xi32, #tpu.memory_space<hbm>>
        %dma_wait3A_356 = arith.constant 0 : i32
        %dma_wait3A_357 = tpu.memref_slice %arg4[%add3A_22, %dma_wait3A_356] : memref<2560x128xi32, #tpu.memory_space<hbm>> -> memref<8x128xi32, #tpu.memory_space<hbm>>
        tpu.wait_dma2 semaphore(%run_scoped3A_349 : memref<!tpu.dma_semaphore, #tpu.memory_space<semaphore_mem>>) src(%dma_wait3A_357 : memref<8x128xi32, #tpu.memory_space<hbm>>) dst(%arg9 : memref<8x128xi32, #tpu.memory_space<vmem>>)
        tpu.yield
      }) : () -> ()
      %dma_start3A = arith.constant 0 : i32
      %dma_start3A_23 = arith.constant 0 : i32
      %dma_start3A_24 = arith.constant 0 : i32
      %dma_start3A_25 = tpu.memref_slice %arg10[%dma_start3A_23, %dma_start3A_24] : memref<128x128xf32, #tpu.memory_space<vmem>> -> memref<64x128xf32, #tpu.memory_space<vmem>>
      %dma_start3A_26 = arith.constant 0 : i32
      %dma_start3A_27 = tpu.memref_slice %arg8[%dma_start3A, %dma_start3A_26] : memref<8x128xi32, #tpu.memory_space<vmem>> -> memref<1x64xi32, #tpu.memory_space<vmem>>
      %dma_start3A_28 = tpu.memref_squeeze %dma_start3A_27 : memref<1x64xi32, #tpu.memory_space<vmem>> -> memref<64xi32, #tpu.memory_space<vmem>>
      %dma_start3A_29 = arith.constant 0 : i32
      %dma_start3A_30 = arith.constant 0 : i32
      %dma_start3A_31 = tpu.memref_slice %arg2[%dma_start3A_29, %dma_start3A_30] : memref<20000x128xf32, #tpu.memory_space<hbm>> -> memref<20000x128xf32, #tpu.memory_space<hbm>>
      tpu.enqueue_indirect_dma source(%dma_start3A_31 : memref<20000x128xf32, #tpu.memory_space<hbm>>) target(%dma_start3A_25 : memref<64x128xf32, #tpu.memory_space<vmem>>) offsets(%dma_start3A_28 : memref<64xi32, #tpu.memory_space<vmem>>) semaphore(%arg12 : memref<!tpu.dma_semaphore, #tpu.memory_space<semaphore_mem>>)
      %dma_start3A_32 = arith.constant 0 : i32
      %dma_start3A_33 = arith.constant 64 : i32
      %dma_start3A_34 = arith.constant 0 : i32
      %dma_start3A_35 = tpu.memref_slice %arg10[%dma_start3A_33, %dma_start3A_34] : memref<128x128xf32, #tpu.memory_space<vmem>> -> memref<64x128xf32, #tpu.memory_space<vmem>>
      %dma_start3A_36 = arith.constant 64 : i32
      %dma_start3A_37 = tpu.memref_slice %arg8[%dma_start3A_32, %dma_start3A_36] : memref<8x128xi32, #tpu.memory_space<vmem>> -> memref<1x64xi32, #tpu.memory_space<vmem>>
      %dma_start3A_38 = tpu.memref_squeeze %dma_start3A_37 : memref<1x64xi32, #tpu.memory_space<vmem>> -> memref<64xi32, #tpu.memory_space<vmem>>
      %dma_start3A_39 = arith.constant 0 : i32
      %dma_start3A_40 = arith.constant 0 : i32
      %dma_start3A_41 = tpu.memref_slice %arg2[%dma_start3A_39, %dma_start3A_40] : memref<20000x128xf32, #tpu.memory_space<hbm>> -> memref<20000x128xf32, #tpu.memory_space<hbm>>
      tpu.enqueue_indirect_dma source(%dma_start3A_41 : memref<20000x128xf32, #tpu.memory_space<hbm>>) target(%dma_start3A_35 : memref<64x128xf32, #tpu.memory_space<vmem>>) offsets(%dma_start3A_38 : memref<64xi32, #tpu.memory_space<vmem>>) semaphore(%arg12 : memref<!tpu.dma_semaphore, #tpu.memory_space<semaphore_mem>>)
      %dma_wait3A = arith.constant 0 : i32
      %dma_wait3A_42 = arith.constant 0 : i32
      %dma_wait3A_43 = arith.constant 0 : i32
      %dma_wait3A_44 = tpu.memref_slice %arg10[%dma_wait3A_42, %dma_wait3A_43] : memref<128x128xf32, #tpu.memory_space<vmem>> -> memref<64x128xf32, #tpu.memory_space<vmem>>
      %dma_wait3A_45 = arith.constant 0 : i32
      %dma_wait3A_46 = tpu.memref_slice %arg8[%dma_wait3A, %dma_wait3A_45] : memref<8x128xi32, #tpu.memory_space<vmem>> -> memref<1x64xi32, #tpu.memory_space<vmem>>
      %dma_wait3A_47 = tpu.memref_squeeze %dma_wait3A_46 : memref<1x64xi32, #tpu.memory_space<vmem>> -> memref<64xi32, #tpu.memory_space<vmem>>
      %dma_wait3A_48 = arith.constant 0 : i32
      %dma_wait3A_49 = arith.constant 0 : i32
      %dma_wait3A_50 = tpu.memref_slice %arg2[%dma_wait3A_48, %dma_wait3A_49] : memref<20000x128xf32, #tpu.memory_space<hbm>> -> memref<20000x128xf32, #tpu.memory_space<hbm>>
      tpu.wait_indirect_dma semaphore(%arg12 : memref<!tpu.dma_semaphore, #tpu.memory_space<semaphore_mem>>) src(%dma_wait3A_50 : memref<20000x128xf32, #tpu.memory_space<hbm>>) dst(%dma_wait3A_44 : memref<64x128xf32, #tpu.memory_space<vmem>>)
      %dma_wait3A_51 = arith.constant 0 : i32
      %dma_wait3A_52 = arith.constant 64 : i32
      %dma_wait3A_53 = arith.constant 0 : i32
      %dma_wait3A_54 = tpu.memref_slice %arg10[%dma_wait3A_52, %dma_wait3A_53] : memref<128x128xf32, #tpu.memory_space<vmem>> -> memref<64x128xf32, #tpu.memory_space<vmem>>
      %dma_wait3A_55 = arith.constant 64 : i32
      %dma_wait3A_56 = tpu.memref_slice %arg8[%dma_wait3A_51, %dma_wait3A_55] : memref<8x128xi32, #tpu.memory_space<vmem>> -> memref<1x64xi32, #tpu.memory_space<vmem>>
      %dma_wait3A_57 = tpu.memref_squeeze %dma_wait3A_56 : memref<1x64xi32, #tpu.memory_space<vmem>> -> memref<64xi32, #tpu.memory_space<vmem>>
      %dma_wait3A_58 = arith.constant 0 : i32
      %dma_wait3A_59 = arith.constant 0 : i32
      %dma_wait3A_60 = tpu.memref_slice %arg2[%dma_wait3A_58, %dma_wait3A_59] : memref<20000x128xf32, #tpu.memory_space<hbm>> -> memref<20000x128xf32, #tpu.memory_space<hbm>>
      tpu.wait_indirect_dma semaphore(%arg12 : memref<!tpu.dma_semaphore, #tpu.memory_space<semaphore_mem>>) src(%dma_wait3A_60 : memref<20000x128xf32, #tpu.memory_space<hbm>>) dst(%dma_wait3A_54 : memref<64x128xf32, #tpu.memory_space<vmem>>)
      %dma_start3A_61 = arith.constant 1 : i32
      %dma_start3A_62 = arith.constant 0 : i32
      %dma_start3A_63 = arith.constant 0 : i32
      %dma_start3A_64 = tpu.memref_slice %arg11[%dma_start3A_62, %dma_start3A_63] : memref<128x128xf32, #tpu.memory_space<vmem>> -> memref<64x128xf32, #tpu.memory_space<vmem>>
      %dma_start3A_65 = arith.constant 0 : i32
      %dma_start3A_66 = tpu.memref_slice %arg8[%dma_start3A_61, %dma_start3A_65] : memref<8x128xi32, #tpu.memory_space<vmem>> -> memref<1x64xi32, #tpu.memory_space<vmem>>
      %dma_start3A_67 = tpu.memref_squeeze %dma_start3A_66 : memref<1x64xi32, #tpu.memory_space<vmem>> -> memref<64xi32, #tpu.memory_space<vmem>>
      %dma_start3A_68 = arith.constant 0 : i32
      %dma_start3A_69 = arith.constant 0 : i32
      %dma_start3A_70 = tpu.memref_slice %arg2[%dma_start3A_68, %dma_start3A_69] : memref<20000x128xf32, #tpu.memory_space<hbm>> -> memref<20000x128xf32, #tpu.memory_space<hbm>>
      tpu.enqueue_indirect_dma source(%dma_start3A_70 : memref<20000x128xf32, #tpu.memory_space<hbm>>) target(%dma_start3A_64 : memref<64x128xf32, #tpu.memory_space<vmem>>) offsets(%dma_start3A_67 : memref<64xi32, #tpu.memory_space<vmem>>) semaphore(%arg13 : memref<!tpu.dma_semaphore, #tpu.memory_space<semaphore_mem>>)
      %dma_start3A_71 = arith.constant 1 : i32
      %dma_start3A_72 = arith.constant 64 : i32
      %dma_start3A_73 = arith.constant 0 : i32
      %dma_start3A_74 = tpu.memref_slice %arg11[%dma_start3A_72, %dma_start3A_73] : memref<128x128xf32, #tpu.memory_space<vmem>> -> memref<64x128xf32, #tpu.memory_space<vmem>>
      %dma_start3A_75 = arith.constant 64 : i32
      %dma_start3A_76 = tpu.memref_slice %arg8[%dma_start3A_71, %dma_start3A_75] : memref<8x128xi32, #tpu.memory_space<vmem>> -> memref<1x64xi32, #tpu.memory_space<vmem>>
      %dma_start3A_77 = tpu.memref_squeeze %dma_start3A_76 : memref<1x64xi32, #tpu.memory_space<vmem>> -> memref<64xi32, #tpu.memory_space<vmem>>
      %dma_start3A_78 = arith.constant 0 : i32
      %dma_start3A_79 = arith.constant 0 : i32
      %dma_start3A_80 = tpu.memref_slice %arg2[%dma_start3A_78, %dma_start3A_79] : memref<20000x128xf32, #tpu.memory_space<hbm>> -> memref<20000x128xf32, #tpu.memory_space<hbm>>
      tpu.enqueue_indirect_dma source(%dma_start3A_80 : memref<20000x128xf32, #tpu.memory_space<hbm>>) target(%dma_start3A_74 : memref<64x128xf32, #tpu.memory_space<vmem>>) offsets(%dma_start3A_77 : memref<64xi32, #tpu.memory_space<vmem>>) semaphore(%arg13 : memref<!tpu.dma_semaphore, #tpu.memory_space<semaphore_mem>>)
      %run_scoped3A = arith.constant 0 : i32
      "tpu.region"() ({
        %run_scoped3A_349 = tpu.sem_alloc : memref<!tpu.dma_semaphore, #tpu.memory_space<semaphore_mem>>
        %dma_start3A_350 = arith.constant 0 : i32
        %dma_start3A_351 = tpu.memref_slice %arg9[%run_scoped3A, %dma_start3A_350] : memref<8x128xi32, #tpu.memory_space<vmem>> -> memref<1x128xi32, #tpu.memory_space<vmem>>
        %dma_start3A_352 = tpu.memref_squeeze %dma_start3A_351 : memref<1x128xi32, #tpu.memory_space<vmem>> -> memref<128xi32, #tpu.memory_space<vmem>>
        %dma_start3A_353 = arith.constant 0 : i32
        %dma_start3A_354 = arith.constant 0 : i32
        %dma_start3A_355 = tpu.memref_slice %arg7[%dma_start3A_353, %dma_start3A_354] : memref<10112x128xf32, #tpu.memory_space<vmem_shared>> -> memref<10112x128xf32, #tpu.memory_space<vmem_shared>>
        tpu.enqueue_indirect_dma source(%arg10 : memref<128x128xf32, #tpu.memory_space<vmem>>) target(%dma_start3A_355 : memref<10112x128xf32, #tpu.memory_space<vmem_shared>>) offsets(%dma_start3A_352 : memref<128xi32, #tpu.memory_space<vmem>>) semaphore(%run_scoped3A_349 : memref<!tpu.dma_semaphore, #tpu.memory_space<semaphore_mem>>) {add = true}
        %dma_wait3A_356 = arith.constant 0 : i32
        %dma_wait3A_357 = tpu.memref_slice %arg9[%run_scoped3A, %dma_wait3A_356] : memref<8x128xi32, #tpu.memory_space<vmem>> -> memref<1x128xi32, #tpu.memory_space<vmem>>
        %dma_wait3A_358 = tpu.memref_squeeze %dma_wait3A_357 : memref<1x128xi32, #tpu.memory_space<vmem>> -> memref<128xi32, #tpu.memory_space<vmem>>
        %dma_wait3A_359 = arith.constant 0 : i32
        %dma_wait3A_360 = arith.constant 0 : i32
        %dma_wait3A_361 = tpu.memref_slice %arg7[%dma_wait3A_359, %dma_wait3A_360] : memref<10112x128xf32, #tpu.memory_space<vmem_shared>> -> memref<10112x128xf32, #tpu.memory_space<vmem_shared>>
        tpu.wait_indirect_dma semaphore(%run_scoped3A_349 : memref<!tpu.dma_semaphore, #tpu.memory_space<semaphore_mem>>) src(%arg10 : memref<128x128xf32, #tpu.memory_space<vmem>>) dst(%dma_wait3A_361 : memref<10112x128xf32, #tpu.memory_space<vmem_shared>>)
        tpu.yield
      }) : () -> ()
      %dma_wait3A_81 = arith.constant 1 : i32
      %dma_wait3A_82 = arith.constant 0 : i32
      %dma_wait3A_83 = arith.constant 0 : i32
      %dma_wait3A_84 = tpu.memref_slice %arg11[%dma_wait3A_82, %dma_wait3A_83] : memref<128x128xf32, #tpu.memory_space<vmem>> -> memref<64x128xf32, #tpu.memory_space<vmem>>
      %dma_wait3A_85 = arith.constant 0 : i32
      %dma_wait3A_86 = tpu.memref_slice %arg8[%dma_wait3A_81, %dma_wait3A_85] : memref<8x128xi32, #tpu.memory_space<vmem>> -> memref<1x64xi32, #tpu.memory_space<vmem>>
      %dma_wait3A_87 = tpu.memref_squeeze %dma_wait3A_86 : memref<1x64xi32, #tpu.memory_space<vmem>> -> memref<64xi32, #tpu.memory_space<vmem>>
      %dma_wait3A_88 = arith.constant 0 : i32
      %dma_wait3A_89 = arith.constant 0 : i32
      %dma_wait3A_90 = tpu.memref_slice %arg2[%dma_wait3A_88, %dma_wait3A_89] : memref<20000x128xf32, #tpu.memory_space<hbm>> -> memref<20000x128xf32, #tpu.memory_space<hbm>>
      tpu.wait_indirect_dma semaphore(%arg13 : memref<!tpu.dma_semaphore, #tpu.memory_space<semaphore_mem>>) src(%dma_wait3A_90 : memref<20000x128xf32, #tpu.memory_space<hbm>>) dst(%dma_wait3A_84 : memref<64x128xf32, #tpu.memory_space<vmem>>)
      %dma_wait3A_91 = arith.constant 1 : i32
      %dma_wait3A_92 = arith.constant 64 : i32
      %dma_wait3A_93 = arith.constant 0 : i32
      %dma_wait3A_94 = tpu.memref_slice %arg11[%dma_wait3A_92, %dma_wait3A_93] : memref<128x128xf32, #tpu.memory_space<vmem>> -> memref<64x128xf32, #tpu.memory_space<vmem>>
      %dma_wait3A_95 = arith.constant 64 : i32
      %dma_wait3A_96 = tpu.memref_slice %arg8[%dma_wait3A_91, %dma_wait3A_95] : memref<8x128xi32, #tpu.memory_space<vmem>> -> memref<1x64xi32, #tpu.memory_space<vmem>>
      %dma_wait3A_97 = tpu.memref_squeeze %dma_wait3A_96 : memref<1x64xi32, #tpu.memory_space<vmem>> -> memref<64xi32, #tpu.memory_space<vmem>>
      %dma_wait3A_98 = arith.constant 0 : i32
      %dma_wait3A_99 = arith.constant 0 : i32
      %dma_wait3A_100 = tpu.memref_slice %arg2[%dma_wait3A_98, %dma_wait3A_99] : memref<20000x128xf32, #tpu.memory_space<hbm>> -> memref<20000x128xf32, #tpu.memory_space<hbm>>
      tpu.wait_indirect_dma semaphore(%arg13 : memref<!tpu.dma_semaphore, #tpu.memory_space<semaphore_mem>>) src(%dma_wait3A_100 : memref<20000x128xf32, #tpu.memory_space<hbm>>) dst(%dma_wait3A_94 : memref<64x128xf32, #tpu.memory_space<vmem>>)
      %dma_start3A_101 = arith.constant 2 : i32
      %dma_start3A_102 = arith.constant 0 : i32
      %dma_start3A_103 = arith.constant 0 : i32
      %dma_start3A_104 = tpu.memref_slice %arg10[%dma_start3A_102, %dma_start3A_103] : memref<128x128xf32, #tpu.memory_space<vmem>> -> memref<64x128xf32, #tpu.memory_space<vmem>>
      %dma_start3A_105 = arith.constant 0 : i32
      %dma_start3A_106 = tpu.memref_slice %arg8[%dma_start3A_101, %dma_start3A_105] : memref<8x128xi32, #tpu.memory_space<vmem>> -> memref<1x64xi32, #tpu.memory_space<vmem>>
      %dma_start3A_107 = tpu.memref_squeeze %dma_start3A_106 : memref<1x64xi32, #tpu.memory_space<vmem>> -> memref<64xi32, #tpu.memory_space<vmem>>
      %dma_start3A_108 = arith.constant 0 : i32
      %dma_start3A_109 = arith.constant 0 : i32
      %dma_start3A_110 = tpu.memref_slice %arg2[%dma_start3A_108, %dma_start3A_109] : memref<20000x128xf32, #tpu.memory_space<hbm>> -> memref<20000x128xf32, #tpu.memory_space<hbm>>
      tpu.enqueue_indirect_dma source(%dma_start3A_110 : memref<20000x128xf32, #tpu.memory_space<hbm>>) target(%dma_start3A_104 : memref<64x128xf32, #tpu.memory_space<vmem>>) offsets(%dma_start3A_107 : memref<64xi32, #tpu.memory_space<vmem>>) semaphore(%arg12 : memref<!tpu.dma_semaphore, #tpu.memory_space<semaphore_mem>>)
      %dma_start3A_111 = arith.constant 2 : i32
      %dma_start3A_112 = arith.constant 64 : i32
      %dma_start3A_113 = arith.constant 0 : i32
      %dma_start3A_114 = tpu.memref_slice %arg10[%dma_start3A_112, %dma_start3A_113] : memref<128x128xf32, #tpu.memory_space<vmem>> -> memref<64x128xf32, #tpu.memory_space<vmem>>
      %dma_start3A_115 = arith.constant 64 : i32
      %dma_start3A_116 = tpu.memref_slice %arg8[%dma_start3A_111, %dma_start3A_115] : memref<8x128xi32, #tpu.memory_space<vmem>> -> memref<1x64xi32, #tpu.memory_space<vmem>>
      %dma_start3A_117 = tpu.memref_squeeze %dma_start3A_116 : memref<1x64xi32, #tpu.memory_space<vmem>> -> memref<64xi32, #tpu.memory_space<vmem>>
      %dma_start3A_118 = arith.constant 0 : i32
      %dma_start3A_119 = arith.constant 0 : i32
      %dma_start3A_120 = tpu.memref_slice %arg2[%dma_start3A_118, %dma_start3A_119] : memref<20000x128xf32, #tpu.memory_space<hbm>> -> memref<20000x128xf32, #tpu.memory_space<hbm>>
      tpu.enqueue_indirect_dma source(%dma_start3A_120 : memref<20000x128xf32, #tpu.memory_space<hbm>>) target(%dma_start3A_114 : memref<64x128xf32, #tpu.memory_space<vmem>>) offsets(%dma_start3A_117 : memref<64xi32, #tpu.memory_space<vmem>>) semaphore(%arg12 : memref<!tpu.dma_semaphore, #tpu.memory_space<semaphore_mem>>)
      %run_scoped3A_121 = arith.constant 1 : i32
      "tpu.region"() ({
        %run_scoped3A_349 = tpu.sem_alloc : memref<!tpu.dma_semaphore, #tpu.memory_space<semaphore_mem>>
        %dma_start3A_350 = arith.constant 0 : i32
        %dma_start3A_351 = tpu.memref_slice %arg9[%run_scoped3A_121, %dma_start3A_350] : memref<8x128xi32, #tpu.memory_space<vmem>> -> memref<1x128xi32, #tpu.memory_space<vmem>>
        %dma_start3A_352 = tpu.memref_squeeze %dma_start3A_351 : memref<1x128xi32, #tpu.memory_space<vmem>> -> memref<128xi32, #tpu.memory_space<vmem>>
        %dma_start3A_353 = arith.constant 0 : i32
        %dma_start3A_354 = arith.constant 0 : i32
        %dma_start3A_355 = tpu.memref_slice %arg7[%dma_start3A_353, %dma_start3A_354] : memref<10112x128xf32, #tpu.memory_space<vmem_shared>> -> memref<10112x128xf32, #tpu.memory_space<vmem_shared>>
        tpu.enqueue_indirect_dma source(%arg11 : memref<128x128xf32, #tpu.memory_space<vmem>>) target(%dma_start3A_355 : memref<10112x128xf32, #tpu.memory_space<vmem_shared>>) offsets(%dma_start3A_352 : memref<128xi32, #tpu.memory_space<vmem>>) semaphore(%run_scoped3A_349 : memref<!tpu.dma_semaphore, #tpu.memory_space<semaphore_mem>>) {add = true}
        %dma_wait3A_356 = arith.constant 0 : i32
        %dma_wait3A_357 = tpu.memref_slice %arg9[%run_scoped3A_121, %dma_wait3A_356] : memref<8x128xi32, #tpu.memory_space<vmem>> -> memref<1x128xi32, #tpu.memory_space<vmem>>
        %dma_wait3A_358 = tpu.memref_squeeze %dma_wait3A_357 : memref<1x128xi32, #tpu.memory_space<vmem>> -> memref<128xi32, #tpu.memory_space<vmem>>
        %dma_wait3A_359 = arith.constant 0 : i32
        %dma_wait3A_360 = arith.constant 0 : i32
        %dma_wait3A_361 = tpu.memref_slice %arg7[%dma_wait3A_359, %dma_wait3A_360] : memref<10112x128xf32, #tpu.memory_space<vmem_shared>> -> memref<10112x128xf32, #tpu.memory_space<vmem_shared>>
        tpu.wait_indirect_dma semaphore(%run_scoped3A_349 : memref<!tpu.dma_semaphore, #tpu.memory_space<semaphore_mem>>) src(%arg11 : memref<128x128xf32, #tpu.memory_space<vmem>>) dst(%dma_wait3A_361 : memref<10112x128xf32, #tpu.memory_space<vmem_shared>>)
        tpu.yield
      }) : () -> ()
      %dma_wait3A_122 = arith.constant 2 : i32
      %dma_wait3A_123 = arith.constant 0 : i32
      %dma_wait3A_124 = arith.constant 0 : i32
      %dma_wait3A_125 = tpu.memref_slice %arg10[%dma_wait3A_123, %dma_wait3A_124] : memref<128x128xf32, #tpu.memory_space<vmem>> -> memref<64x128xf32, #tpu.memory_space<vmem>>
      %dma_wait3A_126 = arith.constant 0 : i32
      %dma_wait3A_127 = tpu.memref_slice %arg8[%dma_wait3A_122, %dma_wait3A_126] : memref<8x128xi32, #tpu.memory_space<vmem>> -> memref<1x64xi32, #tpu.memory_space<vmem>>
      %dma_wait3A_128 = tpu.memref_squeeze %dma_wait3A_127 : memref<1x64xi32, #tpu.memory_space<vmem>> -> memref<64xi32, #tpu.memory_space<vmem>>
      %dma_wait3A_129 = arith.constant 0 : i32
      %dma_wait3A_130 = arith.constant 0 : i32
      %dma_wait3A_131 = tpu.memref_slice %arg2[%dma_wait3A_129, %dma_wait3A_130] : memref<20000x128xf32, #tpu.memory_space<hbm>> -> memref<20000x128xf32, #tpu.memory_space<hbm>>
      tpu.wait_indirect_dma semaphore(%arg12 : memref<!tpu.dma_semaphore, #tpu.memory_space<semaphore_mem>>) src(%dma_wait3A_131 : memref<20000x128xf32, #tpu.memory_space<hbm>>) dst(%dma_wait3A_125 : memref<64x128xf32, #tpu.memory_space<vmem>>)
      %dma_wait3A_132 = arith.constant 2 : i32
      %dma_wait3A_133 = arith.constant 64 : i32
      %dma_wait3A_134 = arith.constant 0 : i32
      %dma_wait3A_135 = tpu.memref_slice %arg10[%dma_wait3A_133, %dma_wait3A_134] : memref<128x128xf32, #tpu.memory_space<vmem>> -> memref<64x128xf32, #tpu.memory_space<vmem>>
      %dma_wait3A_136 = arith.constant 64 : i32
      %dma_wait3A_137 = tpu.memref_slice %arg8[%dma_wait3A_132, %dma_wait3A_136] : memref<8x128xi32, #tpu.memory_space<vmem>> -> memref<1x64xi32, #tpu.memory_space<vmem>>
      %dma_wait3A_138 = tpu.memref_squeeze %dma_wait3A_137 : memref<1x64xi32, #tpu.memory_space<vmem>> -> memref<64xi32, #tpu.memory_space<vmem>>
      %dma_wait3A_139 = arith.constant 0 : i32
      %dma_wait3A_140 = arith.constant 0 : i32
      %dma_wait3A_141 = tpu.memref_slice %arg2[%dma_wait3A_139, %dma_wait3A_140] : memref<20000x128xf32, #tpu.memory_space<hbm>> -> memref<20000x128xf32, #tpu.memory_space<hbm>>
      tpu.wait_indirect_dma semaphore(%arg12 : memref<!tpu.dma_semaphore, #tpu.memory_space<semaphore_mem>>) src(%dma_wait3A_141 : memref<20000x128xf32, #tpu.memory_space<hbm>>) dst(%dma_wait3A_135 : memref<64x128xf32, #tpu.memory_space<vmem>>)
      %dma_start3A_142 = arith.constant 3 : i32
      %dma_start3A_143 = arith.constant 0 : i32
      %dma_start3A_144 = arith.constant 0 : i32
      %dma_start3A_145 = tpu.memref_slice %arg11[%dma_start3A_143, %dma_start3A_144] : memref<128x128xf32, #tpu.memory_space<vmem>> -> memref<64x128xf32, #tpu.memory_space<vmem>>
      %dma_start3A_146 = arith.constant 0 : i32
      %dma_start3A_147 = tpu.memref_slice %arg8[%dma_start3A_142, %dma_start3A_146] : memref<8x128xi32, #tpu.memory_space<vmem>> -> memref<1x64xi32, #tpu.memory_space<vmem>>
      %dma_start3A_148 = tpu.memref_squeeze %dma_start3A_147 : memref<1x64xi32, #tpu.memory_space<vmem>> -> memref<64xi32, #tpu.memory_space<vmem>>
      %dma_start3A_149 = arith.constant 0 : i32
      %dma_start3A_150 = arith.constant 0 : i32
      %dma_start3A_151 = tpu.memref_slice %arg2[%dma_start3A_149, %dma_start3A_150] : memref<20000x128xf32, #tpu.memory_space<hbm>> -> memref<20000x128xf32, #tpu.memory_space<hbm>>
      tpu.enqueue_indirect_dma source(%dma_start3A_151 : memref<20000x128xf32, #tpu.memory_space<hbm>>) target(%dma_start3A_145 : memref<64x128xf32, #tpu.memory_space<vmem>>) offsets(%dma_start3A_148 : memref<64xi32, #tpu.memory_space<vmem>>) semaphore(%arg13 : memref<!tpu.dma_semaphore, #tpu.memory_space<semaphore_mem>>)
      %dma_start3A_152 = arith.constant 3 : i32
      %dma_start3A_153 = arith.constant 64 : i32
      %dma_start3A_154 = arith.constant 0 : i32
      %dma_start3A_155 = tpu.memref_slice %arg11[%dma_start3A_153, %dma_start3A_154] : memref<128x128xf32, #tpu.memory_space<vmem>> -> memref<64x128xf32, #tpu.memory_space<vmem>>
      %dma_start3A_156 = arith.constant 64 : i32
      %dma_start3A_157 = tpu.memref_slice %arg8[%dma_start3A_152, %dma_start3A_156] : memref<8x128xi32, #tpu.memory_space<vmem>> -> memref<1x64xi32, #tpu.memory_space<vmem>>
      %dma_start3A_158 = tpu.memref_squeeze %dma_start3A_157 : memref<1x64xi32, #tpu.memory_space<vmem>> -> memref<64xi32, #tpu.memory_space<vmem>>
      %dma_start3A_159 = arith.constant 0 : i32
      %dma_start3A_160 = arith.constant 0 : i32
      %dma_start3A_161 = tpu.memref_slice %arg2[%dma_start3A_159, %dma_start3A_160] : memref<20000x128xf32, #tpu.memory_space<hbm>> -> memref<20000x128xf32, #tpu.memory_space<hbm>>
      tpu.enqueue_indirect_dma source(%dma_start3A_161 : memref<20000x128xf32, #tpu.memory_space<hbm>>) target(%dma_start3A_155 : memref<64x128xf32, #tpu.memory_space<vmem>>) offsets(%dma_start3A_158 : memref<64xi32, #tpu.memory_space<vmem>>) semaphore(%arg13 : memref<!tpu.dma_semaphore, #tpu.memory_space<semaphore_mem>>)
      %run_scoped3A_162 = arith.constant 2 : i32
      "tpu.region"() ({
        %run_scoped3A_349 = tpu.sem_alloc : memref<!tpu.dma_semaphore, #tpu.memory_space<semaphore_mem>>
        %dma_start3A_350 = arith.constant 0 : i32
        %dma_start3A_351 = tpu.memref_slice %arg9[%run_scoped3A_162, %dma_start3A_350] : memref<8x128xi32, #tpu.memory_space<vmem>> -> memref<1x128xi32, #tpu.memory_space<vmem>>
        %dma_start3A_352 = tpu.memref_squeeze %dma_start3A_351 : memref<1x128xi32, #tpu.memory_space<vmem>> -> memref<128xi32, #tpu.memory_space<vmem>>
        %dma_start3A_353 = arith.constant 0 : i32
        %dma_start3A_354 = arith.constant 0 : i32
        %dma_start3A_355 = tpu.memref_slice %arg7[%dma_start3A_353, %dma_start3A_354] : memref<10112x128xf32, #tpu.memory_space<vmem_shared>> -> memref<10112x128xf32, #tpu.memory_space<vmem_shared>>
        tpu.enqueue_indirect_dma source(%arg10 : memref<128x128xf32, #tpu.memory_space<vmem>>) target(%dma_start3A_355 : memref<10112x128xf32, #tpu.memory_space<vmem_shared>>) offsets(%dma_start3A_352 : memref<128xi32, #tpu.memory_space<vmem>>) semaphore(%run_scoped3A_349 : memref<!tpu.dma_semaphore, #tpu.memory_space<semaphore_mem>>) {add = true}
        %dma_wait3A_356 = arith.constant 0 : i32
        %dma_wait3A_357 = tpu.memref_slice %arg9[%run_scoped3A_162, %dma_wait3A_356] : memref<8x128xi32, #tpu.memory_space<vmem>> -> memref<1x128xi32, #tpu.memory_space<vmem>>
        %dma_wait3A_358 = tpu.memref_squeeze %dma_wait3A_357 : memref<1x128xi32, #tpu.memory_space<vmem>> -> memref<128xi32, #tpu.memory_space<vmem>>
        %dma_wait3A_359 = arith.constant 0 : i32
        %dma_wait3A_360 = arith.constant 0 : i32
        %dma_wait3A_361 = tpu.memref_slice %arg7[%dma_wait3A_359, %dma_wait3A_360] : memref<10112x128xf32, #tpu.memory_space<vmem_shared>> -> memref<10112x128xf32, #tpu.memory_space<vmem_shared>>
        tpu.wait_indirect_dma semaphore(%run_scoped3A_349 : memref<!tpu.dma_semaphore, #tpu.memory_space<semaphore_mem>>) src(%arg10 : memref<128x128xf32, #tpu.memory_space<vmem>>) dst(%dma_wait3A_361 : memref<10112x128xf32, #tpu.memory_space<vmem_shared>>)
        tpu.yield
      }) : () -> ()
      %dma_wait3A_163 = arith.constant 3 : i32
      %dma_wait3A_164 = arith.constant 0 : i32
      %dma_wait3A_165 = arith.constant 0 : i32
      %dma_wait3A_166 = tpu.memref_slice %arg11[%dma_wait3A_164, %dma_wait3A_165] : memref<128x128xf32, #tpu.memory_space<vmem>> -> memref<64x128xf32, #tpu.memory_space<vmem>>
      %dma_wait3A_167 = arith.constant 0 : i32
      %dma_wait3A_168 = tpu.memref_slice %arg8[%dma_wait3A_163, %dma_wait3A_167] : memref<8x128xi32, #tpu.memory_space<vmem>> -> memref<1x64xi32, #tpu.memory_space<vmem>>
      %dma_wait3A_169 = tpu.memref_squeeze %dma_wait3A_168 : memref<1x64xi32, #tpu.memory_space<vmem>> -> memref<64xi32, #tpu.memory_space<vmem>>
      %dma_wait3A_170 = arith.constant 0 : i32
      %dma_wait3A_171 = arith.constant 0 : i32
      %dma_wait3A_172 = tpu.memref_slice %arg2[%dma_wait3A_170, %dma_wait3A_171] : memref<20000x128xf32, #tpu.memory_space<hbm>> -> memref<20000x128xf32, #tpu.memory_space<hbm>>
      tpu.wait_indirect_dma semaphore(%arg13 : memref<!tpu.dma_semaphore, #tpu.memory_space<semaphore_mem>>) src(%dma_wait3A_172 : memref<20000x128xf32, #tpu.memory_space<hbm>>) dst(%dma_wait3A_166 : memref<64x128xf32, #tpu.memory_space<vmem>>)
      %dma_wait3A_173 = arith.constant 3 : i32
      %dma_wait3A_174 = arith.constant 64 : i32
      %dma_wait3A_175 = arith.constant 0 : i32
      %dma_wait3A_176 = tpu.memref_slice %arg11[%dma_wait3A_174, %dma_wait3A_175] : memref<128x128xf32, #tpu.memory_space<vmem>> -> memref<64x128xf32, #tpu.memory_space<vmem>>
      %dma_wait3A_177 = arith.constant 64 : i32
      %dma_wait3A_178 = tpu.memref_slice %arg8[%dma_wait3A_173, %dma_wait3A_177] : memref<8x128xi32, #tpu.memory_space<vmem>> -> memref<1x64xi32, #tpu.memory_space<vmem>>
      %dma_wait3A_179 = tpu.memref_squeeze %dma_wait3A_178 : memref<1x64xi32, #tpu.memory_space<vmem>> -> memref<64xi32, #tpu.memory_space<vmem>>
      %dma_wait3A_180 = arith.constant 0 : i32
      %dma_wait3A_181 = arith.constant 0 : i32
      %dma_wait3A_182 = tpu.memref_slice %arg2[%dma_wait3A_180, %dma_wait3A_181] : memref<20000x128xf32, #tpu.memory_space<hbm>> -> memref<20000x128xf32, #tpu.memory_space<hbm>>
      tpu.wait_indirect_dma semaphore(%arg13 : memref<!tpu.dma_semaphore, #tpu.memory_space<semaphore_mem>>) src(%dma_wait3A_182 : memref<20000x128xf32, #tpu.memory_space<hbm>>) dst(%dma_wait3A_176 : memref<64x128xf32, #tpu.memory_space<vmem>>)
      %dma_start3A_183 = arith.constant 4 : i32
      %dma_start3A_184 = arith.constant 0 : i32
      %dma_start3A_185 = arith.constant 0 : i32
      %dma_start3A_186 = tpu.memref_slice %arg10[%dma_start3A_184, %dma_start3A_185] : memref<128x128xf32, #tpu.memory_space<vmem>> -> memref<64x128xf32, #tpu.memory_space<vmem>>
      %dma_start3A_187 = arith.constant 0 : i32
      %dma_start3A_188 = tpu.memref_slice %arg8[%dma_start3A_183, %dma_start3A_187] : memref<8x128xi32, #tpu.memory_space<vmem>> -> memref<1x64xi32, #tpu.memory_space<vmem>>
      %dma_start3A_189 = tpu.memref_squeeze %dma_start3A_188 : memref<1x64xi32, #tpu.memory_space<vmem>> -> memref<64xi32, #tpu.memory_space<vmem>>
      %dma_start3A_190 = arith.constant 0 : i32
      %dma_start3A_191 = arith.constant 0 : i32
      %dma_start3A_192 = tpu.memref_slice %arg2[%dma_start3A_190, %dma_start3A_191] : memref<20000x128xf32, #tpu.memory_space<hbm>> -> memref<20000x128xf32, #tpu.memory_space<hbm>>
      tpu.enqueue_indirect_dma source(%dma_start3A_192 : memref<20000x128xf32, #tpu.memory_space<hbm>>) target(%dma_start3A_186 : memref<64x128xf32, #tpu.memory_space<vmem>>) offsets(%dma_start3A_189 : memref<64xi32, #tpu.memory_space<vmem>>) semaphore(%arg12 : memref<!tpu.dma_semaphore, #tpu.memory_space<semaphore_mem>>)
      %dma_start3A_193 = arith.constant 4 : i32
      %dma_start3A_194 = arith.constant 64 : i32
      %dma_start3A_195 = arith.constant 0 : i32
      %dma_start3A_196 = tpu.memref_slice %arg10[%dma_start3A_194, %dma_start3A_195] : memref<128x128xf32, #tpu.memory_space<vmem>> -> memref<64x128xf32, #tpu.memory_space<vmem>>
      %dma_start3A_197 = arith.constant 64 : i32
      %dma_start3A_198 = tpu.memref_slice %arg8[%dma_start3A_193, %dma_start3A_197] : memref<8x128xi32, #tpu.memory_space<vmem>> -> memref<1x64xi32, #tpu.memory_space<vmem>>
      %dma_start3A_199 = tpu.memref_squeeze %dma_start3A_198 : memref<1x64xi32, #tpu.memory_space<vmem>> -> memref<64xi32, #tpu.memory_space<vmem>>
      %dma_start3A_200 = arith.constant 0 : i32
      %dma_start3A_201 = arith.constant 0 : i32
      %dma_start3A_202 = tpu.memref_slice %arg2[%dma_start3A_200, %dma_start3A_201] : memref<20000x128xf32, #tpu.memory_space<hbm>> -> memref<20000x128xf32, #tpu.memory_space<hbm>>
      tpu.enqueue_indirect_dma source(%dma_start3A_202 : memref<20000x128xf32, #tpu.memory_space<hbm>>) target(%dma_start3A_196 : memref<64x128xf32, #tpu.memory_space<vmem>>) offsets(%dma_start3A_199 : memref<64xi32, #tpu.memory_space<vmem>>) semaphore(%arg12 : memref<!tpu.dma_semaphore, #tpu.memory_space<semaphore_mem>>)
      %run_scoped3A_203 = arith.constant 3 : i32
      "tpu.region"() ({
        %run_scoped3A_349 = tpu.sem_alloc : memref<!tpu.dma_semaphore, #tpu.memory_space<semaphore_mem>>
        %dma_start3A_350 = arith.constant 0 : i32
        %dma_start3A_351 = tpu.memref_slice %arg9[%run_scoped3A_203, %dma_start3A_350] : memref<8x128xi32, #tpu.memory_space<vmem>> -> memref<1x128xi32, #tpu.memory_space<vmem>>
        %dma_start3A_352 = tpu.memref_squeeze %dma_start3A_351 : memref<1x128xi32, #tpu.memory_space<vmem>> -> memref<128xi32, #tpu.memory_space<vmem>>
        %dma_start3A_353 = arith.constant 0 : i32
        %dma_start3A_354 = arith.constant 0 : i32
        %dma_start3A_355 = tpu.memref_slice %arg7[%dma_start3A_353, %dma_start3A_354] : memref<10112x128xf32, #tpu.memory_space<vmem_shared>> -> memref<10112x128xf32, #tpu.memory_space<vmem_shared>>
        tpu.enqueue_indirect_dma source(%arg11 : memref<128x128xf32, #tpu.memory_space<vmem>>) target(%dma_start3A_355 : memref<10112x128xf32, #tpu.memory_space<vmem_shared>>) offsets(%dma_start3A_352 : memref<128xi32, #tpu.memory_space<vmem>>) semaphore(%run_scoped3A_349 : memref<!tpu.dma_semaphore, #tpu.memory_space<semaphore_mem>>) {add = true}
        %dma_wait3A_356 = arith.constant 0 : i32
        %dma_wait3A_357 = tpu.memref_slice %arg9[%run_scoped3A_203, %dma_wait3A_356] : memref<8x128xi32, #tpu.memory_space<vmem>> -> memref<1x128xi32, #tpu.memory_space<vmem>>
        %dma_wait3A_358 = tpu.memref_squeeze %dma_wait3A_357 : memref<1x128xi32, #tpu.memory_space<vmem>> -> memref<128xi32, #tpu.memory_space<vmem>>
        %dma_wait3A_359 = arith.constant 0 : i32
        %dma_wait3A_360 = arith.constant 0 : i32
        %dma_wait3A_361 = tpu.memref_slice %arg7[%dma_wait3A_359, %dma_wait3A_360] : memref<10112x128xf32, #tpu.memory_space<vmem_shared>> -> memref<10112x128xf32, #tpu.memory_space<vmem_shared>>
        tpu.wait_indirect_dma semaphore(%run_scoped3A_349 : memref<!tpu.dma_semaphore, #tpu.memory_space<semaphore_mem>>) src(%arg11 : memref<128x128xf32, #tpu.memory_space<vmem>>) dst(%dma_wait3A_361 : memref<10112x128xf32, #tpu.memory_space<vmem_shared>>)
        tpu.yield
      }) : () -> ()
      %dma_wait3A_204 = arith.constant 4 : i32
      %dma_wait3A_205 = arith.constant 0 : i32
      %dma_wait3A_206 = arith.constant 0 : i32
      %dma_wait3A_207 = tpu.memref_slice %arg10[%dma_wait3A_205, %dma_wait3A_206] : memref<128x128xf32, #tpu.memory_space<vmem>> -> memref<64x128xf32, #tpu.memory_space<vmem>>
      %dma_wait3A_208 = arith.constant 0 : i32
      %dma_wait3A_209 = tpu.memref_slice %arg8[%dma_wait3A_204, %dma_wait3A_208] : memref<8x128xi32, #tpu.memory_space<vmem>> -> memref<1x64xi32, #tpu.memory_space<vmem>>
      %dma_wait3A_210 = tpu.memref_squeeze %dma_wait3A_209 : memref<1x64xi32, #tpu.memory_space<vmem>> -> memref<64xi32, #tpu.memory_space<vmem>>
      %dma_wait3A_211 = arith.constant 0 : i32
      %dma_wait3A_212 = arith.constant 0 : i32
      %dma_wait3A_213 = tpu.memref_slice %arg2[%dma_wait3A_211, %dma_wait3A_212] : memref<20000x128xf32, #tpu.memory_space<hbm>> -> memref<20000x128xf32, #tpu.memory_space<hbm>>
      tpu.wait_indirect_dma semaphore(%arg12 : memref<!tpu.dma_semaphore, #tpu.memory_space<semaphore_mem>>) src(%dma_wait3A_213 : memref<20000x128xf32, #tpu.memory_space<hbm>>) dst(%dma_wait3A_207 : memref<64x128xf32, #tpu.memory_space<vmem>>)
      %dma_wait3A_214 = arith.constant 4 : i32
      %dma_wait3A_215 = arith.constant 64 : i32
      %dma_wait3A_216 = arith.constant 0 : i32
      %dma_wait3A_217 = tpu.memref_slice %arg10[%dma_wait3A_215, %dma_wait3A_216] : memref<128x128xf32, #tpu.memory_space<vmem>> -> memref<64x128xf32, #tpu.memory_space<vmem>>
      %dma_wait3A_218 = arith.constant 64 : i32
      %dma_wait3A_219 = tpu.memref_slice %arg8[%dma_wait3A_214, %dma_wait3A_218] : memref<8x128xi32, #tpu.memory_space<vmem>> -> memref<1x64xi32, #tpu.memory_space<vmem>>
      %dma_wait3A_220 = tpu.memref_squeeze %dma_wait3A_219 : memref<1x64xi32, #tpu.memory_space<vmem>> -> memref<64xi32, #tpu.memory_space<vmem>>
      %dma_wait3A_221 = arith.constant 0 : i32
      %dma_wait3A_222 = arith.constant 0 : i32
      %dma_wait3A_223 = tpu.memref_slice %arg2[%dma_wait3A_221, %dma_wait3A_222] : memref<20000x128xf32, #tpu.memory_space<hbm>> -> memref<20000x128xf32, #tpu.memory_space<hbm>>
      tpu.wait_indirect_dma semaphore(%arg12 : memref<!tpu.dma_semaphore, #tpu.memory_space<semaphore_mem>>) src(%dma_wait3A_223 : memref<20000x128xf32, #tpu.memory_space<hbm>>) dst(%dma_wait3A_217 : memref<64x128xf32, #tpu.memory_space<vmem>>)
      %dma_start3A_224 = arith.constant 5 : i32
      %dma_start3A_225 = arith.constant 0 : i32
      %dma_start3A_226 = arith.constant 0 : i32
      %dma_start3A_227 = tpu.memref_slice %arg11[%dma_start3A_225, %dma_start3A_226] : memref<128x128xf32, #tpu.memory_space<vmem>> -> memref<64x128xf32, #tpu.memory_space<vmem>>
      %dma_start3A_228 = arith.constant 0 : i32
      %dma_start3A_229 = tpu.memref_slice %arg8[%dma_start3A_224, %dma_start3A_228] : memref<8x128xi32, #tpu.memory_space<vmem>> -> memref<1x64xi32, #tpu.memory_space<vmem>>
      %dma_start3A_230 = tpu.memref_squeeze %dma_start3A_229 : memref<1x64xi32, #tpu.memory_space<vmem>> -> memref<64xi32, #tpu.memory_space<vmem>>
      %dma_start3A_231 = arith.constant 0 : i32
      %dma_start3A_232 = arith.constant 0 : i32
      %dma_start3A_233 = tpu.memref_slice %arg2[%dma_start3A_231, %dma_start3A_232] : memref<20000x128xf32, #tpu.memory_space<hbm>> -> memref<20000x128xf32, #tpu.memory_space<hbm>>
      tpu.enqueue_indirect_dma source(%dma_start3A_233 : memref<20000x128xf32, #tpu.memory_space<hbm>>) target(%dma_start3A_227 : memref<64x128xf32, #tpu.memory_space<vmem>>) offsets(%dma_start3A_230 : memref<64xi32, #tpu.memory_space<vmem>>) semaphore(%arg13 : memref<!tpu.dma_semaphore, #tpu.memory_space<semaphore_mem>>)
      %dma_start3A_234 = arith.constant 5 : i32
      %dma_start3A_235 = arith.constant 64 : i32
      %dma_start3A_236 = arith.constant 0 : i32
      %dma_start3A_237 = tpu.memref_slice %arg11[%dma_start3A_235, %dma_start3A_236] : memref<128x128xf32, #tpu.memory_space<vmem>> -> memref<64x128xf32, #tpu.memory_space<vmem>>
      %dma_start3A_238 = arith.constant 64 : i32
      %dma_start3A_239 = tpu.memref_slice %arg8[%dma_start3A_234, %dma_start3A_238] : memref<8x128xi32, #tpu.memory_space<vmem>> -> memref<1x64xi32, #tpu.memory_space<vmem>>
      %dma_start3A_240 = tpu.memref_squeeze %dma_start3A_239 : memref<1x64xi32, #tpu.memory_space<vmem>> -> memref<64xi32, #tpu.memory_space<vmem>>
      %dma_start3A_241 = arith.constant 0 : i32
      %dma_start3A_242 = arith.constant 0 : i32
      %dma_start3A_243 = tpu.memref_slice %arg2[%dma_start3A_241, %dma_start3A_242] : memref<20000x128xf32, #tpu.memory_space<hbm>> -> memref<20000x128xf32, #tpu.memory_space<hbm>>
      tpu.enqueue_indirect_dma source(%dma_start3A_243 : memref<20000x128xf32, #tpu.memory_space<hbm>>) target(%dma_start3A_237 : memref<64x128xf32, #tpu.memory_space<vmem>>) offsets(%dma_start3A_240 : memref<64xi32, #tpu.memory_space<vmem>>) semaphore(%arg13 : memref<!tpu.dma_semaphore, #tpu.memory_space<semaphore_mem>>)
      %run_scoped3A_244 = arith.constant 4 : i32
      "tpu.region"() ({
        %run_scoped3A_349 = tpu.sem_alloc : memref<!tpu.dma_semaphore, #tpu.memory_space<semaphore_mem>>
        %dma_start3A_350 = arith.constant 0 : i32
        %dma_start3A_351 = tpu.memref_slice %arg9[%run_scoped3A_244, %dma_start3A_350] : memref<8x128xi32, #tpu.memory_space<vmem>> -> memref<1x128xi32, #tpu.memory_space<vmem>>
        %dma_start3A_352 = tpu.memref_squeeze %dma_start3A_351 : memref<1x128xi32, #tpu.memory_space<vmem>> -> memref<128xi32, #tpu.memory_space<vmem>>
        %dma_start3A_353 = arith.constant 0 : i32
        %dma_start3A_354 = arith.constant 0 : i32
        %dma_start3A_355 = tpu.memref_slice %arg7[%dma_start3A_353, %dma_start3A_354] : memref<10112x128xf32, #tpu.memory_space<vmem_shared>> -> memref<10112x128xf32, #tpu.memory_space<vmem_shared>>
        tpu.enqueue_indirect_dma source(%arg10 : memref<128x128xf32, #tpu.memory_space<vmem>>) target(%dma_start3A_355 : memref<10112x128xf32, #tpu.memory_space<vmem_shared>>) offsets(%dma_start3A_352 : memref<128xi32, #tpu.memory_space<vmem>>) semaphore(%run_scoped3A_349 : memref<!tpu.dma_semaphore, #tpu.memory_space<semaphore_mem>>) {add = true}
        %dma_wait3A_356 = arith.constant 0 : i32
        %dma_wait3A_357 = tpu.memref_slice %arg9[%run_scoped3A_244, %dma_wait3A_356] : memref<8x128xi32, #tpu.memory_space<vmem>> -> memref<1x128xi32, #tpu.memory_space<vmem>>
        %dma_wait3A_358 = tpu.memref_squeeze %dma_wait3A_357 : memref<1x128xi32, #tpu.memory_space<vmem>> -> memref<128xi32, #tpu.memory_space<vmem>>
        %dma_wait3A_359 = arith.constant 0 : i32
        %dma_wait3A_360 = arith.constant 0 : i32
        %dma_wait3A_361 = tpu.memref_slice %arg7[%dma_wait3A_359, %dma_wait3A_360] : memref<10112x128xf32, #tpu.memory_space<vmem_shared>> -> memref<10112x128xf32, #tpu.memory_space<vmem_shared>>
        tpu.wait_indirect_dma semaphore(%run_scoped3A_349 : memref<!tpu.dma_semaphore, #tpu.memory_space<semaphore_mem>>) src(%arg10 : memref<128x128xf32, #tpu.memory_space<vmem>>) dst(%dma_wait3A_361 : memref<10112x128xf32, #tpu.memory_space<vmem_shared>>)
        tpu.yield
      }) : () -> ()
      %dma_wait3A_245 = arith.constant 5 : i32
      %dma_wait3A_246 = arith.constant 0 : i32
      %dma_wait3A_247 = arith.constant 0 : i32
      %dma_wait3A_248 = tpu.memref_slice %arg11[%dma_wait3A_246, %dma_wait3A_247] : memref<128x128xf32, #tpu.memory_space<vmem>> -> memref<64x128xf32, #tpu.memory_space<vmem>>
      %dma_wait3A_249 = arith.constant 0 : i32
      %dma_wait3A_250 = tpu.memref_slice %arg8[%dma_wait3A_245, %dma_wait3A_249] : memref<8x128xi32, #tpu.memory_space<vmem>> -> memref<1x64xi32, #tpu.memory_space<vmem>>
      %dma_wait3A_251 = tpu.memref_squeeze %dma_wait3A_250 : memref<1x64xi32, #tpu.memory_space<vmem>> -> memref<64xi32, #tpu.memory_space<vmem>>
      %dma_wait3A_252 = arith.constant 0 : i32
      %dma_wait3A_253 = arith.constant 0 : i32
      %dma_wait3A_254 = tpu.memref_slice %arg2[%dma_wait3A_252, %dma_wait3A_253] : memref<20000x128xf32, #tpu.memory_space<hbm>> -> memref<20000x128xf32, #tpu.memory_space<hbm>>
      tpu.wait_indirect_dma semaphore(%arg13 : memref<!tpu.dma_semaphore, #tpu.memory_space<semaphore_mem>>) src(%dma_wait3A_254 : memref<20000x128xf32, #tpu.memory_space<hbm>>) dst(%dma_wait3A_248 : memref<64x128xf32, #tpu.memory_space<vmem>>)
      %dma_wait3A_255 = arith.constant 5 : i32
      %dma_wait3A_256 = arith.constant 64 : i32
      %dma_wait3A_257 = arith.constant 0 : i32
      %dma_wait3A_258 = tpu.memref_slice %arg11[%dma_wait3A_256, %dma_wait3A_257] : memref<128x128xf32, #tpu.memory_space<vmem>> -> memref<64x128xf32, #tpu.memory_space<vmem>>
      %dma_wait3A_259 = arith.constant 64 : i32
      %dma_wait3A_260 = tpu.memref_slice %arg8[%dma_wait3A_255, %dma_wait3A_259] : memref<8x128xi32, #tpu.memory_space<vmem>> -> memref<1x64xi32, #tpu.memory_space<vmem>>
      %dma_wait3A_261 = tpu.memref_squeeze %dma_wait3A_260 : memref<1x64xi32, #tpu.memory_space<vmem>> -> memref<64xi32, #tpu.memory_space<vmem>>
      %dma_wait3A_262 = arith.constant 0 : i32
      %dma_wait3A_263 = arith.constant 0 : i32
      %dma_wait3A_264 = tpu.memref_slice %arg2[%dma_wait3A_262, %dma_wait3A_263] : memref<20000x128xf32, #tpu.memory_space<hbm>> -> memref<20000x128xf32, #tpu.memory_space<hbm>>
      tpu.wait_indirect_dma semaphore(%arg13 : memref<!tpu.dma_semaphore, #tpu.memory_space<semaphore_mem>>) src(%dma_wait3A_264 : memref<20000x128xf32, #tpu.memory_space<hbm>>) dst(%dma_wait3A_258 : memref<64x128xf32, #tpu.memory_space<vmem>>)
      %dma_start3A_265 = arith.constant 6 : i32
      %dma_start3A_266 = arith.constant 0 : i32
      %dma_start3A_267 = arith.constant 0 : i32
      %dma_start3A_268 = tpu.memref_slice %arg10[%dma_start3A_266, %dma_start3A_267] : memref<128x128xf32, #tpu.memory_space<vmem>> -> memref<64x128xf32, #tpu.memory_space<vmem>>
      %dma_start3A_269 = arith.constant 0 : i32
      %dma_start3A_270 = tpu.memref_slice %arg8[%dma_start3A_265, %dma_start3A_269] : memref<8x128xi32, #tpu.memory_space<vmem>> -> memref<1x64xi32, #tpu.memory_space<vmem>>
      %dma_start3A_271 = tpu.memref_squeeze %dma_start3A_270 : memref<1x64xi32, #tpu.memory_space<vmem>> -> memref<64xi32, #tpu.memory_space<vmem>>
      %dma_start3A_272 = arith.constant 0 : i32
      %dma_start3A_273 = arith.constant 0 : i32
      %dma_start3A_274 = tpu.memref_slice %arg2[%dma_start3A_272, %dma_start3A_273] : memref<20000x128xf32, #tpu.memory_space<hbm>> -> memref<20000x128xf32, #tpu.memory_space<hbm>>
      tpu.enqueue_indirect_dma source(%dma_start3A_274 : memref<20000x128xf32, #tpu.memory_space<hbm>>) target(%dma_start3A_268 : memref<64x128xf32, #tpu.memory_space<vmem>>) offsets(%dma_start3A_271 : memref<64xi32, #tpu.memory_space<vmem>>) semaphore(%arg12 : memref<!tpu.dma_semaphore, #tpu.memory_space<semaphore_mem>>)
      %dma_start3A_275 = arith.constant 6 : i32
      %dma_start3A_276 = arith.constant 64 : i32
      %dma_start3A_277 = arith.constant 0 : i32
      %dma_start3A_278 = tpu.memref_slice %arg10[%dma_start3A_276, %dma_start3A_277] : memref<128x128xf32, #tpu.memory_space<vmem>> -> memref<64x128xf32, #tpu.memory_space<vmem>>
      %dma_start3A_279 = arith.constant 64 : i32
      %dma_start3A_280 = tpu.memref_slice %arg8[%dma_start3A_275, %dma_start3A_279] : memref<8x128xi32, #tpu.memory_space<vmem>> -> memref<1x64xi32, #tpu.memory_space<vmem>>
      %dma_start3A_281 = tpu.memref_squeeze %dma_start3A_280 : memref<1x64xi32, #tpu.memory_space<vmem>> -> memref<64xi32, #tpu.memory_space<vmem>>
      %dma_start3A_282 = arith.constant 0 : i32
      %dma_start3A_283 = arith.constant 0 : i32
      %dma_start3A_284 = tpu.memref_slice %arg2[%dma_start3A_282, %dma_start3A_283] : memref<20000x128xf32, #tpu.memory_space<hbm>> -> memref<20000x128xf32, #tpu.memory_space<hbm>>
      tpu.enqueue_indirect_dma source(%dma_start3A_284 : memref<20000x128xf32, #tpu.memory_space<hbm>>) target(%dma_start3A_278 : memref<64x128xf32, #tpu.memory_space<vmem>>) offsets(%dma_start3A_281 : memref<64xi32, #tpu.memory_space<vmem>>) semaphore(%arg12 : memref<!tpu.dma_semaphore, #tpu.memory_space<semaphore_mem>>)
      %run_scoped3A_285 = arith.constant 5 : i32
      "tpu.region"() ({
        %run_scoped3A_349 = tpu.sem_alloc : memref<!tpu.dma_semaphore, #tpu.memory_space<semaphore_mem>>
        %dma_start3A_350 = arith.constant 0 : i32
        %dma_start3A_351 = tpu.memref_slice %arg9[%run_scoped3A_285, %dma_start3A_350] : memref<8x128xi32, #tpu.memory_space<vmem>> -> memref<1x128xi32, #tpu.memory_space<vmem>>
        %dma_start3A_352 = tpu.memref_squeeze %dma_start3A_351 : memref<1x128xi32, #tpu.memory_space<vmem>> -> memref<128xi32, #tpu.memory_space<vmem>>
        %dma_start3A_353 = arith.constant 0 : i32
        %dma_start3A_354 = arith.constant 0 : i32
        %dma_start3A_355 = tpu.memref_slice %arg7[%dma_start3A_353, %dma_start3A_354] : memref<10112x128xf32, #tpu.memory_space<vmem_shared>> -> memref<10112x128xf32, #tpu.memory_space<vmem_shared>>
        tpu.enqueue_indirect_dma source(%arg11 : memref<128x128xf32, #tpu.memory_space<vmem>>) target(%dma_start3A_355 : memref<10112x128xf32, #tpu.memory_space<vmem_shared>>) offsets(%dma_start3A_352 : memref<128xi32, #tpu.memory_space<vmem>>) semaphore(%run_scoped3A_349 : memref<!tpu.dma_semaphore, #tpu.memory_space<semaphore_mem>>) {add = true}
        %dma_wait3A_356 = arith.constant 0 : i32
        %dma_wait3A_357 = tpu.memref_slice %arg9[%run_scoped3A_285, %dma_wait3A_356] : memref<8x128xi32, #tpu.memory_space<vmem>> -> memref<1x128xi32, #tpu.memory_space<vmem>>
        %dma_wait3A_358 = tpu.memref_squeeze %dma_wait3A_357 : memref<1x128xi32, #tpu.memory_space<vmem>> -> memref<128xi32, #tpu.memory_space<vmem>>
        %dma_wait3A_359 = arith.constant 0 : i32
        %dma_wait3A_360 = arith.constant 0 : i32
        %dma_wait3A_361 = tpu.memref_slice %arg7[%dma_wait3A_359, %dma_wait3A_360] : memref<10112x128xf32, #tpu.memory_space<vmem_shared>> -> memref<10112x128xf32, #tpu.memory_space<vmem_shared>>
        tpu.wait_indirect_dma semaphore(%run_scoped3A_349 : memref<!tpu.dma_semaphore, #tpu.memory_space<semaphore_mem>>) src(%arg11 : memref<128x128xf32, #tpu.memory_space<vmem>>) dst(%dma_wait3A_361 : memref<10112x128xf32, #tpu.memory_space<vmem_shared>>)
        tpu.yield
      }) : () -> ()
      %dma_wait3A_286 = arith.constant 6 : i32
      %dma_wait3A_287 = arith.constant 0 : i32
      %dma_wait3A_288 = arith.constant 0 : i32
      %dma_wait3A_289 = tpu.memref_slice %arg10[%dma_wait3A_287, %dma_wait3A_288] : memref<128x128xf32, #tpu.memory_space<vmem>> -> memref<64x128xf32, #tpu.memory_space<vmem>>
      %dma_wait3A_290 = arith.constant 0 : i32
      %dma_wait3A_291 = tpu.memref_slice %arg8[%dma_wait3A_286, %dma_wait3A_290] : memref<8x128xi32, #tpu.memory_space<vmem>> -> memref<1x64xi32, #tpu.memory_space<vmem>>
      %dma_wait3A_292 = tpu.memref_squeeze %dma_wait3A_291 : memref<1x64xi32, #tpu.memory_space<vmem>> -> memref<64xi32, #tpu.memory_space<vmem>>
      %dma_wait3A_293 = arith.constant 0 : i32
      %dma_wait3A_294 = arith.constant 0 : i32
      %dma_wait3A_295 = tpu.memref_slice %arg2[%dma_wait3A_293, %dma_wait3A_294] : memref<20000x128xf32, #tpu.memory_space<hbm>> -> memref<20000x128xf32, #tpu.memory_space<hbm>>
      tpu.wait_indirect_dma semaphore(%arg12 : memref<!tpu.dma_semaphore, #tpu.memory_space<semaphore_mem>>) src(%dma_wait3A_295 : memref<20000x128xf32, #tpu.memory_space<hbm>>) dst(%dma_wait3A_289 : memref<64x128xf32, #tpu.memory_space<vmem>>)
      %dma_wait3A_296 = arith.constant 6 : i32
      %dma_wait3A_297 = arith.constant 64 : i32
      %dma_wait3A_298 = arith.constant 0 : i32
      %dma_wait3A_299 = tpu.memref_slice %arg10[%dma_wait3A_297, %dma_wait3A_298] : memref<128x128xf32, #tpu.memory_space<vmem>> -> memref<64x128xf32, #tpu.memory_space<vmem>>
      %dma_wait3A_300 = arith.constant 64 : i32
      %dma_wait3A_301 = tpu.memref_slice %arg8[%dma_wait3A_296, %dma_wait3A_300] : memref<8x128xi32, #tpu.memory_space<vmem>> -> memref<1x64xi32, #tpu.memory_space<vmem>>
      %dma_wait3A_302 = tpu.memref_squeeze %dma_wait3A_301 : memref<1x64xi32, #tpu.memory_space<vmem>> -> memref<64xi32, #tpu.memory_space<vmem>>
      %dma_wait3A_303 = arith.constant 0 : i32
      %dma_wait3A_304 = arith.constant 0 : i32
      %dma_wait3A_305 = tpu.memref_slice %arg2[%dma_wait3A_303, %dma_wait3A_304] : memref<20000x128xf32, #tpu.memory_space<hbm>> -> memref<20000x128xf32, #tpu.memory_space<hbm>>
      tpu.wait_indirect_dma semaphore(%arg12 : memref<!tpu.dma_semaphore, #tpu.memory_space<semaphore_mem>>) src(%dma_wait3A_305 : memref<20000x128xf32, #tpu.memory_space<hbm>>) dst(%dma_wait3A_299 : memref<64x128xf32, #tpu.memory_space<vmem>>)
      %dma_start3A_306 = arith.constant 7 : i32
      %dma_start3A_307 = arith.constant 0 : i32
      %dma_start3A_308 = arith.constant 0 : i32
      %dma_start3A_309 = tpu.memref_slice %arg11[%dma_start3A_307, %dma_start3A_308] : memref<128x128xf32, #tpu.memory_space<vmem>> -> memref<64x128xf32, #tpu.memory_space<vmem>>
      %dma_start3A_310 = arith.constant 0 : i32
      %dma_start3A_311 = tpu.memref_slice %arg8[%dma_start3A_306, %dma_start3A_310] : memref<8x128xi32, #tpu.memory_space<vmem>> -> memref<1x64xi32, #tpu.memory_space<vmem>>
      %dma_start3A_312 = tpu.memref_squeeze %dma_start3A_311 : memref<1x64xi32, #tpu.memory_space<vmem>> -> memref<64xi32, #tpu.memory_space<vmem>>
      %dma_start3A_313 = arith.constant 0 : i32
      %dma_start3A_314 = arith.constant 0 : i32
      %dma_start3A_315 = tpu.memref_slice %arg2[%dma_start3A_313, %dma_start3A_314] : memref<20000x128xf32, #tpu.memory_space<hbm>> -> memref<20000x128xf32, #tpu.memory_space<hbm>>
      tpu.enqueue_indirect_dma source(%dma_start3A_315 : memref<20000x128xf32, #tpu.memory_space<hbm>>) target(%dma_start3A_309 : memref<64x128xf32, #tpu.memory_space<vmem>>) offsets(%dma_start3A_312 : memref<64xi32, #tpu.memory_space<vmem>>) semaphore(%arg13 : memref<!tpu.dma_semaphore, #tpu.memory_space<semaphore_mem>>)
      %dma_start3A_316 = arith.constant 7 : i32
      %dma_start3A_317 = arith.constant 64 : i32
      %dma_start3A_318 = arith.constant 0 : i32
      %dma_start3A_319 = tpu.memref_slice %arg11[%dma_start3A_317, %dma_start3A_318] : memref<128x128xf32, #tpu.memory_space<vmem>> -> memref<64x128xf32, #tpu.memory_space<vmem>>
      %dma_start3A_320 = arith.constant 64 : i32
      %dma_start3A_321 = tpu.memref_slice %arg8[%dma_start3A_316, %dma_start3A_320] : memref<8x128xi32, #tpu.memory_space<vmem>> -> memref<1x64xi32, #tpu.memory_space<vmem>>
      %dma_start3A_322 = tpu.memref_squeeze %dma_start3A_321 : memref<1x64xi32, #tpu.memory_space<vmem>> -> memref<64xi32, #tpu.memory_space<vmem>>
      %dma_start3A_323 = arith.constant 0 : i32
      %dma_start3A_324 = arith.constant 0 : i32
      %dma_start3A_325 = tpu.memref_slice %arg2[%dma_start3A_323, %dma_start3A_324] : memref<20000x128xf32, #tpu.memory_space<hbm>> -> memref<20000x128xf32, #tpu.memory_space<hbm>>
      tpu.enqueue_indirect_dma source(%dma_start3A_325 : memref<20000x128xf32, #tpu.memory_space<hbm>>) target(%dma_start3A_319 : memref<64x128xf32, #tpu.memory_space<vmem>>) offsets(%dma_start3A_322 : memref<64xi32, #tpu.memory_space<vmem>>) semaphore(%arg13 : memref<!tpu.dma_semaphore, #tpu.memory_space<semaphore_mem>>)
      %run_scoped3A_326 = arith.constant 6 : i32
      "tpu.region"() ({
        %run_scoped3A_349 = tpu.sem_alloc : memref<!tpu.dma_semaphore, #tpu.memory_space<semaphore_mem>>
        %dma_start3A_350 = arith.constant 0 : i32
        %dma_start3A_351 = tpu.memref_slice %arg9[%run_scoped3A_326, %dma_start3A_350] : memref<8x128xi32, #tpu.memory_space<vmem>> -> memref<1x128xi32, #tpu.memory_space<vmem>>
        %dma_start3A_352 = tpu.memref_squeeze %dma_start3A_351 : memref<1x128xi32, #tpu.memory_space<vmem>> -> memref<128xi32, #tpu.memory_space<vmem>>
        %dma_start3A_353 = arith.constant 0 : i32
        %dma_start3A_354 = arith.constant 0 : i32
        %dma_start3A_355 = tpu.memref_slice %arg7[%dma_start3A_353, %dma_start3A_354] : memref<10112x128xf32, #tpu.memory_space<vmem_shared>> -> memref<10112x128xf32, #tpu.memory_space<vmem_shared>>
        tpu.enqueue_indirect_dma source(%arg10 : memref<128x128xf32, #tpu.memory_space<vmem>>) target(%dma_start3A_355 : memref<10112x128xf32, #tpu.memory_space<vmem_shared>>) offsets(%dma_start3A_352 : memref<128xi32, #tpu.memory_space<vmem>>) semaphore(%run_scoped3A_349 : memref<!tpu.dma_semaphore, #tpu.memory_space<semaphore_mem>>) {add = true}
        %dma_wait3A_356 = arith.constant 0 : i32
        %dma_wait3A_357 = tpu.memref_slice %arg9[%run_scoped3A_326, %dma_wait3A_356] : memref<8x128xi32, #tpu.memory_space<vmem>> -> memref<1x128xi32, #tpu.memory_space<vmem>>
        %dma_wait3A_358 = tpu.memref_squeeze %dma_wait3A_357 : memref<1x128xi32, #tpu.memory_space<vmem>> -> memref<128xi32, #tpu.memory_space<vmem>>
        %dma_wait3A_359 = arith.constant 0 : i32
        %dma_wait3A_360 = arith.constant 0 : i32
        %dma_wait3A_361 = tpu.memref_slice %arg7[%dma_wait3A_359, %dma_wait3A_360] : memref<10112x128xf32, #tpu.memory_space<vmem_shared>> -> memref<10112x128xf32, #tpu.memory_space<vmem_shared>>
        tpu.wait_indirect_dma semaphore(%run_scoped3A_349 : memref<!tpu.dma_semaphore, #tpu.memory_space<semaphore_mem>>) src(%arg10 : memref<128x128xf32, #tpu.memory_space<vmem>>) dst(%dma_wait3A_361 : memref<10112x128xf32, #tpu.memory_space<vmem_shared>>)
        tpu.yield
      }) : () -> ()
      %dma_wait3A_327 = arith.constant 7 : i32
      %dma_wait3A_328 = arith.constant 0 : i32
      %dma_wait3A_329 = arith.constant 0 : i32
      %dma_wait3A_330 = tpu.memref_slice %arg11[%dma_wait3A_328, %dma_wait3A_329] : memref<128x128xf32, #tpu.memory_space<vmem>> -> memref<64x128xf32, #tpu.memory_space<vmem>>
      %dma_wait3A_331 = arith.constant 0 : i32
      %dma_wait3A_332 = tpu.memref_slice %arg8[%dma_wait3A_327, %dma_wait3A_331] : memref<8x128xi32, #tpu.memory_space<vmem>> -> memref<1x64xi32, #tpu.memory_space<vmem>>
      %dma_wait3A_333 = tpu.memref_squeeze %dma_wait3A_332 : memref<1x64xi32, #tpu.memory_space<vmem>> -> memref<64xi32, #tpu.memory_space<vmem>>
      %dma_wait3A_334 = arith.constant 0 : i32
      %dma_wait3A_335 = arith.constant 0 : i32
      %dma_wait3A_336 = tpu.memref_slice %arg2[%dma_wait3A_334, %dma_wait3A_335] : memref<20000x128xf32, #tpu.memory_space<hbm>> -> memref<20000x128xf32, #tpu.memory_space<hbm>>
      tpu.wait_indirect_dma semaphore(%arg13 : memref<!tpu.dma_semaphore, #tpu.memory_space<semaphore_mem>>) src(%dma_wait3A_336 : memref<20000x128xf32, #tpu.memory_space<hbm>>) dst(%dma_wait3A_330 : memref<64x128xf32, #tpu.memory_space<vmem>>)
      %dma_wait3A_337 = arith.constant 7 : i32
      %dma_wait3A_338 = arith.constant 64 : i32
      %dma_wait3A_339 = arith.constant 0 : i32
      %dma_wait3A_340 = tpu.memref_slice %arg11[%dma_wait3A_338, %dma_wait3A_339] : memref<128x128xf32, #tpu.memory_space<vmem>> -> memref<64x128xf32, #tpu.memory_space<vmem>>
      %dma_wait3A_341 = arith.constant 64 : i32
      %dma_wait3A_342 = tpu.memref_slice %arg8[%dma_wait3A_337, %dma_wait3A_341] : memref<8x128xi32, #tpu.memory_space<vmem>> -> memref<1x64xi32, #tpu.memory_space<vmem>>
      %dma_wait3A_343 = tpu.memref_squeeze %dma_wait3A_342 : memref<1x64xi32, #tpu.memory_space<vmem>> -> memref<64xi32, #tpu.memory_space<vmem>>
      %dma_wait3A_344 = arith.constant 0 : i32
      %dma_wait3A_345 = arith.constant 0 : i32
      %dma_wait3A_346 = tpu.memref_slice %arg2[%dma_wait3A_344, %dma_wait3A_345] : memref<20000x128xf32, #tpu.memory_space<hbm>> -> memref<20000x128xf32, #tpu.memory_space<hbm>>
      tpu.wait_indirect_dma semaphore(%arg13 : memref<!tpu.dma_semaphore, #tpu.memory_space<semaphore_mem>>) src(%dma_wait3A_346 : memref<20000x128xf32, #tpu.memory_space<hbm>>) dst(%dma_wait3A_340 : memref<64x128xf32, #tpu.memory_space<vmem>>)
      %run_scoped3A_347 = arith.constant 7 : i32
      "tpu.region"() ({
        %run_scoped3A_349 = tpu.sem_alloc : memref<!tpu.dma_semaphore, #tpu.memory_space<semaphore_mem>>
        %dma_start3A_350 = arith.constant 0 : i32
        %dma_start3A_351 = tpu.memref_slice %arg9[%run_scoped3A_347, %dma_start3A_350] : memref<8x128xi32, #tpu.memory_space<vmem>> -> memref<1x128xi32, #tpu.memory_space<vmem>>
        %dma_start3A_352 = tpu.memref_squeeze %dma_start3A_351 : memref<1x128xi32, #tpu.memory_space<vmem>> -> memref<128xi32, #tpu.memory_space<vmem>>
        %dma_start3A_353 = arith.constant 0 : i32
        %dma_start3A_354 = arith.constant 0 : i32
        %dma_start3A_355 = tpu.memref_slice %arg7[%dma_start3A_353, %dma_start3A_354] : memref<10112x128xf32, #tpu.memory_space<vmem_shared>> -> memref<10112x128xf32, #tpu.memory_space<vmem_shared>>
        tpu.enqueue_indirect_dma source(%arg11 : memref<128x128xf32, #tpu.memory_space<vmem>>) target(%dma_start3A_355 : memref<10112x128xf32, #tpu.memory_space<vmem_shared>>) offsets(%dma_start3A_352 : memref<128xi32, #tpu.memory_space<vmem>>) semaphore(%run_scoped3A_349 : memref<!tpu.dma_semaphore, #tpu.memory_space<semaphore_mem>>) {add = true}
        %dma_wait3A_356 = arith.constant 0 : i32
        %dma_wait3A_357 = tpu.memref_slice %arg9[%run_scoped3A_347, %dma_wait3A_356] : memref<8x128xi32, #tpu.memory_space<vmem>> -> memref<1x128xi32, #tpu.memory_space<vmem>>
        %dma_wait3A_358 = tpu.memref_squeeze %dma_wait3A_357 : memref<1x128xi32, #tpu.memory_space<vmem>> -> memref<128xi32, #tpu.memory_space<vmem>>
        %dma_wait3A_359 = arith.constant 0 : i32
        %dma_wait3A_360 = arith.constant 0 : i32
        %dma_wait3A_361 = tpu.memref_slice %arg7[%dma_wait3A_359, %dma_wait3A_360] : memref<10112x128xf32, #tpu.memory_space<vmem_shared>> -> memref<10112x128xf32, #tpu.memory_space<vmem_shared>>
        tpu.wait_indirect_dma semaphore(%run_scoped3A_349 : memref<!tpu.dma_semaphore, #tpu.memory_space<semaphore_mem>>) src(%arg11 : memref<128x128xf32, #tpu.memory_space<vmem>>) dst(%dma_wait3A_361 : memref<10112x128xf32, #tpu.memory_space<vmem_shared>>)
        tpu.yield
      }) : () -> ()
      %scan3A_348 = arith.constant 0 : i32
      scf.yield %scan3A_348 : i32
    }
    %scan3A_8 = arith.constant 10 : i32
    %barrier3A_9 = arith.constant 0 : index
    tpu.barrier barrier_id(%barrier3A_9)
    %mul3A_10 = arith.constant 624 : i32
    %mul3A_11 = arith.muli %arg1, %mul3A_10 : i32
    %mul3A_12 = arith.constant 624 : i32
    %mul3A_13 = arith.muli %arg1, %mul3A_12 : i32
    "tpu.region"() ({
      %run_scoped3A = tpu.sem_alloc : memref<!tpu.dma_semaphore, #tpu.memory_space<semaphore_mem>>
      %dma_start3A = arith.constant 0 : i32
      %dma_start3A_16 = tpu.memref_slice %arg6[%arg0, %mul3A_13, %dma_start3A] : memref<2x10000x128xf32, #tpu.memory_space<hbm>> -> memref<1x624x128xf32, #tpu.memory_space<hbm>>
      %dma_start3A_17 = tpu.memref_squeeze %dma_start3A_16 : memref<1x624x128xf32, #tpu.memory_space<hbm>> -> memref<624x128xf32, #tpu.memory_space<hbm>>
      %dma_start3A_18 = arith.constant 0 : i32
      %dma_start3A_19 = tpu.memref_slice %arg7[%mul3A_11, %dma_start3A_18] : memref<10112x128xf32, #tpu.memory_space<vmem_shared>> -> memref<624x128xf32, #tpu.memory_space<vmem_shared>>
      tpu.enqueue_dma source(%dma_start3A_19 : memref<624x128xf32, #tpu.memory_space<vmem_shared>>) target(%dma_start3A_17 : memref<624x128xf32, #tpu.memory_space<hbm>>) target_semaphore(%run_scoped3A : memref<!tpu.dma_semaphore, #tpu.memory_space<semaphore_mem>>)
      %dma_wait3A = arith.constant 0 : i32
      %dma_wait3A_20 = tpu.memref_slice %arg6[%arg0, %mul3A_13, %dma_wait3A] : memref<2x10000x128xf32, #tpu.memory_space<hbm>> -> memref<1x624x128xf32, #tpu.memory_space<hbm>>
      %dma_wait3A_21 = tpu.memref_squeeze %dma_wait3A_20 : memref<1x624x128xf32, #tpu.memory_space<hbm>> -> memref<624x128xf32, #tpu.memory_space<hbm>>
      %dma_wait3A_22 = arith.constant 0 : i32
      %dma_wait3A_23 = tpu.memref_slice %arg7[%mul3A_11, %dma_wait3A_22] : memref<10112x128xf32, #tpu.memory_space<vmem_shared>> -> memref<624x128xf32, #tpu.memory_space<vmem_shared>>
      tpu.wait_dma2 semaphore(%run_scoped3A : memref<!tpu.dma_semaphore, #tpu.memory_space<semaphore_mem>>) src(%dma_wait3A_23 : memref<624x128xf32, #tpu.memory_space<vmem_shared>>) dst(%dma_wait3A_21 : memref<624x128xf32, #tpu.memory_space<hbm>>)
      tpu.yield
    }) : () -> ()
    %eq3A = arith.constant 15 : i32
    %eq3A_14 = arith.cmpi eq, %arg1, %eq3A : i32
    %convert_element_type3A = arith.extui %eq3A_14 : i1 to i32
    %cond3A = arith.constant 0 : i32
    %cond3A_15 = arith.cmpi ne, %convert_element_type3A, %cond3A : i32
    scf.if %cond3A_15 {
      "tpu.region"() ({
        %run_scoped3A = tpu.sem_alloc : memref<!tpu.dma_semaphore, #tpu.memory_space<semaphore_mem>>
        %dma_start3A = arith.constant 9984 : i32
        %dma_start3A_16 = arith.constant 0 : i32
        %dma_start3A_17 = tpu.memref_slice %arg6[%arg0, %dma_start3A, %dma_start3A_16] : memref<2x10000x128xf32, #tpu.memory_space<hbm>> -> memref<1x16x128xf32, #tpu.memory_space<hbm>>
        %dma_start3A_18 = tpu.memref_squeeze %dma_start3A_17 : memref<1x16x128xf32, #tpu.memory_space<hbm>> -> memref<16x128xf32, #tpu.memory_space<hbm>>
        %dma_start3A_19 = arith.constant 9984 : i32
        %dma_start3A_20 = arith.constant 0 : i32
        %dma_start3A_21 = tpu.memref_slice %arg7[%dma_start3A_19, %dma_start3A_20] : memref<10112x128xf32, #tpu.memory_space<vmem_shared>> -> memref<16x128xf32, #tpu.memory_space<vmem_shared>>
        tpu.enqueue_dma source(%dma_start3A_21 : memref<16x128xf32, #tpu.memory_space<vmem_shared>>) target(%dma_start3A_18 : memref<16x128xf32, #tpu.memory_space<hbm>>) target_semaphore(%run_scoped3A : memref<!tpu.dma_semaphore, #tpu.memory_space<semaphore_mem>>)
        %dma_wait3A = arith.constant 9984 : i32
        %dma_wait3A_22 = arith.constant 0 : i32
        %dma_wait3A_23 = tpu.memref_slice %arg6[%arg0, %dma_wait3A, %dma_wait3A_22] : memref<2x10000x128xf32, #tpu.memory_space<hbm>> -> memref<1x16x128xf32, #tpu.memory_space<hbm>>
        %dma_wait3A_24 = tpu.memref_squeeze %dma_wait3A_23 : memref<1x16x128xf32, #tpu.memory_space<hbm>> -> memref<16x128xf32, #tpu.memory_space<hbm>>
        %dma_wait3A_25 = arith.constant 9984 : i32
        %dma_wait3A_26 = arith.constant 0 : i32
        %dma_wait3A_27 = tpu.memref_slice %arg7[%dma_wait3A_25, %dma_wait3A_26] : memref<10112x128xf32, #tpu.memory_space<vmem_shared>> -> memref<16x128xf32, #tpu.memory_space<vmem_shared>>
        tpu.wait_dma2 semaphore(%run_scoped3A : memref<!tpu.dma_semaphore, #tpu.memory_space<semaphore_mem>>) src(%dma_wait3A_27 : memref<16x128xf32, #tpu.memory_space<vmem_shared>>) dst(%dma_wait3A_24 : memref<16x128xf32, #tpu.memory_space<hbm>>)
        tpu.yield
      }) : () -> ()
    } else {
    }
    return
  }
}

module attributes {stable_mosaic.version = 14 : i64} {
  func.func @_tc_init_body(%arg0: i32, %arg1: memref<512x128xf32, #tpu.memory_space<vmem>>, %arg2: memref<128x128xf32, #tpu.memory_space<vmem>>, %arg3: memref<128x128xf32, #tpu.memory_space<vmem>>, %arg4: memref<512x128xf32, #tpu.memory_space<vmem>>, %arg5: memref<2x512x128xf32, #tpu.memory_space<vmem>>) attributes {dimension_semantics = [#tpu.dimension_semantics<arbitrary>], iteration_bounds = array<i64: 20>, scalar_prefetch = 0 : i64, scratch_operands = 0 : i64, tpu.core_type = #tpu.core_type<tc>, window_params = [{transform_indices = @transform_0, window_bounds = array<i64: 512, 128>}, {pipeline_mode = #tpu.pipeline_mode<synchronous>, transform_indices = @transform_1, window_bounds = array<i64: 128, 128>}, {pipeline_mode = #tpu.pipeline_mode<synchronous>, transform_indices = @transform_2, window_bounds = array<i64: 128, 128>}, {transform_indices = @transform_3, window_bounds = array<i64: 512, 128>}, {transform_indices = @transform_4, window_bounds = array<i64: 2, 512, 128>}]} {
    %get3A = arith.constant 0 : index
    %get3A_0 = arith.constant 0 : index
    %get3A_1 = vector.load %arg1[%get3A, %get3A_0] : memref<512x128xf32, #tpu.memory_space<vmem>>, vector<512x128xf32>
    %get3A_2 = arith.constant 0 : index
    %get3A_3 = arith.constant 0 : index
    %get3A_4 = vector.load %arg2[%get3A_2, %get3A_3] : memref<128x128xf32, #tpu.memory_space<vmem>>, vector<128x128xf32>
    %dot_general3A = arith.constant dense<0.000000e+00> : vector<512x128xf32>
    %dot_general3A_5 = tpu.matmul %get3A_1, %get3A_4, %dot_general3A {dimension_numbers = #tpu.dot_dimension_numbers<[1], [0], [0], [1], [0, 0, 1, 1], [], []>, transpose_lhs_hint = false} : vector<512x128xf32>, vector<128x128xf32>, vector<512x128xf32> -> vector<512x128xf32>
    %swap3A = arith.constant 0 : index
    %swap3A_6 = arith.constant 0 : index
    %swap3A_7 = vector.load %arg4[%swap3A, %swap3A_6] : memref<512x128xf32, #tpu.memory_space<vmem>>, vector<512x128xf32>
    tpu.vector_store %arg4[%swap3A, %swap3A_6], %dot_general3A_5 {strides = array<i32>} : memref<512x128xf32, #tpu.memory_space<vmem>>, vector<512x128xf32>,
    %get3A_8 = arith.constant 0 : index
    %get3A_9 = arith.constant 0 : index
    %get3A_10 = vector.load %arg3[%get3A_8, %get3A_9] : memref<128x128xf32, #tpu.memory_space<vmem>>, vector<128x128xf32>
    %dot_general3A_11 = arith.constant dense<0.000000e+00> : vector<512x128xf32>
    %dot_general3A_12 = tpu.matmul %dot_general3A_5, %get3A_10, %dot_general3A_11 {dimension_numbers = #tpu.dot_dimension_numbers<[1], [0], [0], [1], [0, 0, 1, 1], [], []>, transpose_lhs_hint = false} : vector<512x128xf32>, vector<128x128xf32>, vector<512x128xf32> -> vector<512x128xf32>
    %broadcast_in_dim3A = vector.shape_cast %dot_general3A_12 : vector<512x128xf32> to vector<1x512x128xf32>
    %broadcast_in_dim3A_13 = vector.shape_cast %broadcast_in_dim3A : vector<1x512x128xf32> to vector<1x512x128xf32>
    %broadcast_in_dim3A_14 = vector.broadcast %broadcast_in_dim3A_13 : vector<1x512x128xf32> to vector<2x512x128xf32>
    %swap3A_15 = arith.constant 0 : index
    %swap3A_16 = arith.constant 0 : index
    %swap3A_17 = arith.constant 0 : index
    %swap3A_18 = vector.load %arg5[%swap3A_15, %swap3A_16, %swap3A_17] : memref<2x512x128xf32, #tpu.memory_space<vmem>>, vector<2x512x128xf32>
    tpu.vector_store %arg5[%swap3A_15, %swap3A_16, %swap3A_17], %broadcast_in_dim3A_14 {strides = array<i32>} : memref<2x512x128xf32, #tpu.memory_space<vmem>>, vector<2x512x128xf32>,
    return
  }
  func.func @transform_0(%arg0: i32) -> (i32, i32) {
    %c0_i32 = arith.constant 0 : i32
    %c0_i32_0 = arith.constant 0 : i32
    return %arg0, %c0_i32 : i32, i32
  }
  func.func @transform_1(%arg0: i32) -> (i32, i32) {
    %c0_i32 = arith.constant 0 : i32
    %c0_i32_0 = arith.constant 0 : i32
    %c0_i32_1 = arith.constant 0 : i32
    return %c0_i32, %c0_i32_0 : i32, i32
  }
  func.func @transform_2(%arg0: i32) -> (i32, i32) {
    %c0_i32 = arith.constant 0 : i32
    %c0_i32_0 = arith.constant 0 : i32
    %c0_i32_1 = arith.constant 0 : i32
    return %c0_i32, %c0_i32_0 : i32, i32
  }
  func.func @transform_3(%arg0: i32) -> (i32, i32) {
    %c0_i32 = arith.constant 0 : i32
    %c0_i32_0 = arith.constant 0 : i32
    return %arg0, %c0_i32 : i32, i32
  }
  func.func @transform_4(%arg0: i32) -> (i32, i32, i32) {
    %c0_i32 = arith.constant 0 : i32
    %c0_i32_0 = arith.constant 0 : i32
    %c0_i32_1 = arith.constant 0 : i32
    return %c0_i32, %arg0, %c0_i32_0 : i32, i32, i32
  }
}

module attributes {stable_mosaic.version = 14 : i64} {
  func.func @_tc_ewide_body(%arg0: i32, %arg1: memref<2048x16xf32, #tpu.memory_space<vmem>>, %arg2: memref<16x16xf32, #tpu.memory_space<vmem>>, %arg3: memref<2048x128xf32, #tpu.memory_space<vmem>>) attributes {dimension_semantics = [#tpu.dimension_semantics<arbitrary>], iteration_bounds = array<i64: 160>, scalar_prefetch = 0 : i64, scratch_operands = 0 : i64, tpu.core_type = #tpu.core_type<tc>, window_params = [{transform_indices = @transform_0, window_bounds = array<i64: 2048, 16>}, {pipeline_mode = #tpu.pipeline_mode<synchronous>, transform_indices = @transform_1, window_bounds = array<i64: 16, 16>}, {transform_indices = @transform_2, window_bounds = array<i64: 2048, 128>}]} {
    %get3A = arith.constant 0 : index
    %get3A_0 = arith.constant 0 : index
    %get3A_1 = vector.load %arg1[%get3A, %get3A_0] : memref<2048x16xf32, #tpu.memory_space<vmem>>, vector<2048x16xf32>
    %get3A_2 = arith.constant 0 : index
    %get3A_3 = arith.constant 0 : index
    %get3A_4 = vector.load %arg2[%get3A_2, %get3A_3] : memref<16x16xf32, #tpu.memory_space<vmem>>, vector<16x16xf32>
    %dot_general3A = arith.constant dense<0.000000e+00> : vector<2048x16xf32>
    %dot_general3A_5 = tpu.matmul %get3A_1, %get3A_4, %dot_general3A {dimension_numbers = #tpu.dot_dimension_numbers<[1], [0], [0], [1], [0, 0, 1, 1], [], []>, transpose_lhs_hint = false} : vector<2048x16xf32>, vector<16x16xf32>, vector<2048x16xf32> -> vector<2048x16xf32>
    %convert_element_type3A = arith.truncf %dot_general3A_5 : vector<2048x16xf32> to vector<2048x16xbf16>
    %convert_element_type3A_6 = arith.extf %convert_element_type3A : vector<2048x16xbf16> to vector<2048x16xf32>
    %broadcast_in_dim3A = arith.constant 1.000000e+00 : f32
    %broadcast_in_dim3A_7 = vector.broadcast %broadcast_in_dim3A : f32 to vector<2048x1xf32>
    %broadcast_in_dim3A_8 = arith.constant 0.000000e+00 : f32
    %broadcast_in_dim3A_9 = vector.broadcast %broadcast_in_dim3A_8 : f32 to vector<2048x111xf32>
    %concatenate3A = tpu.concatenate %convert_element_type3A_6, %broadcast_in_dim3A_7, %broadcast_in_dim3A_9 in 1 : vector<2048x16xf32>, vector<2048x1xf32>, vector<2048x111xf32> -> vector<2048x128xf32>
    %swap3A = arith.constant 0 : index
    %swap3A_10 = arith.constant 0 : index
    %swap3A_11 = vector.load %arg3[%swap3A, %swap3A_10] : memref<2048x128xf32, #tpu.memory_space<vmem>>, vector<2048x128xf32>
    tpu.vector_store %arg3[%swap3A, %swap3A_10], %concatenate3A {strides = array<i32>} : memref<2048x128xf32, #tpu.memory_space<vmem>>, vector<2048x128xf32>,
    return
  }
  func.func @transform_0(%arg0: i32) -> (i32, i32) {
    %c0_i32 = arith.constant 0 : i32
    %c0_i32_0 = arith.constant 0 : i32
    return %arg0, %c0_i32 : i32, i32
  }
  func.func @transform_1(%arg0: i32) -> (i32, i32) {
    %c0_i32 = arith.constant 0 : i32
    %c0_i32_0 = arith.constant 0 : i32
    %c0_i32_1 = arith.constant 0 : i32
    return %c0_i32, %c0_i32_0 : i32, i32
  }
  func.func @transform_2(%arg0: i32) -> (i32, i32) {
    %c0_i32 = arith.constant 0 : i32
    %c0_i32_0 = arith.constant 0 : i32
    return %arg0, %c0_i32 : i32, i32
  }
}

module attributes {stable_mosaic.version = 14 : i64} {
  func.func @_tc_update_body(%arg0: i32, %arg1: memref<512x128xf32, #tpu.memory_space<vmem>>, %arg2: memref<2x512x128xf32, #tpu.memory_space<vmem>>, %arg3: memref<2x512x128xf32, #tpu.memory_space<vmem>>, %arg4: memref<16x128xf32, #tpu.memory_space<vmem>>, %arg5: memref<128x128xf32, #tpu.memory_space<vmem>>, %arg6: memref<1x128xf32, #tpu.memory_space<vmem>>, %arg7: memref<128x384xf32, #tpu.memory_space<vmem>>, %arg8: memref<128x384xf32, #tpu.memory_space<vmem>>, %arg9: memref<1x384xf32, #tpu.memory_space<vmem>>, %arg10: memref<1x384xf32, #tpu.memory_space<vmem>>, %arg11: memref<128x128xf32, #tpu.memory_space<vmem>>, %arg12: memref<512x128xf32, #tpu.memory_space<vmem>>, %arg13: memref<2x512x128xf32, #tpu.memory_space<vmem>>) attributes {dimension_semantics = [#tpu.dimension_semantics<arbitrary>], iteration_bounds = array<i64: 20>, scalar_prefetch = 0 : i64, scratch_operands = 0 : i64, tpu.core_type = #tpu.core_type<tc>, window_params = [{transform_indices = @transform_0, window_bounds = array<i64: 512, 128>}, {transform_indices = @transform_1, window_bounds = array<i64: 2, 512, 128>}, {transform_indices = @transform_2, window_bounds = array<i64: 2, 512, 128>}, {pipeline_mode = #tpu.pipeline_mode<synchronous>, transform_indices = @transform_3, window_bounds = array<i64: 16, 128>}, {pipeline_mode = #tpu.pipeline_mode<synchronous>, transform_indices = @transform_4, window_bounds = array<i64: 128, 128>}, {pipeline_mode = #tpu.pipeline_mode<synchronous>, transform_indices = @transform_5, window_bounds = array<i64: 1, 128>}, {pipeline_mode = #tpu.pipeline_mode<synchronous>, transform_indices = @transform_6, window_bounds = array<i64: 128, 384>}, {pipeline_mode = #tpu.pipeline_mode<synchronous>, transform_indices = @transform_7, window_bounds = array<i64: 128, 384>}, {pipeline_mode = #tpu.pipeline_mode<synchronous>, transform_indices = @transform_8, window_bounds = array<i64: 1, 384>}, {pipeline_mode = #tpu.pipeline_mode<synchronous>, transform_indices = @transform_9, window_bounds = array<i64: 1, 384>}, {pipeline_mode = #tpu.pipeline_mode<synchronous>, transform_indices = @transform_10, window_bounds = array<i64: 128, 128>}, {transform_indices = @transform_11, window_bounds = array<i64: 512, 128>}, {transform_indices = @transform_12, window_bounds = array<i64: 2, 512, 128>}]} {
    %get3A = arith.constant 0 : index
    %get3A_0 = arith.constant 0 : index
    %get3A_1 = vector.load %arg1[%get3A, %get3A_0] : memref<512x128xf32, #tpu.memory_space<vmem>>, vector<512x128xf32>
    %get3A_2 = arith.constant 0 : index
    %get3A_3 = arith.constant 0 : index
    %get3A_4 = arith.constant 0 : index
    %get3A_5 = vector.load %arg2[%get3A_2, %get3A_3, %get3A_4] : memref<2x512x128xf32, #tpu.memory_space<vmem>>, vector<1x512x128xf32>
    %get3A_6 = vector.shape_cast %get3A_5 : vector<1x512x128xf32> to vector<512x128xf32>
    %get3A_7 = arith.constant 1 : index
    %get3A_8 = arith.constant 0 : index
    %get3A_9 = arith.constant 0 : index
    %get3A_10 = vector.load %arg2[%get3A_7, %get3A_8, %get3A_9] : memref<2x512x128xf32, #tpu.memory_space<vmem>>, vector<1x512x128xf32>
    %get3A_11 = vector.shape_cast %get3A_10 : vector<1x512x128xf32> to vector<512x128xf32>
    %add3A = arith.addf %get3A_6, %get3A_11 : vector<512x128xf32>
    %get3A_12 = arith.constant 0 : index
    %get3A_13 = arith.constant 0 : index
    %get3A_14 = arith.constant 0 : index
    %get3A_15 = vector.load %arg3[%get3A_12, %get3A_13, %get3A_14] : memref<2x512x128xf32, #tpu.memory_space<vmem>>, vector<1x512x128xf32>
    %get3A_16 = vector.shape_cast %get3A_15 : vector<1x512x128xf32> to vector<512x128xf32>
    %get3A_17 = arith.constant 1 : index
    %get3A_18 = arith.constant 0 : index
    %get3A_19 = arith.constant 0 : index
    %get3A_20 = vector.load %arg3[%get3A_17, %get3A_18, %get3A_19] : memref<2x512x128xf32, #tpu.memory_space<vmem>>, vector<1x512x128xf32>
    %get3A_21 = vector.shape_cast %get3A_20 : vector<1x512x128xf32> to vector<512x128xf32>
    %add3A_22 = arith.addf %get3A_16, %get3A_21 : vector<512x128xf32>
    %slice3A = vector.extract_strided_slice %add3A_22 {offsets = [0, 0], sizes = [512, 16], strides = [1, 1]} : vector<512x128xf32> to vector<512x16xf32>
    %slice3A_23 = vector.extract_strided_slice %add3A_22 {offsets = [0, 16], sizes = [512, 1], strides = [1, 1]} : vector<512x128xf32> to vector<512x1xf32>
    %get3A_24 = arith.constant 0 : index
    %get3A_25 = arith.constant 0 : index
    %get3A_26 = vector.load %arg4[%get3A_24, %get3A_25] : memref<16x128xf32, #tpu.memory_space<vmem>>, vector<16x128xf32>
    %dot_general3A = arith.constant dense<0.000000e+00> : vector<512x128xf32>
    %dot_general3A_27 = tpu.matmul %slice3A, %get3A_26, %dot_general3A {dimension_numbers = #tpu.dot_dimension_numbers<[1], [0], [0], [1], [0, 0, 1, 1], [], []>, precision = #tpu.contract_precision<fp32>, transpose_lhs_hint = false} : vector<512x16xf32>, vector<16x128xf32>, vector<512x128xf32> -> vector<512x128xf32>
    %get3A_28 = arith.constant 0 : index
    %get3A_29 = arith.constant 0 : index
    %get3A_30 = vector.load %arg5[%get3A_28, %get3A_29] : memref<128x128xf32, #tpu.memory_space<vmem>>, vector<128x128xf32>
    %dot_general3A_31 = arith.constant dense<0.000000e+00> : vector<512x128xf32>
    %dot_general3A_32 = tpu.matmul %get3A_1, %get3A_30, %dot_general3A_31 {dimension_numbers = #tpu.dot_dimension_numbers<[1], [0], [0], [1], [0, 0, 1, 1], [], []>, transpose_lhs_hint = false} : vector<512x128xf32>, vector<128x128xf32>, vector<512x128xf32> -> vector<512x128xf32>
    %add3A_33 = arith.addf %add3A, %dot_general3A_27 : vector<512x128xf32>
    %get3A_34 = arith.constant 0 : index
    %get3A_35 = arith.constant 0 : index
    %get3A_36 = vector.load %arg6[%get3A_34, %get3A_35] : memref<1x128xf32, #tpu.memory_space<vmem>>, vector<1x128xf32>
    %add3A_37 = vector.broadcast %get3A_36 : vector<1x128xf32> to vector<512x128xf32>
    %add3A_38 = arith.addf %dot_general3A_32, %add3A_37 : vector<512x128xf32>
    %mul3A = vector.broadcast %slice3A_23 : vector<512x1xf32> to vector<512x128xf32>
    %mul3A_39 = arith.mulf %mul3A, %add3A_38 : vector<512x128xf32>
    %add3A_40 = arith.addf %add3A_33, %mul3A_39 : vector<512x128xf32>
    %get3A_41 = arith.constant 0 : index
    %get3A_42 = arith.constant 0 : index
    %get3A_43 = vector.load %arg7[%get3A_41, %get3A_42] : memref<128x384xf32, #tpu.memory_space<vmem>>, vector<128x384xf32>
    %dot_general3A_44 = arith.constant dense<0.000000e+00> : vector<512x384xf32>
    %dot_general3A_45 = tpu.matmul %add3A_40, %get3A_43, %dot_general3A_44 {dimension_numbers = #tpu.dot_dimension_numbers<[1], [0], [0], [1], [0, 0, 1, 1], [], []>, transpose_lhs_hint = false} : vector<512x128xf32>, vector<128x384xf32>, vector<512x384xf32> -> vector<512x384xf32>
    %get3A_46 = arith.constant 0 : index
    %get3A_47 = arith.constant 0 : index
    %get3A_48 = vector.load %arg9[%get3A_46, %get3A_47] : memref<1x384xf32, #tpu.memory_space<vmem>>, vector<1x384xf32>
    %add3A_49 = vector.broadcast %get3A_48 : vector<1x384xf32> to vector<512x384xf32>
    %add3A_50 = arith.addf %dot_general3A_45, %add3A_49 : vector<512x384xf32>
    %get3A_51 = arith.constant 0 : index
    %get3A_52 = arith.constant 0 : index
    %get3A_53 = vector.load %arg8[%get3A_51, %get3A_52] : memref<128x384xf32, #tpu.memory_space<vmem>>, vector<128x384xf32>
    %dot_general3A_54 = arith.constant dense<0.000000e+00> : vector<512x384xf32>
    %dot_general3A_55 = tpu.matmul %get3A_1, %get3A_53, %dot_general3A_54 {dimension_numbers = #tpu.dot_dimension_numbers<[1], [0], [0], [1], [0, 0, 1, 1], [], []>, transpose_lhs_hint = false} : vector<512x128xf32>, vector<128x384xf32>, vector<512x384xf32> -> vector<512x384xf32>
    %get3A_56 = arith.constant 0 : index
    %get3A_57 = arith.constant 0 : index
    %get3A_58 = vector.load %arg10[%get3A_56, %get3A_57] : memref<1x384xf32, #tpu.memory_space<vmem>>, vector<1x384xf32>
    %add3A_59 = vector.broadcast %get3A_58 : vector<1x384xf32> to vector<512x384xf32>
    %add3A_60 = arith.addf %dot_general3A_55, %add3A_59 : vector<512x384xf32>
    %slice3A_61 = vector.extract_strided_slice %add3A_50 {offsets = [0, 0], sizes = [512, 128], strides = [1, 1]} : vector<512x384xf32> to vector<512x128xf32>
    %slice3A_62 = vector.extract_strided_slice %add3A_60 {offsets = [0, 0], sizes = [512, 128], strides = [1, 1]} : vector<512x384xf32> to vector<512x128xf32>
    %add3A_63 = arith.addf %slice3A_61, %slice3A_62 : vector<512x128xf32>
    %logistic3A = arith.negf %add3A_63 : vector<512x128xf32>
    %logistic3A_64 = math.exp %logistic3A : vector<512x128xf32>
    %logistic3A_65 = arith.constant 1.000000e+00 : f32
    %logistic3A_66 = vector.broadcast %logistic3A_65 : f32 to vector<512x128xf32>
    %logistic3A_67 = arith.addf %logistic3A_66, %logistic3A_64 : vector<512x128xf32>
    %logistic3A_68 = arith.divf %logistic3A_66, %logistic3A_67 : vector<512x128xf32>
    %slice3A_69 = vector.extract_strided_slice %add3A_50 {offsets = [0, 128], sizes = [512, 128], strides = [1, 1]} : vector<512x384xf32> to vector<512x128xf32>
    %slice3A_70 = vector.extract_strided_slice %add3A_60 {offsets = [0, 128], sizes = [512, 128], strides = [1, 1]} : vector<512x384xf32> to vector<512x128xf32>
    %add3A_71 = arith.addf %slice3A_69, %slice3A_70 : vector<512x128xf32>
    %logistic3A_72 = arith.negf %add3A_71 : vector<512x128xf32>
    %logistic3A_73 = math.exp %logistic3A_72 : vector<512x128xf32>
    %logistic3A_74 = arith.constant 1.000000e+00 : f32
    %logistic3A_75 = vector.broadcast %logistic3A_74 : f32 to vector<512x128xf32>
    %logistic3A_76 = arith.addf %logistic3A_75, %logistic3A_73 : vector<512x128xf32>
    %logistic3A_77 = arith.divf %logistic3A_75, %logistic3A_76 : vector<512x128xf32>
    %slice3A_78 = vector.extract_strided_slice %add3A_50 {offsets = [0, 256], sizes = [512, 128], strides = [1, 1]} : vector<512x384xf32> to vector<512x128xf32>
    %slice3A_79 = vector.extract_strided_slice %add3A_60 {offsets = [0, 256], sizes = [512, 128], strides = [1, 1]} : vector<512x384xf32> to vector<512x128xf32>
    %mul3A_80 = arith.mulf %logistic3A_68, %slice3A_79 : vector<512x128xf32>
    %add3A_81 = arith.addf %slice3A_78, %mul3A_80 : vector<512x128xf32>
    %tanh3A = math.tanh %add3A_81 : vector<512x128xf32>
    %sub3A = arith.constant 1.000000e+00 : f32
    %sub3A_82 = vector.broadcast %sub3A : f32 to vector<512x128xf32>
    %sub3A_83 = arith.subf %sub3A_82, %logistic3A_77 : vector<512x128xf32>
    %mul3A_84 = arith.mulf %sub3A_83, %tanh3A : vector<512x128xf32>
    %mul3A_85 = arith.mulf %logistic3A_77, %get3A_1 : vector<512x128xf32>
    %add3A_86 = arith.addf %mul3A_84, %mul3A_85 : vector<512x128xf32>
    %swap3A = arith.constant 0 : index
    %swap3A_87 = arith.constant 0 : index
    %swap3A_88 = vector.load %arg12[%swap3A, %swap3A_87] : memref<512x128xf32, #tpu.memory_space<vmem>>, vector<512x128xf32>
    tpu.vector_store %arg12[%swap3A, %swap3A_87], %add3A_86 {strides = array<i32>} : memref<512x128xf32, #tpu.memory_space<vmem>>, vector<512x128xf32>,
    %get3A_89 = arith.constant 0 : index
    %get3A_90 = arith.constant 0 : index
    %get3A_91 = vector.load %arg11[%get3A_89, %get3A_90] : memref<128x128xf32, #tpu.memory_space<vmem>>, vector<128x128xf32>
    %dot_general3A_92 = arith.constant dense<0.000000e+00> : vector<512x128xf32>
    %dot_general3A_93 = tpu.matmul %add3A_86, %get3A_91, %dot_general3A_92 {dimension_numbers = #tpu.dot_dimension_numbers<[1], [0], [0], [1], [0, 0, 1, 1], [], []>, transpose_lhs_hint = false} : vector<512x128xf32>, vector<128x128xf32>, vector<512x128xf32> -> vector<512x128xf32>
    %broadcast_in_dim3A = vector.shape_cast %dot_general3A_93 : vector<512x128xf32> to vector<1x512x128xf32>
    %broadcast_in_dim3A_94 = vector.shape_cast %broadcast_in_dim3A : vector<1x512x128xf32> to vector<1x512x128xf32>
    %broadcast_in_dim3A_95 = vector.broadcast %broadcast_in_dim3A_94 : vector<1x512x128xf32> to vector<2x512x128xf32>
    %swap3A_96 = arith.constant 0 : index
    %swap3A_97 = arith.constant 0 : index
    %swap3A_98 = arith.constant 0 : index
    %swap3A_99 = vector.load %arg13[%swap3A_96, %swap3A_97, %swap3A_98] : memref<2x512x128xf32, #tpu.memory_space<vmem>>, vector<2x512x128xf32>
    tpu.vector_store %arg13[%swap3A_96, %swap3A_97, %swap3A_98], %broadcast_in_dim3A_95 {strides = array<i32>} : memref<2x512x128xf32, #tpu.memory_space<vmem>>, vector<2x512x128xf32>,
    return
  }
  func.func @transform_0(%arg0: i32) -> (i32, i32) {
    %c0_i32 = arith.constant 0 : i32
    %c0_i32_0 = arith.constant 0 : i32
    return %arg0, %c0_i32 : i32, i32
  }
  func.func @transform_1(%arg0: i32) -> (i32, i32, i32) {
    %c0_i32 = arith.constant 0 : i32
    %c0_i32_0 = arith.constant 0 : i32
    %c0_i32_1 = arith.constant 0 : i32
    return %c0_i32, %arg0, %c0_i32_0 : i32, i32, i32
  }
  func.func @transform_2(%arg0: i32) -> (i32, i32, i32) {
    %c0_i32 = arith.constant 0 : i32
    %c0_i32_0 = arith.constant 0 : i32
    %c0_i32_1 = arith.constant 0 : i32
    return %c0_i32, %arg0, %c0_i32_0 : i32, i32, i32
  }
  func.func @transform_3(%arg0: i32) -> (i32, i32) {
    %c0_i32 = arith.constant 0 : i32
    %c0_i32_0 = arith.constant 0 : i32
    %c0_i32_1 = arith.constant 0 : i32
    return %c0_i32, %c0_i32_0 : i32, i32
  }
  func.func @transform_4(%arg0: i32) -> (i32, i32) {
    %c0_i32 = arith.constant 0 : i32
    %c0_i32_0 = arith.constant 0 : i32
    %c0_i32_1 = arith.constant 0 : i32
    return %c0_i32, %c0_i32_0 : i32, i32
  }
  func.func @transform_5(%arg0: i32) -> (i32, i32) {
    %c0_i32 = arith.constant 0 : i32
    %c0_i32_0 = arith.constant 0 : i32
    %c0_i32_1 = arith.constant 0 : i32
    return %c0_i32, %c0_i32_0 : i32, i32
  }
  func.func @transform_6(%arg0: i32) -> (i32, i32) {
    %c0_i32 = arith.constant 0 : i32
    %c0_i32_0 = arith.constant 0 : i32
    %c0_i32_1 = arith.constant 0 : i32
    return %c0_i32, %c0_i32_0 : i32, i32
  }
  func.func @transform_7(%arg0: i32) -> (i32, i32) {
    %c0_i32 = arith.constant 0 : i32
    %c0_i32_0 = arith.constant 0 : i32
    %c0_i32_1 = arith.constant 0 : i32
    return %c0_i32, %c0_i32_0 : i32, i32
  }
  func.func @transform_8(%arg0: i32) -> (i32, i32) {
    %c0_i32 = arith.constant 0 : i32
    %c0_i32_0 = arith.constant 0 : i32
    %c0_i32_1 = arith.constant 0 : i32
    return %c0_i32, %c0_i32_0 : i32, i32
  }
  func.func @transform_9(%arg0: i32) -> (i32, i32) {
    %c0_i32 = arith.constant 0 : i32
    %c0_i32_0 = arith.constant 0 : i32
    %c0_i32_1 = arith.constant 0 : i32
    return %c0_i32, %c0_i32_0 : i32, i32
  }
  func.func @transform_10(%arg0: i32) -> (i32, i32) {
    %c0_i32 = arith.constant 0 : i32
    %c0_i32_0 = arith.constant 0 : i32
    %c0_i32_1 = arith.constant 0 : i32
    return %c0_i32, %c0_i32_0 : i32, i32
  }
  func.func @transform_11(%arg0: i32) -> (i32, i32) {
    %c0_i32 = arith.constant 0 : i32
    %c0_i32_0 = arith.constant 0 : i32
    return %arg0, %c0_i32 : i32, i32
  }
  func.func @transform_12(%arg0: i32) -> (i32, i32, i32) {
    %c0_i32 = arith.constant 0 : i32
    %c0_i32_0 = arith.constant 0 : i32
    %c0_i32_1 = arith.constant 0 : i32
    return %c0_i32, %arg0, %c0_i32_0 : i32, i32, i32
  }
}

module attributes {stable_mosaic.version = 14 : i64} {
  func.func @_tc_update_body(%arg0: i32, %arg1: memref<512x128xf32, #tpu.memory_space<vmem>>, %arg2: memref<2x512x128xf32, #tpu.memory_space<vmem>>, %arg3: memref<2x512x128xf32, #tpu.memory_space<vmem>>, %arg4: memref<16x128xf32, #tpu.memory_space<vmem>>, %arg5: memref<128x128xf32, #tpu.memory_space<vmem>>, %arg6: memref<1x128xf32, #tpu.memory_space<vmem>>, %arg7: memref<128x384xf32, #tpu.memory_space<vmem>>, %arg8: memref<128x384xf32, #tpu.memory_space<vmem>>, %arg9: memref<1x384xf32, #tpu.memory_space<vmem>>, %arg10: memref<1x384xf32, #tpu.memory_space<vmem>>, %arg11: memref<128x128xf32, #tpu.memory_space<vmem>>, %arg12: memref<512x128xf32, #tpu.memory_space<vmem>>, %arg13: memref<2x512x128xf32, #tpu.memory_space<vmem>>) attributes {dimension_semantics = [#tpu.dimension_semantics<arbitrary>], iteration_bounds = array<i64: 20>, scalar_prefetch = 0 : i64, scratch_operands = 0 : i64, tpu.core_type = #tpu.core_type<tc>, window_params = [{transform_indices = @transform_0, window_bounds = array<i64: 512, 128>}, {transform_indices = @transform_1, window_bounds = array<i64: 2, 512, 128>}, {transform_indices = @transform_2, window_bounds = array<i64: 2, 512, 128>}, {pipeline_mode = #tpu.pipeline_mode<synchronous>, transform_indices = @transform_3, window_bounds = array<i64: 16, 128>}, {pipeline_mode = #tpu.pipeline_mode<synchronous>, transform_indices = @transform_4, window_bounds = array<i64: 128, 128>}, {pipeline_mode = #tpu.pipeline_mode<synchronous>, transform_indices = @transform_5, window_bounds = array<i64: 1, 128>}, {pipeline_mode = #tpu.pipeline_mode<synchronous>, transform_indices = @transform_6, window_bounds = array<i64: 128, 384>}, {pipeline_mode = #tpu.pipeline_mode<synchronous>, transform_indices = @transform_7, window_bounds = array<i64: 128, 384>}, {pipeline_mode = #tpu.pipeline_mode<synchronous>, transform_indices = @transform_8, window_bounds = array<i64: 1, 384>}, {pipeline_mode = #tpu.pipeline_mode<synchronous>, transform_indices = @transform_9, window_bounds = array<i64: 1, 384>}, {pipeline_mode = #tpu.pipeline_mode<synchronous>, transform_indices = @transform_10, window_bounds = array<i64: 128, 128>}, {transform_indices = @transform_11, window_bounds = array<i64: 512, 128>}, {transform_indices = @transform_12, window_bounds = array<i64: 2, 512, 128>}]} {
    %get3A = arith.constant 0 : index
    %get3A_0 = arith.constant 0 : index
    %get3A_1 = vector.load %arg1[%get3A, %get3A_0] : memref<512x128xf32, #tpu.memory_space<vmem>>, vector<512x128xf32>
    %get3A_2 = arith.constant 0 : index
    %get3A_3 = arith.constant 0 : index
    %get3A_4 = arith.constant 0 : index
    %get3A_5 = vector.load %arg2[%get3A_2, %get3A_3, %get3A_4] : memref<2x512x128xf32, #tpu.memory_space<vmem>>, vector<1x512x128xf32>
    %get3A_6 = vector.shape_cast %get3A_5 : vector<1x512x128xf32> to vector<512x128xf32>
    %get3A_7 = arith.constant 1 : index
    %get3A_8 = arith.constant 0 : index
    %get3A_9 = arith.constant 0 : index
    %get3A_10 = vector.load %arg2[%get3A_7, %get3A_8, %get3A_9] : memref<2x512x128xf32, #tpu.memory_space<vmem>>, vector<1x512x128xf32>
    %get3A_11 = vector.shape_cast %get3A_10 : vector<1x512x128xf32> to vector<512x128xf32>
    %add3A = arith.addf %get3A_6, %get3A_11 : vector<512x128xf32>
    %get3A_12 = arith.constant 0 : index
    %get3A_13 = arith.constant 0 : index
    %get3A_14 = arith.constant 0 : index
    %get3A_15 = vector.load %arg3[%get3A_12, %get3A_13, %get3A_14] : memref<2x512x128xf32, #tpu.memory_space<vmem>>, vector<1x512x128xf32>
    %get3A_16 = vector.shape_cast %get3A_15 : vector<1x512x128xf32> to vector<512x128xf32>
    %get3A_17 = arith.constant 1 : index
    %get3A_18 = arith.constant 0 : index
    %get3A_19 = arith.constant 0 : index
    %get3A_20 = vector.load %arg3[%get3A_17, %get3A_18, %get3A_19] : memref<2x512x128xf32, #tpu.memory_space<vmem>>, vector<1x512x128xf32>
    %get3A_21 = vector.shape_cast %get3A_20 : vector<1x512x128xf32> to vector<512x128xf32>
    %add3A_22 = arith.addf %get3A_16, %get3A_21 : vector<512x128xf32>
    %slice3A = vector.extract_strided_slice %add3A_22 {offsets = [0, 0], sizes = [512, 16], strides = [1, 1]} : vector<512x128xf32> to vector<512x16xf32>
    %slice3A_23 = vector.extract_strided_slice %add3A_22 {offsets = [0, 16], sizes = [512, 1], strides = [1, 1]} : vector<512x128xf32> to vector<512x1xf32>
    %get3A_24 = arith.constant 0 : index
    %get3A_25 = arith.constant 0 : index
    %get3A_26 = vector.load %arg4[%get3A_24, %get3A_25] : memref<16x128xf32, #tpu.memory_space<vmem>>, vector<16x128xf32>
    %dot_general3A = arith.constant dense<0.000000e+00> : vector<512x128xf32>
    %dot_general3A_27 = tpu.matmul %slice3A, %get3A_26, %dot_general3A {dimension_numbers = #tpu.dot_dimension_numbers<[1], [0], [0], [1], [0, 0, 1, 1], [], []>, precision = #tpu.contract_precision<fp32>, transpose_lhs_hint = false} : vector<512x16xf32>, vector<16x128xf32>, vector<512x128xf32> -> vector<512x128xf32>
    %get3A_28 = arith.constant 0 : index
    %get3A_29 = arith.constant 0 : index
    %get3A_30 = vector.load %arg5[%get3A_28, %get3A_29] : memref<128x128xf32, #tpu.memory_space<vmem>>, vector<128x128xf32>
    %dot_general3A_31 = arith.constant dense<0.000000e+00> : vector<512x128xf32>
    %dot_general3A_32 = tpu.matmul %get3A_1, %get3A_30, %dot_general3A_31 {dimension_numbers = #tpu.dot_dimension_numbers<[1], [0], [0], [1], [0, 0, 1, 1], [], []>, transpose_lhs_hint = false} : vector<512x128xf32>, vector<128x128xf32>, vector<512x128xf32> -> vector<512x128xf32>
    %add3A_33 = arith.addf %add3A, %dot_general3A_27 : vector<512x128xf32>
    %get3A_34 = arith.constant 0 : index
    %get3A_35 = arith.constant 0 : index
    %get3A_36 = vector.load %arg6[%get3A_34, %get3A_35] : memref<1x128xf32, #tpu.memory_space<vmem>>, vector<1x128xf32>
    %add3A_37 = vector.broadcast %get3A_36 : vector<1x128xf32> to vector<512x128xf32>
    %add3A_38 = arith.addf %dot_general3A_32, %add3A_37 : vector<512x128xf32>
    %mul3A = vector.broadcast %slice3A_23 : vector<512x1xf32> to vector<512x128xf32>
    %mul3A_39 = arith.mulf %mul3A, %add3A_38 : vector<512x128xf32>
    %add3A_40 = arith.addf %add3A_33, %mul3A_39 : vector<512x128xf32>
    %get3A_41 = arith.constant 0 : index
    %get3A_42 = arith.constant 0 : index
    %get3A_43 = vector.load %arg7[%get3A_41, %get3A_42] : memref<128x384xf32, #tpu.memory_space<vmem>>, vector<128x384xf32>
    %dot_general3A_44 = arith.constant dense<0.000000e+00> : vector<512x384xf32>
    %dot_general3A_45 = tpu.matmul %add3A_40, %get3A_43, %dot_general3A_44 {dimension_numbers = #tpu.dot_dimension_numbers<[1], [0], [0], [1], [0, 0, 1, 1], [], []>, transpose_lhs_hint = false} : vector<512x128xf32>, vector<128x384xf32>, vector<512x384xf32> -> vector<512x384xf32>
    %get3A_46 = arith.constant 0 : index
    %get3A_47 = arith.constant 0 : index
    %get3A_48 = vector.load %arg9[%get3A_46, %get3A_47] : memref<1x384xf32, #tpu.memory_space<vmem>>, vector<1x384xf32>
    %add3A_49 = vector.broadcast %get3A_48 : vector<1x384xf32> to vector<512x384xf32>
    %add3A_50 = arith.addf %dot_general3A_45, %add3A_49 : vector<512x384xf32>
    %get3A_51 = arith.constant 0 : index
    %get3A_52 = arith.constant 0 : index
    %get3A_53 = vector.load %arg8[%get3A_51, %get3A_52] : memref<128x384xf32, #tpu.memory_space<vmem>>, vector<128x384xf32>
    %dot_general3A_54 = arith.constant dense<0.000000e+00> : vector<512x384xf32>
    %dot_general3A_55 = tpu.matmul %get3A_1, %get3A_53, %dot_general3A_54 {dimension_numbers = #tpu.dot_dimension_numbers<[1], [0], [0], [1], [0, 0, 1, 1], [], []>, transpose_lhs_hint = false} : vector<512x128xf32>, vector<128x384xf32>, vector<512x384xf32> -> vector<512x384xf32>
    %get3A_56 = arith.constant 0 : index
    %get3A_57 = arith.constant 0 : index
    %get3A_58 = vector.load %arg10[%get3A_56, %get3A_57] : memref<1x384xf32, #tpu.memory_space<vmem>>, vector<1x384xf32>
    %add3A_59 = vector.broadcast %get3A_58 : vector<1x384xf32> to vector<512x384xf32>
    %add3A_60 = arith.addf %dot_general3A_55, %add3A_59 : vector<512x384xf32>
    %slice3A_61 = vector.extract_strided_slice %add3A_50 {offsets = [0, 0], sizes = [512, 128], strides = [1, 1]} : vector<512x384xf32> to vector<512x128xf32>
    %slice3A_62 = vector.extract_strided_slice %add3A_60 {offsets = [0, 0], sizes = [512, 128], strides = [1, 1]} : vector<512x384xf32> to vector<512x128xf32>
    %add3A_63 = arith.addf %slice3A_61, %slice3A_62 : vector<512x128xf32>
    %logistic3A = arith.negf %add3A_63 : vector<512x128xf32>
    %logistic3A_64 = math.exp %logistic3A : vector<512x128xf32>
    %logistic3A_65 = arith.constant 1.000000e+00 : f32
    %logistic3A_66 = vector.broadcast %logistic3A_65 : f32 to vector<512x128xf32>
    %logistic3A_67 = arith.addf %logistic3A_66, %logistic3A_64 : vector<512x128xf32>
    %logistic3A_68 = arith.divf %logistic3A_66, %logistic3A_67 : vector<512x128xf32>
    %slice3A_69 = vector.extract_strided_slice %add3A_50 {offsets = [0, 128], sizes = [512, 128], strides = [1, 1]} : vector<512x384xf32> to vector<512x128xf32>
    %slice3A_70 = vector.extract_strided_slice %add3A_60 {offsets = [0, 128], sizes = [512, 128], strides = [1, 1]} : vector<512x384xf32> to vector<512x128xf32>
    %add3A_71 = arith.addf %slice3A_69, %slice3A_70 : vector<512x128xf32>
    %logistic3A_72 = arith.negf %add3A_71 : vector<512x128xf32>
    %logistic3A_73 = math.exp %logistic3A_72 : vector<512x128xf32>
    %logistic3A_74 = arith.constant 1.000000e+00 : f32
    %logistic3A_75 = vector.broadcast %logistic3A_74 : f32 to vector<512x128xf32>
    %logistic3A_76 = arith.addf %logistic3A_75, %logistic3A_73 : vector<512x128xf32>
    %logistic3A_77 = arith.divf %logistic3A_75, %logistic3A_76 : vector<512x128xf32>
    %slice3A_78 = vector.extract_strided_slice %add3A_50 {offsets = [0, 256], sizes = [512, 128], strides = [1, 1]} : vector<512x384xf32> to vector<512x128xf32>
    %slice3A_79 = vector.extract_strided_slice %add3A_60 {offsets = [0, 256], sizes = [512, 128], strides = [1, 1]} : vector<512x384xf32> to vector<512x128xf32>
    %mul3A_80 = arith.mulf %logistic3A_68, %slice3A_79 : vector<512x128xf32>
    %add3A_81 = arith.addf %slice3A_78, %mul3A_80 : vector<512x128xf32>
    %tanh3A = math.tanh %add3A_81 : vector<512x128xf32>
    %sub3A = arith.constant 1.000000e+00 : f32
    %sub3A_82 = vector.broadcast %sub3A : f32 to vector<512x128xf32>
    %sub3A_83 = arith.subf %sub3A_82, %logistic3A_77 : vector<512x128xf32>
    %mul3A_84 = arith.mulf %sub3A_83, %tanh3A : vector<512x128xf32>
    %mul3A_85 = arith.mulf %logistic3A_77, %get3A_1 : vector<512x128xf32>
    %add3A_86 = arith.addf %mul3A_84, %mul3A_85 : vector<512x128xf32>
    %swap3A = arith.constant 0 : index
    %swap3A_87 = arith.constant 0 : index
    %swap3A_88 = vector.load %arg12[%swap3A, %swap3A_87] : memref<512x128xf32, #tpu.memory_space<vmem>>, vector<512x128xf32>
    tpu.vector_store %arg12[%swap3A, %swap3A_87], %add3A_86 {strides = array<i32>} : memref<512x128xf32, #tpu.memory_space<vmem>>, vector<512x128xf32>,
    return
  }
  func.func @transform_0(%arg0: i32) -> (i32, i32) {
    %c0_i32 = arith.constant 0 : i32
    %c0_i32_0 = arith.constant 0 : i32
    return %arg0, %c0_i32 : i32, i32
  }
  func.func @transform_1(%arg0: i32) -> (i32, i32, i32) {
    %c0_i32 = arith.constant 0 : i32
    %c0_i32_0 = arith.constant 0 : i32
    %c0_i32_1 = arith.constant 0 : i32
    return %c0_i32, %arg0, %c0_i32_0 : i32, i32, i32
  }
  func.func @transform_2(%arg0: i32) -> (i32, i32, i32) {
    %c0_i32 = arith.constant 0 : i32
    %c0_i32_0 = arith.constant 0 : i32
    %c0_i32_1 = arith.constant 0 : i32
    return %c0_i32, %arg0, %c0_i32_0 : i32, i32, i32
  }
  func.func @transform_3(%arg0: i32) -> (i32, i32) {
    %c0_i32 = arith.constant 0 : i32
    %c0_i32_0 = arith.constant 0 : i32
    %c0_i32_1 = arith.constant 0 : i32
    return %c0_i32, %c0_i32_0 : i32, i32
  }
  func.func @transform_4(%arg0: i32) -> (i32, i32) {
    %c0_i32 = arith.constant 0 : i32
    %c0_i32_0 = arith.constant 0 : i32
    %c0_i32_1 = arith.constant 0 : i32
    return %c0_i32, %c0_i32_0 : i32, i32
  }
  func.func @transform_5(%arg0: i32) -> (i32, i32) {
    %c0_i32 = arith.constant 0 : i32
    %c0_i32_0 = arith.constant 0 : i32
    %c0_i32_1 = arith.constant 0 : i32
    return %c0_i32, %c0_i32_0 : i32, i32
  }
  func.func @transform_6(%arg0: i32) -> (i32, i32) {
    %c0_i32 = arith.constant 0 : i32
    %c0_i32_0 = arith.constant 0 : i32
    %c0_i32_1 = arith.constant 0 : i32
    return %c0_i32, %c0_i32_0 : i32, i32
  }
  func.func @transform_7(%arg0: i32) -> (i32, i32) {
    %c0_i32 = arith.constant 0 : i32
    %c0_i32_0 = arith.constant 0 : i32
    %c0_i32_1 = arith.constant 0 : i32
    return %c0_i32, %c0_i32_0 : i32, i32
  }
  func.func @transform_8(%arg0: i32) -> (i32, i32) {
    %c0_i32 = arith.constant 0 : i32
    %c0_i32_0 = arith.constant 0 : i32
    %c0_i32_1 = arith.constant 0 : i32
    return %c0_i32, %c0_i32_0 : i32, i32
  }
  func.func @transform_9(%arg0: i32) -> (i32, i32) {
    %c0_i32 = arith.constant 0 : i32
    %c0_i32_0 = arith.constant 0 : i32
    %c0_i32_1 = arith.constant 0 : i32
    return %c0_i32, %c0_i32_0 : i32, i32
  }
  func.func @transform_10(%arg0: i32) -> (i32, i32) {
    %c0_i32 = arith.constant 0 : i32
    %c0_i32_0 = arith.constant 0 : i32
    %c0_i32_1 = arith.constant 0 : i32
    return %c0_i32, %c0_i32_0 : i32, i32
  }
  func.func @transform_11(%arg0: i32) -> (i32, i32) {
    %c0_i32 = arith.constant 0 : i32
    %c0_i32_0 = arith.constant 0 : i32
    return %arg0, %c0_i32 : i32, i32
  }
  func.func @transform_12(%arg0: i32) -> (i32, i32, i32) {
    %c0_i32 = arith.constant 0 : i32
    %c0_i32_0 = arith.constant 0 : i32
    %c0_i32_1 = arith.constant 0 : i32
    return %c0_i32, %arg0, %c0_i32_0 : i32, i32, i32
  }
}

</mosaic_0001>

<sc_bundles>
// kernel: kernel.11.cloned.1.call-start
scs
__scs_entry_jumppad:
0x0: {  	(pc) =	sbr.rel $0x88, $3  }
0x1: {  	(tag) =	ssettag $0x0;
	lr =	simm.s32 $0x1  }
0x2: {  	[smem:$0x3F96] =	sst lr;
	_ =	strace $0xD0000000  }
0x3: {  	_ = 	snop  }
0x4: {  	_ = 	snop  }
0x5: {  	_ = 	snop  }
0x6: {  	_ = 	snop  }
0x7: {  	_ = 	snop  }
__scs_overlays_trampoline_lowered:
0x8: {  	[smem:$0x3FA5] =	sst s0  }
0x9: {  	[smem:$0x3FA6] =	sst s1  }
0xa: {  	[smem:$0x3FA7] =	sst s2  }
0xb: {  	[smem:$0x3FA8] =	sst s3  }
0xc: {  	[smem:$0x3FA9] =	sst s4  }
0xd: {  	[smem:$0x3FAA] =	sst s5  }
0xe: {  	[smem:$0x3FAB] =	sst s6  }
0xf: {  	[smem:$0x3FAC] =	sst s7  }
0x10: {  	[smem:$0x3FAD] =	sst s8  }
0x11: {  	[smem:$0x3FAE] =	sst s9;
	s0 =	simm.s32 @!p0 $0x0  }
0x12: {  	s1 =	sld [smem:$0x3F94];
	s0 =	simm.s32 @p0 $0x1  }
0x13: {  	[smem:$0x3FAF] =	sst s0;
	s0 =	simm.s32 @!p1 $0x0  }
0x14: {  	s2 =	sld [smem:$0x3F93];
	s0 =	simm.s32 @p1 $0x1  }
0x15: {  	[smem:$0x3FB0] =	sst s0;
	s0 =	simm.s32 @!p2 $0x0  }
0x16: {  	s3 =	sld [smem:$0x3FDB];
	s0 =	simm.s32 @p2 $0x1  }
0x17: {  	s4 =	simm.s32 $0x1BF5;
	[smem:$0x3FB2] =	sst s0  }
0x18: {  	s0 =	sld [smem:$0x3F95];
	_ =	swait.ge [sflag:s4], $0x0  }
0x19: {  	s7 =	sld [smem:$0x3F96]  }
0x1a: {  	s8 =	sadd.s32 $0xFFFFE003, lr  }
0x1b: {  	s9 =	sadd.s32 $0xFFFFFEF7, lr;
	s5 =	simm.s32 $0xFFFFFFFF;
	p2 =	slt.u32 s8, $0xFFFFF086  }
0x1c: {  	p1 =	slt.u32 s9, $0xF7A;
	s5 =	simm.s32 @!p2 $0x0  }
0x1d: {  	s5 =	simm.s32 @p1 $0x1;
	p0 =	seq.s32 s7, s2  }
0x1e: {  	s7 =	smul.u32 @!p0 $0xF7A, s2;
	p2 =	seq.s32 @!p0 s5, $0x0  }
0x1f: {  	s9 =	smul.u32 $0xF7A, s1;
	s8 =	simm.s32 @!p0 $0x1BF5;
	p2 =	por !p2, p0  }
0x20: {  	[sflag:s8] =	ssyncset.s32 @!p0 $0xFFFFF086;
	s6 =	sadd.s32 @!p0 s3, s7;
	s7 =	simm.s32 @!p0 $0x108  }
0x21: {  	s3 =	sadd.s32 s3, s9;
	s6 =	sadd.s32 @!p0 $0x88, s6;
	s7 =	simm.s32 @p2 $0x1082  }
0x22: {  	[simem:s7], [sflag:s8] =	dma.local @!p0 [hbm:s6], $0xF7A  }
0x23: {  	s9 =	sor.u32 $0xD0000000, s2;
	s6 =	simm.s32 $0x108;
	_ =	swait.ge @!p0 [sflag:s8], $0x0  }
0x24: {  	s3 =	sadd.s32 $0x88, s3;
	s6 =	simm.s32 @!p1 $0x1082;
	[sflag:s4] =	ssyncset.s32 $0xFFFFF086  }
0x25: {  	[simem:s6], [sflag:s4] =	dma.local [hbm:s3], $0xF7A  }
0x26: {  	[smem:$0x3F96] =	sst s1;
	(tag) =	ssettag s2;
	_ =	strace s9  }
0x27: {  	s1 =	sld [smem:$0x3FA6]  }
0x28: {  	s2 =	sld [smem:$0x3FA7]  }
0x29: {  	s4 =	sld [smem:$0x3FA9]  }
0x2a: {  	p0 =	seq.s32 s5, $0x0;
	s5 =	sld [smem:$0x3FAA]  }
0x2b: {  	s6 =	sld [smem:$0x3FAB]  }
0x2c: {  	s7 =	sld [smem:$0x3FAC]  }
0x2d: {  	s3 =	simm.s32 $0x108;
	s8 =	sld [smem:$0x3FAD]  }
0x2e: {  	s3 =	simm.s32 @!p0 $0x1082;
	s9 =	sld [smem:$0x3FAE]  }
0x2f: {  	lr =	sadd.s32 s0, s3;
	s0 =	sld [smem:$0x3FA5]  }
0x30: {  	s3 =	sld [smem:$0x3FA8]  }
0x31: {  	[smem:$0x3FB1] =	sst s10  }
0x32: {  	s10 =	sld [smem:$0x3FAF];
	_ =	sdelay $0x3  }
0x33: {  	p0 =	seq.s32 s10, $0x1;
	s10 =	sld [smem:$0x3FB1];
	_ =	sdelay $0x3  }
0x34: {  	[smem:$0x3FB1] =	sst s10  }
0x35: {  	s10 =	sld [smem:$0x3FB0];
	_ =	sdelay $0x3  }
0x36: {  	p1 =	seq.s32 s10, $0x1;
	s10 =	sld [smem:$0x3FB1];
	_ =	sdelay $0x3  }
0x37: {  	[smem:$0x3FB1] =	sst s10  }
0x38: {  	s10 =	sld [smem:$0x3FB2]  }
0x39: {  	_ = 	snop;
	(pc) =	sbr.ind lr, $3  }
0x3a: {  	_ = 	snop  }
0x3b: {  	_ = 	snop  }
0x3c: {  	p2 =	seq.s32 s10, $0x1;
	s10 =	sld [smem:$0x3FB1]  }
0x3d: {  	_ =	shalt  }
0x3e: {  	_ =	shalt  }
0x3f: {  	_ =	shalt  }
0x40: {  	_ =	shalt  }
0x41: {  	_ =	shalt  }
0x42: {  	_ =	shalt  }
0x43: {  	_ =	shalt  }
0x44: {  	_ =	shalt  }
0x45: {  	_ =	shalt  }
0x46: {  	_ =	shalt  }
0x47: {  	_ =	shalt  }
0x48: {  	_ =	shalt  }
0x49: {  	_ =	shalt  }
0x4a: {  	_ =	shalt  }
0x4b: {  	_ =	shalt  }
0x4c: {  	_ =	shalt  }
0x4d: {  	_ =	shalt  }
0x4e: {  	_ =	shalt  }
0x4f: {  	_ =	shalt  }
0x50: {  	_ =	shalt  }
0x51: {  	_ =	shalt  }
0x52: {  	_ =	shalt  }
0x53: {  	_ =	shalt  }
0x54: {  	_ =	shalt  }
0x55: {  	_ =	shalt  }
0x56: {  	_ =	shalt  }
0x57: {  	_ =	shalt  }
0x58: {  	_ =	shalt  }
0x59: {  	_ =	shalt  }
0x5a: {  	_ =	shalt  }
0x5b: {  	_ =	shalt  }
0x5c: {  	_ =	shalt  }
0x5d: {  	_ =	shalt  }
0x5e: {  	_ =	shalt  }
0x5f: {  	_ =	shalt  }
0x60: {  	_ =	shalt  }
0x61: {  	_ =	shalt  }
0x62: {  	_ =	shalt  }
0x63: {  	_ =	shalt  }
0x64: {  	_ =	shalt  }
0x65: {  	_ =	shalt  }
0x66: {  	_ =	shalt  }
0x67: {  	_ =	shalt  }
0x68: {  	_ =	shalt  }
0x69: {  	_ =	shalt  }
0x6a: {  	_ =	shalt  }
0x6b: {  	_ =	shalt  }
0x6c: {  	_ =	shalt  }
0x6d: {  	_ =	shalt  }
0x6e: {  	_ =	shalt  }
0x6f: {  	_ =	shalt  }
0x70: {  	_ =	shalt  }
0x71: {  	_ =	shalt  }
0x72: {  	_ =	shalt  }
0x73: {  	_ =	shalt  }
0x74: {  	_ =	shalt  }
0x75: {  	_ =	shalt  }
0x76: {  	_ =	shalt  }
0x77: {  	_ =	shalt  }
0x78: {  	_ =	shalt  }
0x79: {  	_ =	shalt  }
0x7a: {  	_ =	shalt  }
0x7b: {  	_ =	shalt  }
0x7c: {  	_ =	shalt  }
0x7d: {  	_ =	shalt  }
0x7e: {  	_ =	shalt  }
0x7f: {  	_ =	shalt  }
0x80: {  	_ =	shalt  }
0x81: {  	_ =	shalt  }
0x82: {  	_ =	shalt  }
0x83: {  	_ =	shalt  }
0x84: {  	_ =	shalt  }
0x85: {  	_ =	shalt  }
0x86: {  	_ =	shalt  }
0x87: {  	_ =	shalt  }
.Lfunc_end0:
.L_simem_size_0:
called_computation_lowered:
.L_overlay_start_0:
0x88: {  	s2 =	sld [smem:$0x3FD9]  }
0x89: {  	s3 =	sld [smem:$0x3FFE];
	_ =	sdelay $0x1  }
0x8a: {  	s1 =	srdreg.scid  }
0x8b: {  	s0 =	sand.u32 $0x1, s1  }
0x8c: {  	s16 =	sshll.u32 s0, $0xA;
	s2 =	sadd.s32 s3, s2  }
0x8d: {  	s2 =	sadd.s32 s2, s16  }
0x8e: {  	[smem:$0x3FBD] =	sst s2  }
0x8f: {  	_ = 	snop  }
0x90: {  	(tm) =	ssettm $0x1  }
0x91: {  	s17 =	sld [smem:$0x3FFB];
	_ =	sdelay $0x3  }
0x92: {  	_ =	strace s17  }
0x93: {  	s2 =	sld [smem:$0x3FFC];
	_ =	sdelay $0x3  }
0x94: {  	_ =	strace s2  }
0x95: {  	s2 =	sld [smem:$0x3FFD];
	_ =	sdelay $0x3  }
0x96: {  	_ =	strace s2  }
0x97: {  	_ =	strace $0x8FFFFFFF  }
0x98: {  	s18 =	sld [smem:$0x3FDB];
	_ =	sdelay $0x1  }
0x99: {  	s19 =	simm.s32 $_scs_section_size  }
0x9a: {  	s4 =	simm.s32 $_size__tile_overlayer_lowered;
	s5 =	simm.s32 $_tile_overlayer_lowered  }
0x9b: {  	s22 =	simm.s32 $0x1BFF;
	s21 =	sshll.u32 s5, $0x1;
	s2 =	sadd.s32 s19, s18  }
0x9c: {  	s6 =	simm.s32 $0x0;
	s20 =	sshll.u32 s4, $0x1;
	s4 =	sadd.s32 s21, s2  }
0x9d: {  	[timem:s6], [sflag:s22] =	dma.local [hbm:s4], s20  }
0x9e: {  	_ =	swait.ge [sflag:s22], s20  }
0x9f: {  	s3 =	ssub.s32 $0x0, s20;
	[sflag:s22] =	ssyncset.done $0x0  }
0xa0: {  	[sflag:s22] =	ssyncadd.s32 s3;
	_ =	sdelay $0x1  }
0xa1: {  	s23 =	simm.s32 $0x1B8B  }
0xa2: {  	_ =	swait.ge [sflag:s23], $0x1  }
0xa3: {  	[sflag:s23] =	ssyncset.done $0x0  }
0xa4: {  	s25 =	simm.s32 $0x1B8E;
	s24 =	sld [smem:$0x3FFE];
	[sflag:s23] =	ssyncadd.s32 $0xFFFFFFFF  }
0xa5: {  	s26 =	simm.s32 $execute0_lowered;
	[smem:$0x3FD2] =	sst s25  }
0xa6: {  	s4 =	sshll.u32 s26, $0x1;
	_ =	strace $0x80000046;
	[dreg:$0x1] =	wrdreg $0xFFFFFFFF  }
0xa7: {  	s28 =	simm.s32 $_size_execute0_lowered;
	s2 =	sadd.s32 s2, s4;
	[dreg:$0x0] =	wrdreg $0x0  }
0xa8: {  	s4 =	sshll.u32 s28, $0x1;
	[dreg:$0x2] =	wrdreg s2  }
0xa9: {  	[dreg:$0x3] =	wrdreg s4  }
0xaa: {  	[dreg:$0x4] =	wrdreg $0xC0  }
0xab: {  	_ =	task [dreg:s6], $0x5FFFF  }
0xac: {  	[dreg:$0x1] =	wrdreg $0xFFFFFFFF  }
0xad: {  	[dreg:$0x0] =	wrdreg $0x60  }
0xae: {  	[dreg:$0x2] =	wrdreg s24  }
0xaf: {  	[dreg:$0x3] =	wrdreg $0x0  }
0xb0: {  	[dreg:$0x4] =	wrdreg $0x9  }
0xb1: {  	_ =	task.clear_ibuf [dreg:s6], $0x5FFFF;
	_ =	strace $0x90000046  }
0xb2: {  	s29 =	simm.s32 $0x9;
	_ =	strace $0x80000048  }
0xb3: {  	_ =	swait.ge [sflag:s29], $0x1  }
0xb4: {  	[sflag:s29] =	ssyncadd.s32 $0xFFFFFFFF  }
0xb5: {  	_ =	strace $0x90000048  }
0xb6: {  	_ =	sfence  }
0xb7: {  	s30 =	sld [smem:$0x0];
	_ =	sdelay $0x2  }
0xb8: {  	s31 =	sshll.u32 s1, $0xD;
	s1 =	sshrl.u32 s1, $0x2  }
0xb9: {  	s3 =	sand.u32 $0x4000, s31;
	s1 =	sadd.s32 s1, s30  }
0xba: {  	s0 =	sor.u32 s3, s0;
	s1 =	sshll.u32 s1, $0x11  }
0xbb: {  	s0 =	sor.u32 s1, s0  }
0xbc: {  	s0 =	sadd.s32 $0x8F2B, s0  }
0xbd: {  	[sflag:s0] =	ssyncadd.remote.s32 $0x1  }
0xbe: {  	_ =	sfence.sel $0xFFFF  }
0xbf: {  	[dreg:$0x0] =	wrdreg $0xFFFFFFFF;
	(pc) =	sbr.abs _section_cstart, $3  }
0xc0: {  	[dreg:$0x1] =	wrdreg $0xFFFFFFFF  }
0xc1: {  	_ =	task.clear_ibuf [dreg:s6], $0x2FFFF;
	_ =	strace $0x9FFFFFFF  }
0xc2: {  	(tm) =	ssettm $0x7FFFFFFF  }
0xc3: {  	_ =	shalt  }
tec
execute0_lowered:
.L_overlay_start_1:
0x0: {  	(tag) =	ssettag $0x1  }
0x1: {  	s0 =	srdreg.scid;
	s1 =	rddreg [dreg:$0x0]  }
0x2: {  	s23 =	stileid.u32;
	s2 =	rddreg [dreg:$0x1]  }
0x3: {  	s3 =	simm.s32 $0x0;
	s15 =	simm.s32 $0x13C40;
	s16 =	simm.s32 $0x13C80  }
0x4: {  	s17 =	simm.s32 $0x13CC0;
	s18 =	simm.s32 $0x13D00;
	s19 =	simm.s32 $0x13D40  }
0x5: {  	s28 =	simm.s32 $0x13E80;
	s29 =	simm.s32 $0x13EC0;
	s5 =	smul.u32 $0x2800, s23  }
0x6: {  	s30 =	simm.s32 $0x14200;
	s31 =	simm.s32 $0x13F00;
	s7 =	smul.u32 $0x4F000, s23  }
0x7: {  	s0 =	sand.u32 $0x1, s0;
	[smem:$0x7FF] =	sst s3;
	s10 =	smul.u32 $0x13800, s23  }
0x8: {  	s8 =	sadd.s32 $0x74600, s1;
	s21 =	sshll.u32 s23, $0x6;
	s11 =	smul.u32 $0x4E000, s23  }
0x9: {  	s25 =	smul.u32 $0x500, s23;
	p0 =	sne.s32 s23, $0xF;
	s23 =	simm.s32 $0x13E40  }
0xa: {  	s4 =	smul.u32 $0x78000, s0;
	_ =	strace $0x80000047;
	[dreg:$0xe] =	wrdreg s8  }
0xb: {  	s6 =	smul.u32 $0x5000, s0;
	s20 =	ssub.s32 $0x2, s0;
	[dreg:$0x5] =	wrdreg s15  }
0xc: {  	s0 =	smul.u32 $0x138800, s0;
	s24 =	sor.u32 $0x1C03, s21;
	[dreg:$0x6] =	wrdreg s16  }
0xd: {  	s15 =	simm.s32 $0x14400;
	s16 =	simm.s32 $0x16400;
	[dreg:$0x7] =	wrdreg s17  }
0xe: {  	s17 =	simm.s32 $0x1;
	[dreg:$0x8] =	wrdreg s18;
	s18 =	simm.s32 $0x18400  }
0xf: {  	[dreg:$0x9] =	wrdreg s19;
	s19 =	simm.s32 $0x1A400;
	s21 =	simm.s32 $0x13D80  }
0x10: {  	s9 =	sshrl.u32 s20, $0x1;
	s7 =	sshrl.u32 s7, $0x2;
	[dreg:$0xb] =	wrdreg s21  }
0x11: {  	s26 =	sshrl.u32 s11, $0x2;
	s21 =	simm.s32 $0x2;
	[dreg:$0xf] =	wrdreg s24  }
0x12: {  	s5 =	sadd.s32 s5, s4;
	s4 =	sadd.s32 $0x26400, s1;
	s6 =	sadd.s32 s6, s1  }
0x13: {  	s8 =	ssub.s32 s20, s9;
	s7 =	sadd.s32 s7, s2;
	s10 =	sadd.s32 s10, s0  }
0x14: {  	s0 =	sshrl.u32 s0, $0x3;
	s20 =	simm.s32 $0x14080;
	s5 =	sshrl.u32 s5, $0x3  }
0x15: {  	s22 =	sshrl.u32 s10, $0x3;
	s11 =	sadd.s32 s25, s6;
	s12 =	smax.u32 s8, $0x1  }
0x16: {  	s14 =	sshrl.u32 s7, $0x3;
	[dreg:$0xa] =	wrdreg s20;
	s20 =	simm.s32 $0x80  }
0x17: {  	s25 =	simm.s32 $0x14100;
	s7 =	simm.s32 $0x13FC0;
	s8 =	simm.s32 $0x14300  }
0x18: {  	s5 =	sadd.s32 s5, s1;
	s1 =	sadd.s32 $0x76E00, s1;
	[dreg:$0x12] =	wrdreg s12  }
0x19: {  	[dreg:$0x13] =	wrdreg s14;
	s12 =	simm.s32 $0x13C00;
	s14 =	simm.s32 $0x40  }
0x1a: {  	[dreg:$0xd] =	wrdreg s25;
	s25 =	simm.s32 $0x0;
	s9 =	sadd.s32 s1, s22  }
0x1b: {  	s0 =	sadd.s32 s1, s0;
	s1 =	sadd.s32 $0x1C400, s11;
	s13 =	sadd.s32 $0x8400, s5  }
0x1c: {  	s11 =	simm.s32 $0x3;
	s22 =	simm.s32 $0x13DC0;
	[dreg:$0x10] =	wrdreg s9  }
0x1d: {  	s5 =	simm.s32 $0x13F80;
	s9 =	sadd.s32 s26, s2;
	[dreg:$0x3] =	wrdreg s1  }
0x1e: {  	s0 =	sadd.s32 $0x27000, s0;
	[dreg:$0x4] =	wrdreg s13;
	s13 =	simm.s32 $0x14000  }
0x1f: {  	[dreg:$0xc] =	wrdreg s22;
	s22 =	simm.s32 $0x13E00;
	s1 =	simm.s32 $0x13F40  }
0x20: {  	[dreg:$0x11] =	wrdreg s0;
	s0 =	sadd.s32 $0x138000, s2;
	s26 =	sshrl.u32 s9, $0x3  }
0x21: {  	s9 =	simm.s32 $0x14380;
	[dreg:$0x14] =	wrdreg s26;
	s0 =	sshrl.u32 @!p0 s0, $0x3  }
0x22: {  	s26 =	simm.s32 $0x14180;
	[dreg:$0x15] =	wrdreg s0;
	s0 =	simm.s32 $0x14280  }
.LBB2_1:
0x23: {  	[dreg:$0x16] =	wrdreg s25  }
0x24: {  	s6 =	rddreg [dreg:$0xe]  }
0x25: {  	s10 =	rddreg [dreg:$0x13]  }
0x26: {  	[spmem:s10], [sflag:s24] =	dma.local [hbm:s6], $0x2780  }
0x27: {  	_ =	swait.ge [sflag:s11], $0x2780  }
0x28: {  	[sflag:s11] =	ssyncset.done $0x0  }
0x29: {  	[sflag:s11] =	ssyncadd.s32 $0xFFFFD880  }
0x2a: {  	[bflag:$0x0] =	sbarrier.arrive $0xFFFF  }
0x2b: {  	s25 =	rddreg [dreg:$0x4]  }
0x2c: {  	s6 =	sadd.s32 $0x0, s25  }
0x2d: {  	[tilespmem:s12], [sflag:$0x3] =	stream.linear.gather [hbm4b:s6+s3], $0x400, $0x38;
	[tilespmem:$0x1C400] =	vst v63  }
0x2e: {  	_ =	swait.ge [sflag:s11], $0x400  }
0x2f: {  	s10 =	rddreg [dreg:$0x3];
	[sflag:s11] =	ssyncset.done $0x0  }
0x30: {  	[sflag:s11] =	ssyncadd.s32 $0xFFFFFC00;
	s6 =	sadd.s32 $0x0, s10  }
0x31: {  	[tilespmem:s13], [sflag:$0x3] =	stream.linear.gather [hbm4b:s6+s3], $0x400, $0x38;
	[tilespmem:$0x1C400] =	vst v63  }
0x32: {  	_ =	swait.ge [sflag:s11], $0x400  }
0x33: {  	[sflag:s11] =	ssyncset.done $0x0  }
0x34: {  	[sflag:s11] =	ssyncadd.s32 $0xFFFFFC00  }
0x35: {  	[tilespmem:s15], [sflag:$0x1] =	stream.indirect.gather [hbm4b:s4+s14], $0x80, s12, s14, $0xb8;
	[tilespmem:$0x1C400] =	vst v63  }
0x36: {  	s24 =	rddreg [dreg:$0x5]  }
0x37: {  	[tilespmem:s16], [sflag:$0x1] =	stream.indirect.gather [hbm4b:s4+s14], $0x80, s24, s14, $0xb8;
	[tilespmem:$0x1C400] =	vst v63  }
0x38: {  	_ =	swait.ge [sflag:s17], $0x2000  }
0x39: {  	[sflag:s17] =	ssyncset.done $0x0  }
0x3a: {  	[sflag:s17] =	ssyncadd.s32 $0xFFFFE000  }
0x3b: {  	_ =	swait.ge [sflag:s17], $0x2000  }
0x3c: {  	[sflag:s17] =	ssyncset.done $0x0  }
0x3d: {  	s25 =	rddreg [dreg:$0x6];
	[sflag:s17] =	ssyncadd.s32 $0xFFFFE000  }
0x3e: {  	[tilespmem:s18], [sflag:$0x2] =	stream.indirect.gather [hbm4b:s4+s14], $0x80, s25, s14, $0xb8;
	[tilespmem:$0x1C400] =	vst v63  }
0x3f: {  	s10 =	rddreg [dreg:$0x7]  }
0x40: {  	[tilespmem:s19], [sflag:$0x2] =	stream.indirect.gather [hbm4b:s4+s14], $0x80, s10, s14, $0xb8;
	[tilespmem:$0x1C400] =	vst v63  }
0x41: {  	_ = 	snop  }
0x42: {  	[spmem:s2] =	stream.indirect.scatter.add.f32 [tilespmem:s15], [sflag:$0x3], $0x80, s13, s20, $0xb8;
	[tilespmem:$0x1C400] =	vst v63  }
0x43: {  	_ =	swait.ge [sflag:s11], $0x4000  }
0x44: {  	[sflag:s11] =	ssyncset.done $0x0  }
0x45: {  	[sflag:s11] =	ssyncadd.s32 $0xFFFFC000  }
0x46: {  	_ =	swait.ge [sflag:s21], $0x2000  }
0x47: {  	[sflag:s21] =	ssyncset.done $0x0  }
0x48: {  	[sflag:s21] =	ssyncadd.s32 $0xFFFFE000  }
0x49: {  	_ =	swait.ge [sflag:s21], $0x2000  }
0x4a: {  	[sflag:s21] =	ssyncset.done $0x0  }
0x4b: {  	s24 =	rddreg [dreg:$0x8];
	[sflag:s21] =	ssyncadd.s32 $0xFFFFE000  }
0x4c: {  	[tilespmem:s15], [sflag:$0x1] =	stream.indirect.gather [hbm4b:s4+s14], $0x80, s24, s14, $0xb8;
	[tilespmem:$0x1C400] =	vst v63  }
0x4d: {  	s25 =	rddreg [dreg:$0x9]  }
0x4e: {  	[tilespmem:s16], [sflag:$0x1] =	stream.indirect.gather [hbm4b:s4+s14], $0x80, s25, s14, $0xb8;
	[tilespmem:$0x1C400] =	vst v63  }
0x4f: {  	s10 =	rddreg [dreg:$0xa]  }
0x50: {  	[spmem:s2] =	stream.indirect.scatter.add.f32 [tilespmem:s18], [sflag:$0x3], $0x80, s10, s20, $0xb8;
	[tilespmem:$0x1C400] =	vst v63  }
0x51: {  	_ =	swait.ge [sflag:s11], $0x4000  }
0x52: {  	[sflag:s11] =	ssyncset.done $0x0  }
0x53: {  	[sflag:s11] =	ssyncadd.s32 $0xFFFFC000  }
0x54: {  	_ =	swait.ge [sflag:s17], $0x2000  }
0x55: {  	[sflag:s17] =	ssyncset.done $0x0  }
0x56: {  	[sflag:s17] =	ssyncadd.s32 $0xFFFFE000  }
0x57: {  	_ =	swait.ge [sflag:s17], $0x2000  }
0x58: {  	[sflag:s17] =	ssyncset.done $0x0  }
0x59: {  	s25 =	rddreg [dreg:$0xb];
	[sflag:s17] =	ssyncadd.s32 $0xFFFFE000  }
0x5a: {  	[tilespmem:s18], [sflag:$0x2] =	stream.indirect.gather [hbm4b:s4+s14], $0x80, s25, s14, $0xb8;
	[tilespmem:$0x1C400] =	vst v63  }
0x5b: {  	s10 =	rddreg [dreg:$0xc]  }
0x5c: {  	[tilespmem:s19], [sflag:$0x2] =	stream.indirect.gather [hbm4b:s4+s14], $0x80, s10, s14, $0xb8;
	[tilespmem:$0x1C400] =	vst v63  }
0x5d: {  	s25 =	rddreg [dreg:$0xd]  }
0x5e: {  	[spmem:s2] =	stream.indirect.scatter.add.f32 [tilespmem:s15], [sflag:$0x3], $0x80, s25, s20, $0xb8;
	[tilespmem:$0x1C400] =	vst v63  }
0x5f: {  	_ =	swait.ge [sflag:s11], $0x4000  }
0x60: {  	[sflag:s11] =	ssyncset.done $0x0  }
0x61: {  	[sflag:s11] =	ssyncadd.s32 $0xFFFFC000  }
0x62: {  	_ =	swait.ge [sflag:s21], $0x2000  }
0x63: {  	[sflag:s21] =	ssyncset.done $0x0  }
0x64: {  	[sflag:s21] =	ssyncadd.s32 $0xFFFFE000  }
0x65: {  	_ =	swait.ge [sflag:s21], $0x2000  }
0x66: {  	[sflag:s21] =	ssyncset.done $0x0  }
0x67: {  	[sflag:s21] =	ssyncadd.s32 $0xFFFFE000  }
0x68: {  	[tilespmem:s15], [sflag:$0x1] =	stream.indirect.gather [hbm4b:s4+s14], $0x80, s22, s14, $0xb8;
	[tilespmem:$0x1C400] =	vst v63  }
0x69: {  	_ = 	snop  }
0x6a: {  	[tilespmem:s16], [sflag:$0x1] =	stream.indirect.gather [hbm4b:s4+s14], $0x80, s23, s14, $0xb8;
	[tilespmem:$0x1C400] =	vst v63  }
0x6b: {  	_ = 	snop  }
0x6c: {  	[spmem:s2] =	stream.indirect.scatter.add.f32 [tilespmem:s18], [sflag:$0x3], $0x80, s26, s20, $0xb8;
	[tilespmem:$0x1C400] =	vst v63  }
0x6d: {  	_ =	swait.ge [sflag:s11], $0x4000  }
0x6e: {  	[sflag:s11] =	ssyncset.done $0x0  }
0x6f: {  	[sflag:s11] =	ssyncadd.s32 $0xFFFFC000  }
0x70: {  	_ =	swait.ge [sflag:s17], $0x2000  }
0x71: {  	[sflag:s17] =	ssyncset.done $0x0  }
0x72: {  	[sflag:s17] =	ssyncadd.s32 $0xFFFFE000  }
0x73: {  	_ =	swait.ge [sflag:s17], $0x2000  }
0x74: {  	[sflag:s17] =	ssyncset.done $0x0  }
0x75: {  	[sflag:s17] =	ssyncadd.s32 $0xFFFFE000  }
0x76: {  	[tilespmem:s18], [sflag:$0x2] =	stream.indirect.gather [hbm4b:s4+s14], $0x80, s28, s14, $0xb8;
	[tilespmem:$0x1C400] =	vst v63  }
0x77: {  	_ = 	snop  }
0x78: {  	[tilespmem:s19], [sflag:$0x2] =	stream.indirect.gather [hbm4b:s4+s14], $0x80, s29, s14, $0xb8;
	[tilespmem:$0x1C400] =	vst v63  }
0x79: {  	_ = 	snop  }
0x7a: {  	[spmem:s2] =	stream.indirect.scatter.add.f32 [tilespmem:s15], [sflag:$0x3], $0x80, s30, s20, $0xb8;
	[tilespmem:$0x1C400] =	vst v63  }
0x7b: {  	_ =	swait.ge [sflag:s11], $0x4000  }
0x7c: {  	[sflag:s11] =	ssyncset.done $0x0  }
0x7d: {  	[sflag:s11] =	ssyncadd.s32 $0xFFFFC000  }
0x7e: {  	_ =	swait.ge [sflag:s21], $0x2000  }
0x7f: {  	[sflag:s21] =	ssyncset.done $0x0  }
0x80: {  	[sflag:s21] =	ssyncadd.s32 $0xFFFFE000  }
0x81: {  	_ =	swait.ge [sflag:s21], $0x2000  }
0x82: {  	[sflag:s21] =	ssyncset.done $0x0  }
0x83: {  	[sflag:s21] =	ssyncadd.s32 $0xFFFFE000  }
0x84: {  	[tilespmem:s15], [sflag:$0x1] =	stream.indirect.gather [hbm4b:s4+s14], $0x80, s31, s14, $0xb8;
	[tilespmem:$0x1C400] =	vst v63  }
0x85: {  	_ = 	snop  }
0x86: {  	[tilespmem:s16], [sflag:$0x1] =	stream.indirect.gather [hbm4b:s4+s14], $0x80, s1, s14, $0xb8;
	[tilespmem:$0x1C400] =	vst v63  }
0x87: {  	_ = 	snop  }
0x88: {  	[spmem:s2] =	stream.indirect.scatter.add.f32 [tilespmem:s18], [sflag:$0x3], $0x80, s0, s20, $0xb8;
	[tilespmem:$0x1C400] =	vst v63  }
0x89: {  	_ =	swait.ge [sflag:s11], $0x4000  }
0x8a: {  	[sflag:s11] =	ssyncset.done $0x0  }
0x8b: {  	[sflag:s11] =	ssyncadd.s32 $0xFFFFC000  }
0x8c: {  	_ =	swait.ge [sflag:s17], $0x2000  }
0x8d: {  	[sflag:s17] =	ssyncset.done $0x0  }
0x8e: {  	[sflag:s17] =	ssyncadd.s32 $0xFFFFE000  }
0x8f: {  	_ =	swait.ge [sflag:s17], $0x2000  }
0x90: {  	[sflag:s17] =	ssyncset.done $0x0  }
0x91: {  	[sflag:s17] =	ssyncadd.s32 $0xFFFFE000  }
0x92: {  	[tilespmem:s18], [sflag:$0x2] =	stream.indirect.gather [hbm4b:s4+s14], $0x80, s5, s14, $0xb8;
	[tilespmem:$0x1C400] =	vst v63  }
0x93: {  	_ = 	snop  }
0x94: {  	[tilespmem:s19], [sflag:$0x2] =	stream.indirect.gather [hbm4b:s4+s14], $0x80, s7, s14, $0xb8;
	[tilespmem:$0x1C400] =	vst v63  }
0x95: {  	_ = 	snop  }
0x96: {  	[spmem:s2] =	stream.indirect.scatter.add.f32 [tilespmem:s15], [sflag:$0x3], $0x80, s8, s20, $0xb8;
	[tilespmem:$0x1C400] =	vst v63  }
0x97: {  	_ =	swait.ge [sflag:s11], $0x4000  }
0x98: {  	[sflag:s11] =	ssyncset.done $0x0  }
0x99: {  	[sflag:s11] =	ssyncadd.s32 $0xFFFFC000  }
0x9a: {  	_ =	swait.ge [sflag:s21], $0x2000  }
0x9b: {  	[sflag:s21] =	ssyncset.done $0x0  }
0x9c: {  	[sflag:s21] =	ssyncadd.s32 $0xFFFFE000  }
0x9d: {  	_ =	swait.ge [sflag:s21], $0x2000  }
0x9e: {  	[sflag:s21] =	ssyncset.done $0x0  }
0x9f: {  	[sflag:s21] =	ssyncadd.s32 $0xFFFFE000  }
0xa0: {  	[spmem:s2] =	stream.indirect.scatter.add.f32 [tilespmem:s18], [sflag:$0x3], $0x80, s9, s20, $0xb8;
	[tilespmem:$0x1C400] =	vst v63  }
0xa1: {  	s24 =	simm.s32 $0x80;
	_ =	swait.ge [sflag:s11], $0x4000  }
0xa2: {  	s25 =	simm.s32 $0x100;
	s6 =	rddreg [dreg:$0x4];
	[sflag:s11] =	ssyncset.done $0x0  }
.LBB2_2:
0xa3: {  	[sflag:s11] =	ssyncadd.s32 $0xFFFFC000;
	s6 =	sadd.s32 s24, s6  }
0xa4: {  	[tilespmem:s12], [sflag:$0x3] =	stream.linear.gather [hbm4b:s6+s3], $0x400, $0x38;
	[tilespmem:$0x1C400] =	vst v63  }
0xa5: {  	_ =	swait.ge [sflag:s11], $0x400  }
0xa6: {  	s6 =	rddreg [dreg:$0x3];
	[sflag:s11] =	ssyncset.done $0x0  }
0xa7: {  	[sflag:s11] =	ssyncadd.s32 $0xFFFFFC00;
	s6 =	sadd.s32 s24, s6  }
0xa8: {  	[tilespmem:s13], [sflag:$0x3] =	stream.linear.gather [hbm4b:s6+s3], $0x400, $0x38;
	[tilespmem:$0x1C400] =	vst v63  }
0xa9: {  	_ =	swait.ge [sflag:s11], $0x400  }
0xaa: {  	[sflag:s11] =	ssyncset.done $0x0  }
0xab: {  	s10 =	smov.u32 s25;
	[sflag:s11] =	ssyncadd.s32 $0xFFFFFC00  }
0xac: {  	[tilespmem:s15], [sflag:$0x1] =	stream.indirect.gather [hbm4b:s4+s14], $0x80, s12, s14, $0xb8;
	[tilespmem:$0x1C400] =	vst v63  }
0xad: {  	s24 =	smov.u32 s10;
	s10 =	rddreg [dreg:$0x5]  }
0xae: {  	[tilespmem:s16], [sflag:$0x1] =	stream.indirect.gather [hbm4b:s4+s14], $0x80, s10, s14, $0xb8;
	[tilespmem:$0x1C400] =	vst v63  }
0xaf: {  	_ =	swait.ge [sflag:s17], $0x2000  }
0xb0: {  	[sflag:s17] =	ssyncset.done $0x0  }
0xb1: {  	[sflag:s17] =	ssyncadd.s32 $0xFFFFE000  }
0xb2: {  	_ =	swait.ge [sflag:s17], $0x2000  }
0xb3: {  	[sflag:s17] =	ssyncset.done $0x0  }
0xb4: {  	s6 =	rddreg [dreg:$0x6];
	[sflag:s17] =	ssyncadd.s32 $0xFFFFE000  }
0xb5: {  	[tilespmem:s18], [sflag:$0x2] =	stream.indirect.gather [hbm4b:s4+s14], $0x80, s6, s14, $0xb8;
	[tilespmem:$0x1C400] =	vst v63  }
0xb6: {  	s10 =	rddreg [dreg:$0x7]  }
0xb7: {  	[tilespmem:s19], [sflag:$0x2] =	stream.indirect.gather [hbm4b:s4+s14], $0x80, s10, s14, $0xb8;
	[tilespmem:$0x1C400] =	vst v63  }
0xb8: {  	_ = 	snop  }
0xb9: {  	[spmem:s2] =	stream.indirect.scatter.add.f32 [tilespmem:s15], [sflag:$0x3], $0x80, s13, s20, $0xb8;
	[tilespmem:$0x1C400] =	vst v63  }
0xba: {  	_ =	swait.ge [sflag:s11], $0x4000  }
0xbb: {  	[sflag:s11] =	ssyncset.done $0x0  }
0xbc: {  	[sflag:s11] =	ssyncadd.s32 $0xFFFFC000  }
0xbd: {  	_ =	swait.ge [sflag:s21], $0x2000  }
0xbe: {  	[sflag:s21] =	ssyncset.done $0x0  }
0xbf: {  	[sflag:s21] =	ssyncadd.s32 $0xFFFFE000  }
0xc0: {  	_ =	swait.ge [sflag:s21], $0x2000  }
0xc1: {  	[sflag:s21] =	ssyncset.done $0x0  }
0xc2: {  	s6 =	rddreg [dreg:$0x8];
	[sflag:s21] =	ssyncadd.s32 $0xFFFFE000  }
0xc3: {  	[tilespmem:s15], [sflag:$0x1] =	stream.indirect.gather [hbm4b:s4+s14], $0x80, s6, s14, $0xb8;
	[tilespmem:$0x1C400] =	vst v63  }
0xc4: {  	s10 =	rddreg [dreg:$0x9]  }
0xc5: {  	[tilespmem:s16], [sflag:$0x1] =	stream.indirect.gather [hbm4b:s4+s14], $0x80, s10, s14, $0xb8;
	[tilespmem:$0x1C400] =	vst v63  }
0xc6: {  	s6 =	rddreg [dreg:$0xa]  }
0xc7: {  	[spmem:s2] =	stream.indirect.scatter.add.f32 [tilespmem:s18], [sflag:$0x3], $0x80, s6, s20, $0xb8;
	[tilespmem:$0x1C400] =	vst v63  }
0xc8: {  	_ =	swait.ge [sflag:s11], $0x4000  }
0xc9: {  	[sflag:s11] =	ssyncset.done $0x0  }
0xca: {  	[sflag:s11] =	ssyncadd.s32 $0xFFFFC000  }
0xcb: {  	_ =	swait.ge [sflag:s17], $0x2000  }
0xcc: {  	[sflag:s17] =	ssyncset.done $0x0  }
0xcd: {  	[sflag:s17] =	ssyncadd.s32 $0xFFFFE000  }
0xce: {  	_ =	swait.ge [sflag:s17], $0x2000  }
0xcf: {  	[sflag:s17] =	ssyncset.done $0x0  }
0xd0: {  	s6 =	rddreg [dreg:$0xb];
	[sflag:s17] =	ssyncadd.s32 $0xFFFFE000  }
0xd1: {  	[tilespmem:s18], [sflag:$0x2] =	stream.indirect.gather [hbm4b:s4+s14], $0x80, s6, s14, $0xb8;
	[tilespmem:$0x1C400] =	vst v63  }
0xd2: {  	s10 =	rddreg [dreg:$0xc]  }
0xd3: {  	[tilespmem:s19], [sflag:$0x2] =	stream.indirect.gather [hbm4b:s4+s14], $0x80, s10, s14, $0xb8;
	[tilespmem:$0x1C400] =	vst v63  }
0xd4: {  	s6 =	rddreg [dreg:$0xd]  }
0xd5: {  	[spmem:s2] =	stream.indirect.scatter.add.f32 [tilespmem:s15], [sflag:$0x3], $0x80, s6, s20, $0xb8;
	[tilespmem:$0x1C400] =	vst v63  }
0xd6: {  	_ =	swait.ge [sflag:s11], $0x4000  }
0xd7: {  	[sflag:s11] =	ssyncset.done $0x0  }
0xd8: {  	[sflag:s11] =	ssyncadd.s32 $0xFFFFC000  }
0xd9: {  	_ =	swait.ge [sflag:s21], $0x2000  }
0xda: {  	[sflag:s21] =	ssyncset.done $0x0  }
0xdb: {  	[sflag:s21] =	ssyncadd.s32 $0xFFFFE000  }
0xdc: {  	_ =	swait.ge [sflag:s21], $0x2000  }
0xdd: {  	[sflag:s21] =	ssyncset.done $0x0  }
0xde: {  	[sflag:s21] =	ssyncadd.s32 $0xFFFFE000  }
0xdf: {  	[tilespmem:s15], [sflag:$0x1] =	stream.indirect.gather [hbm4b:s4+s14], $0x80, s22, s14, $0xb8;
	[tilespmem:$0x1C400] =	vst v63  }
0xe0: {  	_ = 	snop  }
0xe1: {  	[tilespmem:s16], [sflag:$0x1] =	stream.indirect.gather [hbm4b:s4+s14], $0x80, s23, s14, $0xb8;
	[tilespmem:$0x1C400] =	vst v63  }
0xe2: {  	_ = 	snop  }
0xe3: {  	[spmem:s2] =	stream.indirect.scatter.add.f32 [tilespmem:s18], [sflag:$0x3], $0x80, s26, s20, $0xb8;
	[tilespmem:$0x1C400] =	vst v63  }
0xe4: {  	_ =	swait.ge [sflag:s11], $0x4000  }
0xe5: {  	[sflag:s11] =	ssyncset.done $0x0  }
0xe6: {  	[sflag:s11] =	ssyncadd.s32 $0xFFFFC000  }
0xe7: {  	_ =	swait.ge [sflag:s17], $0x2000  }
0xe8: {  	[sflag:s17] =	ssyncset.done $0x0  }
0xe9: {  	[sflag:s17] =	ssyncadd.s32 $0xFFFFE000  }
0xea: {  	_ =	swait.ge [sflag:s17], $0x2000  }
0xeb: {  	[sflag:s17] =	ssyncset.done $0x0  }
0xec: {  	[sflag:s17] =	ssyncadd.s32 $0xFFFFE000  }
0xed: {  	[tilespmem:s18], [sflag:$0x2] =	stream.indirect.gather [hbm4b:s4+s14], $0x80, s28, s14, $0xb8;
	[tilespmem:$0x1C400] =	vst v63  }
0xee: {  	_ = 	snop  }
0xef: {  	[tilespmem:s19], [sflag:$0x2] =	stream.indirect.gather [hbm4b:s4+s14], $0x80, s29, s14, $0xb8;
	[tilespmem:$0x1C400] =	vst v63  }
0xf0: {  	_ = 	snop  }
0xf1: {  	[spmem:s2] =	stream.indirect.scatter.add.f32 [tilespmem:s15], [sflag:$0x3], $0x80, s30, s20, $0xb8;
	[tilespmem:$0x1C400] =	vst v63  }
0xf2: {  	_ =	swait.ge [sflag:s11], $0x4000  }
0xf3: {  	[sflag:s11] =	ssyncset.done $0x0  }
0xf4: {  	[sflag:s11] =	ssyncadd.s32 $0xFFFFC000  }
0xf5: {  	_ =	swait.ge [sflag:s21], $0x2000  }
0xf6: {  	[sflag:s21] =	ssyncset.done $0x0  }
0xf7: {  	[sflag:s21] =	ssyncadd.s32 $0xFFFFE000  }
0xf8: {  	_ =	swait.ge [sflag:s21], $0x2000  }
0xf9: {  	[sflag:s21] =	ssyncset.done $0x0  }
0xfa: {  	[sflag:s21] =	ssyncadd.s32 $0xFFFFE000  }
0xfb: {  	[tilespmem:s15], [sflag:$0x1] =	stream.indirect.gather [hbm4b:s4+s14], $0x80, s31, s14, $0xb8;
	[tilespmem:$0x1C400] =	vst v63  }
0xfc: {  	_ = 	snop  }
0xfd: {  	[tilespmem:s16], [sflag:$0x1] =	stream.indirect.gather [hbm4b:s4+s14], $0x80, s1, s14, $0xb8;
	[tilespmem:$0x1C400] =	vst v63  }
0xfe: {  	_ = 	snop  }
0xff: {  	[spmem:s2] =	stream.indirect.scatter.add.f32 [tilespmem:s18], [sflag:$0x3], $0x80, s0, s20, $0xb8;
	[tilespmem:$0x1C400] =	vst v63  }
0x100: {  	_ =	swait.ge [sflag:s11], $0x4000  }
0x101: {  	[sflag:s11] =	ssyncset.done $0x0  }
0x102: {  	[sflag:s11] =	ssyncadd.s32 $0xFFFFC000  }
0x103: {  	_ =	swait.ge [sflag:s17], $0x2000  }
0x104: {  	[sflag:s17] =	ssyncset.done $0x0  }
0x105: {  	[sflag:s17] =	ssyncadd.s32 $0xFFFFE000  }
0x106: {  	_ =	swait.ge [sflag:s17], $0x2000  }
0x107: {  	[sflag:s17] =	ssyncset.done $0x0  }
0x108: {  	[sflag:s17] =	ssyncadd.s32 $0xFFFFE000  }
0x109: {  	[tilespmem:s18], [sflag:$0x2] =	stream.indirect.gather [hbm4b:s4+s14], $0x80, s5, s14, $0xb8;
	[tilespmem:$0x1C400] =	vst v63  }
0x10a: {  	_ = 	snop  }
0x10b: {  	[tilespmem:s19], [sflag:$0x2] =	stream.indirect.gather [hbm4b:s4+s14], $0x80, s7, s14, $0xb8;
	[tilespmem:$0x1C400] =	vst v63  }
0x10c: {  	_ = 	snop  }
0x10d: {  	[spmem:s2] =	stream.indirect.scatter.add.f32 [tilespmem:s15], [sflag:$0x3], $0x80, s8, s20, $0xb8;
	[tilespmem:$0x1C400] =	vst v63  }
0x10e: {  	_ =	swait.ge [sflag:s11], $0x4000  }
0x10f: {  	[sflag:s11] =	ssyncset.done $0x0  }
0x110: {  	[sflag:s11] =	ssyncadd.s32 $0xFFFFC000  }
0x111: {  	_ =	swait.ge [sflag:s21], $0x2000  }
0x112: {  	[sflag:s21] =	ssyncset.done $0x0  }
0x113: {  	[sflag:s21] =	ssyncadd.s32 $0xFFFFE000  }
0x114: {  	p1 =	sne.s32 s25, $0x480;
	_ =	swait.ge [sflag:s21], $0x2000  }
.Ltmp0:
0x115: {  	[sflag:s21] =	ssyncset.done $0x0;
	(pc) =	sbr.rel @p1 .LBB2_2-.Ltmp0, $4  }
0x116: {  	[sflag:s21] =	ssyncadd.s32 $0xFFFFE000  }
0x117: {  	[spmem:s2] =	stream.indirect.scatter.add.f32 [tilespmem:s18], [sflag:$0x3], $0x80, s9, s20, $0xb8;
	[tilespmem:$0x1C400] =	vst v63  }
0x118: {  	_ =	swait.ge [sflag:s11], $0x4000  }
0x119: {  	s25 =	sadd.s32 $0x80, s25;
	s6 =	rddreg [dreg:$0x4];
	[sflag:s11] =	ssyncset.done $0x0  }
0x11a: {  	[sflag:s11] =	ssyncadd.s32 $0xFFFFC000;
	s6 =	sadd.s32 s24, s6  }
0x11b: {  	[tilespmem:s12], [sflag:$0x3] =	stream.linear.gather [hbm4b:s6+s3], $0x400, $0x38;
	[tilespmem:$0x1C400] =	vst v63  }
0x11c: {  	_ =	swait.ge [sflag:s11], $0x400  }
0x11d: {  	s10 =	rddreg [dreg:$0x3];
	[sflag:s11] =	ssyncset.done $0x0  }
0x11e: {  	[sflag:s11] =	ssyncadd.s32 $0xFFFFFC00;
	s6 =	sadd.s32 s24, s10  }
0x11f: {  	[tilespmem:s13], [sflag:$0x3] =	stream.linear.gather [hbm4b:s6+s3], $0x400, $0x38;
	[tilespmem:$0x1C400] =	vst v63  }
0x120: {  	_ =	swait.ge [sflag:s11], $0x400  }
0x121: {  	[sflag:s11] =	ssyncset.done $0x0  }
0x122: {  	[sflag:s11] =	ssyncadd.s32 $0xFFFFFC00  }
0x123: {  	[tilespmem:s15], [sflag:$0x1] =	stream.indirect.gather [hbm4b:s4+s14], $0x80, s12, s14, $0xb8;
	[tilespmem:$0x1C400] =	vst v63  }
0x124: {  	s24 =	rddreg [dreg:$0x5]  }
0x125: {  	[tilespmem:s16], [sflag:$0x1] =	stream.indirect.gather [hbm4b:s4+s14], $0x80, s24, s14, $0xb8;
	[tilespmem:$0x1C400] =	vst v63  }
0x126: {  	_ =	swait.ge [sflag:s17], $0x2000  }
0x127: {  	[sflag:s17] =	ssyncset.done $0x0  }
0x128: {  	[sflag:s17] =	ssyncadd.s32 $0xFFFFE000  }
0x129: {  	_ =	swait.ge [sflag:s17], $0x2000  }
0x12a: {  	[sflag:s17] =	ssyncset.done $0x0  }
0x12b: {  	s25 =	rddreg [dreg:$0x6];
	[sflag:s17] =	ssyncadd.s32 $0xFFFFE000  }
0x12c: {  	[tilespmem:s18], [sflag:$0x2] =	stream.indirect.gather [hbm4b:s4+s14], $0x80, s25, s14, $0xb8;
	[tilespmem:$0x1C400] =	vst v63  }
0x12d: {  	s10 =	rddreg [dreg:$0x7]  }
0x12e: {  	[tilespmem:s19], [sflag:$0x2] =	stream.indirect.gather [hbm4b:s4+s14], $0x80, s10, s14, $0xb8;
	[tilespmem:$0x1C400] =	vst v63  }
0x12f: {  	_ = 	snop  }
0x130: {  	[spmem:s2] =	stream.indirect.scatter.add.f32 [tilespmem:s15], [sflag:$0x3], $0x80, s13, s20, $0xb8;
	[tilespmem:$0x1C400] =	vst v63  }
0x131: {  	_ =	swait.ge [sflag:s11], $0x4000  }
0x132: {  	[sflag:s11] =	ssyncset.done $0x0  }
0x133: {  	[sflag:s11] =	ssyncadd.s32 $0xFFFFC000  }
0x134: {  	_ =	swait.ge [sflag:s21], $0x2000  }
0x135: {  	[sflag:s21] =	ssyncset.done $0x0  }
0x136: {  	[sflag:s21] =	ssyncadd.s32 $0xFFFFE000  }
0x137: {  	_ =	swait.ge [sflag:s21], $0x2000  }
0x138: {  	[sflag:s21] =	ssyncset.done $0x0  }
0x139: {  	s10 =	rddreg [dreg:$0x8];
	[sflag:s21] =	ssyncadd.s32 $0xFFFFE000  }
0x13a: {  	[tilespmem:s15], [sflag:$0x1] =	stream.indirect.gather [hbm4b:s4+s14], $0x80, s10, s14, $0xb8;
	[tilespmem:$0x1C400] =	vst v63  }
0x13b: {  	s24 =	rddreg [dreg:$0x9]  }
0x13c: {  	[tilespmem:s16], [sflag:$0x1] =	stream.indirect.gather [hbm4b:s4+s14], $0x80, s24, s14, $0xb8;
	[tilespmem:$0x1C400] =	vst v63  }
0x13d: {  	s25 =	rddreg [dreg:$0xa]  }
0x13e: {  	[spmem:s2] =	stream.indirect.scatter.add.f32 [tilespmem:s18], [sflag:$0x3], $0x80, s25, s20, $0xb8;
	[tilespmem:$0x1C400] =	vst v63  }
0x13f: {  	_ =	swait.ge [sflag:s11], $0x4000  }
0x140: {  	[sflag:s11] =	ssyncset.done $0x0  }
0x141: {  	[sflag:s11] =	ssyncadd.s32 $0xFFFFC000  }
0x142: {  	_ =	swait.ge [sflag:s17], $0x2000  }
0x143: {  	[sflag:s17] =	ssyncset.done $0x0  }
0x144: {  	[sflag:s17] =	ssyncadd.s32 $0xFFFFE000  }
0x145: {  	_ =	swait.ge [sflag:s17], $0x2000  }
0x146: {  	[sflag:s17] =	ssyncset.done $0x0  }
0x147: {  	s10 =	rddreg [dreg:$0xb];
	[sflag:s17] =	ssyncadd.s32 $0xFFFFE000  }
0x148: {  	[tilespmem:s18], [sflag:$0x2] =	stream.indirect.gather [hbm4b:s4+s14], $0x80, s10, s14, $0xb8;
	[tilespmem:$0x1C400] =	vst v63  }
0x149: {  	s24 =	rddreg [dreg:$0xc]  }
0x14a: {  	[tilespmem:s19], [sflag:$0x2] =	stream.indirect.gather [hbm4b:s4+s14], $0x80, s24, s14, $0xb8;
	[tilespmem:$0x1C400] =	vst v63  }
0x14b: {  	s25 =	rddreg [dreg:$0xd]  }
0x14c: {  	[spmem:s2] =	stream.indirect.scatter.add.f32 [tilespmem:s15], [sflag:$0x3], $0x80, s25, s20, $0xb8;
	[tilespmem:$0x1C400] =	vst v63  }
0x14d: {  	_ =	swait.ge [sflag:s11], $0x4000  }
0x14e: {  	[sflag:s11] =	ssyncset.done $0x0  }
0x14f: {  	[sflag:s11] =	ssyncadd.s32 $0xFFFFC000  }
0x150: {  	_ =	swait.ge [sflag:s21], $0x2000  }
0x151: {  	[sflag:s21] =	ssyncset.done $0x0  }
0x152: {  	[sflag:s21] =	ssyncadd.s32 $0xFFFFE000  }
0x153: {  	_ =	swait.ge [sflag:s21], $0x2000  }
0x154: {  	[sflag:s21] =	ssyncset.done $0x0  }
0x155: {  	[sflag:s21] =	ssyncadd.s32 $0xFFFFE000  }
0x156: {  	[tilespmem:s15], [sflag:$0x1] =	stream.indirect.gather [hbm4b:s4+s14], $0x80, s22, s14, $0xb8;
	[tilespmem:$0x1C400] =	vst v63  }
0x157: {  	_ = 	snop  }
0x158: {  	[tilespmem:s16], [sflag:$0x1] =	stream.indirect.gather [hbm4b:s4+s14], $0x80, s23, s14, $0xb8;
	[tilespmem:$0x1C400] =	vst v63  }
0x159: {  	_ = 	snop  }
0x15a: {  	[spmem:s2] =	stream.indirect.scatter.add.f32 [tilespmem:s18], [sflag:$0x3], $0x80, s26, s20, $0xb8;
	[tilespmem:$0x1C400] =	vst v63  }
0x15b: {  	_ =	swait.ge [sflag:s11], $0x4000  }
0x15c: {  	[sflag:s11] =	ssyncset.done $0x0  }
0x15d: {  	[sflag:s11] =	ssyncadd.s32 $0xFFFFC000  }
0x15e: {  	_ =	swait.ge [sflag:s17], $0x2000  }
0x15f: {  	[sflag:s17] =	ssyncset.done $0x0  }
0x160: {  	[sflag:s17] =	ssyncadd.s32 $0xFFFFE000  }
0x161: {  	_ =	swait.ge [sflag:s17], $0x2000  }
0x162: {  	[sflag:s17] =	ssyncset.done $0x0  }
0x163: {  	[sflag:s17] =	ssyncadd.s32 $0xFFFFE000  }
0x164: {  	[tilespmem:s18], [sflag:$0x2] =	stream.indirect.gather [hbm4b:s4+s14], $0x80, s28, s14, $0xb8;
	[tilespmem:$0x1C400] =	vst v63  }
0x165: {  	_ = 	snop  }
0x166: {  	[tilespmem:s19], [sflag:$0x2] =	stream.indirect.gather [hbm4b:s4+s14], $0x80, s29, s14, $0xb8;
	[tilespmem:$0x1C400] =	vst v63  }
0x167: {  	_ = 	snop  }
0x168: {  	[spmem:s2] =	stream.indirect.scatter.add.f32 [tilespmem:s15], [sflag:$0x3], $0x80, s30, s20, $0xb8;
	[tilespmem:$0x1C400] =	vst v63  }
0x169: {  	_ =	swait.ge [sflag:s11], $0x4000  }
0x16a: {  	[sflag:s11] =	ssyncset.done $0x0  }
0x16b: {  	[sflag:s11] =	ssyncadd.s32 $0xFFFFC000  }
0x16c: {  	_ =	swait.ge [sflag:s21], $0x2000  }
0x16d: {  	[sflag:s21] =	ssyncset.done $0x0  }
0x16e: {  	[sflag:s21] =	ssyncadd.s32 $0xFFFFE000  }
0x16f: {  	_ =	swait.ge [sflag:s21], $0x2000  }
0x170: {  	[sflag:s21] =	ssyncset.done $0x0  }
0x171: {  	[sflag:s21] =	ssyncadd.s32 $0xFFFFE000  }
0x172: {  	[tilespmem:s15], [sflag:$0x1] =	stream.indirect.gather [hbm4b:s4+s14], $0x80, s31, s14, $0xb8;
	[tilespmem:$0x1C400] =	vst v63  }
0x173: {  	_ = 	snop  }
0x174: {  	[tilespmem:s16], [sflag:$0x1] =	stream.indirect.gather [hbm4b:s4+s14], $0x80, s1, s14, $0xb8;
	[tilespmem:$0x1C400] =	vst v63  }
0x175: {  	_ = 	snop  }
0x176: {  	[spmem:s2] =	stream.indirect.scatter.add.f32 [tilespmem:s18], [sflag:$0x3], $0x80, s0, s20, $0xb8;
	[tilespmem:$0x1C400] =	vst v63  }
0x177: {  	_ =	swait.ge [sflag:s11], $0x4000  }
0x178: {  	[sflag:s11] =	ssyncset.done $0x0  }
0x179: {  	[sflag:s11] =	ssyncadd.s32 $0xFFFFC000  }
0x17a: {  	_ =	swait.ge [sflag:s17], $0x2000  }
0x17b: {  	[sflag:s17] =	ssyncset.done $0x0  }
0x17c: {  	[sflag:s17] =	ssyncadd.s32 $0xFFFFE000  }
0x17d: {  	_ =	swait.ge [sflag:s17], $0x2000  }
0x17e: {  	[sflag:s17] =	ssyncset.done $0x0  }
0x17f: {  	[sflag:s17] =	ssyncadd.s32 $0xFFFFE000  }
0x180: {  	[tilespmem:s18], [sflag:$0x2] =	stream.indirect.gather [hbm4b:s4+s14], $0x80, s5, s14, $0xb8;
	[tilespmem:$0x1C400] =	vst v63  }
0x181: {  	_ = 	snop  }
0x182: {  	[tilespmem:s19], [sflag:$0x2] =	stream.indirect.gather [hbm4b:s4+s14], $0x80, s7, s14, $0xb8;
	[tilespmem:$0x1C400] =	vst v63  }
0x183: {  	_ = 	snop  }
0x184: {  	[spmem:s2] =	stream.indirect.scatter.add.f32 [tilespmem:s15], [sflag:$0x3], $0x80, s8, s20, $0xb8;
	[tilespmem:$0x1C400] =	vst v63  }
0x185: {  	_ =	swait.ge [sflag:s11], $0x4000  }
0x186: {  	[sflag:s11] =	ssyncset.done $0x0  }
0x187: {  	[sflag:s11] =	ssyncadd.s32 $0xFFFFC000  }
0x188: {  	_ =	swait.ge [sflag:s21], $0x2000  }
0x189: {  	[sflag:s21] =	ssyncset.done $0x0  }
0x18a: {  	[sflag:s21] =	ssyncadd.s32 $0xFFFFE000  }
0x18b: {  	_ =	swait.ge [sflag:s21], $0x2000  }
0x18c: {  	[sflag:s21] =	ssyncset.done $0x0  }
0x18d: {  	[sflag:s21] =	ssyncadd.s32 $0xFFFFE000  }
0x18e: {  	[spmem:s2] =	stream.indirect.scatter.add.f32 [tilespmem:s18], [sflag:$0x3], $0x80, s9, s20, $0xb8;
	[tilespmem:$0x1C400] =	vst v63  }
0x18f: {  	_ =	swait.ge [sflag:s11], $0x4000  }
0x190: {  	[sflag:s11] =	ssyncset.done $0x0  }
0x191: {  	[sflag:s11] =	ssyncadd.s32 $0xFFFFC000  }
0x192: {  	[bflag:$0x0] =	sbarrier.arrive $0xFFFF  }
0x193: {  	s24 =	rddreg [dreg:$0xf]  }
0x194: {  	s10 =	rddreg [dreg:$0x10]  }
0x195: {  	s25 =	rddreg [dreg:$0x14]  }
0x196: {  	[hbm:s10], [sflag:s24] =	dma.local [spmem:s25], $0x2700  }
0x197: {  	_ =	swait.ge [sflag:s11], $0x2700  }
0x198: {  	[sflag:s11] =	ssyncset.done $0x0;
	s6 =	rddreg [dreg:$0x11]  }
0x199: {  	s10 =	rddreg [dreg:$0x15];
	[sflag:s11] =	ssyncadd.s32 $0xFFFFD900  }
0x19a: {  	[hbm:s6], [sflag:s24] =	dma.local @!p0 [spmem:s10], $0x100  }
0x19b: {  	s6 =	simm.s32 @!p0 $0x3  }
0x19c: {  	_ =	swait.ge @!p0 [sflag:s6], $0x100  }
0x19d: {  	s25 =	rddreg [dreg:$0x16]  }
0x19e: {  	s10 =	rddreg [dreg:$0x12];
	s25 =	sadd.s32 $0x1, s25  }
0x19f: {  	p1 =	sne.s32 s25, s10  }
.Ltmp1:
0x1a0: {  	_ = 	snop;
	(pc) =	sbr.rel @p1 .LBB2_1-.Ltmp1, $3  }
0x1a1: {  	_ =	sdelay $0x1  }
0x1a2: {  	[sflag:s6] =	ssyncset.done @!p0 $0x0  }
0x1a3: {  	[sflag:s6] =	ssyncadd.s32 @!p0 $0xFFFFFF00  }
0x1a4: {  	_ =	sfence.sel $0x180000  }
0x1a5: {  	[bflag:$0x0] =	sbarrier.arrive $0xFFFF  }
0x1a6: {  	_ =	strace $0x90000047  }
0x1a7: {  	s0 =	stileid.u32;
	[bflag:$0x2] =	sbarrier.arrive $0xFFFF  }
0x1a8: {  	p0 =	sne.s32 s0, $0x0;
	s0 =	rddreg [dreg:$0x2]  }
0x1a9: {  	s0 =	sadd.s32 @!p0 $0x100000, s0  }
0x1aa: {  	[sflag:s0] =	ssyncadd.tile.s32 @!p0 $0x1;
	_ =	shalt  }
.Lfunc_end2:
_tile_overlayer_lowered:
.L_overlay_start_2:
0x1ab: {  	(tag) =	ssettag $0x2  }
0x1ac: {  	s0 =	rddreg [dreg:$0x0];
	s2 =	stileid.u32  }
0x1ad: {  	s1 =	rddreg [dreg:$0x1];
	p0 =	sne.s32 s2, $0x0  }
0x1ae: {  	s3 =	rddreg [dreg:$0x2];
	[bflag:$0x3] =	sbarrier.arrive $0xFFFF;
	s2 =	simm.s32 @!p0 $0x1C03  }
0x1af: {  	[timem:s3], [sflag:s2] =	dma.local @!p0 [hbm:s0], s1  }
0x1b0: {  	s0 =	simm.s32 @!p0 $0x3  }
0x1b1: {  	_ =	swait.ge @!p0 [sflag:s0], s1  }
0x1b2: {  	s1 =	ssub.s32 @!p0 $0x0, s1;
	[sflag:s0] =	ssyncset.done @!p0 $0x0  }
0x1b3: {  	[sflag:s0] =	ssyncadd.s32 @!p0 s1  }
0x1b4: {  	[bflag:$0x3] =	sbarrier.arrive $0xFFFF  }
0x1b5: {  	_ =	shalt  }

// kernel: kernel.14.cloned.1.call-start
scs
__scs_entry_jumppad:
0x0: {  	(pc) =	sbr.rel $0x88, $3  }
0x1: {  	(tag) =	ssettag $0x0;
	lr =	simm.s32 $0x1  }
0x2: {  	[smem:$0x3F96] =	sst lr;
	_ =	strace $0xD0000000  }
0x3: {  	_ = 	snop  }
0x4: {  	_ = 	snop  }
0x5: {  	_ = 	snop  }
0x6: {  	_ = 	snop  }
0x7: {  	_ = 	snop  }
__scs_overlays_trampoline_lowered:
0x8: {  	[smem:$0x3FA5] =	sst s0  }
0x9: {  	[smem:$0x3FA6] =	sst s1  }
0xa: {  	[smem:$0x3FA7] =	sst s2  }
0xb: {  	[smem:$0x3FA8] =	sst s3  }
0xc: {  	[smem:$0x3FA9] =	sst s4  }
0xd: {  	[smem:$0x3FAA] =	sst s5  }
0xe: {  	[smem:$0x3FAB] =	sst s6  }
0xf: {  	[smem:$0x3FAC] =	sst s7  }
0x10: {  	[smem:$0x3FAD] =	sst s8  }
0x11: {  	[smem:$0x3FAE] =	sst s9;
	s0 =	simm.s32 @!p0 $0x0  }
0x12: {  	s1 =	sld [smem:$0x3F94];
	s0 =	simm.s32 @p0 $0x1  }
0x13: {  	[smem:$0x3FAF] =	sst s0;
	s0 =	simm.s32 @!p1 $0x0  }
0x14: {  	s2 =	sld [smem:$0x3F93];
	s0 =	simm.s32 @p1 $0x1  }
0x15: {  	[smem:$0x3FB0] =	sst s0;
	s0 =	simm.s32 @!p2 $0x0  }
0x16: {  	s3 =	sld [smem:$0x3FDB];
	s0 =	simm.s32 @p2 $0x1  }
0x17: {  	s4 =	simm.s32 $0x1BF5;
	[smem:$0x3FB2] =	sst s0  }
0x18: {  	s0 =	sld [smem:$0x3F95];
	_ =	swait.ge [sflag:s4], $0x0  }
0x19: {  	s7 =	sld [smem:$0x3F96]  }
0x1a: {  	s8 =	sadd.s32 $0xFFFFE003, lr  }
0x1b: {  	s9 =	sadd.s32 $0xFFFFFEF7, lr;
	s5 =	simm.s32 $0xFFFFFFFF;
	p2 =	slt.u32 s8, $0xFFFFF086  }
0x1c: {  	p1 =	slt.u32 s9, $0xF7A;
	s5 =	simm.s32 @!p2 $0x0  }
0x1d: {  	s5 =	simm.s32 @p1 $0x1;
	p0 =	seq.s32 s7, s2  }
0x1e: {  	s7 =	smul.u32 @!p0 $0xF7A, s2;
	p2 =	seq.s32 @!p0 s5, $0x0  }
0x1f: {  	s9 =	smul.u32 $0xF7A, s1;
	s8 =	simm.s32 @!p0 $0x1BF5;
	p2 =	por !p2, p0  }
0x20: {  	[sflag:s8] =	ssyncset.s32 @!p0 $0xFFFFF086;
	s6 =	sadd.s32 @!p0 s3, s7;
	s7 =	simm.s32 @!p0 $0x108  }
0x21: {  	s3 =	sadd.s32 s3, s9;
	s6 =	sadd.s32 @!p0 $0x88, s6;
	s7 =	simm.s32 @p2 $0x1082  }
0x22: {  	[simem:s7], [sflag:s8] =	dma.local @!p0 [hbm:s6], $0xF7A  }
0x23: {  	s9 =	sor.u32 $0xD0000000, s2;
	s6 =	simm.s32 $0x108;
	_ =	swait.ge @!p0 [sflag:s8], $0x0  }
0x24: {  	s3 =	sadd.s32 $0x88, s3;
	s6 =	simm.s32 @!p1 $0x1082;
	[sflag:s4] =	ssyncset.s32 $0xFFFFF086  }
0x25: {  	[simem:s6], [sflag:s4] =	dma.local [hbm:s3], $0xF7A  }
0x26: {  	[smem:$0x3F96] =	sst s1;
	(tag) =	ssettag s2;
	_ =	strace s9  }
0x27: {  	s1 =	sld [smem:$0x3FA6]  }
0x28: {  	s2 =	sld [smem:$0x3FA7]  }
0x29: {  	s4 =	sld [smem:$0x3FA9]  }
0x2a: {  	p0 =	seq.s32 s5, $0x0;
	s5 =	sld [smem:$0x3FAA]  }
0x2b: {  	s6 =	sld [smem:$0x3FAB]  }
0x2c: {  	s7 =	sld [smem:$0x3FAC]  }
0x2d: {  	s3 =	simm.s32 $0x108;
	s8 =	sld [smem:$0x3FAD]  }
0x2e: {  	s3 =	simm.s32 @!p0 $0x1082;
	s9 =	sld [smem:$0x3FAE]  }
0x2f: {  	lr =	sadd.s32 s0, s3;
	s0 =	sld [smem:$0x3FA5]  }
0x30: {  	s3 =	sld [smem:$0x3FA8]  }
0x31: {  	[smem:$0x3FB1] =	sst s10  }
0x32: {  	s10 =	sld [smem:$0x3FAF];
	_ =	sdelay $0x3  }
0x33: {  	p0 =	seq.s32 s10, $0x1;
	s10 =	sld [smem:$0x3FB1];
	_ =	sdelay $0x3  }
0x34: {  	[smem:$0x3FB1] =	sst s10  }
0x35: {  	s10 =	sld [smem:$0x3FB0];
	_ =	sdelay $0x3  }
0x36: {  	p1 =	seq.s32 s10, $0x1;
	s10 =	sld [smem:$0x3FB1];
	_ =	sdelay $0x3  }
0x37: {  	[smem:$0x3FB1] =	sst s10  }
0x38: {  	s10 =	sld [smem:$0x3FB2]  }
0x39: {  	_ = 	snop;
	(pc) =	sbr.ind lr, $3  }
0x3a: {  	_ = 	snop  }
0x3b: {  	_ = 	snop  }
0x3c: {  	p2 =	seq.s32 s10, $0x1;
	s10 =	sld [smem:$0x3FB1]  }
0x3d: {  	_ =	shalt  }
0x3e: {  	_ =	shalt  }
0x3f: {  	_ =	shalt  }
0x40: {  	_ =	shalt  }
0x41: {  	_ =	shalt  }
0x42: {  	_ =	shalt  }
0x43: {  	_ =	shalt  }
0x44: {  	_ =	shalt  }
0x45: {  	_ =	shalt  }
0x46: {  	_ =	shalt  }
0x47: {  	_ =	shalt  }
0x48: {  	_ =	shalt  }
0x49: {  	_ =	shalt  }
0x4a: {  	_ =	shalt  }
0x4b: {  	_ =	shalt  }
0x4c: {  	_ =	shalt  }
0x4d: {  	_ =	shalt  }
0x4e: {  	_ =	shalt  }
0x4f: {  	_ =	shalt  }
0x50: {  	_ =	shalt  }
0x51: {  	_ =	shalt  }
0x52: {  	_ =	shalt  }
0x53: {  	_ =	shalt  }
0x54: {  	_ =	shalt  }
0x55: {  	_ =	shalt  }
0x56: {  	_ =	shalt  }
0x57: {  	_ =	shalt  }
0x58: {  	_ =	shalt  }
0x59: {  	_ =	shalt  }
0x5a: {  	_ =	shalt  }
0x5b: {  	_ =	shalt  }
0x5c: {  	_ =	shalt  }
0x5d: {  	_ =	shalt  }
0x5e: {  	_ =	shalt  }
0x5f: {  	_ =	shalt  }
0x60: {  	_ =	shalt  }
0x61: {  	_ =	shalt  }
0x62: {  	_ =	shalt  }
0x63: {  	_ =	shalt  }
0x64: {  	_ =	shalt  }
0x65: {  	_ =	shalt  }
0x66: {  	_ =	shalt  }
0x67: {  	_ =	shalt  }
0x68: {  	_ =	shalt  }
0x69: {  	_ =	shalt  }
0x6a: {  	_ =	shalt  }
0x6b: {  	_ =	shalt  }
0x6c: {  	_ =	shalt  }
0x6d: {  	_ =	shalt  }
0x6e: {  	_ =	shalt  }
0x6f: {  	_ =	shalt  }
0x70: {  	_ =	shalt  }
0x71: {  	_ =	shalt  }
0x72: {  	_ =	shalt  }
0x73: {  	_ =	shalt  }
0x74: {  	_ =	shalt  }
0x75: {  	_ =	shalt  }
0x76: {  	_ =	shalt  }
0x77: {  	_ =	shalt  }
0x78: {  	_ =	shalt  }
0x79: {  	_ =	shalt  }
0x7a: {  	_ =	shalt  }
0x7b: {  	_ =	shalt  }
0x7c: {  	_ =	shalt  }
0x7d: {  	_ =	shalt  }
0x7e: {  	_ =	shalt  }
0x7f: {  	_ =	shalt  }
0x80: {  	_ =	shalt  }
0x81: {  	_ =	shalt  }
0x82: {  	_ =	shalt  }
0x83: {  	_ =	shalt  }
0x84: {  	_ =	shalt  }
0x85: {  	_ =	shalt  }
0x86: {  	_ =	shalt  }
0x87: {  	_ =	shalt  }
.Lfunc_end0:
.L_simem_size_0:
called_computation.1_lowered:
.L_overlay_start_0:
0x88: {  	s2 =	sld [smem:$0x3FD9]  }
0x89: {  	s3 =	sld [smem:$0x3FFE];
	_ =	sdelay $0x1  }
0x8a: {  	s1 =	srdreg.scid  }
0x8b: {  	s0 =	sand.u32 $0x1, s1  }
0x8c: {  	s16 =	sshll.u32 s0, $0xA;
	s2 =	sadd.s32 s3, s2  }
0x8d: {  	s2 =	sadd.s32 s2, s16  }
0x8e: {  	[smem:$0x3FBD] =	sst s2  }
0x8f: {  	_ = 	snop  }
0x90: {  	(tm) =	ssettm $0x1  }
0x91: {  	s17 =	sld [smem:$0x3FFB];
	_ =	sdelay $0x3  }
0x92: {  	_ =	strace s17  }
0x93: {  	s2 =	sld [smem:$0x3FFC];
	_ =	sdelay $0x3  }
0x94: {  	_ =	strace s2  }
0x95: {  	s2 =	sld [smem:$0x3FFD];
	_ =	sdelay $0x3  }
0x96: {  	_ =	strace s2  }
0x97: {  	_ =	strace $0x8FFFFFFF  }
0x98: {  	s18 =	sld [smem:$0x3FDB];
	_ =	sdelay $0x1  }
0x99: {  	s19 =	simm.s32 $_scs_section_size  }
0x9a: {  	s4 =	simm.s32 $_size__tile_overlayer_lowered;
	s5 =	simm.s32 $_tile_overlayer_lowered  }
0x9b: {  	s22 =	simm.s32 $0x1BFF;
	s21 =	sshll.u32 s5, $0x1;
	s2 =	sadd.s32 s19, s18  }
0x9c: {  	s6 =	simm.s32 $0x0;
	s20 =	sshll.u32 s4, $0x1;
	s4 =	sadd.s32 s21, s2  }
0x9d: {  	[timem:s6], [sflag:s22] =	dma.local [hbm:s4], s20  }
0x9e: {  	_ =	swait.ge [sflag:s22], s20  }
0x9f: {  	s3 =	ssub.s32 $0x0, s20;
	[sflag:s22] =	ssyncset.done $0x0  }
0xa0: {  	[sflag:s22] =	ssyncadd.s32 s3;
	_ =	sdelay $0x1  }
0xa1: {  	s23 =	simm.s32 $0x1B8B  }
0xa2: {  	_ =	swait.ge [sflag:s23], $0x1  }
0xa3: {  	[sflag:s23] =	ssyncset.done $0x0  }
0xa4: {  	s25 =	simm.s32 $0x1B8E;
	s24 =	sld [smem:$0x3FFE];
	[sflag:s23] =	ssyncadd.s32 $0xFFFFFFFF  }
0xa5: {  	s26 =	simm.s32 $execute0_lowered;
	[smem:$0x3FD2] =	sst s25  }
0xa6: {  	s4 =	sshll.u32 s26, $0x1;
	_ =	strace $0x80000049;
	[dreg:$0x1] =	wrdreg $0xFFFFFFFF  }
0xa7: {  	s28 =	simm.s32 $_size_execute0_lowered;
	s2 =	sadd.s32 s2, s4;
	[dreg:$0x0] =	wrdreg $0x0  }
0xa8: {  	s4 =	sshll.u32 s28, $0x1;
	[dreg:$0x2] =	wrdreg s2  }
0xa9: {  	[dreg:$0x3] =	wrdreg s4  }
0xaa: {  	[dreg:$0x4] =	wrdreg $0xC0  }
0xab: {  	_ =	task [dreg:s6], $0x5FFFF  }
0xac: {  	[dreg:$0x1] =	wrdreg $0xFFFFFFFF  }
0xad: {  	[dreg:$0x0] =	wrdreg $0x60  }
0xae: {  	[dreg:$0x2] =	wrdreg s24  }
0xaf: {  	[dreg:$0x3] =	wrdreg $0x0  }
0xb0: {  	[dreg:$0x4] =	wrdreg $0x9  }
0xb1: {  	_ =	task.clear_ibuf [dreg:s6], $0x5FFFF;
	_ =	strace $0x90000049  }
0xb2: {  	s29 =	simm.s32 $0x9;
	_ =	strace $0x8000004B  }
0xb3: {  	_ =	swait.ge [sflag:s29], $0x1  }
0xb4: {  	[sflag:s29] =	ssyncadd.s32 $0xFFFFFFFF  }
0xb5: {  	_ =	strace $0x9000004B  }
0xb6: {  	_ =	sfence  }
0xb7: {  	s30 =	sld [smem:$0x0];
	_ =	sdelay $0x2  }
0xb8: {  	s31 =	sshll.u32 s1, $0xD;
	s1 =	sshrl.u32 s1, $0x2  }
0xb9: {  	s3 =	sand.u32 $0x4000, s31;
	s1 =	sadd.s32 s1, s30  }
0xba: {  	s0 =	sor.u32 s3, s0;
	s1 =	sshll.u32 s1, $0x11  }
0xbb: {  	s0 =	sor.u32 s1, s0  }
0xbc: {  	s0 =	sadd.s32 $0x8F2B, s0  }
0xbd: {  	[sflag:s0] =	ssyncadd.remote.s32 $0x1  }
0xbe: {  	_ =	sfence.sel $0xFFFF  }
0xbf: {  	[dreg:$0x0] =	wrdreg $0xFFFFFFFF;
	(pc) =	sbr.abs _section_cstart, $3  }
0xc0: {  	[dreg:$0x1] =	wrdreg $0xFFFFFFFF  }
0xc1: {  	_ =	task.clear_ibuf [dreg:s6], $0x2FFFF;
	_ =	strace $0x9FFFFFFF  }
0xc2: {  	(tm) =	ssettm $0x7FFFFFFF  }
0xc3: {  	_ =	shalt  }
tec
execute0_lowered:
.L_overlay_start_1:
0x0: {  	(tag) =	ssettag $0x1  }
0x1: {  	s0 =	srdreg.scid;
	s1 =	rddreg [dreg:$0x0]  }
0x2: {  	s23 =	stileid.u32;
	s2 =	rddreg [dreg:$0x1]  }
0x3: {  	s3 =	simm.s32 $0x0;
	s15 =	simm.s32 $0x13C40;
	s16 =	simm.s32 $0x13C80  }
0x4: {  	s17 =	simm.s32 $0x13CC0;
	s18 =	simm.s32 $0x13D00;
	s19 =	simm.s32 $0x13D40  }
0x5: {  	s28 =	simm.s32 $0x13E80;
	s29 =	simm.s32 $0x13EC0;
	s5 =	smul.u32 $0x2800, s23  }
0x6: {  	s30 =	simm.s32 $0x14200;
	s31 =	simm.s32 $0x13F00;
	s7 =	smul.u32 $0x4F000, s23  }
0x7: {  	s0 =	sand.u32 $0x1, s0;
	[smem:$0x7FF] =	sst s3;
	s10 =	smul.u32 $0x13800, s23  }
0x8: {  	s8 =	sadd.s32 $0x74600, s1;
	s21 =	sshll.u32 s23, $0x6;
	s11 =	smul.u32 $0x4E000, s23  }
0x9: {  	s25 =	smul.u32 $0x500, s23;
	p0 =	sne.s32 s23, $0xF;
	s23 =	simm.s32 $0x13E40  }
0xa: {  	s4 =	smul.u32 $0x78000, s0;
	_ =	strace $0x8000004A;
	[dreg:$0xe] =	wrdreg s8  }
0xb: {  	s6 =	smul.u32 $0x5000, s0;
	s20 =	ssub.s32 $0x2, s0;
	[dreg:$0x5] =	wrdreg s15  }
0xc: {  	s0 =	smul.u32 $0x138800, s0;
	s24 =	sor.u32 $0x1C03, s21;
	[dreg:$0x6] =	wrdreg s16  }
0xd: {  	s15 =	simm.s32 $0x14400;
	s16 =	simm.s32 $0x16400;
	[dreg:$0x7] =	wrdreg s17  }
0xe: {  	s17 =	simm.s32 $0x1;
	[dreg:$0x8] =	wrdreg s18;
	s18 =	simm.s32 $0x18400  }
0xf: {  	[dreg:$0x9] =	wrdreg s19;
	s19 =	simm.s32 $0x1A400;
	s21 =	simm.s32 $0x13D80  }
0x10: {  	s9 =	sshrl.u32 s20, $0x1;
	s7 =	sshrl.u32 s7, $0x2;
	[dreg:$0xb] =	wrdreg s21  }
0x11: {  	s26 =	sshrl.u32 s11, $0x2;
	s21 =	simm.s32 $0x2;
	[dreg:$0xf] =	wrdreg s24  }
0x12: {  	s5 =	sadd.s32 s5, s4;
	s4 =	sadd.s32 $0xAA7000, s1;
	s6 =	sadd.s32 s6, s1  }
0x13: {  	s8 =	ssub.s32 s20, s9;
	s7 =	sadd.s32 s7, s2;
	s10 =	sadd.s32 s10, s0  }
0x14: {  	s0 =	sshrl.u32 s0, $0x3;
	s20 =	simm.s32 $0x14080;
	s5 =	sshrl.u32 s5, $0x3  }
0x15: {  	s22 =	sshrl.u32 s10, $0x3;
	s11 =	sadd.s32 s25, s6;
	s12 =	smax.u32 s8, $0x1  }
0x16: {  	s14 =	sshrl.u32 s7, $0x3;
	[dreg:$0xa] =	wrdreg s20;
	s20 =	simm.s32 $0x80  }
0x17: {  	s25 =	simm.s32 $0x14100;
	s7 =	simm.s32 $0x13FC0;
	s8 =	simm.s32 $0x14300  }
0x18: {  	s5 =	sadd.s32 s5, s1;
	s1 =	sadd.s32 $0x26400, s1;
	[dreg:$0x12] =	wrdreg s12  }
0x19: {  	[dreg:$0x13] =	wrdreg s14;
	s12 =	simm.s32 $0x13C00;
	s14 =	simm.s32 $0x40  }
0x1a: {  	[dreg:$0xd] =	wrdreg s25;
	s25 =	simm.s32 $0x0;
	s9 =	sadd.s32 s1, s22  }
0x1b: {  	s0 =	sadd.s32 s1, s0;
	s1 =	sadd.s32 $0x1C400, s11;
	s13 =	sadd.s32 $0xC5000, s5  }
0x1c: {  	s11 =	simm.s32 $0x3;
	s22 =	simm.s32 $0x13DC0;
	[dreg:$0x10] =	wrdreg s9  }
0x1d: {  	s5 =	simm.s32 $0x13F80;
	s9 =	sadd.s32 s26, s2;
	[dreg:$0x3] =	wrdreg s1  }
0x1e: {  	s0 =	sadd.s32 $0x27000, s0;
	[dreg:$0x4] =	wrdreg s13;
	s13 =	simm.s32 $0x14000  }
0x1f: {  	[dreg:$0xc] =	wrdreg s22;
	s22 =	simm.s32 $0x13E00;
	s1 =	simm.s32 $0x13F40  }
0x20: {  	[dreg:$0x11] =	wrdreg s0;
	s0 =	sadd.s32 $0x138000, s2;
	s26 =	sshrl.u32 s9, $0x3  }
0x21: {  	s9 =	simm.s32 $0x14380;
	[dreg:$0x14] =	wrdreg s26;
	s0 =	sshrl.u32 @!p0 s0, $0x3  }
0x22: {  	s26 =	simm.s32 $0x14180;
	[dreg:$0x15] =	wrdreg s0;
	s0 =	simm.s32 $0x14280  }
.LBB2_1:
0x23: {  	[dreg:$0x16] =	wrdreg s25  }
0x24: {  	s6 =	rddreg [dreg:$0xe]  }
0x25: {  	s10 =	rddreg [dreg:$0x13]  }
0x26: {  	[spmem:s10], [sflag:s24] =	dma.local [hbm:s6], $0x2780  }
0x27: {  	_ =	swait.ge [sflag:s11], $0x2780  }
0x28: {  	[sflag:s11] =	ssyncset.done $0x0  }
0x29: {  	[sflag:s11] =	ssyncadd.s32 $0xFFFFD880  }
0x2a: {  	[bflag:$0x0] =	sbarrier.arrive $0xFFFF  }
0x2b: {  	s25 =	rddreg [dreg:$0x4]  }
0x2c: {  	s6 =	sadd.s32 $0x0, s25  }
0x2d: {  	[tilespmem:s12], [sflag:$0x3] =	stream.linear.gather [hbm4b:s6+s3], $0x400, $0x38;
	[tilespmem:$0x1C400] =	vst v63  }
0x2e: {  	_ =	swait.ge [sflag:s11], $0x400  }
0x2f: {  	s10 =	rddreg [dreg:$0x3];
	[sflag:s11] =	ssyncset.done $0x0  }
0x30: {  	[sflag:s11] =	ssyncadd.s32 $0xFFFFFC00;
	s6 =	sadd.s32 $0x0, s10  }
0x31: {  	[tilespmem:s13], [sflag:$0x3] =	stream.linear.gather [hbm4b:s6+s3], $0x400, $0x38;
	[tilespmem:$0x1C400] =	vst v63  }
0x32: {  	_ =	swait.ge [sflag:s11], $0x400  }
0x33: {  	[sflag:s11] =	ssyncset.done $0x0  }
0x34: {  	[sflag:s11] =	ssyncadd.s32 $0xFFFFFC00  }
0x35: {  	[tilespmem:s15], [sflag:$0x1] =	stream.indirect.gather [hbm4b:s4+s14], $0x80, s12, s14, $0xb8;
	[tilespmem:$0x1C400] =	vst v63  }
0x36: {  	s24 =	rddreg [dreg:$0x5]  }
0x37: {  	[tilespmem:s16], [sflag:$0x1] =	stream.indirect.gather [hbm4b:s4+s14], $0x80, s24, s14, $0xb8;
	[tilespmem:$0x1C400] =	vst v63  }
0x38: {  	_ =	swait.ge [sflag:s17], $0x2000  }
0x39: {  	[sflag:s17] =	ssyncset.done $0x0  }
0x3a: {  	[sflag:s17] =	ssyncadd.s32 $0xFFFFE000  }
0x3b: {  	_ =	swait.ge [sflag:s17], $0x2000  }
0x3c: {  	[sflag:s17] =	ssyncset.done $0x0  }
0x3d: {  	s25 =	rddreg [dreg:$0x6];
	[sflag:s17] =	ssyncadd.s32 $0xFFFFE000  }
0x3e: {  	[tilespmem:s18], [sflag:$0x2] =	stream.indirect.gather [hbm4b:s4+s14], $0x80, s25, s14, $0xb8;
	[tilespmem:$0x1C400] =	vst v63  }
0x3f: {  	s10 =	rddreg [dreg:$0x7]  }
0x40: {  	[tilespmem:s19], [sflag:$0x2] =	stream.indirect.gather [hbm4b:s4+s14], $0x80, s10, s14, $0xb8;
	[tilespmem:$0x1C400] =	vst v63  }
0x41: {  	_ = 	snop  }
0x42: {  	[spmem:s2] =	stream.indirect.scatter.add.f32 [tilespmem:s15], [sflag:$0x3], $0x80, s13, s20, $0xb8;
	[tilespmem:$0x1C400] =	vst v63  }
0x43: {  	_ =	swait.ge [sflag:s11], $0x4000  }
0x44: {  	[sflag:s11] =	ssyncset.done $0x0  }
0x45: {  	[sflag:s11] =	ssyncadd.s32 $0xFFFFC000  }
0x46: {  	_ =	swait.ge [sflag:s21], $0x2000  }
0x47: {  	[sflag:s21] =	ssyncset.done $0x0  }
0x48: {  	[sflag:s21] =	ssyncadd.s32 $0xFFFFE000  }
0x49: {  	_ =	swait.ge [sflag:s21], $0x2000  }
0x4a: {  	[sflag:s21] =	ssyncset.done $0x0  }
0x4b: {  	s24 =	rddreg [dreg:$0x8];
	[sflag:s21] =	ssyncadd.s32 $0xFFFFE000  }
0x4c: {  	[tilespmem:s15], [sflag:$0x1] =	stream.indirect.gather [hbm4b:s4+s14], $0x80, s24, s14, $0xb8;
	[tilespmem:$0x1C400] =	vst v63  }
0x4d: {  	s25 =	rddreg [dreg:$0x9]  }
0x4e: {  	[tilespmem:s16], [sflag:$0x1] =	stream.indirect.gather [hbm4b:s4+s14], $0x80, s25, s14, $0xb8;
	[tilespmem:$0x1C400] =	vst v63  }
0x4f: {  	s10 =	rddreg [dreg:$0xa]  }
0x50: {  	[spmem:s2] =	stream.indirect.scatter.add.f32 [tilespmem:s18], [sflag:$0x3], $0x80, s10, s20, $0xb8;
	[tilespmem:$0x1C400] =	vst v63  }
0x51: {  	_ =	swait.ge [sflag:s11], $0x4000  }
0x52: {  	[sflag:s11] =	ssyncset.done $0x0  }
0x53: {  	[sflag:s11] =	ssyncadd.s32 $0xFFFFC000  }
0x54: {  	_ =	swait.ge [sflag:s17], $0x2000  }
0x55: {  	[sflag:s17] =	ssyncset.done $0x0  }
0x56: {  	[sflag:s17] =	ssyncadd.s32 $0xFFFFE000  }
0x57: {  	_ =	swait.ge [sflag:s17], $0x2000  }
0x58: {  	[sflag:s17] =	ssyncset.done $0x0  }
0x59: {  	s25 =	rddreg [dreg:$0xb];
	[sflag:s17] =	ssyncadd.s32 $0xFFFFE000  }
0x5a: {  	[tilespmem:s18], [sflag:$0x2] =	stream.indirect.gather [hbm4b:s4+s14], $0x80, s25, s14, $0xb8;
	[tilespmem:$0x1C400] =	vst v63  }
0x5b: {  	s10 =	rddreg [dreg:$0xc]  }
0x5c: {  	[tilespmem:s19], [sflag:$0x2] =	stream.indirect.gather [hbm4b:s4+s14], $0x80, s10, s14, $0xb8;
	[tilespmem:$0x1C400] =	vst v63  }
0x5d: {  	s25 =	rddreg [dreg:$0xd]  }
0x5e: {  	[spmem:s2] =	stream.indirect.scatter.add.f32 [tilespmem:s15], [sflag:$0x3], $0x80, s25, s20, $0xb8;
	[tilespmem:$0x1C400] =	vst v63  }
0x5f: {  	_ =	swait.ge [sflag:s11], $0x4000  }
0x60: {  	[sflag:s11] =	ssyncset.done $0x0  }
0x61: {  	[sflag:s11] =	ssyncadd.s32 $0xFFFFC000  }
0x62: {  	_ =	swait.ge [sflag:s21], $0x2000  }
0x63: {  	[sflag:s21] =	ssyncset.done $0x0  }
0x64: {  	[sflag:s21] =	ssyncadd.s32 $0xFFFFE000  }
0x65: {  	_ =	swait.ge [sflag:s21], $0x2000  }
0x66: {  	[sflag:s21] =	ssyncset.done $0x0  }
0x67: {  	[sflag:s21] =	ssyncadd.s32 $0xFFFFE000  }
0x68: {  	[tilespmem:s15], [sflag:$0x1] =	stream.indirect.gather [hbm4b:s4+s14], $0x80, s22, s14, $0xb8;
	[tilespmem:$0x1C400] =	vst v63  }
0x69: {  	_ = 	snop  }
0x6a: {  	[tilespmem:s16], [sflag:$0x1] =	stream.indirect.gather [hbm4b:s4+s14], $0x80, s23, s14, $0xb8;
	[tilespmem:$0x1C400] =	vst v63  }
0x6b: {  	_ = 	snop  }
0x6c: {  	[spmem:s2] =	stream.indirect.scatter.add.f32 [tilespmem:s18], [sflag:$0x3], $0x80, s26, s20, $0xb8;
	[tilespmem:$0x1C400] =	vst v63  }
0x6d: {  	_ =	swait.ge [sflag:s11], $0x4000  }
0x6e: {  	[sflag:s11] =	ssyncset.done $0x0  }
0x6f: {  	[sflag:s11] =	ssyncadd.s32 $0xFFFFC000  }
0x70: {  	_ =	swait.ge [sflag:s17], $0x2000  }
0x71: {  	[sflag:s17] =	ssyncset.done $0x0  }
0x72: {  	[sflag:s17] =	ssyncadd.s32 $0xFFFFE000  }
0x73: {  	_ =	swait.ge [sflag:s17], $0x2000  }
0x74: {  	[sflag:s17] =	ssyncset.done $0x0  }
0x75: {  	[sflag:s17] =	ssyncadd.s32 $0xFFFFE000  }
0x76: {  	[tilespmem:s18], [sflag:$0x2] =	stream.indirect.gather [hbm4b:s4+s14], $0x80, s28, s14, $0xb8;
	[tilespmem:$0x1C400] =	vst v63  }
0x77: {  	_ = 	snop  }
0x78: {  	[tilespmem:s19], [sflag:$0x2] =	stream.indirect.gather [hbm4b:s4+s14], $0x80, s29, s14, $0xb8;
	[tilespmem:$0x1C400] =	vst v63  }
0x79: {  	_ = 	snop  }
0x7a: {  	[spmem:s2] =	stream.indirect.scatter.add.f32 [tilespmem:s15], [sflag:$0x3], $0x80, s30, s20, $0xb8;
	[tilespmem:$0x1C400] =	vst v63  }
0x7b: {  	_ =	swait.ge [sflag:s11], $0x4000  }
0x7c: {  	[sflag:s11] =	ssyncset.done $0x0  }
0x7d: {  	[sflag:s11] =	ssyncadd.s32 $0xFFFFC000  }
0x7e: {  	_ =	swait.ge [sflag:s21], $0x2000  }
0x7f: {  	[sflag:s21] =	ssyncset.done $0x0  }
0x80: {  	[sflag:s21] =	ssyncadd.s32 $0xFFFFE000  }
0x81: {  	_ =	swait.ge [sflag:s21], $0x2000  }
0x82: {  	[sflag:s21] =	ssyncset.done $0x0  }
0x83: {  	[sflag:s21] =	ssyncadd.s32 $0xFFFFE000  }
0x84: {  	[tilespmem:s15], [sflag:$0x1] =	stream.indirect.gather [hbm4b:s4+s14], $0x80, s31, s14, $0xb8;
	[tilespmem:$0x1C400] =	vst v63  }
0x85: {  	_ = 	snop  }
0x86: {  	[tilespmem:s16], [sflag:$0x1] =	stream.indirect.gather [hbm4b:s4+s14], $0x80, s1, s14, $0xb8;
	[tilespmem:$0x1C400] =	vst v63  }
0x87: {  	_ = 	snop  }
0x88: {  	[spmem:s2] =	stream.indirect.scatter.add.f32 [tilespmem:s18], [sflag:$0x3], $0x80, s0, s20, $0xb8;
	[tilespmem:$0x1C400] =	vst v63  }
0x89: {  	_ =	swait.ge [sflag:s11], $0x4000  }
0x8a: {  	[sflag:s11] =	ssyncset.done $0x0  }
0x8b: {  	[sflag:s11] =	ssyncadd.s32 $0xFFFFC000  }
0x8c: {  	_ =	swait.ge [sflag:s17], $0x2000  }
0x8d: {  	[sflag:s17] =	ssyncset.done $0x0  }
0x8e: {  	[sflag:s17] =	ssyncadd.s32 $0xFFFFE000  }
0x8f: {  	_ =	swait.ge [sflag:s17], $0x2000  }
0x90: {  	[sflag:s17] =	ssyncset.done $0x0  }
0x91: {  	[sflag:s17] =	ssyncadd.s32 $0xFFFFE000  }
0x92: {  	[tilespmem:s18], [sflag:$0x2] =	stream.indirect.gather [hbm4b:s4+s14], $0x80, s5, s14, $0xb8;
	[tilespmem:$0x1C400] =	vst v63  }
0x93: {  	_ = 	snop  }
0x94: {  	[tilespmem:s19], [sflag:$0x2] =	stream.indirect.gather [hbm4b:s4+s14], $0x80, s7, s14, $0xb8;
	[tilespmem:$0x1C400] =	vst v63  }
0x95: {  	_ = 	snop  }
0x96: {  	[spmem:s2] =	stream.indirect.scatter.add.f32 [tilespmem:s15], [sflag:$0x3], $0x80, s8, s20, $0xb8;
	[tilespmem:$0x1C400] =	vst v63  }
0x97: {  	_ =	swait.ge [sflag:s11], $0x4000  }
0x98: {  	[sflag:s11] =	ssyncset.done $0x0  }
0x99: {  	[sflag:s11] =	ssyncadd.s32 $0xFFFFC000  }
0x9a: {  	_ =	swait.ge [sflag:s21], $0x2000  }
0x9b: {  	[sflag:s21] =	ssyncset.done $0x0  }
0x9c: {  	[sflag:s21] =	ssyncadd.s32 $0xFFFFE000  }
0x9d: {  	_ =	swait.ge [sflag:s21], $0x2000  }
0x9e: {  	[sflag:s21] =	ssyncset.done $0x0  }
0x9f: {  	[sflag:s21] =	ssyncadd.s32 $0xFFFFE000  }
0xa0: {  	[spmem:s2] =	stream.indirect.scatter.add.f32 [tilespmem:s18], [sflag:$0x3], $0x80, s9, s20, $0xb8;
	[tilespmem:$0x1C400] =	vst v63  }
0xa1: {  	s24 =	simm.s32 $0x80;
	_ =	swait.ge [sflag:s11], $0x4000  }
0xa2: {  	s25 =	simm.s32 $0x100;
	s6 =	rddreg [dreg:$0x4];
	[sflag:s11] =	ssyncset.done $0x0  }
.LBB2_2:
0xa3: {  	[sflag:s11] =	ssyncadd.s32 $0xFFFFC000;
	s6 =	sadd.s32 s24, s6  }
0xa4: {  	[tilespmem:s12], [sflag:$0x3] =	stream.linear.gather [hbm4b:s6+s3], $0x400, $0x38;
	[tilespmem:$0x1C400] =	vst v63  }
0xa5: {  	_ =	swait.ge [sflag:s11], $0x400  }
0xa6: {  	s6 =	rddreg [dreg:$0x3];
	[sflag:s11] =	ssyncset.done $0x0  }
0xa7: {  	[sflag:s11] =	ssyncadd.s32 $0xFFFFFC00;
	s6 =	sadd.s32 s24, s6  }
0xa8: {  	[tilespmem:s13], [sflag:$0x3] =	stream.linear.gather [hbm4b:s6+s3], $0x400, $0x38;
	[tilespmem:$0x1C400] =	vst v63  }
0xa9: {  	_ =	swait.ge [sflag:s11], $0x400  }
0xaa: {  	[sflag:s11] =	ssyncset.done $0x0  }
0xab: {  	s10 =	smov.u32 s25;
	[sflag:s11] =	ssyncadd.s32 $0xFFFFFC00  }
0xac: {  	[tilespmem:s15], [sflag:$0x1] =	stream.indirect.gather [hbm4b:s4+s14], $0x80, s12, s14, $0xb8;
	[tilespmem:$0x1C400] =	vst v63  }
0xad: {  	s24 =	smov.u32 s10;
	s10 =	rddreg [dreg:$0x5]  }
0xae: {  	[tilespmem:s16], [sflag:$0x1] =	stream.indirect.gather [hbm4b:s4+s14], $0x80, s10, s14, $0xb8;
	[tilespmem:$0x1C400] =	vst v63  }
0xaf: {  	_ =	swait.ge [sflag:s17], $0x2000  }
0xb0: {  	[sflag:s17] =	ssyncset.done $0x0  }
0xb1: {  	[sflag:s17] =	ssyncadd.s32 $0xFFFFE000  }
0xb2: {  	_ =	swait.ge [sflag:s17], $0x2000  }
0xb3: {  	[sflag:s17] =	ssyncset.done $0x0  }
0xb4: {  	s6 =	rddreg [dreg:$0x6];
	[sflag:s17] =	ssyncadd.s32 $0xFFFFE000  }
0xb5: {  	[tilespmem:s18], [sflag:$0x2] =	stream.indirect.gather [hbm4b:s4+s14], $0x80, s6, s14, $0xb8;
	[tilespmem:$0x1C400] =	vst v63  }
0xb6: {  	s10 =	rddreg [dreg:$0x7]  }
0xb7: {  	[tilespmem:s19], [sflag:$0x2] =	stream.indirect.gather [hbm4b:s4+s14], $0x80, s10, s14, $0xb8;
	[tilespmem:$0x1C400] =	vst v63  }
0xb8: {  	_ = 	snop  }
0xb9: {  	[spmem:s2] =	stream.indirect.scatter.add.f32 [tilespmem:s15], [sflag:$0x3], $0x80, s13, s20, $0xb8;
	[tilespmem:$0x1C400] =	vst v63  }
0xba: {  	_ =	swait.ge [sflag:s11], $0x4000  }
0xbb: {  	[sflag:s11] =	ssyncset.done $0x0  }
0xbc: {  	[sflag:s11] =	ssyncadd.s32 $0xFFFFC000  }
0xbd: {  	_ =	swait.ge [sflag:s21], $0x2000  }
0xbe: {  	[sflag:s21] =	ssyncset.done $0x0  }
0xbf: {  	[sflag:s21] =	ssyncadd.s32 $0xFFFFE000  }
0xc0: {  	_ =	swait.ge [sflag:s21], $0x2000  }
0xc1: {  	[sflag:s21] =	ssyncset.done $0x0  }
0xc2: {  	s6 =	rddreg [dreg:$0x8];
	[sflag:s21] =	ssyncadd.s32 $0xFFFFE000  }
0xc3: {  	[tilespmem:s15], [sflag:$0x1] =	stream.indirect.gather [hbm4b:s4+s14], $0x80, s6, s14, $0xb8;
	[tilespmem:$0x1C400] =	vst v63  }
0xc4: {  	s10 =	rddreg [dreg:$0x9]  }
0xc5: {  	[tilespmem:s16], [sflag:$0x1] =	stream.indirect.gather [hbm4b:s4+s14], $0x80, s10, s14, $0xb8;
	[tilespmem:$0x1C400] =	vst v63  }
0xc6: {  	s6 =	rddreg [dreg:$0xa]  }
0xc7: {  	[spmem:s2] =	stream.indirect.scatter.add.f32 [tilespmem:s18], [sflag:$0x3], $0x80, s6, s20, $0xb8;
	[tilespmem:$0x1C400] =	vst v63  }
0xc8: {  	_ =	swait.ge [sflag:s11], $0x4000  }
0xc9: {  	[sflag:s11] =	ssyncset.done $0x0  }
0xca: {  	[sflag:s11] =	ssyncadd.s32 $0xFFFFC000  }
0xcb: {  	_ =	swait.ge [sflag:s17], $0x2000  }
0xcc: {  	[sflag:s17] =	ssyncset.done $0x0  }
0xcd: {  	[sflag:s17] =	ssyncadd.s32 $0xFFFFE000  }
0xce: {  	_ =	swait.ge [sflag:s17], $0x2000  }
0xcf: {  	[sflag:s17] =	ssyncset.done $0x0  }
0xd0: {  	s6 =	rddreg [dreg:$0xb];
	[sflag:s17] =	ssyncadd.s32 $0xFFFFE000  }
0xd1: {  	[tilespmem:s18], [sflag:$0x2] =	stream.indirect.gather [hbm4b:s4+s14], $0x80, s6, s14, $0xb8;
	[tilespmem:$0x1C400] =	vst v63  }
0xd2: {  	s10 =	rddreg [dreg:$0xc]  }
0xd3: {  	[tilespmem:s19], [sflag:$0x2] =	stream.indirect.gather [hbm4b:s4+s14], $0x80, s10, s14, $0xb8;
	[tilespmem:$0x1C400] =	vst v63  }
0xd4: {  	s6 =	rddreg [dreg:$0xd]  }
0xd5: {  	[spmem:s2] =	stream.indirect.scatter.add.f32 [tilespmem:s15], [sflag:$0x3], $0x80, s6, s20, $0xb8;
	[tilespmem:$0x1C400] =	vst v63  }
0xd6: {  	_ =	swait.ge [sflag:s11], $0x4000  }
0xd7: {  	[sflag:s11] =	ssyncset.done $0x0  }
0xd8: {  	[sflag:s11] =	ssyncadd.s32 $0xFFFFC000  }
0xd9: {  	_ =	swait.ge [sflag:s21], $0x2000  }
0xda: {  	[sflag:s21] =	ssyncset.done $0x0  }
0xdb: {  	[sflag:s21] =	ssyncadd.s32 $0xFFFFE000  }
0xdc: {  	_ =	swait.ge [sflag:s21], $0x2000  }
0xdd: {  	[sflag:s21] =	ssyncset.done $0x0  }
0xde: {  	[sflag:s21] =	ssyncadd.s32 $0xFFFFE000  }
0xdf: {  	[tilespmem:s15], [sflag:$0x1] =	stream.indirect.gather [hbm4b:s4+s14], $0x80, s22, s14, $0xb8;
	[tilespmem:$0x1C400] =	vst v63  }
0xe0: {  	_ = 	snop  }
0xe1: {  	[tilespmem:s16], [sflag:$0x1] =	stream.indirect.gather [hbm4b:s4+s14], $0x80, s23, s14, $0xb8;
	[tilespmem:$0x1C400] =	vst v63  }
0xe2: {  	_ = 	snop  }
0xe3: {  	[spmem:s2] =	stream.indirect.scatter.add.f32 [tilespmem:s18], [sflag:$0x3], $0x80, s26, s20, $0xb8;
	[tilespmem:$0x1C400] =	vst v63  }
0xe4: {  	_ =	swait.ge [sflag:s11], $0x4000  }
0xe5: {  	[sflag:s11] =	ssyncset.done $0x0  }
0xe6: {  	[sflag:s11] =	ssyncadd.s32 $0xFFFFC000  }
0xe7: {  	_ =	swait.ge [sflag:s17], $0x2000  }
0xe8: {  	[sflag:s17] =	ssyncset.done $0x0  }
0xe9: {  	[sflag:s17] =	ssyncadd.s32 $0xFFFFE000  }
0xea: {  	_ =	swait.ge [sflag:s17], $0x2000  }
0xeb: {  	[sflag:s17] =	ssyncset.done $0x0  }
0xec: {  	[sflag:s17] =	ssyncadd.s32 $0xFFFFE000  }
0xed: {  	[tilespmem:s18], [sflag:$0x2] =	stream.indirect.gather [hbm4b:s4+s14], $0x80, s28, s14, $0xb8;
	[tilespmem:$0x1C400] =	vst v63  }
0xee: {  	_ = 	snop  }
0xef: {  	[tilespmem:s19], [sflag:$0x2] =	stream.indirect.gather [hbm4b:s4+s14], $0x80, s29, s14, $0xb8;
	[tilespmem:$0x1C400] =	vst v63  }
0xf0: {  	_ = 	snop  }
0xf1: {  	[spmem:s2] =	stream.indirect.scatter.add.f32 [tilespmem:s15], [sflag:$0x3], $0x80, s30, s20, $0xb8;
	[tilespmem:$0x1C400] =	vst v63  }
0xf2: {  	_ =	swait.ge [sflag:s11], $0x4000  }
0xf3: {  	[sflag:s11] =	ssyncset.done $0x0  }
0xf4: {  	[sflag:s11] =	ssyncadd.s32 $0xFFFFC000  }
0xf5: {  	_ =	swait.ge [sflag:s21], $0x2000  }
0xf6: {  	[sflag:s21] =	ssyncset.done $0x0  }
0xf7: {  	[sflag:s21] =	ssyncadd.s32 $0xFFFFE000  }
0xf8: {  	_ =	swait.ge [sflag:s21], $0x2000  }
0xf9: {  	[sflag:s21] =	ssyncset.done $0x0  }
0xfa: {  	[sflag:s21] =	ssyncadd.s32 $0xFFFFE000  }
0xfb: {  	[tilespmem:s15], [sflag:$0x1] =	stream.indirect.gather [hbm4b:s4+s14], $0x80, s31, s14, $0xb8;
	[tilespmem:$0x1C400] =	vst v63  }
0xfc: {  	_ = 	snop  }
0xfd: {  	[tilespmem:s16], [sflag:$0x1] =	stream.indirect.gather [hbm4b:s4+s14], $0x80, s1, s14, $0xb8;
	[tilespmem:$0x1C400] =	vst v63  }
0xfe: {  	_ = 	snop  }
0xff: {  	[spmem:s2] =	stream.indirect.scatter.add.f32 [tilespmem:s18], [sflag:$0x3], $0x80, s0, s20, $0xb8;
	[tilespmem:$0x1C400] =	vst v63  }
0x100: {  	_ =	swait.ge [sflag:s11], $0x4000  }
0x101: {  	[sflag:s11] =	ssyncset.done $0x0  }
0x102: {  	[sflag:s11] =	ssyncadd.s32 $0xFFFFC000  }
0x103: {  	_ =	swait.ge [sflag:s17], $0x2000  }
0x104: {  	[sflag:s17] =	ssyncset.done $0x0  }
0x105: {  	[sflag:s17] =	ssyncadd.s32 $0xFFFFE000  }
0x106: {  	_ =	swait.ge [sflag:s17], $0x2000  }
0x107: {  	[sflag:s17] =	ssyncset.done $0x0  }
0x108: {  	[sflag:s17] =	ssyncadd.s32 $0xFFFFE000  }
0x109: {  	[tilespmem:s18], [sflag:$0x2] =	stream.indirect.gather [hbm4b:s4+s14], $0x80, s5, s14, $0xb8;
	[tilespmem:$0x1C400] =	vst v63  }
0x10a: {  	_ = 	snop  }
0x10b: {  	[tilespmem:s19], [sflag:$0x2] =	stream.indirect.gather [hbm4b:s4+s14], $0x80, s7, s14, $0xb8;
	[tilespmem:$0x1C400] =	vst v63  }
0x10c: {  	_ = 	snop  }
0x10d: {  	[spmem:s2] =	stream.indirect.scatter.add.f32 [tilespmem:s15], [sflag:$0x3], $0x80, s8, s20, $0xb8;
	[tilespmem:$0x1C400] =	vst v63  }
0x10e: {  	_ =	swait.ge [sflag:s11], $0x4000  }
0x10f: {  	[sflag:s11] =	ssyncset.done $0x0  }
0x110: {  	[sflag:s11] =	ssyncadd.s32 $0xFFFFC000  }
0x111: {  	_ =	swait.ge [sflag:s21], $0x2000  }
0x112: {  	[sflag:s21] =	ssyncset.done $0x0  }
0x113: {  	[sflag:s21] =	ssyncadd.s32 $0xFFFFE000  }
0x114: {  	p1 =	sne.s32 s25, $0x480;
	_ =	swait.ge [sflag:s21], $0x2000  }
.Ltmp0:
0x115: {  	[sflag:s21] =	ssyncset.done $0x0;
	(pc) =	sbr.rel @p1 .LBB2_2-.Ltmp0, $4  }
0x116: {  	[sflag:s21] =	ssyncadd.s32 $0xFFFFE000  }
0x117: {  	[spmem:s2] =	stream.indirect.scatter.add.f32 [tilespmem:s18], [sflag:$0x3], $0x80, s9, s20, $0xb8;
	[tilespmem:$0x1C400] =	vst v63  }
0x118: {  	_ =	swait.ge [sflag:s11], $0x4000  }
0x119: {  	s25 =	sadd.s32 $0x80, s25;
	s6 =	rddreg [dreg:$0x4];
	[sflag:s11] =	ssyncset.done $0x0  }
0x11a: {  	[sflag:s11] =	ssyncadd.s32 $0xFFFFC000;
	s6 =	sadd.s32 s24, s6  }
0x11b: {  	[tilespmem:s12], [sflag:$0x3] =	stream.linear.gather [hbm4b:s6+s3], $0x400, $0x38;
	[tilespmem:$0x1C400] =	vst v63  }
0x11c: {  	_ =	swait.ge [sflag:s11], $0x400  }
0x11d: {  	s10 =	rddreg [dreg:$0x3];
	[sflag:s11] =	ssyncset.done $0x0  }
0x11e: {  	[sflag:s11] =	ssyncadd.s32 $0xFFFFFC00;
	s6 =	sadd.s32 s24, s10  }
0x11f: {  	[tilespmem:s13], [sflag:$0x3] =	stream.linear.gather [hbm4b:s6+s3], $0x400, $0x38;
	[tilespmem:$0x1C400] =	vst v63  }
0x120: {  	_ =	swait.ge [sflag:s11], $0x400  }
0x121: {  	[sflag:s11] =	ssyncset.done $0x0  }
0x122: {  	[sflag:s11] =	ssyncadd.s32 $0xFFFFFC00  }
0x123: {  	[tilespmem:s15], [sflag:$0x1] =	stream.indirect.gather [hbm4b:s4+s14], $0x80, s12, s14, $0xb8;
	[tilespmem:$0x1C400] =	vst v63  }
0x124: {  	s24 =	rddreg [dreg:$0x5]  }
0x125: {  	[tilespmem:s16], [sflag:$0x1] =	stream.indirect.gather [hbm4b:s4+s14], $0x80, s24, s14, $0xb8;
	[tilespmem:$0x1C400] =	vst v63  }
0x126: {  	_ =	swait.ge [sflag:s17], $0x2000  }
0x127: {  	[sflag:s17] =	ssyncset.done $0x0  }
0x128: {  	[sflag:s17] =	ssyncadd.s32 $0xFFFFE000  }
0x129: {  	_ =	swait.ge [sflag:s17], $0x2000  }
0x12a: {  	[sflag:s17] =	ssyncset.done $0x0  }
0x12b: {  	s25 =	rddreg [dreg:$0x6];
	[sflag:s17] =	ssyncadd.s32 $0xFFFFE000  }
0x12c: {  	[tilespmem:s18], [sflag:$0x2] =	stream.indirect.gather [hbm4b:s4+s14], $0x80, s25, s14, $0xb8;
	[tilespmem:$0x1C400] =	vst v63  }
0x12d: {  	s10 =	rddreg [dreg:$0x7]  }
0x12e: {  	[tilespmem:s19], [sflag:$0x2] =	stream.indirect.gather [hbm4b:s4+s14], $0x80, s10, s14, $0xb8;
	[tilespmem:$0x1C400] =	vst v63  }
0x12f: {  	_ = 	snop  }
0x130: {  	[spmem:s2] =	stream.indirect.scatter.add.f32 [tilespmem:s15], [sflag:$0x3], $0x80, s13, s20, $0xb8;
	[tilespmem:$0x1C400] =	vst v63  }
0x131: {  	_ =	swait.ge [sflag:s11], $0x4000  }
0x132: {  	[sflag:s11] =	ssyncset.done $0x0  }
0x133: {  	[sflag:s11] =	ssyncadd.s32 $0xFFFFC000  }
0x134: {  	_ =	swait.ge [sflag:s21], $0x2000  }
0x135: {  	[sflag:s21] =	ssyncset.done $0x0  }
0x136: {  	[sflag:s21] =	ssyncadd.s32 $0xFFFFE000  }
0x137: {  	_ =	swait.ge [sflag:s21], $0x2000  }
0x138: {  	[sflag:s21] =	ssyncset.done $0x0  }
0x139: {  	s10 =	rddreg [dreg:$0x8];
	[sflag:s21] =	ssyncadd.s32 $0xFFFFE000  }
0x13a: {  	[tilespmem:s15], [sflag:$0x1] =	stream.indirect.gather [hbm4b:s4+s14], $0x80, s10, s14, $0xb8;
	[tilespmem:$0x1C400] =	vst v63  }
0x13b: {  	s24 =	rddreg [dreg:$0x9]  }
0x13c: {  	[tilespmem:s16], [sflag:$0x1] =	stream.indirect.gather [hbm4b:s4+s14], $0x80, s24, s14, $0xb8;
	[tilespmem:$0x1C400] =	vst v63  }
0x13d: {  	s25 =	rddreg [dreg:$0xa]  }
0x13e: {  	[spmem:s2] =	stream.indirect.scatter.add.f32 [tilespmem:s18], [sflag:$0x3], $0x80, s25, s20, $0xb8;
	[tilespmem:$0x1C400] =	vst v63  }
0x13f: {  	_ =	swait.ge [sflag:s11], $0x4000  }
0x140: {  	[sflag:s11] =	ssyncset.done $0x0  }
0x141: {  	[sflag:s11] =	ssyncadd.s32 $0xFFFFC000  }
0x142: {  	_ =	swait.ge [sflag:s17], $0x2000  }
0x143: {  	[sflag:s17] =	ssyncset.done $0x0  }
0x144: {  	[sflag:s17] =	ssyncadd.s32 $0xFFFFE000  }
0x145: {  	_ =	swait.ge [sflag:s17], $0x2000  }
0x146: {  	[sflag:s17] =	ssyncset.done $0x0  }
0x147: {  	s10 =	rddreg [dreg:$0xb];
	[sflag:s17] =	ssyncadd.s32 $0xFFFFE000  }
0x148: {  	[tilespmem:s18], [sflag:$0x2] =	stream.indirect.gather [hbm4b:s4+s14], $0x80, s10, s14, $0xb8;
	[tilespmem:$0x1C400] =	vst v63  }
0x149: {  	s24 =	rddreg [dreg:$0xc]  }
0x14a: {  	[tilespmem:s19], [sflag:$0x2] =	stream.indirect.gather [hbm4b:s4+s14], $0x80, s24, s14, $0xb8;
	[tilespmem:$0x1C400] =	vst v63  }
0x14b: {  	s25 =	rddreg [dreg:$0xd]  }
0x14c: {  	[spmem:s2] =	stream.indirect.scatter.add.f32 [tilespmem:s15], [sflag:$0x3], $0x80, s25, s20, $0xb8;
	[tilespmem:$0x1C400] =	vst v63  }
0x14d: {  	_ =	swait.ge [sflag:s11], $0x4000  }
0x14e: {  	[sflag:s11] =	ssyncset.done $0x0  }
0x14f: {  	[sflag:s11] =	ssyncadd.s32 $0xFFFFC000  }
0x150: {  	_ =	swait.ge [sflag:s21], $0x2000  }
0x151: {  	[sflag:s21] =	ssyncset.done $0x0  }
0x152: {  	[sflag:s21] =	ssyncadd.s32 $0xFFFFE000  }
0x153: {  	_ =	swait.ge [sflag:s21], $0x2000  }
0x154: {  	[sflag:s21] =	ssyncset.done $0x0  }
0x155: {  	[sflag:s21] =	ssyncadd.s32 $0xFFFFE000  }
0x156: {  	[tilespmem:s15], [sflag:$0x1] =	stream.indirect.gather [hbm4b:s4+s14], $0x80, s22, s14, $0xb8;
	[tilespmem:$0x1C400] =	vst v63  }
0x157: {  	_ = 	snop  }
0x158: {  	[tilespmem:s16], [sflag:$0x1] =	stream.indirect.gather [hbm4b:s4+s14], $0x80, s23, s14, $0xb8;
	[tilespmem:$0x1C400] =	vst v63  }
0x159: {  	_ = 	snop  }
0x15a: {  	[spmem:s2] =	stream.indirect.scatter.add.f32 [tilespmem:s18], [sflag:$0x3], $0x80, s26, s20, $0xb8;
	[tilespmem:$0x1C400] =	vst v63  }
0x15b: {  	_ =	swait.ge [sflag:s11], $0x4000  }
0x15c: {  	[sflag:s11] =	ssyncset.done $0x0  }
0x15d: {  	[sflag:s11] =	ssyncadd.s32 $0xFFFFC000  }
0x15e: {  	_ =	swait.ge [sflag:s17], $0x2000  }
0x15f: {  	[sflag:s17] =	ssyncset.done $0x0  }
0x160: {  	[sflag:s17] =	ssyncadd.s32 $0xFFFFE000  }
0x161: {  	_ =	swait.ge [sflag:s17], $0x2000  }
0x162: {  	[sflag:s17] =	ssyncset.done $0x0  }
0x163: {  	[sflag:s17] =	ssyncadd.s32 $0xFFFFE000  }
0x164: {  	[tilespmem:s18], [sflag:$0x2] =	stream.indirect.gather [hbm4b:s4+s14], $0x80, s28, s14, $0xb8;
	[tilespmem:$0x1C400] =	vst v63  }
0x165: {  	_ = 	snop  }
0x166: {  	[tilespmem:s19], [sflag:$0x2] =	stream.indirect.gather [hbm4b:s4+s14], $0x80, s29, s14, $0xb8;
	[tilespmem:$0x1C400] =	vst v63  }
0x167: {  	_ = 	snop  }
0x168: {  	[spmem:s2] =	stream.indirect.scatter.add.f32 [tilespmem:s15], [sflag:$0x3], $0x80, s30, s20, $0xb8;
	[tilespmem:$0x1C400] =	vst v63  }
0x169: {  	_ =	swait.ge [sflag:s11], $0x4000  }
0x16a: {  	[sflag:s11] =	ssyncset.done $0x0  }
0x16b: {  	[sflag:s11] =	ssyncadd.s32 $0xFFFFC000  }
0x16c: {  	_ =	swait.ge [sflag:s21], $0x2000  }
0x16d: {  	[sflag:s21] =	ssyncset.done $0x0  }
0x16e: {  	[sflag:s21] =	ssyncadd.s32 $0xFFFFE000  }
0x16f: {  	_ =	swait.ge [sflag:s21], $0x2000  }
0x170: {  	[sflag:s21] =	ssyncset.done $0x0  }
0x171: {  	[sflag:s21] =	ssyncadd.s32 $0xFFFFE000  }
0x172: {  	[tilespmem:s15], [sflag:$0x1] =	stream.indirect.gather [hbm4b:s4+s14], $0x80, s31, s14, $0xb8;
	[tilespmem:$0x1C400] =	vst v63  }
0x173: {  	_ = 	snop  }
0x174: {  	[tilespmem:s16], [sflag:$0x1] =	stream.indirect.gather [hbm4b:s4+s14], $0x80, s1, s14, $0xb8;
	[tilespmem:$0x1C400] =	vst v63  }
0x175: {  	_ = 	snop  }
0x176: {  	[spmem:s2] =	stream.indirect.scatter.add.f32 [tilespmem:s18], [sflag:$0x3], $0x80, s0, s20, $0xb8;
	[tilespmem:$0x1C400] =	vst v63  }
0x177: {  	_ =	swait.ge [sflag:s11], $0x4000  }
0x178: {  	[sflag:s11] =	ssyncset.done $0x0  }
0x179: {  	[sflag:s11] =	ssyncadd.s32 $0xFFFFC000  }
0x17a: {  	_ =	swait.ge [sflag:s17], $0x2000  }
0x17b: {  	[sflag:s17] =	ssyncset.done $0x0  }
0x17c: {  	[sflag:s17] =	ssyncadd.s32 $0xFFFFE000  }
0x17d: {  	_ =	swait.ge [sflag:s17], $0x2000  }
0x17e: {  	[sflag:s17] =	ssyncset.done $0x0  }
0x17f: {  	[sflag:s17] =	ssyncadd.s32 $0xFFFFE000  }
0x180: {  	[tilespmem:s18], [sflag:$0x2] =	stream.indirect.gather [hbm4b:s4+s14], $0x80, s5, s14, $0xb8;
	[tilespmem:$0x1C400] =	vst v63  }
0x181: {  	_ = 	snop  }
0x182: {  	[tilespmem:s19], [sflag:$0x2] =	stream.indirect.gather [hbm4b:s4+s14], $0x80, s7, s14, $0xb8;
	[tilespmem:$0x1C400] =	vst v63  }
0x183: {  	_ = 	snop  }
0x184: {  	[spmem:s2] =	stream.indirect.scatter.add.f32 [tilespmem:s15], [sflag:$0x3], $0x80, s8, s20, $0xb8;
	[tilespmem:$0x1C400] =	vst v63  }
0x185: {  	_ =	swait.ge [sflag:s11], $0x4000  }
0x186: {  	[sflag:s11] =	ssyncset.done $0x0  }
0x187: {  	[sflag:s11] =	ssyncadd.s32 $0xFFFFC000  }
0x188: {  	_ =	swait.ge [sflag:s21], $0x2000  }
0x189: {  	[sflag:s21] =	ssyncset.done $0x0  }
0x18a: {  	[sflag:s21] =	ssyncadd.s32 $0xFFFFE000  }
0x18b: {  	_ =	swait.ge [sflag:s21], $0x2000  }
0x18c: {  	[sflag:s21] =	ssyncset.done $0x0  }
0x18d: {  	[sflag:s21] =	ssyncadd.s32 $0xFFFFE000  }
0x18e: {  	[spmem:s2] =	stream.indirect.scatter.add.f32 [tilespmem:s18], [sflag:$0x3], $0x80, s9, s20, $0xb8;
	[tilespmem:$0x1C400] =	vst v63  }
0x18f: {  	_ =	swait.ge [sflag:s11], $0x4000  }
0x190: {  	[sflag:s11] =	ssyncset.done $0x0  }
0x191: {  	[sflag:s11] =	ssyncadd.s32 $0xFFFFC000  }
0x192: {  	[bflag:$0x0] =	sbarrier.arrive $0xFFFF  }
0x193: {  	s24 =	rddreg [dreg:$0xf]  }
0x194: {  	s10 =	rddreg [dreg:$0x10]  }
0x195: {  	s25 =	rddreg [dreg:$0x14]  }
0x196: {  	[hbm:s10], [sflag:s24] =	dma.local [spmem:s25], $0x2700  }
0x197: {  	_ =	swait.ge [sflag:s11], $0x2700  }
0x198: {  	[sflag:s11] =	ssyncset.done $0x0;
	s6 =	rddreg [dreg:$0x11]  }
0x199: {  	s10 =	rddreg [dreg:$0x15];
	[sflag:s11] =	ssyncadd.s32 $0xFFFFD900  }
0x19a: {  	[hbm:s6], [sflag:s24] =	dma.local @!p0 [spmem:s10], $0x100  }
0x19b: {  	s6 =	simm.s32 @!p0 $0x3  }
0x19c: {  	_ =	swait.ge @!p0 [sflag:s6], $0x100  }
0x19d: {  	s25 =	rddreg [dreg:$0x16]  }
0x19e: {  	s10 =	rddreg [dreg:$0x12];
	s25 =	sadd.s32 $0x1, s25  }
0x19f: {  	p1 =	sne.s32 s25, s10  }
.Ltmp1:
0x1a0: {  	_ = 	snop;
	(pc) =	sbr.rel @p1 .LBB2_1-.Ltmp1, $3  }
0x1a1: {  	_ =	sdelay $0x1  }
0x1a2: {  	[sflag:s6] =	ssyncset.done @!p0 $0x0  }
0x1a3: {  	[sflag:s6] =	ssyncadd.s32 @!p0 $0xFFFFFF00  }
0x1a4: {  	_ =	sfence.sel $0x180000  }
0x1a5: {  	[bflag:$0x0] =	sbarrier.arrive $0xFFFF  }
0x1a6: {  	_ =	strace $0x9000004A  }
0x1a7: {  	s0 =	stileid.u32;
	[bflag:$0x2] =	sbarrier.arrive $0xFFFF  }
0x1a8: {  	p0 =	sne.s32 s0, $0x0;
	s0 =	rddreg [dreg:$0x2]  }
0x1a9: {  	s0 =	sadd.s32 @!p0 $0x100000, s0  }
0x1aa: {  	[sflag:s0] =	ssyncadd.tile.s32 @!p0 $0x1;
	_ =	shalt  }
.Lfunc_end2:
_tile_overlayer_lowered:
.L_overlay_start_2:
0x1ab: {  	(tag) =	ssettag $0x2  }
0x1ac: {  	s0 =	rddreg [dreg:$0x0];
	s2 =	stileid.u32  }
0x1ad: {  	s1 =	rddreg [dreg:$0x1];
	p0 =	sne.s32 s2, $0x0  }
0x1ae: {  	s3 =	rddreg [dreg:$0x2];
	[bflag:$0x3] =	sbarrier.arrive $0xFFFF;
	s2 =	simm.s32 @!p0 $0x1C03  }
0x1af: {  	[timem:s3], [sflag:s2] =	dma.local @!p0 [hbm:s0], s1  }
0x1b0: {  	s0 =	simm.s32 @!p0 $0x3  }
0x1b1: {  	_ =	swait.ge @!p0 [sflag:s0], s1  }
0x1b2: {  	s1 =	ssub.s32 @!p0 $0x0, s1;
	[sflag:s0] =	ssyncset.done @!p0 $0x0  }
0x1b3: {  	[sflag:s0] =	ssyncadd.s32 @!p0 s1  }
0x1b4: {  	[bflag:$0x3] =	sbarrier.arrive $0xFFFF  }
0x1b5: {  	_ =	shalt  }

// kernel: kernel.17.cloned.1.call-start
scs
__scs_entry_jumppad:
0x0: {  	(pc) =	sbr.rel $0x88, $3  }
0x1: {  	(tag) =	ssettag $0x0;
	lr =	simm.s32 $0x1  }
0x2: {  	[smem:$0x3F96] =	sst lr;
	_ =	strace $0xD0000000  }
0x3: {  	_ = 	snop  }
0x4: {  	_ = 	snop  }
0x5: {  	_ = 	snop  }
0x6: {  	_ = 	snop  }
0x7: {  	_ = 	snop  }
__scs_overlays_trampoline_lowered:
0x8: {  	[smem:$0x3FA5] =	sst s0  }
0x9: {  	[smem:$0x3FA6] =	sst s1  }
0xa: {  	[smem:$0x3FA7] =	sst s2  }
0xb: {  	[smem:$0x3FA8] =	sst s3  }
0xc: {  	[smem:$0x3FA9] =	sst s4  }
0xd: {  	[smem:$0x3FAA] =	sst s5  }
0xe: {  	[smem:$0x3FAB] =	sst s6  }
0xf: {  	[smem:$0x3FAC] =	sst s7  }
0x10: {  	[smem:$0x3FAD] =	sst s8  }
0x11: {  	[smem:$0x3FAE] =	sst s9;
	s0 =	simm.s32 @!p0 $0x0  }
0x12: {  	s1 =	sld [smem:$0x3F94];
	s0 =	simm.s32 @p0 $0x1  }
0x13: {  	[smem:$0x3FAF] =	sst s0;
	s0 =	simm.s32 @!p1 $0x0  }
0x14: {  	s2 =	sld [smem:$0x3F93];
	s0 =	simm.s32 @p1 $0x1  }
0x15: {  	[smem:$0x3FB0] =	sst s0;
	s0 =	simm.s32 @!p2 $0x0  }
0x16: {  	s3 =	sld [smem:$0x3FDB];
	s0 =	simm.s32 @p2 $0x1  }
0x17: {  	s4 =	simm.s32 $0x1BF5;
	[smem:$0x3FB2] =	sst s0  }
0x18: {  	s0 =	sld [smem:$0x3F95];
	_ =	swait.ge [sflag:s4], $0x0  }
0x19: {  	s7 =	sld [smem:$0x3F96]  }
0x1a: {  	s8 =	sadd.s32 $0xFFFFE003, lr  }
0x1b: {  	s9 =	sadd.s32 $0xFFFFFEF7, lr;
	s5 =	simm.s32 $0xFFFFFFFF;
	p2 =	slt.u32 s8, $0xFFFFF086  }
0x1c: {  	p1 =	slt.u32 s9, $0xF7A;
	s5 =	simm.s32 @!p2 $0x0  }
0x1d: {  	s5 =	simm.s32 @p1 $0x1;
	p0 =	seq.s32 s7, s2  }
0x1e: {  	s7 =	smul.u32 @!p0 $0xF7A, s2;
	p2 =	seq.s32 @!p0 s5, $0x0  }
0x1f: {  	s9 =	smul.u32 $0xF7A, s1;
	s8 =	simm.s32 @!p0 $0x1BF5;
	p2 =	por !p2, p0  }
0x20: {  	[sflag:s8] =	ssyncset.s32 @!p0 $0xFFFFF086;
	s6 =	sadd.s32 @!p0 s3, s7;
	s7 =	simm.s32 @!p0 $0x108  }
0x21: {  	s3 =	sadd.s32 s3, s9;
	s6 =	sadd.s32 @!p0 $0x88, s6;
	s7 =	simm.s32 @p2 $0x1082  }
0x22: {  	[simem:s7], [sflag:s8] =	dma.local @!p0 [hbm:s6], $0xF7A  }
0x23: {  	s9 =	sor.u32 $0xD0000000, s2;
	s6 =	simm.s32 $0x108;
	_ =	swait.ge @!p0 [sflag:s8], $0x0  }
0x24: {  	s3 =	sadd.s32 $0x88, s3;
	s6 =	simm.s32 @!p1 $0x1082;
	[sflag:s4] =	ssyncset.s32 $0xFFFFF086  }
0x25: {  	[simem:s6], [sflag:s4] =	dma.local [hbm:s3], $0xF7A  }
0x26: {  	[smem:$0x3F96] =	sst s1;
	(tag) =	ssettag s2;
	_ =	strace s9  }
0x27: {  	s1 =	sld [smem:$0x3FA6]  }
0x28: {  	s2 =	sld [smem:$0x3FA7]  }
0x29: {  	s4 =	sld [smem:$0x3FA9]  }
0x2a: {  	p0 =	seq.s32 s5, $0x0;
	s5 =	sld [smem:$0x3FAA]  }
0x2b: {  	s6 =	sld [smem:$0x3FAB]  }
0x2c: {  	s7 =	sld [smem:$0x3FAC]  }
0x2d: {  	s3 =	simm.s32 $0x108;
	s8 =	sld [smem:$0x3FAD]  }
0x2e: {  	s3 =	simm.s32 @!p0 $0x1082;
	s9 =	sld [smem:$0x3FAE]  }
0x2f: {  	lr =	sadd.s32 s0, s3;
	s0 =	sld [smem:$0x3FA5]  }
0x30: {  	s3 =	sld [smem:$0x3FA8]  }
0x31: {  	[smem:$0x3FB1] =	sst s10  }
0x32: {  	s10 =	sld [smem:$0x3FAF];
	_ =	sdelay $0x3  }
0x33: {  	p0 =	seq.s32 s10, $0x1;
	s10 =	sld [smem:$0x3FB1];
	_ =	sdelay $0x3  }
0x34: {  	[smem:$0x3FB1] =	sst s10  }
0x35: {  	s10 =	sld [smem:$0x3FB0];
	_ =	sdelay $0x3  }
0x36: {  	p1 =	seq.s32 s10, $0x1;
	s10 =	sld [smem:$0x3FB1];
	_ =	sdelay $0x3  }
0x37: {  	[smem:$0x3FB1] =	sst s10  }
0x38: {  	s10 =	sld [smem:$0x3FB2]  }
0x39: {  	_ = 	snop;
	(pc) =	sbr.ind lr, $3  }
0x3a: {  	_ = 	snop  }
0x3b: {  	_ = 	snop  }
0x3c: {  	p2 =	seq.s32 s10, $0x1;
	s10 =	sld [smem:$0x3FB1]  }
0x3d: {  	_ =	shalt  }
0x3e: {  	_ =	shalt  }
0x3f: {  	_ =	shalt  }
0x40: {  	_ =	shalt  }
0x41: {  	_ =	shalt  }
0x42: {  	_ =	shalt  }
0x43: {  	_ =	shalt  }
0x44: {  	_ =	shalt  }
0x45: {  	_ =	shalt  }
0x46: {  	_ =	shalt  }
0x47: {  	_ =	shalt  }
0x48: {  	_ =	shalt  }
0x49: {  	_ =	shalt  }
0x4a: {  	_ =	shalt  }
0x4b: {  	_ =	shalt  }
0x4c: {  	_ =	shalt  }
0x4d: {  	_ =	shalt  }
0x4e: {  	_ =	shalt  }
0x4f: {  	_ =	shalt  }
0x50: {  	_ =	shalt  }
0x51: {  	_ =	shalt  }
0x52: {  	_ =	shalt  }
0x53: {  	_ =	shalt  }
0x54: {  	_ =	shalt  }
0x55: {  	_ =	shalt  }
0x56: {  	_ =	shalt  }
0x57: {  	_ =	shalt  }
0x58: {  	_ =	shalt  }
0x59: {  	_ =	shalt  }
0x5a: {  	_ =	shalt  }
0x5b: {  	_ =	shalt  }
0x5c: {  	_ =	shalt  }
0x5d: {  	_ =	shalt  }
0x5e: {  	_ =	shalt  }
0x5f: {  	_ =	shalt  }
0x60: {  	_ =	shalt  }
0x61: {  	_ =	shalt  }
0x62: {  	_ =	shalt  }
0x63: {  	_ =	shalt  }
0x64: {  	_ =	shalt  }
0x65: {  	_ =	shalt  }
0x66: {  	_ =	shalt  }
0x67: {  	_ =	shalt  }
0x68: {  	_ =	shalt  }
0x69: {  	_ =	shalt  }
0x6a: {  	_ =	shalt  }
0x6b: {  	_ =	shalt  }
0x6c: {  	_ =	shalt  }
0x6d: {  	_ =	shalt  }
0x6e: {  	_ =	shalt  }
0x6f: {  	_ =	shalt  }
0x70: {  	_ =	shalt  }
0x71: {  	_ =	shalt  }
0x72: {  	_ =	shalt  }
0x73: {  	_ =	shalt  }
0x74: {  	_ =	shalt  }
0x75: {  	_ =	shalt  }
0x76: {  	_ =	shalt  }
0x77: {  	_ =	shalt  }
0x78: {  	_ =	shalt  }
0x79: {  	_ =	shalt  }
0x7a: {  	_ =	shalt  }
0x7b: {  	_ =	shalt  }
0x7c: {  	_ =	shalt  }
0x7d: {  	_ =	shalt  }
0x7e: {  	_ =	shalt  }
0x7f: {  	_ =	shalt  }
0x80: {  	_ =	shalt  }
0x81: {  	_ =	shalt  }
0x82: {  	_ =	shalt  }
0x83: {  	_ =	shalt  }
0x84: {  	_ =	shalt  }
0x85: {  	_ =	shalt  }
0x86: {  	_ =	shalt  }
0x87: {  	_ =	shalt  }
.Lfunc_end0:
.L_simem_size_0:
called_computation.2_lowered:
.L_overlay_start_0:
0x88: {  	s2 =	sld [smem:$0x3FD9]  }
0x89: {  	s3 =	sld [smem:$0x3FFE];
	_ =	sdelay $0x1  }
0x8a: {  	s1 =	srdreg.scid  }
0x8b: {  	s0 =	sand.u32 $0x1, s1  }
0x8c: {  	s16 =	sshll.u32 s0, $0xA;
	s2 =	sadd.s32 s3, s2  }
0x8d: {  	s2 =	sadd.s32 s2, s16  }
0x8e: {  	[smem:$0x3FBD] =	sst s2  }
0x8f: {  	_ = 	snop  }
0x90: {  	(tm) =	ssettm $0x1  }
0x91: {  	s17 =	sld [smem:$0x3FFB];
	_ =	sdelay $0x3  }
0x92: {  	_ =	strace s17  }
0x93: {  	s2 =	sld [smem:$0x3FFC];
	_ =	sdelay $0x3  }
0x94: {  	_ =	strace s2  }
0x95: {  	s2 =	sld [smem:$0x3FFD];
	_ =	sdelay $0x3  }
0x96: {  	_ =	strace s2  }
0x97: {  	_ =	strace $0x8FFFFFFF  }
0x98: {  	s18 =	sld [smem:$0x3FDB];
	_ =	sdelay $0x1  }
0x99: {  	s19 =	simm.s32 $_scs_section_size  }
0x9a: {  	s4 =	simm.s32 $_size__tile_overlayer_lowered;
	s5 =	simm.s32 $_tile_overlayer_lowered  }
0x9b: {  	s22 =	simm.s32 $0x1BFF;
	s21 =	sshll.u32 s5, $0x1;
	s2 =	sadd.s32 s19, s18  }
0x9c: {  	s6 =	simm.s32 $0x0;
	s20 =	sshll.u32 s4, $0x1;
	s4 =	sadd.s32 s21, s2  }
0x9d: {  	[timem:s6], [sflag:s22] =	dma.local [hbm:s4], s20  }
0x9e: {  	_ =	swait.ge [sflag:s22], s20  }
0x9f: {  	s3 =	ssub.s32 $0x0, s20;
	[sflag:s22] =	ssyncset.done $0x0  }
0xa0: {  	[sflag:s22] =	ssyncadd.s32 s3;
	_ =	sdelay $0x1  }
0xa1: {  	s23 =	simm.s32 $0x1B8B  }
0xa2: {  	_ =	swait.ge [sflag:s23], $0x1  }
0xa3: {  	[sflag:s23] =	ssyncset.done $0x0  }
0xa4: {  	s25 =	simm.s32 $0x1B8E;
	s24 =	sld [smem:$0x3FFE];
	[sflag:s23] =	ssyncadd.s32 $0xFFFFFFFF  }
0xa5: {  	s26 =	simm.s32 $execute0_lowered;
	[smem:$0x3FD2] =	sst s25  }
0xa6: {  	s4 =	sshll.u32 s26, $0x1;
	_ =	strace $0x8000004C;
	[dreg:$0x1] =	wrdreg $0xFFFFFFFF  }
0xa7: {  	s28 =	simm.s32 $_size_execute0_lowered;
	s2 =	sadd.s32 s2, s4;
	[dreg:$0x0] =	wrdreg $0x0  }
0xa8: {  	s4 =	sshll.u32 s28, $0x1;
	[dreg:$0x2] =	wrdreg s2  }
0xa9: {  	[dreg:$0x3] =	wrdreg s4  }
0xaa: {  	[dreg:$0x4] =	wrdreg $0xC0  }
0xab: {  	_ =	task [dreg:s6], $0x5FFFF  }
0xac: {  	[dreg:$0x1] =	wrdreg $0xFFFFFFFF  }
0xad: {  	[dreg:$0x0] =	wrdreg $0x60  }
0xae: {  	[dreg:$0x2] =	wrdreg s24  }
0xaf: {  	[dreg:$0x3] =	wrdreg $0x0  }
0xb0: {  	[dreg:$0x4] =	wrdreg $0x9  }
0xb1: {  	_ =	task.clear_ibuf [dreg:s6], $0x5FFFF;
	_ =	strace $0x9000004C  }
0xb2: {  	s29 =	simm.s32 $0x9;
	_ =	strace $0x8000004E  }
0xb3: {  	_ =	swait.ge [sflag:s29], $0x1  }
0xb4: {  	[sflag:s29] =	ssyncadd.s32 $0xFFFFFFFF  }
0xb5: {  	_ =	strace $0x9000004E  }
0xb6: {  	_ =	sfence  }
0xb7: {  	s30 =	sld [smem:$0x0];
	_ =	sdelay $0x2  }
0xb8: {  	s31 =	sshll.u32 s1, $0xD;
	s1 =	sshrl.u32 s1, $0x2  }
0xb9: {  	s3 =	sand.u32 $0x4000, s31;
	s1 =	sadd.s32 s1, s30  }
0xba: {  	s0 =	sor.u32 s3, s0;
	s1 =	sshll.u32 s1, $0x11  }
0xbb: {  	s0 =	sor.u32 s1, s0  }
0xbc: {  	s0 =	sadd.s32 $0x8F2B, s0  }
0xbd: {  	[sflag:s0] =	ssyncadd.remote.s32 $0x1  }
0xbe: {  	_ =	sfence.sel $0xFFFF  }
0xbf: {  	[dreg:$0x0] =	wrdreg $0xFFFFFFFF;
	(pc) =	sbr.abs _section_cstart, $3  }
0xc0: {  	[dreg:$0x1] =	wrdreg $0xFFFFFFFF  }
0xc1: {  	_ =	task.clear_ibuf [dreg:s6], $0x2FFFF;
	_ =	strace $0x9FFFFFFF  }
0xc2: {  	(tm) =	ssettm $0x7FFFFFFF  }
0xc3: {  	_ =	shalt  }
tec
execute0_lowered:
.L_overlay_start_1:
0x0: {  	(tag) =	ssettag $0x1  }
0x1: {  	s0 =	srdreg.scid;
	s1 =	rddreg [dreg:$0x0]  }
0x2: {  	s23 =	stileid.u32;
	s2 =	rddreg [dreg:$0x1]  }
0x3: {  	s3 =	simm.s32 $0x0;
	s15 =	simm.s32 $0x13C40;
	s16 =	simm.s32 $0x13C80  }
0x4: {  	s17 =	simm.s32 $0x13CC0;
	s18 =	simm.s32 $0x13D00;
	s19 =	simm.s32 $0x13D40  }
0x5: {  	s28 =	simm.s32 $0x13E80;
	s29 =	simm.s32 $0x13EC0;
	s5 =	smul.u32 $0x2800, s23  }
0x6: {  	s30 =	simm.s32 $0x14200;
	s31 =	simm.s32 $0x13F00;
	s7 =	smul.u32 $0x4F000, s23  }
0x7: {  	s0 =	sand.u32 $0x1, s0;
	[smem:$0x7FF] =	sst s3;
	s10 =	smul.u32 $0x13800, s23  }
0x8: {  	s8 =	sadd.s32 $0x74600, s1;
	s21 =	sshll.u32 s23, $0x6;
	s11 =	smul.u32 $0x4E000, s23  }
0x9: {  	s25 =	smul.u32 $0x500, s23;
	p0 =	sne.s32 s23, $0xF;
	s23 =	simm.s32 $0x13E40  }
0xa: {  	s4 =	smul.u32 $0x78000, s0;
	_ =	strace $0x8000004D;
	[dreg:$0xe] =	wrdreg s8  }
0xb: {  	s6 =	smul.u32 $0x5000, s0;
	s20 =	ssub.s32 $0x2, s0;
	[dreg:$0x5] =	wrdreg s15  }
0xc: {  	s0 =	smul.u32 $0x138800, s0;
	s24 =	sor.u32 $0x1C03, s21;
	[dreg:$0x6] =	wrdreg s16  }
0xd: {  	s15 =	simm.s32 $0x14400;
	s16 =	simm.s32 $0x16400;
	[dreg:$0x7] =	wrdreg s17  }
0xe: {  	s17 =	simm.s32 $0x1;
	[dreg:$0x8] =	wrdreg s18;
	s18 =	simm.s32 $0x18400  }
0xf: {  	[dreg:$0x9] =	wrdreg s19;
	s19 =	simm.s32 $0x1A400;
	s21 =	simm.s32 $0x13D80  }
0x10: {  	s9 =	sshrl.u32 s20, $0x1;
	s7 =	sshrl.u32 s7, $0x2;
	[dreg:$0xb] =	wrdreg s21  }
0x11: {  	s26 =	sshrl.u32 s11, $0x2;
	s21 =	simm.s32 $0x2;
	[dreg:$0xf] =	wrdreg s24  }
0x12: {  	s5 =	sadd.s32 s5, s4;
	s4 =	sadd.s32 $0x76E00, s1;
	s6 =	sadd.s32 s6, s1  }
0x13: {  	s8 =	ssub.s32 s20, s9;
	s7 =	sadd.s32 s7, s2;
	s10 =	sadd.s32 s10, s0  }
0x14: {  	s0 =	sshrl.u32 s0, $0x3;
	s20 =	simm.s32 $0x14080;
	s5 =	sshrl.u32 s5, $0x3  }
0x15: {  	s22 =	sshrl.u32 s10, $0x3;
	s11 =	sadd.s32 s25, s6;
	s12 =	smax.u32 s8, $0x1  }
0x16: {  	s14 =	sshrl.u32 s7, $0x3;
	[dreg:$0xa] =	wrdreg s20;
	s20 =	simm.s32 $0x80  }
0x17: {  	s25 =	simm.s32 $0x14100;
	s7 =	simm.s32 $0x13FC0;
	s8 =	simm.s32 $0x14300  }
0x18: {  	s5 =	sadd.s32 s5, s1;
	s1 =	sadd.s32 $0xC5000, s1;
	[dreg:$0x12] =	wrdreg s12  }
0x19: {  	[dreg:$0x13] =	wrdreg s14;
	s12 =	simm.s32 $0x13C00;
	s14 =	simm.s32 $0x40  }
0x1a: {  	[dreg:$0xd] =	wrdreg s25;
	s25 =	simm.s32 $0x0;
	s9 =	sadd.s32 s1, s22  }
0x1b: {  	s0 =	sadd.s32 s1, s0;
	s1 =	sadd.s32 $0x1C400, s11;
	s13 =	sadd.s32 $0x8400, s5  }
0x1c: {  	s11 =	simm.s32 $0x3;
	s22 =	simm.s32 $0x13DC0;
	[dreg:$0x10] =	wrdreg s9  }
0x1d: {  	s5 =	simm.s32 $0x13F80;
	s9 =	sadd.s32 s26, s2;
	[dreg:$0x3] =	wrdreg s1  }
0x1e: {  	s0 =	sadd.s32 $0x27000, s0;
	[dreg:$0x4] =	wrdreg s13;
	s13 =	simm.s32 $0x14000  }
0x1f: {  	[dreg:$0xc] =	wrdreg s22;
	s22 =	simm.s32 $0x13E00;
	s1 =	simm.s32 $0x13F40  }
0x20: {  	[dreg:$0x11] =	wrdreg s0;
	s0 =	sadd.s32 $0x138000, s2;
	s26 =	sshrl.u32 s9, $0x3  }
0x21: {  	s9 =	simm.s32 $0x14380;
	[dreg:$0x14] =	wrdreg s26;
	s0 =	sshrl.u32 @!p0 s0, $0x3  }
0x22: {  	s26 =	simm.s32 $0x14180;
	[dreg:$0x15] =	wrdreg s0;
	s0 =	simm.s32 $0x14280  }
.LBB2_1:
0x23: {  	[dreg:$0x16] =	wrdreg s25  }
0x24: {  	s6 =	rddreg [dreg:$0xe]  }
0x25: {  	s10 =	rddreg [dreg:$0x13]  }
0x26: {  	[spmem:s10], [sflag:s24] =	dma.local [hbm:s6], $0x2780  }
0x27: {  	_ =	swait.ge [sflag:s11], $0x2780  }
0x28: {  	[sflag:s11] =	ssyncset.done $0x0  }
0x29: {  	[sflag:s11] =	ssyncadd.s32 $0xFFFFD880  }
0x2a: {  	[bflag:$0x0] =	sbarrier.arrive $0xFFFF  }
0x2b: {  	s25 =	rddreg [dreg:$0x4]  }
0x2c: {  	s6 =	sadd.s32 $0x0, s25  }
0x2d: {  	[tilespmem:s12], [sflag:$0x3] =	stream.linear.gather [hbm4b:s6+s3], $0x400, $0x38;
	[tilespmem:$0x1C400] =	vst v63  }
0x2e: {  	_ =	swait.ge [sflag:s11], $0x400  }
0x2f: {  	s10 =	rddreg [dreg:$0x3];
	[sflag:s11] =	ssyncset.done $0x0  }
0x30: {  	[sflag:s11] =	ssyncadd.s32 $0xFFFFFC00;
	s6 =	sadd.s32 $0x0, s10  }
0x31: {  	[tilespmem:s13], [sflag:$0x3] =	stream.linear.gather [hbm4b:s6+s3], $0x400, $0x38;
	[tilespmem:$0x1C400] =	vst v63  }
0x32: {  	_ =	swait.ge [sflag:s11], $0x400  }
0x33: {  	[sflag:s11] =	ssyncset.done $0x0  }
0x34: {  	[sflag:s11] =	ssyncadd.s32 $0xFFFFFC00  }
0x35: {  	[tilespmem:s15], [sflag:$0x1] =	stream.indirect.gather [hbm4b:s4+s14], $0x80, s12, s14, $0xb8;
	[tilespmem:$0x1C400] =	vst v63  }
0x36: {  	s24 =	rddreg [dreg:$0x5]  }
0x37: {  	[tilespmem:s16], [sflag:$0x1] =	stream.indirect.gather [hbm4b:s4+s14], $0x80, s24, s14, $0xb8;
	[tilespmem:$0x1C400] =	vst v63  }
0x38: {  	_ =	swait.ge [sflag:s17], $0x2000  }
0x39: {  	[sflag:s17] =	ssyncset.done $0x0  }
0x3a: {  	[sflag:s17] =	ssyncadd.s32 $0xFFFFE000  }
0x3b: {  	_ =	swait.ge [sflag:s17], $0x2000  }
0x3c: {  	[sflag:s17] =	ssyncset.done $0x0  }
0x3d: {  	s25 =	rddreg [dreg:$0x6];
	[sflag:s17] =	ssyncadd.s32 $0xFFFFE000  }
0x3e: {  	[tilespmem:s18], [sflag:$0x2] =	stream.indirect.gather [hbm4b:s4+s14], $0x80, s25, s14, $0xb8;
	[tilespmem:$0x1C400] =	vst v63  }
0x3f: {  	s10 =	rddreg [dreg:$0x7]  }
0x40: {  	[tilespmem:s19], [sflag:$0x2] =	stream.indirect.gather [hbm4b:s4+s14], $0x80, s10, s14, $0xb8;
	[tilespmem:$0x1C400] =	vst v63  }
0x41: {  	_ = 	snop  }
0x42: {  	[spmem:s2] =	stream.indirect.scatter.add.f32 [tilespmem:s15], [sflag:$0x3], $0x80, s13, s20, $0xb8;
	[tilespmem:$0x1C400] =	vst v63  }
0x43: {  	_ =	swait.ge [sflag:s11], $0x4000  }
0x44: {  	[sflag:s11] =	ssyncset.done $0x0  }
0x45: {  	[sflag:s11] =	ssyncadd.s32 $0xFFFFC000  }
0x46: {  	_ =	swait.ge [sflag:s21], $0x2000  }
0x47: {  	[sflag:s21] =	ssyncset.done $0x0  }
0x48: {  	[sflag:s21] =	ssyncadd.s32 $0xFFFFE000  }
0x49: {  	_ =	swait.ge [sflag:s21], $0x2000  }
0x4a: {  	[sflag:s21] =	ssyncset.done $0x0  }
0x4b: {  	s24 =	rddreg [dreg:$0x8];
	[sflag:s21] =	ssyncadd.s32 $0xFFFFE000  }
0x4c: {  	[tilespmem:s15], [sflag:$0x1] =	stream.indirect.gather [hbm4b:s4+s14], $0x80, s24, s14, $0xb8;
	[tilespmem:$0x1C400] =	vst v63  }
0x4d: {  	s25 =	rddreg [dreg:$0x9]  }
0x4e: {  	[tilespmem:s16], [sflag:$0x1] =	stream.indirect.gather [hbm4b:s4+s14], $0x80, s25, s14, $0xb8;
	[tilespmem:$0x1C400] =	vst v63  }
0x4f: {  	s10 =	rddreg [dreg:$0xa]  }
0x50: {  	[spmem:s2] =	stream.indirect.scatter.add.f32 [tilespmem:s18], [sflag:$0x3], $0x80, s10, s20, $0xb8;
	[tilespmem:$0x1C400] =	vst v63  }
0x51: {  	_ =	swait.ge [sflag:s11], $0x4000  }
0x52: {  	[sflag:s11] =	ssyncset.done $0x0  }
0x53: {  	[sflag:s11] =	ssyncadd.s32 $0xFFFFC000  }
0x54: {  	_ =	swait.ge [sflag:s17], $0x2000  }
0x55: {  	[sflag:s17] =	ssyncset.done $0x0  }
0x56: {  	[sflag:s17] =	ssyncadd.s32 $0xFFFFE000  }
0x57: {  	_ =	swait.ge [sflag:s17], $0x2000  }
0x58: {  	[sflag:s17] =	ssyncset.done $0x0  }
0x59: {  	s25 =	rddreg [dreg:$0xb];
	[sflag:s17] =	ssyncadd.s32 $0xFFFFE000  }
0x5a: {  	[tilespmem:s18], [sflag:$0x2] =	stream.indirect.gather [hbm4b:s4+s14], $0x80, s25, s14, $0xb8;
	[tilespmem:$0x1C400] =	vst v63  }
0x5b: {  	s10 =	rddreg [dreg:$0xc]  }
0x5c: {  	[tilespmem:s19], [sflag:$0x2] =	stream.indirect.gather [hbm4b:s4+s14], $0x80, s10, s14, $0xb8;
	[tilespmem:$0x1C400] =	vst v63  }
0x5d: {  	s25 =	rddreg [dreg:$0xd]  }
0x5e: {  	[spmem:s2] =	stream.indirect.scatter.add.f32 [tilespmem:s15], [sflag:$0x3], $0x80, s25, s20, $0xb8;
	[tilespmem:$0x1C400] =	vst v63  }
0x5f: {  	_ =	swait.ge [sflag:s11], $0x4000  }
0x60: {  	[sflag:s11] =	ssyncset.done $0x0  }
0x61: {  	[sflag:s11] =	ssyncadd.s32 $0xFFFFC000  }
0x62: {  	_ =	swait.ge [sflag:s21], $0x2000  }
0x63: {  	[sflag:s21] =	ssyncset.done $0x0  }
0x64: {  	[sflag:s21] =	ssyncadd.s32 $0xFFFFE000  }
0x65: {  	_ =	swait.ge [sflag:s21], $0x2000  }
0x66: {  	[sflag:s21] =	ssyncset.done $0x0  }
0x67: {  	[sflag:s21] =	ssyncadd.s32 $0xFFFFE000  }
0x68: {  	[tilespmem:s15], [sflag:$0x1] =	stream.indirect.gather [hbm4b:s4+s14], $0x80, s22, s14, $0xb8;
	[tilespmem:$0x1C400] =	vst v63  }
0x69: {  	_ = 	snop  }
0x6a: {  	[tilespmem:s16], [sflag:$0x1] =	stream.indirect.gather [hbm4b:s4+s14], $0x80, s23, s14, $0xb8;
	[tilespmem:$0x1C400] =	vst v63  }
0x6b: {  	_ = 	snop  }
0x6c: {  	[spmem:s2] =	stream.indirect.scatter.add.f32 [tilespmem:s18], [sflag:$0x3], $0x80, s26, s20, $0xb8;
	[tilespmem:$0x1C400] =	vst v63  }
0x6d: {  	_ =	swait.ge [sflag:s11], $0x4000  }
0x6e: {  	[sflag:s11] =	ssyncset.done $0x0  }
0x6f: {  	[sflag:s11] =	ssyncadd.s32 $0xFFFFC000  }
0x70: {  	_ =	swait.ge [sflag:s17], $0x2000  }
0x71: {  	[sflag:s17] =	ssyncset.done $0x0  }
0x72: {  	[sflag:s17] =	ssyncadd.s32 $0xFFFFE000  }
0x73: {  	_ =	swait.ge [sflag:s17], $0x2000  }
0x74: {  	[sflag:s17] =	ssyncset.done $0x0  }
0x75: {  	[sflag:s17] =	ssyncadd.s32 $0xFFFFE000  }
0x76: {  	[tilespmem:s18], [sflag:$0x2] =	stream.indirect.gather [hbm4b:s4+s14], $0x80, s28, s14, $0xb8;
	[tilespmem:$0x1C400] =	vst v63  }
0x77: {  	_ = 	snop  }
0x78: {  	[tilespmem:s19], [sflag:$0x2] =	stream.indirect.gather [hbm4b:s4+s14], $0x80, s29, s14, $0xb8;
	[tilespmem:$0x1C400] =	vst v63  }
0x79: {  	_ = 	snop  }
0x7a: {  	[spmem:s2] =	stream.indirect.scatter.add.f32 [tilespmem:s15], [sflag:$0x3], $0x80, s30, s20, $0xb8;
	[tilespmem:$0x1C400] =	vst v63  }
0x7b: {  	_ =	swait.ge [sflag:s11], $0x4000  }
0x7c: {  	[sflag:s11] =	ssyncset.done $0x0  }
0x7d: {  	[sflag:s11] =	ssyncadd.s32 $0xFFFFC000  }
0x7e: {  	_ =	swait.ge [sflag:s21], $0x2000  }
0x7f: {  	[sflag:s21] =	ssyncset.done $0x0  }
0x80: {  	[sflag:s21] =	ssyncadd.s32 $0xFFFFE000  }
0x81: {  	_ =	swait.ge [sflag:s21], $0x2000  }
0x82: {  	[sflag:s21] =	ssyncset.done $0x0  }
0x83: {  	[sflag:s21] =	ssyncadd.s32 $0xFFFFE000  }
0x84: {  	[tilespmem:s15], [sflag:$0x1] =	stream.indirect.gather [hbm4b:s4+s14], $0x80, s31, s14, $0xb8;
	[tilespmem:$0x1C400] =	vst v63  }
0x85: {  	_ = 	snop  }
0x86: {  	[tilespmem:s16], [sflag:$0x1] =	stream.indirect.gather [hbm4b:s4+s14], $0x80, s1, s14, $0xb8;
	[tilespmem:$0x1C400] =	vst v63  }
0x87: {  	_ = 	snop  }
0x88: {  	[spmem:s2] =	stream.indirect.scatter.add.f32 [tilespmem:s18], [sflag:$0x3], $0x80, s0, s20, $0xb8;
	[tilespmem:$0x1C400] =	vst v63  }
0x89: {  	_ =	swait.ge [sflag:s11], $0x4000  }
0x8a: {  	[sflag:s11] =	ssyncset.done $0x0  }
0x8b: {  	[sflag:s11] =	ssyncadd.s32 $0xFFFFC000  }
0x8c: {  	_ =	swait.ge [sflag:s17], $0x2000  }
0x8d: {  	[sflag:s17] =	ssyncset.done $0x0  }
0x8e: {  	[sflag:s17] =	ssyncadd.s32 $0xFFFFE000  }
0x8f: {  	_ =	swait.ge [sflag:s17], $0x2000  }
0x90: {  	[sflag:s17] =	ssyncset.done $0x0  }
0x91: {  	[sflag:s17] =	ssyncadd.s32 $0xFFFFE000  }
0x92: {  	[tilespmem:s18], [sflag:$0x2] =	stream.indirect.gather [hbm4b:s4+s14], $0x80, s5, s14, $0xb8;
	[tilespmem:$0x1C400] =	vst v63  }
0x93: {  	_ = 	snop  }
0x94: {  	[tilespmem:s19], [sflag:$0x2] =	stream.indirect.gather [hbm4b:s4+s14], $0x80, s7, s14, $0xb8;
	[tilespmem:$0x1C400] =	vst v63  }
0x95: {  	_ = 	snop  }
0x96: {  	[spmem:s2] =	stream.indirect.scatter.add.f32 [tilespmem:s15], [sflag:$0x3], $0x80, s8, s20, $0xb8;
	[tilespmem:$0x1C400] =	vst v63  }
0x97: {  	_ =	swait.ge [sflag:s11], $0x4000  }
0x98: {  	[sflag:s11] =	ssyncset.done $0x0  }
0x99: {  	[sflag:s11] =	ssyncadd.s32 $0xFFFFC000  }
0x9a: {  	_ =	swait.ge [sflag:s21], $0x2000  }
0x9b: {  	[sflag:s21] =	ssyncset.done $0x0  }
0x9c: {  	[sflag:s21] =	ssyncadd.s32 $0xFFFFE000  }
0x9d: {  	_ =	swait.ge [sflag:s21], $0x2000  }
0x9e: {  	[sflag:s21] =	ssyncset.done $0x0  }
0x9f: {  	[sflag:s21] =	ssyncadd.s32 $0xFFFFE000  }
0xa0: {  	[spmem:s2] =	stream.indirect.scatter.add.f32 [tilespmem:s18], [sflag:$0x3], $0x80, s9, s20, $0xb8;
	[tilespmem:$0x1C400] =	vst v63  }
0xa1: {  	s24 =	simm.s32 $0x80;
	_ =	swait.ge [sflag:s11], $0x4000  }
0xa2: {  	s25 =	simm.s32 $0x100;
	s6 =	rddreg [dreg:$0x4];
	[sflag:s11] =	ssyncset.done $0x0  }
.LBB2_2:
0xa3: {  	[sflag:s11] =	ssyncadd.s32 $0xFFFFC000;
	s6 =	sadd.s32 s24, s6  }
0xa4: {  	[tilespmem:s12], [sflag:$0x3] =	stream.linear.gather [hbm4b:s6+s3], $0x400, $0x38;
	[tilespmem:$0x1C400] =	vst v63  }
0xa5: {  	_ =	swait.ge [sflag:s11], $0x400  }
0xa6: {  	s6 =	rddreg [dreg:$0x3];
	[sflag:s11] =	ssyncset.done $0x0  }
0xa7: {  	[sflag:s11] =	ssyncadd.s32 $0xFFFFFC00;
	s6 =	sadd.s32 s24, s6  }
0xa8: {  	[tilespmem:s13], [sflag:$0x3] =	stream.linear.gather [hbm4b:s6+s3], $0x400, $0x38;
	[tilespmem:$0x1C400] =	vst v63  }
0xa9: {  	_ =	swait.ge [sflag:s11], $0x400  }
0xaa: {  	[sflag:s11] =	ssyncset.done $0x0  }
0xab: {  	s10 =	smov.u32 s25;
	[sflag:s11] =	ssyncadd.s32 $0xFFFFFC00  }
0xac: {  	[tilespmem:s15], [sflag:$0x1] =	stream.indirect.gather [hbm4b:s4+s14], $0x80, s12, s14, $0xb8;
	[tilespmem:$0x1C400] =	vst v63  }
0xad: {  	s24 =	smov.u32 s10;
	s10 =	rddreg [dreg:$0x5]  }
0xae: {  	[tilespmem:s16], [sflag:$0x1] =	stream.indirect.gather [hbm4b:s4+s14], $0x80, s10, s14, $0xb8;
	[tilespmem:$0x1C400] =	vst v63  }
0xaf: {  	_ =	swait.ge [sflag:s17], $0x2000  }
0xb0: {  	[sflag:s17] =	ssyncset.done $0x0  }
0xb1: {  	[sflag:s17] =	ssyncadd.s32 $0xFFFFE000  }
0xb2: {  	_ =	swait.ge [sflag:s17], $0x2000  }
0xb3: {  	[sflag:s17] =	ssyncset.done $0x0  }
0xb4: {  	s6 =	rddreg [dreg:$0x6];
	[sflag:s17] =	ssyncadd.s32 $0xFFFFE000  }
0xb5: {  	[tilespmem:s18], [sflag:$0x2] =	stream.indirect.gather [hbm4b:s4+s14], $0x80, s6, s14, $0xb8;
	[tilespmem:$0x1C400] =	vst v63  }
0xb6: {  	s10 =	rddreg [dreg:$0x7]  }
0xb7: {  	[tilespmem:s19], [sflag:$0x2] =	stream.indirect.gather [hbm4b:s4+s14], $0x80, s10, s14, $0xb8;
	[tilespmem:$0x1C400] =	vst v63  }
0xb8: {  	_ = 	snop  }
0xb9: {  	[spmem:s2] =	stream.indirect.scatter.add.f32 [tilespmem:s15], [sflag:$0x3], $0x80, s13, s20, $0xb8;
	[tilespmem:$0x1C400] =	vst v63  }
0xba: {  	_ =	swait.ge [sflag:s11], $0x4000  }
0xbb: {  	[sflag:s11] =	ssyncset.done $0x0  }
0xbc: {  	[sflag:s11] =	ssyncadd.s32 $0xFFFFC000  }
0xbd: {  	_ =	swait.ge [sflag:s21], $0x2000  }
0xbe: {  	[sflag:s21] =	ssyncset.done $0x0  }
0xbf: {  	[sflag:s21] =	ssyncadd.s32 $0xFFFFE000  }
0xc0: {  	_ =	swait.ge [sflag:s21], $0x2000  }
0xc1: {  	[sflag:s21] =	ssyncset.done $0x0  }
0xc2: {  	s6 =	rddreg [dreg:$0x8];
	[sflag:s21] =	ssyncadd.s32 $0xFFFFE000  }
0xc3: {  	[tilespmem:s15], [sflag:$0x1] =	stream.indirect.gather [hbm4b:s4+s14], $0x80, s6, s14, $0xb8;
	[tilespmem:$0x1C400] =	vst v63  }
0xc4: {  	s10 =	rddreg [dreg:$0x9]  }
0xc5: {  	[tilespmem:s16], [sflag:$0x1] =	stream.indirect.gather [hbm4b:s4+s14], $0x80, s10, s14, $0xb8;
	[tilespmem:$0x1C400] =	vst v63  }
0xc6: {  	s6 =	rddreg [dreg:$0xa]  }
0xc7: {  	[spmem:s2] =	stream.indirect.scatter.add.f32 [tilespmem:s18], [sflag:$0x3], $0x80, s6, s20, $0xb8;
	[tilespmem:$0x1C400] =	vst v63  }
0xc8: {  	_ =	swait.ge [sflag:s11], $0x4000  }
0xc9: {  	[sflag:s11] =	ssyncset.done $0x0  }
0xca: {  	[sflag:s11] =	ssyncadd.s32 $0xFFFFC000  }
0xcb: {  	_ =	swait.ge [sflag:s17], $0x2000  }
0xcc: {  	[sflag:s17] =	ssyncset.done $0x0  }
0xcd: {  	[sflag:s17] =	ssyncadd.s32 $0xFFFFE000  }
0xce: {  	_ =	swait.ge [sflag:s17], $0x2000  }
0xcf: {  	[sflag:s17] =	ssyncset.done $0x0  }
0xd0: {  	s6 =	rddreg [dreg:$0xb];
	[sflag:s17] =	ssyncadd.s32 $0xFFFFE000  }
0xd1: {  	[tilespmem:s18], [sflag:$0x2] =	stream.indirect.gather [hbm4b:s4+s14], $0x80, s6, s14, $0xb8;
	[tilespmem:$0x1C400] =	vst v63  }
0xd2: {  	s10 =	rddreg [dreg:$0xc]  }
0xd3: {  	[tilespmem:s19], [sflag:$0x2] =	stream.indirect.gather [hbm4b:s4+s14], $0x80, s10, s14, $0xb8;
	[tilespmem:$0x1C400] =	vst v63  }
0xd4: {  	s6 =	rddreg [dreg:$0xd]  }
0xd5: {  	[spmem:s2] =	stream.indirect.scatter.add.f32 [tilespmem:s15], [sflag:$0x3], $0x80, s6, s20, $0xb8;
	[tilespmem:$0x1C400] =	vst v63  }
0xd6: {  	_ =	swait.ge [sflag:s11], $0x4000  }
0xd7: {  	[sflag:s11] =	ssyncset.done $0x0  }
0xd8: {  	[sflag:s11] =	ssyncadd.s32 $0xFFFFC000  }
0xd9: {  	_ =	swait.ge [sflag:s21], $0x2000  }
0xda: {  	[sflag:s21] =	ssyncset.done $0x0  }
0xdb: {  	[sflag:s21] =	ssyncadd.s32 $0xFFFFE000  }
0xdc: {  	_ =	swait.ge [sflag:s21], $0x2000  }
0xdd: {  	[sflag:s21] =	ssyncset.done $0x0  }
0xde: {  	[sflag:s21] =	ssyncadd.s32 $0xFFFFE000  }
0xdf: {  	[tilespmem:s15], [sflag:$0x1] =	stream.indirect.gather [hbm4b:s4+s14], $0x80, s22, s14, $0xb8;
	[tilespmem:$0x1C400] =	vst v63  }
0xe0: {  	_ = 	snop  }
0xe1: {  	[tilespmem:s16], [sflag:$0x1] =	stream.indirect.gather [hbm4b:s4+s14], $0x80, s23, s14, $0xb8;
	[tilespmem:$0x1C400] =	vst v63  }
0xe2: {  	_ = 	snop  }
0xe3: {  	[spmem:s2] =	stream.indirect.scatter.add.f32 [tilespmem:s18], [sflag:$0x3], $0x80, s26, s20, $0xb8;
	[tilespmem:$0x1C400] =	vst v63  }
0xe4: {  	_ =	swait.ge [sflag:s11], $0x4000  }
0xe5: {  	[sflag:s11] =	ssyncset.done $0x0  }
0xe6: {  	[sflag:s11] =	ssyncadd.s32 $0xFFFFC000  }
0xe7: {  	_ =	swait.ge [sflag:s17], $0x2000  }
0xe8: {  	[sflag:s17] =	ssyncset.done $0x0  }
0xe9: {  	[sflag:s17] =	ssyncadd.s32 $0xFFFFE000  }
0xea: {  	_ =	swait.ge [sflag:s17], $0x2000  }
0xeb: {  	[sflag:s17] =	ssyncset.done $0x0  }
0xec: {  	[sflag:s17] =	ssyncadd.s32 $0xFFFFE000  }
0xed: {  	[tilespmem:s18], [sflag:$0x2] =	stream.indirect.gather [hbm4b:s4+s14], $0x80, s28, s14, $0xb8;
	[tilespmem:$0x1C400] =	vst v63  }
0xee: {  	_ = 	snop  }
0xef: {  	[tilespmem:s19], [sflag:$0x2] =	stream.indirect.gather [hbm4b:s4+s14], $0x80, s29, s14, $0xb8;
	[tilespmem:$0x1C400] =	vst v63  }
0xf0: {  	_ = 	snop  }
0xf1: {  	[spmem:s2] =	stream.indirect.scatter.add.f32 [tilespmem:s15], [sflag:$0x3], $0x80, s30, s20, $0xb8;
	[tilespmem:$0x1C400] =	vst v63  }
0xf2: {  	_ =	swait.ge [sflag:s11], $0x4000  }
0xf3: {  	[sflag:s11] =	ssyncset.done $0x0  }
0xf4: {  	[sflag:s11] =	ssyncadd.s32 $0xFFFFC000  }
0xf5: {  	_ =	swait.ge [sflag:s21], $0x2000  }
0xf6: {  	[sflag:s21] =	ssyncset.done $0x0  }
0xf7: {  	[sflag:s21] =	ssyncadd.s32 $0xFFFFE000  }
0xf8: {  	_ =	swait.ge [sflag:s21], $0x2000  }
0xf9: {  	[sflag:s21] =	ssyncset.done $0x0  }
0xfa: {  	[sflag:s21] =	ssyncadd.s32 $0xFFFFE000  }
0xfb: {  	[tilespmem:s15], [sflag:$0x1] =	stream.indirect.gather [hbm4b:s4+s14], $0x80, s31, s14, $0xb8;
	[tilespmem:$0x1C400] =	vst v63  }
0xfc: {  	_ = 	snop  }
0xfd: {  	[tilespmem:s16], [sflag:$0x1] =	stream.indirect.gather [hbm4b:s4+s14], $0x80, s1, s14, $0xb8;
	[tilespmem:$0x1C400] =	vst v63  }
0xfe: {  	_ = 	snop  }
0xff: {  	[spmem:s2] =	stream.indirect.scatter.add.f32 [tilespmem:s18], [sflag:$0x3], $0x80, s0, s20, $0xb8;
	[tilespmem:$0x1C400] =	vst v63  }
0x100: {  	_ =	swait.ge [sflag:s11], $0x4000  }
0x101: {  	[sflag:s11] =	ssyncset.done $0x0  }
0x102: {  	[sflag:s11] =	ssyncadd.s32 $0xFFFFC000  }
0x103: {  	_ =	swait.ge [sflag:s17], $0x2000  }
0x104: {  	[sflag:s17] =	ssyncset.done $0x0  }
0x105: {  	[sflag:s17] =	ssyncadd.s32 $0xFFFFE000  }
0x106: {  	_ =	swait.ge [sflag:s17], $0x2000  }
0x107: {  	[sflag:s17] =	ssyncset.done $0x0  }
0x108: {  	[sflag:s17] =	ssyncadd.s32 $0xFFFFE000  }
0x109: {  	[tilespmem:s18], [sflag:$0x2] =	stream.indirect.gather [hbm4b:s4+s14], $0x80, s5, s14, $0xb8;
	[tilespmem:$0x1C400] =	vst v63  }
0x10a: {  	_ = 	snop  }
0x10b: {  	[tilespmem:s19], [sflag:$0x2] =	stream.indirect.gather [hbm4b:s4+s14], $0x80, s7, s14, $0xb8;
	[tilespmem:$0x1C400] =	vst v63  }
0x10c: {  	_ = 	snop  }
0x10d: {  	[spmem:s2] =	stream.indirect.scatter.add.f32 [tilespmem:s15], [sflag:$0x3], $0x80, s8, s20, $0xb8;
	[tilespmem:$0x1C400] =	vst v63  }
0x10e: {  	_ =	swait.ge [sflag:s11], $0x4000  }
0x10f: {  	[sflag:s11] =	ssyncset.done $0x0  }
0x110: {  	[sflag:s11] =	ssyncadd.s32 $0xFFFFC000  }
0x111: {  	_ =	swait.ge [sflag:s21], $0x2000  }
0x112: {  	[sflag:s21] =	ssyncset.done $0x0  }
0x113: {  	[sflag:s21] =	ssyncadd.s32 $0xFFFFE000  }
0x114: {  	p1 =	sne.s32 s25, $0x480;
	_ =	swait.ge [sflag:s21], $0x2000  }
.Ltmp0:
0x115: {  	[sflag:s21] =	ssyncset.done $0x0;
	(pc) =	sbr.rel @p1 .LBB2_2-.Ltmp0, $4  }
0x116: {  	[sflag:s21] =	ssyncadd.s32 $0xFFFFE000  }
0x117: {  	[spmem:s2] =	stream.indirect.scatter.add.f32 [tilespmem:s18], [sflag:$0x3], $0x80, s9, s20, $0xb8;
	[tilespmem:$0x1C400] =	vst v63  }
0x118: {  	_ =	swait.ge [sflag:s11], $0x4000  }
0x119: {  	s25 =	sadd.s32 $0x80, s25;
	s6 =	rddreg [dreg:$0x4];
	[sflag:s11] =	ssyncset.done $0x0  }
0x11a: {  	[sflag:s11] =	ssyncadd.s32 $0xFFFFC000;
	s6 =	sadd.s32 s24, s6  }
0x11b: {  	[tilespmem:s12], [sflag:$0x3] =	stream.linear.gather [hbm4b:s6+s3], $0x400, $0x38;
	[tilespmem:$0x1C400] =	vst v63  }
0x11c: {  	_ =	swait.ge [sflag:s11], $0x400  }
0x11d: {  	s10 =	rddreg [dreg:$0x3];
	[sflag:s11] =	ssyncset.done $0x0  }
0x11e: {  	[sflag:s11] =	ssyncadd.s32 $0xFFFFFC00;
	s6 =	sadd.s32 s24, s10  }
0x11f: {  	[tilespmem:s13], [sflag:$0x3] =	stream.linear.gather [hbm4b:s6+s3], $0x400, $0x38;
	[tilespmem:$0x1C400] =	vst v63  }
0x120: {  	_ =	swait.ge [sflag:s11], $0x400  }
0x121: {  	[sflag:s11] =	ssyncset.done $0x0  }
0x122: {  	[sflag:s11] =	ssyncadd.s32 $0xFFFFFC00  }
0x123: {  	[tilespmem:s15], [sflag:$0x1] =	stream.indirect.gather [hbm4b:s4+s14], $0x80, s12, s14, $0xb8;
	[tilespmem:$0x1C400] =	vst v63  }
0x124: {  	s24 =	rddreg [dreg:$0x5]  }
0x125: {  	[tilespmem:s16], [sflag:$0x1] =	stream.indirect.gather [hbm4b:s4+s14], $0x80, s24, s14, $0xb8;
	[tilespmem:$0x1C400] =	vst v63  }
0x126: {  	_ =	swait.ge [sflag:s17], $0x2000  }
0x127: {  	[sflag:s17] =	ssyncset.done $0x0  }
0x128: {  	[sflag:s17] =	ssyncadd.s32 $0xFFFFE000  }
0x129: {  	_ =	swait.ge [sflag:s17], $0x2000  }
0x12a: {  	[sflag:s17] =	ssyncset.done $0x0  }
0x12b: {  	s25 =	rddreg [dreg:$0x6];
	[sflag:s17] =	ssyncadd.s32 $0xFFFFE000  }
0x12c: {  	[tilespmem:s18], [sflag:$0x2] =	stream.indirect.gather [hbm4b:s4+s14], $0x80, s25, s14, $0xb8;
	[tilespmem:$0x1C400] =	vst v63  }
0x12d: {  	s10 =	rddreg [dreg:$0x7]  }
0x12e: {  	[tilespmem:s19], [sflag:$0x2] =	stream.indirect.gather [hbm4b:s4+s14], $0x80, s10, s14, $0xb8;
	[tilespmem:$0x1C400] =	vst v63  }
0x12f: {  	_ = 	snop  }
0x130: {  	[spmem:s2] =	stream.indirect.scatter.add.f32 [tilespmem:s15], [sflag:$0x3], $0x80, s13, s20, $0xb8;
	[tilespmem:$0x1C400] =	vst v63  }
0x131: {  	_ =	swait.ge [sflag:s11], $0x4000  }
0x132: {  	[sflag:s11] =	ssyncset.done $0x0  }
0x133: {  	[sflag:s11] =	ssyncadd.s32 $0xFFFFC000  }
0x134: {  	_ =	swait.ge [sflag:s21], $0x2000  }
0x135: {  	[sflag:s21] =	ssyncset.done $0x0  }
0x136: {  	[sflag:s21] =	ssyncadd.s32 $0xFFFFE000  }
0x137: {  	_ =	swait.ge [sflag:s21], $0x2000  }
0x138: {  	[sflag:s21] =	ssyncset.done $0x0  }
0x139: {  	s10 =	rddreg [dreg:$0x8];
	[sflag:s21] =	ssyncadd.s32 $0xFFFFE000  }
0x13a: {  	[tilespmem:s15], [sflag:$0x1] =	stream.indirect.gather [hbm4b:s4+s14], $0x80, s10, s14, $0xb8;
	[tilespmem:$0x1C400] =	vst v63  }
0x13b: {  	s24 =	rddreg [dreg:$0x9]  }
0x13c: {  	[tilespmem:s16], [sflag:$0x1] =	stream.indirect.gather [hbm4b:s4+s14], $0x80, s24, s14, $0xb8;
	[tilespmem:$0x1C400] =	vst v63  }
0x13d: {  	s25 =	rddreg [dreg:$0xa]  }
0x13e: {  	[spmem:s2] =	stream.indirect.scatter.add.f32 [tilespmem:s18], [sflag:$0x3], $0x80, s25, s20, $0xb8;
	[tilespmem:$0x1C400] =	vst v63  }
0x13f: {  	_ =	swait.ge [sflag:s11], $0x4000  }
0x140: {  	[sflag:s11] =	ssyncset.done $0x0  }
0x141: {  	[sflag:s11] =	ssyncadd.s32 $0xFFFFC000  }
0x142: {  	_ =	swait.ge [sflag:s17], $0x2000  }
0x143: {  	[sflag:s17] =	ssyncset.done $0x0  }
0x144: {  	[sflag:s17] =	ssyncadd.s32 $0xFFFFE000  }
0x145: {  	_ =	swait.ge [sflag:s17], $0x2000  }
0x146: {  	[sflag:s17] =	ssyncset.done $0x0  }
0x147: {  	s10 =	rddreg [dreg:$0xb];
	[sflag:s17] =	ssyncadd.s32 $0xFFFFE000  }
0x148: {  	[tilespmem:s18], [sflag:$0x2] =	stream.indirect.gather [hbm4b:s4+s14], $0x80, s10, s14, $0xb8;
	[tilespmem:$0x1C400] =	vst v63  }
0x149: {  	s24 =	rddreg [dreg:$0xc]  }
0x14a: {  	[tilespmem:s19], [sflag:$0x2] =	stream.indirect.gather [hbm4b:s4+s14], $0x80, s24, s14, $0xb8;
	[tilespmem:$0x1C400] =	vst v63  }
0x14b: {  	s25 =	rddreg [dreg:$0xd]  }
0x14c: {  	[spmem:s2] =	stream.indirect.scatter.add.f32 [tilespmem:s15], [sflag:$0x3], $0x80, s25, s20, $0xb8;
	[tilespmem:$0x1C400] =	vst v63  }
0x14d: {  	_ =	swait.ge [sflag:s11], $0x4000  }
0x14e: {  	[sflag:s11] =	ssyncset.done $0x0  }
0x14f: {  	[sflag:s11] =	ssyncadd.s32 $0xFFFFC000  }
0x150: {  	_ =	swait.ge [sflag:s21], $0x2000  }
0x151: {  	[sflag:s21] =	ssyncset.done $0x0  }
0x152: {  	[sflag:s21] =	ssyncadd.s32 $0xFFFFE000  }
0x153: {  	_ =	swait.ge [sflag:s21], $0x2000  }
0x154: {  	[sflag:s21] =	ssyncset.done $0x0  }
0x155: {  	[sflag:s21] =	ssyncadd.s32 $0xFFFFE000  }
0x156: {  	[tilespmem:s15], [sflag:$0x1] =	stream.indirect.gather [hbm4b:s4+s14], $0x80, s22, s14, $0xb8;
	[tilespmem:$0x1C400] =	vst v63  }
0x157: {  	_ = 	snop  }
0x158: {  	[tilespmem:s16], [sflag:$0x1] =	stream.indirect.gather [hbm4b:s4+s14], $0x80, s23, s14, $0xb8;
	[tilespmem:$0x1C400] =	vst v63  }
0x159: {  	_ = 	snop  }
0x15a: {  	[spmem:s2] =	stream.indirect.scatter.add.f32 [tilespmem:s18], [sflag:$0x3], $0x80, s26, s20, $0xb8;
	[tilespmem:$0x1C400] =	vst v63  }
0x15b: {  	_ =	swait.ge [sflag:s11], $0x4000  }
0x15c: {  	[sflag:s11] =	ssyncset.done $0x0  }
0x15d: {  	[sflag:s11] =	ssyncadd.s32 $0xFFFFC000  }
0x15e: {  	_ =	swait.ge [sflag:s17], $0x2000  }
0x15f: {  	[sflag:s17] =	ssyncset.done $0x0  }
0x160: {  	[sflag:s17] =	ssyncadd.s32 $0xFFFFE000  }
0x161: {  	_ =	swait.ge [sflag:s17], $0x2000  }
0x162: {  	[sflag:s17] =	ssyncset.done $0x0  }
0x163: {  	[sflag:s17] =	ssyncadd.s32 $0xFFFFE000  }
0x164: {  	[tilespmem:s18], [sflag:$0x2] =	stream.indirect.gather [hbm4b:s4+s14], $0x80, s28, s14, $0xb8;
	[tilespmem:$0x1C400] =	vst v63  }
0x165: {  	_ = 	snop  }
0x166: {  	[tilespmem:s19], [sflag:$0x2] =	stream.indirect.gather [hbm4b:s4+s14], $0x80, s29, s14, $0xb8;
	[tilespmem:$0x1C400] =	vst v63  }
0x167: {  	_ = 	snop  }
0x168: {  	[spmem:s2] =	stream.indirect.scatter.add.f32 [tilespmem:s15], [sflag:$0x3], $0x80, s30, s20, $0xb8;
	[tilespmem:$0x1C400] =	vst v63  }
0x169: {  	_ =	swait.ge [sflag:s11], $0x4000  }
0x16a: {  	[sflag:s11] =	ssyncset.done $0x0  }
0x16b: {  	[sflag:s11] =	ssyncadd.s32 $0xFFFFC000  }
0x16c: {  	_ =	swait.ge [sflag:s21], $0x2000  }
0x16d: {  	[sflag:s21] =	ssyncset.done $0x0  }
0x16e: {  	[sflag:s21] =	ssyncadd.s32 $0xFFFFE000  }
0x16f: {  	_ =	swait.ge [sflag:s21], $0x2000  }
0x170: {  	[sflag:s21] =	ssyncset.done $0x0  }
0x171: {  	[sflag:s21] =	ssyncadd.s32 $0xFFFFE000  }
0x172: {  	[tilespmem:s15], [sflag:$0x1] =	stream.indirect.gather [hbm4b:s4+s14], $0x80, s31, s14, $0xb8;
	[tilespmem:$0x1C400] =	vst v63  }
0x173: {  	_ = 	snop  }
0x174: {  	[tilespmem:s16], [sflag:$0x1] =	stream.indirect.gather [hbm4b:s4+s14], $0x80, s1, s14, $0xb8;
	[tilespmem:$0x1C400] =	vst v63  }
0x175: {  	_ = 	snop  }
0x176: {  	[spmem:s2] =	stream.indirect.scatter.add.f32 [tilespmem:s18], [sflag:$0x3], $0x80, s0, s20, $0xb8;
	[tilespmem:$0x1C400] =	vst v63  }
0x177: {  	_ =	swait.ge [sflag:s11], $0x4000  }
0x178: {  	[sflag:s11] =	ssyncset.done $0x0  }
0x179: {  	[sflag:s11] =	ssyncadd.s32 $0xFFFFC000  }
0x17a: {  	_ =	swait.ge [sflag:s17], $0x2000  }
0x17b: {  	[sflag:s17] =	ssyncset.done $0x0  }
0x17c: {  	[sflag:s17] =	ssyncadd.s32 $0xFFFFE000  }
0x17d: {  	_ =	swait.ge [sflag:s17], $0x2000  }
0x17e: {  	[sflag:s17] =	ssyncset.done $0x0  }
0x17f: {  	[sflag:s17] =	ssyncadd.s32 $0xFFFFE000  }
0x180: {  	[tilespmem:s18], [sflag:$0x2] =	stream.indirect.gather [hbm4b:s4+s14], $0x80, s5, s14, $0xb8;
	[tilespmem:$0x1C400] =	vst v63  }
0x181: {  	_ = 	snop  }
0x182: {  	[tilespmem:s19], [sflag:$0x2] =	stream.indirect.gather [hbm4b:s4+s14], $0x80, s7, s14, $0xb8;
	[tilespmem:$0x1C400] =	vst v63  }
0x183: {  	_ = 	snop  }
0x184: {  	[spmem:s2] =	stream.indirect.scatter.add.f32 [tilespmem:s15], [sflag:$0x3], $0x80, s8, s20, $0xb8;
	[tilespmem:$0x1C400] =	vst v63  }
0x185: {  	_ =	swait.ge [sflag:s11], $0x4000  }
0x186: {  	[sflag:s11] =	ssyncset.done $0x0  }
0x187: {  	[sflag:s11] =	ssyncadd.s32 $0xFFFFC000  }
0x188: {  	_ =	swait.ge [sflag:s21], $0x2000  }
0x189: {  	[sflag:s21] =	ssyncset.done $0x0  }
0x18a: {  	[sflag:s21] =	ssyncadd.s32 $0xFFFFE000  }
0x18b: {  	_ =	swait.ge [sflag:s21], $0x2000  }
0x18c: {  	[sflag:s21] =	ssyncset.done $0x0  }
0x18d: {  	[sflag:s21] =	ssyncadd.s32 $0xFFFFE000  }
0x18e: {  	[spmem:s2] =	stream.indirect.scatter.add.f32 [tilespmem:s18], [sflag:$0x3], $0x80, s9, s20, $0xb8;
	[tilespmem:$0x1C400] =	vst v63  }
0x18f: {  	_ =	swait.ge [sflag:s11], $0x4000  }
0x190: {  	[sflag:s11] =	ssyncset.done $0x0  }
0x191: {  	[sflag:s11] =	ssyncadd.s32 $0xFFFFC000  }
0x192: {  	[bflag:$0x0] =	sbarrier.arrive $0xFFFF  }
0x193: {  	s24 =	rddreg [dreg:$0xf]  }
0x194: {  	s10 =	rddreg [dreg:$0x10]  }
0x195: {  	s25 =	rddreg [dreg:$0x14]  }
0x196: {  	[hbm:s10], [sflag:s24] =	dma.local [spmem:s25], $0x2700  }
0x197: {  	_ =	swait.ge [sflag:s11], $0x2700  }
0x198: {  	[sflag:s11] =	ssyncset.done $0x0;
	s6 =	rddreg [dreg:$0x11]  }
0x199: {  	s10 =	rddreg [dreg:$0x15];
	[sflag:s11] =	ssyncadd.s32 $0xFFFFD900  }
0x19a: {  	[hbm:s6], [sflag:s24] =	dma.local @!p0 [spmem:s10], $0x100  }
0x19b: {  	s6 =	simm.s32 @!p0 $0x3  }
0x19c: {  	_ =	swait.ge @!p0 [sflag:s6], $0x100  }
0x19d: {  	s25 =	rddreg [dreg:$0x16]  }
0x19e: {  	s10 =	rddreg [dreg:$0x12];
	s25 =	sadd.s32 $0x1, s25  }
0x19f: {  	p1 =	sne.s32 s25, s10  }
.Ltmp1:
0x1a0: {  	_ = 	snop;
	(pc) =	sbr.rel @p1 .LBB2_1-.Ltmp1, $3  }
0x1a1: {  	_ =	sdelay $0x1  }
0x1a2: {  	[sflag:s6] =	ssyncset.done @!p0 $0x0  }
0x1a3: {  	[sflag:s6] =	ssyncadd.s32 @!p0 $0xFFFFFF00  }
0x1a4: {  	_ =	sfence.sel $0x180000  }
0x1a5: {  	[bflag:$0x0] =	sbarrier.arrive $0xFFFF  }
0x1a6: {  	_ =	strace $0x9000004D  }
0x1a7: {  	s0 =	stileid.u32;
	[bflag:$0x2] =	sbarrier.arrive $0xFFFF  }
0x1a8: {  	p0 =	sne.s32 s0, $0x0;
	s0 =	rddreg [dreg:$0x2]  }
0x1a9: {  	s0 =	sadd.s32 @!p0 $0x100000, s0  }
0x1aa: {  	[sflag:s0] =	ssyncadd.tile.s32 @!p0 $0x1;
	_ =	shalt  }
.Lfunc_end2:
_tile_overlayer_lowered:
.L_overlay_start_2:
0x1ab: {  	(tag) =	ssettag $0x2  }
0x1ac: {  	s0 =	rddreg [dreg:$0x0];
	s2 =	stileid.u32  }
0x1ad: {  	s1 =	rddreg [dreg:$0x1];
	p0 =	sne.s32 s2, $0x0  }
0x1ae: {  	s3 =	rddreg [dreg:$0x2];
	[bflag:$0x3] =	sbarrier.arrive $0xFFFF;
	s2 =	simm.s32 @!p0 $0x1C03  }
0x1af: {  	[timem:s3], [sflag:s2] =	dma.local @!p0 [hbm:s0], s1  }
0x1b0: {  	s0 =	simm.s32 @!p0 $0x3  }
0x1b1: {  	_ =	swait.ge @!p0 [sflag:s0], s1  }
0x1b2: {  	s1 =	ssub.s32 @!p0 $0x0, s1;
	[sflag:s0] =	ssyncset.done @!p0 $0x0  }
0x1b3: {  	[sflag:s0] =	ssyncadd.s32 @!p0 s1  }
0x1b4: {  	[bflag:$0x3] =	sbarrier.arrive $0xFFFF  }
0x1b5: {  	_ =	shalt  }

// kernel: kernel.20.cloned.1.call-start
scs
__scs_entry_jumppad:
0x0: {  	(pc) =	sbr.rel $0x88, $3  }
0x1: {  	(tag) =	ssettag $0x0;
	lr =	simm.s32 $0x1  }
0x2: {  	[smem:$0x3F96] =	sst lr;
	_ =	strace $0xD0000000  }
0x3: {  	_ = 	snop  }
0x4: {  	_ = 	snop  }
0x5: {  	_ = 	snop  }
0x6: {  	_ = 	snop  }
0x7: {  	_ = 	snop  }
__scs_overlays_trampoline_lowered:
0x8: {  	[smem:$0x3FA5] =	sst s0  }
0x9: {  	[smem:$0x3FA6] =	sst s1  }
0xa: {  	[smem:$0x3FA7] =	sst s2  }
0xb: {  	[smem:$0x3FA8] =	sst s3  }
0xc: {  	[smem:$0x3FA9] =	sst s4  }
0xd: {  	[smem:$0x3FAA] =	sst s5  }
0xe: {  	[smem:$0x3FAB] =	sst s6  }
0xf: {  	[smem:$0x3FAC] =	sst s7  }
0x10: {  	[smem:$0x3FAD] =	sst s8  }
0x11: {  	[smem:$0x3FAE] =	sst s9;
	s0 =	simm.s32 @!p0 $0x0  }
0x12: {  	s1 =	sld [smem:$0x3F94];
	s0 =	simm.s32 @p0 $0x1  }
0x13: {  	[smem:$0x3FAF] =	sst s0;
	s0 =	simm.s32 @!p1 $0x0  }
0x14: {  	s2 =	sld [smem:$0x3F93];
	s0 =	simm.s32 @p1 $0x1  }
0x15: {  	[smem:$0x3FB0] =	sst s0;
	s0 =	simm.s32 @!p2 $0x0  }
0x16: {  	s3 =	sld [smem:$0x3FDB];
	s0 =	simm.s32 @p2 $0x1  }
0x17: {  	s4 =	simm.s32 $0x1BF5;
	[smem:$0x3FB2] =	sst s0  }
0x18: {  	s0 =	sld [smem:$0x3F95];
	_ =	swait.ge [sflag:s4], $0x0  }
0x19: {  	s7 =	sld [smem:$0x3F96]  }
0x1a: {  	s8 =	sadd.s32 $0xFFFFE003, lr  }
0x1b: {  	s9 =	sadd.s32 $0xFFFFFEF7, lr;
	s5 =	simm.s32 $0xFFFFFFFF;
	p2 =	slt.u32 s8, $0xFFFFF086  }
0x1c: {  	p1 =	slt.u32 s9, $0xF7A;
	s5 =	simm.s32 @!p2 $0x0  }
0x1d: {  	s5 =	simm.s32 @p1 $0x1;
	p0 =	seq.s32 s7, s2  }
0x1e: {  	s7 =	smul.u32 @!p0 $0xF7A, s2;
	p2 =	seq.s32 @!p0 s5, $0x0  }
0x1f: {  	s9 =	smul.u32 $0xF7A, s1;
	s8 =	simm.s32 @!p0 $0x1BF5;
	p2 =	por !p2, p0  }
0x20: {  	[sflag:s8] =	ssyncset.s32 @!p0 $0xFFFFF086;
	s6 =	sadd.s32 @!p0 s3, s7;
	s7 =	simm.s32 @!p0 $0x108  }
0x21: {  	s3 =	sadd.s32 s3, s9;
	s6 =	sadd.s32 @!p0 $0x88, s6;
	s7 =	simm.s32 @p2 $0x1082  }
0x22: {  	[simem:s7], [sflag:s8] =	dma.local @!p0 [hbm:s6], $0xF7A  }
0x23: {  	s9 =	sor.u32 $0xD0000000, s2;
	s6 =	simm.s32 $0x108;
	_ =	swait.ge @!p0 [sflag:s8], $0x0  }
0x24: {  	s3 =	sadd.s32 $0x88, s3;
	s6 =	simm.s32 @!p1 $0x1082;
	[sflag:s4] =	ssyncset.s32 $0xFFFFF086  }
0x25: {  	[simem:s6], [sflag:s4] =	dma.local [hbm:s3], $0xF7A  }
0x26: {  	[smem:$0x3F96] =	sst s1;
	(tag) =	ssettag s2;
	_ =	strace s9  }
0x27: {  	s1 =	sld [smem:$0x3FA6]  }
0x28: {  	s2 =	sld [smem:$0x3FA7]  }
0x29: {  	s4 =	sld [smem:$0x3FA9]  }
0x2a: {  	p0 =	seq.s32 s5, $0x0;
	s5 =	sld [smem:$0x3FAA]  }
0x2b: {  	s6 =	sld [smem:$0x3FAB]  }
0x2c: {  	s7 =	sld [smem:$0x3FAC]  }
0x2d: {  	s3 =	simm.s32 $0x108;
	s8 =	sld [smem:$0x3FAD]  }
0x2e: {  	s3 =	simm.s32 @!p0 $0x1082;
	s9 =	sld [smem:$0x3FAE]  }
0x2f: {  	lr =	sadd.s32 s0, s3;
	s0 =	sld [smem:$0x3FA5]  }
0x30: {  	s3 =	sld [smem:$0x3FA8]  }
0x31: {  	[smem:$0x3FB1] =	sst s10  }
0x32: {  	s10 =	sld [smem:$0x3FAF];
	_ =	sdelay $0x3  }
0x33: {  	p0 =	seq.s32 s10, $0x1;
	s10 =	sld [smem:$0x3FB1];
	_ =	sdelay $0x3  }
0x34: {  	[smem:$0x3FB1] =	sst s10  }
0x35: {  	s10 =	sld [smem:$0x3FB0];
	_ =	sdelay $0x3  }
0x36: {  	p1 =	seq.s32 s10, $0x1;
	s10 =	sld [smem:$0x3FB1];
	_ =	sdelay $0x3  }
0x37: {  	[smem:$0x3FB1] =	sst s10  }
0x38: {  	s10 =	sld [smem:$0x3FB2]  }
0x39: {  	_ = 	snop;
	(pc) =	sbr.ind lr, $3  }
0x3a: {  	_ = 	snop  }
0x3b: {  	_ = 	snop  }
0x3c: {  	p2 =	seq.s32 s10, $0x1;
	s10 =	sld [smem:$0x3FB1]  }
0x3d: {  	_ =	shalt  }
0x3e: {  	_ =	shalt  }
0x3f: {  	_ =	shalt  }
0x40: {  	_ =	shalt  }
0x41: {  	_ =	shalt  }
0x42: {  	_ =	shalt  }
0x43: {  	_ =	shalt  }
0x44: {  	_ =	shalt  }
0x45: {  	_ =	shalt  }
0x46: {  	_ =	shalt  }
0x47: {  	_ =	shalt  }
0x48: {  	_ =	shalt  }
0x49: {  	_ =	shalt  }
0x4a: {  	_ =	shalt  }
0x4b: {  	_ =	shalt  }
0x4c: {  	_ =	shalt  }
0x4d: {  	_ =	shalt  }
0x4e: {  	_ =	shalt  }
0x4f: {  	_ =	shalt  }
0x50: {  	_ =	shalt  }
0x51: {  	_ =	shalt  }
0x52: {  	_ =	shalt  }
0x53: {  	_ =	shalt  }
0x54: {  	_ =	shalt  }
0x55: {  	_ =	shalt  }
0x56: {  	_ =	shalt  }
0x57: {  	_ =	shalt  }
0x58: {  	_ =	shalt  }
0x59: {  	_ =	shalt  }
0x5a: {  	_ =	shalt  }
0x5b: {  	_ =	shalt  }
0x5c: {  	_ =	shalt  }
0x5d: {  	_ =	shalt  }
0x5e: {  	_ =	shalt  }
0x5f: {  	_ =	shalt  }
0x60: {  	_ =	shalt  }
0x61: {  	_ =	shalt  }
0x62: {  	_ =	shalt  }
0x63: {  	_ =	shalt  }
0x64: {  	_ =	shalt  }
0x65: {  	_ =	shalt  }
0x66: {  	_ =	shalt  }
0x67: {  	_ =	shalt  }
0x68: {  	_ =	shalt  }
0x69: {  	_ =	shalt  }
0x6a: {  	_ =	shalt  }
0x6b: {  	_ =	shalt  }
0x6c: {  	_ =	shalt  }
0x6d: {  	_ =	shalt  }
0x6e: {  	_ =	shalt  }
0x6f: {  	_ =	shalt  }
0x70: {  	_ =	shalt  }
0x71: {  	_ =	shalt  }
0x72: {  	_ =	shalt  }
0x73: {  	_ =	shalt  }
0x74: {  	_ =	shalt  }
0x75: {  	_ =	shalt  }
0x76: {  	_ =	shalt  }
0x77: {  	_ =	shalt  }
0x78: {  	_ =	shalt  }
0x79: {  	_ =	shalt  }
0x7a: {  	_ =	shalt  }
0x7b: {  	_ =	shalt  }
0x7c: {  	_ =	shalt  }
0x7d: {  	_ =	shalt  }
0x7e: {  	_ =	shalt  }
0x7f: {  	_ =	shalt  }
0x80: {  	_ =	shalt  }
0x81: {  	_ =	shalt  }
0x82: {  	_ =	shalt  }
0x83: {  	_ =	shalt  }
0x84: {  	_ =	shalt  }
0x85: {  	_ =	shalt  }
0x86: {  	_ =	shalt  }
0x87: {  	_ =	shalt  }
.Lfunc_end0:
.L_simem_size_0:
called_computation.3_lowered:
.L_overlay_start_0:
0x88: {  	s2 =	sld [smem:$0x3FD9]  }
0x89: {  	s3 =	sld [smem:$0x3FFE];
	_ =	sdelay $0x1  }
0x8a: {  	s1 =	srdreg.scid  }
0x8b: {  	s0 =	sand.u32 $0x1, s1  }
0x8c: {  	s16 =	sshll.u32 s0, $0xA;
	s2 =	sadd.s32 s3, s2  }
0x8d: {  	s2 =	sadd.s32 s2, s16  }
0x8e: {  	[smem:$0x3FBD] =	sst s2  }
0x8f: {  	_ = 	snop  }
0x90: {  	(tm) =	ssettm $0x1  }
0x91: {  	s17 =	sld [smem:$0x3FFB];
	_ =	sdelay $0x3  }
0x92: {  	_ =	strace s17  }
0x93: {  	s2 =	sld [smem:$0x3FFC];
	_ =	sdelay $0x3  }
0x94: {  	_ =	strace s2  }
0x95: {  	s2 =	sld [smem:$0x3FFD];
	_ =	sdelay $0x3  }
0x96: {  	_ =	strace s2  }
0x97: {  	_ =	strace $0x8FFFFFFF  }
0x98: {  	s18 =	sld [smem:$0x3FDB];
	_ =	sdelay $0x1  }
0x99: {  	s19 =	simm.s32 $_scs_section_size  }
0x9a: {  	s4 =	simm.s32 $_size__tile_overlayer_lowered;
	s5 =	simm.s32 $_tile_overlayer_lowered  }
0x9b: {  	s22 =	simm.s32 $0x1BFF;
	s21 =	sshll.u32 s5, $0x1;
	s2 =	sadd.s32 s19, s18  }
0x9c: {  	s6 =	simm.s32 $0x0;
	s20 =	sshll.u32 s4, $0x1;
	s4 =	sadd.s32 s21, s2  }
0x9d: {  	[timem:s6], [sflag:s22] =	dma.local [hbm:s4], s20  }
0x9e: {  	_ =	swait.ge [sflag:s22], s20  }
0x9f: {  	s3 =	ssub.s32 $0x0, s20;
	[sflag:s22] =	ssyncset.done $0x0  }
0xa0: {  	[sflag:s22] =	ssyncadd.s32 s3;
	_ =	sdelay $0x1  }
0xa1: {  	s23 =	simm.s32 $0x1B8B  }
0xa2: {  	_ =	swait.ge [sflag:s23], $0x1  }
0xa3: {  	[sflag:s23] =	ssyncset.done $0x0  }
0xa4: {  	s25 =	simm.s32 $0x1B8E;
	s24 =	sld [smem:$0x3FFE];
	[sflag:s23] =	ssyncadd.s32 $0xFFFFFFFF  }
0xa5: {  	s26 =	simm.s32 $execute0_lowered;
	[smem:$0x3FD2] =	sst s25  }
0xa6: {  	s4 =	sshll.u32 s26, $0x1;
	_ =	strace $0x8000004F;
	[dreg:$0x1] =	wrdreg $0xFFFFFFFF  }
0xa7: {  	s28 =	simm.s32 $_size_execute0_lowered;
	s2 =	sadd.s32 s2, s4;
	[dreg:$0x0] =	wrdreg $0x0  }
0xa8: {  	s4 =	sshll.u32 s28, $0x1;
	[dreg:$0x2] =	wrdreg s2  }
0xa9: {  	[dreg:$0x3] =	wrdreg s4  }
0xaa: {  	[dreg:$0x4] =	wrdreg $0xC0  }
0xab: {  	_ =	task [dreg:s6], $0x5FFFF  }
0xac: {  	[dreg:$0x1] =	wrdreg $0xFFFFFFFF  }
0xad: {  	[dreg:$0x0] =	wrdreg $0x60  }
0xae: {  	[dreg:$0x2] =	wrdreg s24  }
0xaf: {  	[dreg:$0x3] =	wrdreg $0x0  }
0xb0: {  	[dreg:$0x4] =	wrdreg $0x9  }
0xb1: {  	_ =	task.clear_ibuf [dreg:s6], $0x5FFFF;
	_ =	strace $0x9000004F  }
0xb2: {  	s29 =	simm.s32 $0x9;
	_ =	strace $0x80000051  }
0xb3: {  	_ =	swait.ge [sflag:s29], $0x1  }
0xb4: {  	[sflag:s29] =	ssyncadd.s32 $0xFFFFFFFF  }
0xb5: {  	_ =	strace $0x90000051  }
0xb6: {  	_ =	sfence  }
0xb7: {  	s30 =	sld [smem:$0x0];
	_ =	sdelay $0x2  }
0xb8: {  	s31 =	sshll.u32 s1, $0xD;
	s1 =	sshrl.u32 s1, $0x2  }
0xb9: {  	s3 =	sand.u32 $0x4000, s31;
	s1 =	sadd.s32 s1, s30  }
0xba: {  	s0 =	sor.u32 s3, s0;
	s1 =	sshll.u32 s1, $0x11  }
0xbb: {  	s0 =	sor.u32 s1, s0  }
0xbc: {  	s0 =	sadd.s32 $0x8F2B, s0  }
0xbd: {  	[sflag:s0] =	ssyncadd.remote.s32 $0x1  }
0xbe: {  	_ =	sfence.sel $0xFFFF  }
0xbf: {  	[dreg:$0x0] =	wrdreg $0xFFFFFFFF;
	(pc) =	sbr.abs _section_cstart, $3  }
0xc0: {  	[dreg:$0x1] =	wrdreg $0xFFFFFFFF  }
0xc1: {  	_ =	task.clear_ibuf [dreg:s6], $0x2FFFF;
	_ =	strace $0x9FFFFFFF  }
0xc2: {  	(tm) =	ssettm $0x7FFFFFFF  }
0xc3: {  	_ =	shalt  }
tec
execute0_lowered:
.L_overlay_start_1:
0x0: {  	(tag) =	ssettag $0x1  }
0x1: {  	s0 =	srdreg.scid;
	s1 =	rddreg [dreg:$0x0]  }
0x2: {  	s23 =	stileid.u32;
	s2 =	rddreg [dreg:$0x1]  }
0x3: {  	s3 =	simm.s32 $0x0;
	s15 =	simm.s32 $0x13C40;
	s16 =	simm.s32 $0x13C80  }
0x4: {  	s17 =	simm.s32 $0x13CC0;
	s18 =	simm.s32 $0x13D00;
	s19 =	simm.s32 $0x13D40  }
0x5: {  	s28 =	simm.s32 $0x13E80;
	s29 =	simm.s32 $0x13EC0;
	s5 =	smul.u32 $0x2800, s23  }
0x6: {  	s30 =	simm.s32 $0x14200;
	s31 =	simm.s32 $0x13F00;
	s7 =	smul.u32 $0x4F000, s23  }
0x7: {  	s0 =	sand.u32 $0x1, s0;
	[smem:$0x7FF] =	sst s3;
	s10 =	smul.u32 $0x13800, s23  }
0x8: {  	s8 =	sadd.s32 $0x74600, s1;
	s21 =	sshll.u32 s23, $0x6;
	s11 =	smul.u32 $0x4E000, s23  }
0x9: {  	s25 =	smul.u32 $0x500, s23;
	p0 =	sne.s32 s23, $0xF;
	s23 =	simm.s32 $0x13E40  }
0xa: {  	s4 =	smul.u32 $0x78000, s0;
	_ =	strace $0x80000050;
	[dreg:$0xe] =	wrdreg s8  }
0xb: {  	s6 =	smul.u32 $0x5000, s0;
	s20 =	ssub.s32 $0x2, s0;
	[dreg:$0x5] =	wrdreg s15  }
0xc: {  	s0 =	smul.u32 $0x138800, s0;
	s24 =	sor.u32 $0x1C03, s21;
	[dreg:$0x6] =	wrdreg s16  }
0xd: {  	s15 =	simm.s32 $0x14400;
	s16 =	simm.s32 $0x16400;
	[dreg:$0x7] =	wrdreg s17  }
0xe: {  	s17 =	simm.s32 $0x1;
	[dreg:$0x8] =	wrdreg s18;
	s18 =	simm.s32 $0x18400  }
0xf: {  	[dreg:$0x9] =	wrdreg s19;
	s19 =	simm.s32 $0x1A400;
	s21 =	simm.s32 $0x13D80  }
0x10: {  	s9 =	sshrl.u32 s20, $0x1;
	s7 =	sshrl.u32 s7, $0x2;
	[dreg:$0xb] =	wrdreg s21  }
0x11: {  	s26 =	sshrl.u32 s11, $0x2;
	s21 =	simm.s32 $0x2;
	[dreg:$0xf] =	wrdreg s24  }
0x12: {  	s5 =	sadd.s32 s5, s4;
	s4 =	sadd.s32 $0x76E00, s1;
	s6 =	sadd.s32 s6, s1  }
0x13: {  	s8 =	ssub.s32 s20, s9;
	s7 =	sadd.s32 s7, s2;
	s10 =	sadd.s32 s10, s0  }
0x14: {  	s0 =	sshrl.u32 s0, $0x3;
	s20 =	simm.s32 $0x14080;
	s5 =	sshrl.u32 s5, $0x3  }
0x15: {  	s22 =	sshrl.u32 s10, $0x3;
	s11 =	sadd.s32 s25, s6;
	s12 =	smax.u32 s8, $0x1  }
0x16: {  	s14 =	sshrl.u32 s7, $0x3;
	[dreg:$0xa] =	wrdreg s20;
	s20 =	simm.s32 $0x80  }
0x17: {  	s25 =	simm.s32 $0x14100;
	s7 =	simm.s32 $0x13FC0;
	s8 =	simm.s32 $0x14300  }
0x18: {  	s5 =	sadd.s32 s5, s1;
	s1 =	sadd.s32 $0xC5000, s1;
	[dreg:$0x12] =	wrdreg s12  }
0x19: {  	[dreg:$0x13] =	wrdreg s14;
	s12 =	simm.s32 $0x13C00;
	s14 =	simm.s32 $0x40  }
0x1a: {  	[dreg:$0xd] =	wrdreg s25;
	s25 =	simm.s32 $0x0;
	s9 =	sadd.s32 s1, s22  }
0x1b: {  	s0 =	sadd.s32 s1, s0;
	s1 =	sadd.s32 $0x1C400, s11;
	s13 =	sadd.s32 $0x8400, s5  }
0x1c: {  	s11 =	simm.s32 $0x3;
	s22 =	simm.s32 $0x13DC0;
	[dreg:$0x10] =	wrdreg s9  }
0x1d: {  	s5 =	simm.s32 $0x13F80;
	s9 =	sadd.s32 s26, s2;
	[dreg:$0x3] =	wrdreg s1  }
0x1e: {  	s0 =	sadd.s32 $0x27000, s0;
	[dreg:$0x4] =	wrdreg s13;
	s13 =	simm.s32 $0x14000  }
0x1f: {  	[dreg:$0xc] =	wrdreg s22;
	s22 =	simm.s32 $0x13E00;
	s1 =	simm.s32 $0x13F40  }
0x20: {  	[dreg:$0x11] =	wrdreg s0;
	s0 =	sadd.s32 $0x138000, s2;
	s26 =	sshrl.u32 s9, $0x3  }
0x21: {  	s9 =	simm.s32 $0x14380;
	[dreg:$0x14] =	wrdreg s26;
	s0 =	sshrl.u32 @!p0 s0, $0x3  }
0x22: {  	s26 =	simm.s32 $0x14180;
	[dreg:$0x15] =	wrdreg s0;
	s0 =	simm.s32 $0x14280  }
.LBB2_1:
0x23: {  	[dreg:$0x16] =	wrdreg s25  }
0x24: {  	s6 =	rddreg [dreg:$0xe]  }
0x25: {  	s10 =	rddreg [dreg:$0x13]  }
0x26: {  	[spmem:s10], [sflag:s24] =	dma.local [hbm:s6], $0x2780  }
0x27: {  	_ =	swait.ge [sflag:s11], $0x2780  }
0x28: {  	[sflag:s11] =	ssyncset.done $0x0  }
0x29: {  	[sflag:s11] =	ssyncadd.s32 $0xFFFFD880  }
0x2a: {  	[bflag:$0x0] =	sbarrier.arrive $0xFFFF  }
0x2b: {  	s25 =	rddreg [dreg:$0x4]  }
0x2c: {  	s6 =	sadd.s32 $0x0, s25  }
0x2d: {  	[tilespmem:s12], [sflag:$0x3] =	stream.linear.gather [hbm4b:s6+s3], $0x400, $0x38;
	[tilespmem:$0x1C400] =	vst v63  }
0x2e: {  	_ =	swait.ge [sflag:s11], $0x400  }
0x2f: {  	s10 =	rddreg [dreg:$0x3];
	[sflag:s11] =	ssyncset.done $0x0  }
0x30: {  	[sflag:s11] =	ssyncadd.s32 $0xFFFFFC00;
	s6 =	sadd.s32 $0x0, s10  }
0x31: {  	[tilespmem:s13], [sflag:$0x3] =	stream.linear.gather [hbm4b:s6+s3], $0x400, $0x38;
	[tilespmem:$0x1C400] =	vst v63  }
0x32: {  	_ =	swait.ge [sflag:s11], $0x400  }
0x33: {  	[sflag:s11] =	ssyncset.done $0x0  }
0x34: {  	[sflag:s11] =	ssyncadd.s32 $0xFFFFFC00  }
0x35: {  	[tilespmem:s15], [sflag:$0x1] =	stream.indirect.gather [hbm4b:s4+s14], $0x80, s12, s14, $0xb8;
	[tilespmem:$0x1C400] =	vst v63  }
0x36: {  	s24 =	rddreg [dreg:$0x5]  }
0x37: {  	[tilespmem:s16], [sflag:$0x1] =	stream.indirect.gather [hbm4b:s4+s14], $0x80, s24, s14, $0xb8;
	[tilespmem:$0x1C400] =	vst v63  }
0x38: {  	_ =	swait.ge [sflag:s17], $0x2000  }
0x39: {  	[sflag:s17] =	ssyncset.done $0x0  }
0x3a: {  	[sflag:s17] =	ssyncadd.s32 $0xFFFFE000  }
0x3b: {  	_ =	swait.ge [sflag:s17], $0x2000  }
0x3c: {  	[sflag:s17] =	ssyncset.done $0x0  }
0x3d: {  	s25 =	rddreg [dreg:$0x6];
	[sflag:s17] =	ssyncadd.s32 $0xFFFFE000  }
0x3e: {  	[tilespmem:s18], [sflag:$0x2] =	stream.indirect.gather [hbm4b:s4+s14], $0x80, s25, s14, $0xb8;
	[tilespmem:$0x1C400] =	vst v63  }
0x3f: {  	s10 =	rddreg [dreg:$0x7]  }
0x40: {  	[tilespmem:s19], [sflag:$0x2] =	stream.indirect.gather [hbm4b:s4+s14], $0x80, s10, s14, $0xb8;
	[tilespmem:$0x1C400] =	vst v63  }
0x41: {  	_ = 	snop  }
0x42: {  	[spmem:s2] =	stream.indirect.scatter.add.f32 [tilespmem:s15], [sflag:$0x3], $0x80, s13, s20, $0xb8;
	[tilespmem:$0x1C400] =	vst v63  }
0x43: {  	_ =	swait.ge [sflag:s11], $0x4000  }
0x44: {  	[sflag:s11] =	ssyncset.done $0x0  }
0x45: {  	[sflag:s11] =	ssyncadd.s32 $0xFFFFC000  }
0x46: {  	_ =	swait.ge [sflag:s21], $0x2000  }
0x47: {  	[sflag:s21] =	ssyncset.done $0x0  }
0x48: {  	[sflag:s21] =	ssyncadd.s32 $0xFFFFE000  }
0x49: {  	_ =	swait.ge [sflag:s21], $0x2000  }
0x4a: {  	[sflag:s21] =	ssyncset.done $0x0  }
0x4b: {  	s24 =	rddreg [dreg:$0x8];
	[sflag:s21] =	ssyncadd.s32 $0xFFFFE000  }
0x4c: {  	[tilespmem:s15], [sflag:$0x1] =	stream.indirect.gather [hbm4b:s4+s14], $0x80, s24, s14, $0xb8;
	[tilespmem:$0x1C400] =	vst v63  }
0x4d: {  	s25 =	rddreg [dreg:$0x9]  }
0x4e: {  	[tilespmem:s16], [sflag:$0x1] =	stream.indirect.gather [hbm4b:s4+s14], $0x80, s25, s14, $0xb8;
	[tilespmem:$0x1C400] =	vst v63  }
0x4f: {  	s10 =	rddreg [dreg:$0xa]  }
0x50: {  	[spmem:s2] =	stream.indirect.scatter.add.f32 [tilespmem:s18], [sflag:$0x3], $0x80, s10, s20, $0xb8;
	[tilespmem:$0x1C400] =	vst v63  }
0x51: {  	_ =	swait.ge [sflag:s11], $0x4000  }
0x52: {  	[sflag:s11] =	ssyncset.done $0x0  }
0x53: {  	[sflag:s11] =	ssyncadd.s32 $0xFFFFC000  }
0x54: {  	_ =	swait.ge [sflag:s17], $0x2000  }
0x55: {  	[sflag:s17] =	ssyncset.done $0x0  }
0x56: {  	[sflag:s17] =	ssyncadd.s32 $0xFFFFE000  }
0x57: {  	_ =	swait.ge [sflag:s17], $0x2000  }
0x58: {  	[sflag:s17] =	ssyncset.done $0x0  }
0x59: {  	s25 =	rddreg [dreg:$0xb];
	[sflag:s17] =	ssyncadd.s32 $0xFFFFE000  }
0x5a: {  	[tilespmem:s18], [sflag:$0x2] =	stream.indirect.gather [hbm4b:s4+s14], $0x80, s25, s14, $0xb8;
	[tilespmem:$0x1C400] =	vst v63  }
0x5b: {  	s10 =	rddreg [dreg:$0xc]  }
0x5c: {  	[tilespmem:s19], [sflag:$0x2] =	stream.indirect.gather [hbm4b:s4+s14], $0x80, s10, s14, $0xb8;
	[tilespmem:$0x1C400] =	vst v63  }
0x5d: {  	s25 =	rddreg [dreg:$0xd]  }
0x5e: {  	[spmem:s2] =	stream.indirect.scatter.add.f32 [tilespmem:s15], [sflag:$0x3], $0x80, s25, s20, $0xb8;
	[tilespmem:$0x1C400] =	vst v63  }
0x5f: {  	_ =	swait.ge [sflag:s11], $0x4000  }
0x60: {  	[sflag:s11] =	ssyncset.done $0x0  }
0x61: {  	[sflag:s11] =	ssyncadd.s32 $0xFFFFC000  }
0x62: {  	_ =	swait.ge [sflag:s21], $0x2000  }
0x63: {  	[sflag:s21] =	ssyncset.done $0x0  }
0x64: {  	[sflag:s21] =	ssyncadd.s32 $0xFFFFE000  }
0x65: {  	_ =	swait.ge [sflag:s21], $0x2000  }
0x66: {  	[sflag:s21] =	ssyncset.done $0x0  }
0x67: {  	[sflag:s21] =	ssyncadd.s32 $0xFFFFE000  }
0x68: {  	[tilespmem:s15], [sflag:$0x1] =	stream.indirect.gather [hbm4b:s4+s14], $0x80, s22, s14, $0xb8;
	[tilespmem:$0x1C400] =	vst v63  }
0x69: {  	_ = 	snop  }
0x6a: {  	[tilespmem:s16], [sflag:$0x1] =	stream.indirect.gather [hbm4b:s4+s14], $0x80, s23, s14, $0xb8;
	[tilespmem:$0x1C400] =	vst v63  }
0x6b: {  	_ = 	snop  }
0x6c: {  	[spmem:s2] =	stream.indirect.scatter.add.f32 [tilespmem:s18], [sflag:$0x3], $0x80, s26, s20, $0xb8;
	[tilespmem:$0x1C400] =	vst v63  }
0x6d: {  	_ =	swait.ge [sflag:s11], $0x4000  }
0x6e: {  	[sflag:s11] =	ssyncset.done $0x0  }
0x6f: {  	[sflag:s11] =	ssyncadd.s32 $0xFFFFC000  }
0x70: {  	_ =	swait.ge [sflag:s17], $0x2000  }
0x71: {  	[sflag:s17] =	ssyncset.done $0x0  }
0x72: {  	[sflag:s17] =	ssyncadd.s32 $0xFFFFE000  }
0x73: {  	_ =	swait.ge [sflag:s17], $0x2000  }
0x74: {  	[sflag:s17] =	ssyncset.done $0x0  }
0x75: {  	[sflag:s17] =	ssyncadd.s32 $0xFFFFE000  }
0x76: {  	[tilespmem:s18], [sflag:$0x2] =	stream.indirect.gather [hbm4b:s4+s14], $0x80, s28, s14, $0xb8;
	[tilespmem:$0x1C400] =	vst v63  }
0x77: {  	_ = 	snop  }
0x78: {  	[tilespmem:s19], [sflag:$0x2] =	stream.indirect.gather [hbm4b:s4+s14], $0x80, s29, s14, $0xb8;
	[tilespmem:$0x1C400] =	vst v63  }
0x79: {  	_ = 	snop  }
0x7a: {  	[spmem:s2] =	stream.indirect.scatter.add.f32 [tilespmem:s15], [sflag:$0x3], $0x80, s30, s20, $0xb8;
	[tilespmem:$0x1C400] =	vst v63  }
0x7b: {  	_ =	swait.ge [sflag:s11], $0x4000  }
0x7c: {  	[sflag:s11] =	ssyncset.done $0x0  }
0x7d: {  	[sflag:s11] =	ssyncadd.s32 $0xFFFFC000  }
0x7e: {  	_ =	swait.ge [sflag:s21], $0x2000  }
0x7f: {  	[sflag:s21] =	ssyncset.done $0x0  }
0x80: {  	[sflag:s21] =	ssyncadd.s32 $0xFFFFE000  }
0x81: {  	_ =	swait.ge [sflag:s21], $0x2000  }
0x82: {  	[sflag:s21] =	ssyncset.done $0x0  }
0x83: {  	[sflag:s21] =	ssyncadd.s32 $0xFFFFE000  }
0x84: {  	[tilespmem:s15], [sflag:$0x1] =	stream.indirect.gather [hbm4b:s4+s14], $0x80, s31, s14, $0xb8;
	[tilespmem:$0x1C400] =	vst v63  }
0x85: {  	_ = 	snop  }
0x86: {  	[tilespmem:s16], [sflag:$0x1] =	stream.indirect.gather [hbm4b:s4+s14], $0x80, s1, s14, $0xb8;
	[tilespmem:$0x1C400] =	vst v63  }
0x87: {  	_ = 	snop  }
0x88: {  	[spmem:s2] =	stream.indirect.scatter.add.f32 [tilespmem:s18], [sflag:$0x3], $0x80, s0, s20, $0xb8;
	[tilespmem:$0x1C400] =	vst v63  }
0x89: {  	_ =	swait.ge [sflag:s11], $0x4000  }
0x8a: {  	[sflag:s11] =	ssyncset.done $0x0  }
0x8b: {  	[sflag:s11] =	ssyncadd.s32 $0xFFFFC000  }
0x8c: {  	_ =	swait.ge [sflag:s17], $0x2000  }
0x8d: {  	[sflag:s17] =	ssyncset.done $0x0  }
0x8e: {  	[sflag:s17] =	ssyncadd.s32 $0xFFFFE000  }
0x8f: {  	_ =	swait.ge [sflag:s17], $0x2000  }
0x90: {  	[sflag:s17] =	ssyncset.done $0x0  }
0x91: {  	[sflag:s17] =	ssyncadd.s32 $0xFFFFE000  }
0x92: {  	[tilespmem:s18], [sflag:$0x2] =	stream.indirect.gather [hbm4b:s4+s14], $0x80, s5, s14, $0xb8;
	[tilespmem:$0x1C400] =	vst v63  }
0x93: {  	_ = 	snop  }
0x94: {  	[tilespmem:s19], [sflag:$0x2] =	stream.indirect.gather [hbm4b:s4+s14], $0x80, s7, s14, $0xb8;
	[tilespmem:$0x1C400] =	vst v63  }
0x95: {  	_ = 	snop  }
0x96: {  	[spmem:s2] =	stream.indirect.scatter.add.f32 [tilespmem:s15], [sflag:$0x3], $0x80, s8, s20, $0xb8;
	[tilespmem:$0x1C400] =	vst v63  }
0x97: {  	_ =	swait.ge [sflag:s11], $0x4000  }
0x98: {  	[sflag:s11] =	ssyncset.done $0x0  }
0x99: {  	[sflag:s11] =	ssyncadd.s32 $0xFFFFC000  }
0x9a: {  	_ =	swait.ge [sflag:s21], $0x2000  }
0x9b: {  	[sflag:s21] =	ssyncset.done $0x0  }
0x9c: {  	[sflag:s21] =	ssyncadd.s32 $0xFFFFE000  }
0x9d: {  	_ =	swait.ge [sflag:s21], $0x2000  }
0x9e: {  	[sflag:s21] =	ssyncset.done $0x0  }
0x9f: {  	[sflag:s21] =	ssyncadd.s32 $0xFFFFE000  }
0xa0: {  	[spmem:s2] =	stream.indirect.scatter.add.f32 [tilespmem:s18], [sflag:$0x3], $0x80, s9, s20, $0xb8;
	[tilespmem:$0x1C400] =	vst v63  }
0xa1: {  	s24 =	simm.s32 $0x80;
	_ =	swait.ge [sflag:s11], $0x4000  }
0xa2: {  	s25 =	simm.s32 $0x100;
	s6 =	rddreg [dreg:$0x4];
	[sflag:s11] =	ssyncset.done $0x0  }
.LBB2_2:
0xa3: {  	[sflag:s11] =	ssyncadd.s32 $0xFFFFC000;
	s6 =	sadd.s32 s24, s6  }
0xa4: {  	[tilespmem:s12], [sflag:$0x3] =	stream.linear.gather [hbm4b:s6+s3], $0x400, $0x38;
	[tilespmem:$0x1C400] =	vst v63  }
0xa5: {  	_ =	swait.ge [sflag:s11], $0x400  }
0xa6: {  	s6 =	rddreg [dreg:$0x3];
	[sflag:s11] =	ssyncset.done $0x0  }
0xa7: {  	[sflag:s11] =	ssyncadd.s32 $0xFFFFFC00;
	s6 =	sadd.s32 s24, s6  }
0xa8: {  	[tilespmem:s13], [sflag:$0x3] =	stream.linear.gather [hbm4b:s6+s3], $0x400, $0x38;
	[tilespmem:$0x1C400] =	vst v63  }
0xa9: {  	_ =	swait.ge [sflag:s11], $0x400  }
0xaa: {  	[sflag:s11] =	ssyncset.done $0x0  }
0xab: {  	s10 =	smov.u32 s25;
	[sflag:s11] =	ssyncadd.s32 $0xFFFFFC00  }
0xac: {  	[tilespmem:s15], [sflag:$0x1] =	stream.indirect.gather [hbm4b:s4+s14], $0x80, s12, s14, $0xb8;
	[tilespmem:$0x1C400] =	vst v63  }
0xad: {  	s24 =	smov.u32 s10;
	s10 =	rddreg [dreg:$0x5]  }
0xae: {  	[tilespmem:s16], [sflag:$0x1] =	stream.indirect.gather [hbm4b:s4+s14], $0x80, s10, s14, $0xb8;
	[tilespmem:$0x1C400] =	vst v63  }
0xaf: {  	_ =	swait.ge [sflag:s17], $0x2000  }
0xb0: {  	[sflag:s17] =	ssyncset.done $0x0  }
0xb1: {  	[sflag:s17] =	ssyncadd.s32 $0xFFFFE000  }
0xb2: {  	_ =	swait.ge [sflag:s17], $0x2000  }
0xb3: {  	[sflag:s17] =	ssyncset.done $0x0  }
0xb4: {  	s6 =	rddreg [dreg:$0x6];
	[sflag:s17] =	ssyncadd.s32 $0xFFFFE000  }
0xb5: {  	[tilespmem:s18], [sflag:$0x2] =	stream.indirect.gather [hbm4b:s4+s14], $0x80, s6, s14, $0xb8;
	[tilespmem:$0x1C400] =	vst v63  }
0xb6: {  	s10 =	rddreg [dreg:$0x7]  }
0xb7: {  	[tilespmem:s19], [sflag:$0x2] =	stream.indirect.gather [hbm4b:s4+s14], $0x80, s10, s14, $0xb8;
	[tilespmem:$0x1C400] =	vst v63  }
0xb8: {  	_ = 	snop  }
0xb9: {  	[spmem:s2] =	stream.indirect.scatter.add.f32 [tilespmem:s15], [sflag:$0x3], $0x80, s13, s20, $0xb8;
	[tilespmem:$0x1C400] =	vst v63  }
0xba: {  	_ =	swait.ge [sflag:s11], $0x4000  }
0xbb: {  	[sflag:s11] =	ssyncset.done $0x0  }
0xbc: {  	[sflag:s11] =	ssyncadd.s32 $0xFFFFC000  }
0xbd: {  	_ =	swait.ge [sflag:s21], $0x2000  }
0xbe: {  	[sflag:s21] =	ssyncset.done $0x0  }
0xbf: {  	[sflag:s21] =	ssyncadd.s32 $0xFFFFE000  }
0xc0: {  	_ =	swait.ge [sflag:s21], $0x2000  }
0xc1: {  	[sflag:s21] =	ssyncset.done $0x0  }
0xc2: {  	s6 =	rddreg [dreg:$0x8];
	[sflag:s21] =	ssyncadd.s32 $0xFFFFE000  }
0xc3: {  	[tilespmem:s15], [sflag:$0x1] =	stream.indirect.gather [hbm4b:s4+s14], $0x80, s6, s14, $0xb8;
	[tilespmem:$0x1C400] =	vst v63  }
0xc4: {  	s10 =	rddreg [dreg:$0x9]  }
0xc5: {  	[tilespmem:s16], [sflag:$0x1] =	stream.indirect.gather [hbm4b:s4+s14], $0x80, s10, s14, $0xb8;
	[tilespmem:$0x1C400] =	vst v63  }
0xc6: {  	s6 =	rddreg [dreg:$0xa]  }
0xc7: {  	[spmem:s2] =	stream.indirect.scatter.add.f32 [tilespmem:s18], [sflag:$0x3], $0x80, s6, s20, $0xb8;
	[tilespmem:$0x1C400] =	vst v63  }
0xc8: {  	_ =	swait.ge [sflag:s11], $0x4000  }
0xc9: {  	[sflag:s11] =	ssyncset.done $0x0  }
0xca: {  	[sflag:s11] =	ssyncadd.s32 $0xFFFFC000  }
0xcb: {  	_ =	swait.ge [sflag:s17], $0x2000  }
0xcc: {  	[sflag:s17] =	ssyncset.done $0x0  }
0xcd: {  	[sflag:s17] =	ssyncadd.s32 $0xFFFFE000  }
0xce: {  	_ =	swait.ge [sflag:s17], $0x2000  }
0xcf: {  	[sflag:s17] =	ssyncset.done $0x0  }
0xd0: {  	s6 =	rddreg [dreg:$0xb];
	[sflag:s17] =	ssyncadd.s32 $0xFFFFE000  }
0xd1: {  	[tilespmem:s18], [sflag:$0x2] =	stream.indirect.gather [hbm4b:s4+s14], $0x80, s6, s14, $0xb8;
	[tilespmem:$0x1C400] =	vst v63  }
0xd2: {  	s10 =	rddreg [dreg:$0xc]  }
0xd3: {  	[tilespmem:s19], [sflag:$0x2] =	stream.indirect.gather [hbm4b:s4+s14], $0x80, s10, s14, $0xb8;
	[tilespmem:$0x1C400] =	vst v63  }
0xd4: {  	s6 =	rddreg [dreg:$0xd]  }
0xd5: {  	[spmem:s2] =	stream.indirect.scatter.add.f32 [tilespmem:s15], [sflag:$0x3], $0x80, s6, s20, $0xb8;
	[tilespmem:$0x1C400] =	vst v63  }
0xd6: {  	_ =	swait.ge [sflag:s11], $0x4000  }
0xd7: {  	[sflag:s11] =	ssyncset.done $0x0  }
0xd8: {  	[sflag:s11] =	ssyncadd.s32 $0xFFFFC000  }
0xd9: {  	_ =	swait.ge [sflag:s21], $0x2000  }
0xda: {  	[sflag:s21] =	ssyncset.done $0x0  }
0xdb: {  	[sflag:s21] =	ssyncadd.s32 $0xFFFFE000  }
0xdc: {  	_ =	swait.ge [sflag:s21], $0x2000  }
0xdd: {  	[sflag:s21] =	ssyncset.done $0x0  }
0xde: {  	[sflag:s21] =	ssyncadd.s32 $0xFFFFE000  }
0xdf: {  	[tilespmem:s15], [sflag:$0x1] =	stream.indirect.gather [hbm4b:s4+s14], $0x80, s22, s14, $0xb8;
	[tilespmem:$0x1C400] =	vst v63  }
0xe0: {  	_ = 	snop  }
0xe1: {  	[tilespmem:s16], [sflag:$0x1] =	stream.indirect.gather [hbm4b:s4+s14], $0x80, s23, s14, $0xb8;
	[tilespmem:$0x1C400] =	vst v63  }
0xe2: {  	_ = 	snop  }
0xe3: {  	[spmem:s2] =	stream.indirect.scatter.add.f32 [tilespmem:s18], [sflag:$0x3], $0x80, s26, s20, $0xb8;
	[tilespmem:$0x1C400] =	vst v63  }
0xe4: {  	_ =	swait.ge [sflag:s11], $0x4000  }
0xe5: {  	[sflag:s11] =	ssyncset.done $0x0  }
0xe6: {  	[sflag:s11] =	ssyncadd.s32 $0xFFFFC000  }
0xe7: {  	_ =	swait.ge [sflag:s17], $0x2000  }
0xe8: {  	[sflag:s17] =	ssyncset.done $0x0  }
0xe9: {  	[sflag:s17] =	ssyncadd.s32 $0xFFFFE000  }
0xea: {  	_ =	swait.ge [sflag:s17], $0x2000  }
0xeb: {  	[sflag:s17] =	ssyncset.done $0x0  }
0xec: {  	[sflag:s17] =	ssyncadd.s32 $0xFFFFE000  }
0xed: {  	[tilespmem:s18], [sflag:$0x2] =	stream.indirect.gather [hbm4b:s4+s14], $0x80, s28, s14, $0xb8;
	[tilespmem:$0x1C400] =	vst v63  }
0xee: {  	_ = 	snop  }
0xef: {  	[tilespmem:s19], [sflag:$0x2] =	stream.indirect.gather [hbm4b:s4+s14], $0x80, s29, s14, $0xb8;
	[tilespmem:$0x1C400] =	vst v63  }
0xf0: {  	_ = 	snop  }
0xf1: {  	[spmem:s2] =	stream.indirect.scatter.add.f32 [tilespmem:s15], [sflag:$0x3], $0x80, s30, s20, $0xb8;
	[tilespmem:$0x1C400] =	vst v63  }
0xf2: {  	_ =	swait.ge [sflag:s11], $0x4000  }
0xf3: {  	[sflag:s11] =	ssyncset.done $0x0  }
0xf4: {  	[sflag:s11] =	ssyncadd.s32 $0xFFFFC000  }
0xf5: {  	_ =	swait.ge [sflag:s21], $0x2000  }
0xf6: {  	[sflag:s21] =	ssyncset.done $0x0  }
0xf7: {  	[sflag:s21] =	ssyncadd.s32 $0xFFFFE000  }
0xf8: {  	_ =	swait.ge [sflag:s21], $0x2000  }
0xf9: {  	[sflag:s21] =	ssyncset.done $0x0  }
0xfa: {  	[sflag:s21] =	ssyncadd.s32 $0xFFFFE000  }
0xfb: {  	[tilespmem:s15], [sflag:$0x1] =	stream.indirect.gather [hbm4b:s4+s14], $0x80, s31, s14, $0xb8;
	[tilespmem:$0x1C400] =	vst v63  }
0xfc: {  	_ = 	snop  }
0xfd: {  	[tilespmem:s16], [sflag:$0x1] =	stream.indirect.gather [hbm4b:s4+s14], $0x80, s1, s14, $0xb8;
	[tilespmem:$0x1C400] =	vst v63  }
0xfe: {  	_ = 	snop  }
0xff: {  	[spmem:s2] =	stream.indirect.scatter.add.f32 [tilespmem:s18], [sflag:$0x3], $0x80, s0, s20, $0xb8;
	[tilespmem:$0x1C400] =	vst v63  }
0x100: {  	_ =	swait.ge [sflag:s11], $0x4000  }
0x101: {  	[sflag:s11] =	ssyncset.done $0x0  }
0x102: {  	[sflag:s11] =	ssyncadd.s32 $0xFFFFC000  }
0x103: {  	_ =	swait.ge [sflag:s17], $0x2000  }
0x104: {  	[sflag:s17] =	ssyncset.done $0x0  }
0x105: {  	[sflag:s17] =	ssyncadd.s32 $0xFFFFE000  }
0x106: {  	_ =	swait.ge [sflag:s17], $0x2000  }
0x107: {  	[sflag:s17] =	ssyncset.done $0x0  }
0x108: {  	[sflag:s17] =	ssyncadd.s32 $0xFFFFE000  }
0x109: {  	[tilespmem:s18], [sflag:$0x2] =	stream.indirect.gather [hbm4b:s4+s14], $0x80, s5, s14, $0xb8;
	[tilespmem:$0x1C400] =	vst v63  }
0x10a: {  	_ = 	snop  }
0x10b: {  	[tilespmem:s19], [sflag:$0x2] =	stream.indirect.gather [hbm4b:s4+s14], $0x80, s7, s14, $0xb8;
	[tilespmem:$0x1C400] =	vst v63  }
0x10c: {  	_ = 	snop  }
0x10d: {  	[spmem:s2] =	stream.indirect.scatter.add.f32 [tilespmem:s15], [sflag:$0x3], $0x80, s8, s20, $0xb8;
	[tilespmem:$0x1C400] =	vst v63  }
0x10e: {  	_ =	swait.ge [sflag:s11], $0x4000  }
0x10f: {  	[sflag:s11] =	ssyncset.done $0x0  }
0x110: {  	[sflag:s11] =	ssyncadd.s32 $0xFFFFC000  }
0x111: {  	_ =	swait.ge [sflag:s21], $0x2000  }
0x112: {  	[sflag:s21] =	ssyncset.done $0x0  }
0x113: {  	[sflag:s21] =	ssyncadd.s32 $0xFFFFE000  }
0x114: {  	p1 =	sne.s32 s25, $0x480;
	_ =	swait.ge [sflag:s21], $0x2000  }
.Ltmp0:
0x115: {  	[sflag:s21] =	ssyncset.done $0x0;
	(pc) =	sbr.rel @p1 .LBB2_2-.Ltmp0, $4  }
0x116: {  	[sflag:s21] =	ssyncadd.s32 $0xFFFFE000  }
0x117: {  	[spmem:s2] =	stream.indirect.scatter.add.f32 [tilespmem:s18], [sflag:$0x3], $0x80, s9, s20, $0xb8;
	[tilespmem:$0x1C400] =	vst v63  }
0x118: {  	_ =	swait.ge [sflag:s11], $0x4000  }
0x119: {  	s25 =	sadd.s32 $0x80, s25;
	s6 =	rddreg [dreg:$0x4];
	[sflag:s11] =	ssyncset.done $0x0  }
0x11a: {  	[sflag:s11] =	ssyncadd.s32 $0xFFFFC000;
	s6 =	sadd.s32 s24, s6  }
0x11b: {  	[tilespmem:s12], [sflag:$0x3] =	stream.linear.gather [hbm4b:s6+s3], $0x400, $0x38;
	[tilespmem:$0x1C400] =	vst v63  }
0x11c: {  	_ =	swait.ge [sflag:s11], $0x400  }
0x11d: {  	s10 =	rddreg [dreg:$0x3];
	[sflag:s11] =	ssyncset.done $0x0  }
0x11e: {  	[sflag:s11] =	ssyncadd.s32 $0xFFFFFC00;
	s6 =	sadd.s32 s24, s10  }
0x11f: {  	[tilespmem:s13], [sflag:$0x3] =	stream.linear.gather [hbm4b:s6+s3], $0x400, $0x38;
	[tilespmem:$0x1C400] =	vst v63  }
0x120: {  	_ =	swait.ge [sflag:s11], $0x400  }
0x121: {  	[sflag:s11] =	ssyncset.done $0x0  }
0x122: {  	[sflag:s11] =	ssyncadd.s32 $0xFFFFFC00  }
0x123: {  	[tilespmem:s15], [sflag:$0x1] =	stream.indirect.gather [hbm4b:s4+s14], $0x80, s12, s14, $0xb8;
	[tilespmem:$0x1C400] =	vst v63  }
0x124: {  	s24 =	rddreg [dreg:$0x5]  }
0x125: {  	[tilespmem:s16], [sflag:$0x1] =	stream.indirect.gather [hbm4b:s4+s14], $0x80, s24, s14, $0xb8;
	[tilespmem:$0x1C400] =	vst v63  }
0x126: {  	_ =	swait.ge [sflag:s17], $0x2000  }
0x127: {  	[sflag:s17] =	ssyncset.done $0x0  }
0x128: {  	[sflag:s17] =	ssyncadd.s32 $0xFFFFE000  }
0x129: {  	_ =	swait.ge [sflag:s17], $0x2000  }
0x12a: {  	[sflag:s17] =	ssyncset.done $0x0  }
0x12b: {  	s25 =	rddreg [dreg:$0x6];
	[sflag:s17] =	ssyncadd.s32 $0xFFFFE000  }
0x12c: {  	[tilespmem:s18], [sflag:$0x2] =	stream.indirect.gather [hbm4b:s4+s14], $0x80, s25, s14, $0xb8;
	[tilespmem:$0x1C400] =	vst v63  }
0x12d: {  	s10 =	rddreg [dreg:$0x7]  }
0x12e: {  	[tilespmem:s19], [sflag:$0x2] =	stream.indirect.gather [hbm4b:s4+s14], $0x80, s10, s14, $0xb8;
	[tilespmem:$0x1C400] =	vst v63  }
0x12f: {  	_ = 	snop  }
0x130: {  	[spmem:s2] =	stream.indirect.scatter.add.f32 [tilespmem:s15], [sflag:$0x3], $0x80, s13, s20, $0xb8;
	[tilespmem:$0x1C400] =	vst v63  }
0x131: {  	_ =	swait.ge [sflag:s11], $0x4000  }
0x132: {  	[sflag:s11] =	ssyncset.done $0x0  }
0x133: {  	[sflag:s11] =	ssyncadd.s32 $0xFFFFC000  }
0x134: {  	_ =	swait.ge [sflag:s21], $0x2000  }
0x135: {  	[sflag:s21] =	ssyncset.done $0x0  }
0x136: {  	[sflag:s21] =	ssyncadd.s32 $0xFFFFE000  }
0x137: {  	_ =	swait.ge [sflag:s21], $0x2000  }
0x138: {  	[sflag:s21] =	ssyncset.done $0x0  }
0x139: {  	s10 =	rddreg [dreg:$0x8];
	[sflag:s21] =	ssyncadd.s32 $0xFFFFE000  }
0x13a: {  	[tilespmem:s15], [sflag:$0x1] =	stream.indirect.gather [hbm4b:s4+s14], $0x80, s10, s14, $0xb8;
	[tilespmem:$0x1C400] =	vst v63  }
0x13b: {  	s24 =	rddreg [dreg:$0x9]  }
0x13c: {  	[tilespmem:s16], [sflag:$0x1] =	stream.indirect.gather [hbm4b:s4+s14], $0x80, s24, s14, $0xb8;
	[tilespmem:$0x1C400] =	vst v63  }
0x13d: {  	s25 =	rddreg [dreg:$0xa]  }
0x13e: {  	[spmem:s2] =	stream.indirect.scatter.add.f32 [tilespmem:s18], [sflag:$0x3], $0x80, s25, s20, $0xb8;
	[tilespmem:$0x1C400] =	vst v63  }
0x13f: {  	_ =	swait.ge [sflag:s11], $0x4000  }
0x140: {  	[sflag:s11] =	ssyncset.done $0x0  }
0x141: {  	[sflag:s11] =	ssyncadd.s32 $0xFFFFC000  }
0x142: {  	_ =	swait.ge [sflag:s17], $0x2000  }
0x143: {  	[sflag:s17] =	ssyncset.done $0x0  }
0x144: {  	[sflag:s17] =	ssyncadd.s32 $0xFFFFE000  }
0x145: {  	_ =	swait.ge [sflag:s17], $0x2000  }
0x146: {  	[sflag:s17] =	ssyncset.done $0x0  }
0x147: {  	s10 =	rddreg [dreg:$0xb];
	[sflag:s17] =	ssyncadd.s32 $0xFFFFE000  }
0x148: {  	[tilespmem:s18], [sflag:$0x2] =	stream.indirect.gather [hbm4b:s4+s14], $0x80, s10, s14, $0xb8;
	[tilespmem:$0x1C400] =	vst v63  }
0x149: {  	s24 =	rddreg [dreg:$0xc]  }
0x14a: {  	[tilespmem:s19], [sflag:$0x2] =	stream.indirect.gather [hbm4b:s4+s14], $0x80, s24, s14, $0xb8;
	[tilespmem:$0x1C400] =	vst v63  }
0x14b: {  	s25 =	rddreg [dreg:$0xd]  }
0x14c: {  	[spmem:s2] =	stream.indirect.scatter.add.f32 [tilespmem:s15], [sflag:$0x3], $0x80, s25, s20, $0xb8;
	[tilespmem:$0x1C400] =	vst v63  }
0x14d: {  	_ =	swait.ge [sflag:s11], $0x4000  }
0x14e: {  	[sflag:s11] =	ssyncset.done $0x0  }
0x14f: {  	[sflag:s11] =	ssyncadd.s32 $0xFFFFC000  }
0x150: {  	_ =	swait.ge [sflag:s21], $0x2000  }
0x151: {  	[sflag:s21] =	ssyncset.done $0x0  }
0x152: {  	[sflag:s21] =	ssyncadd.s32 $0xFFFFE000  }
0x153: {  	_ =	swait.ge [sflag:s21], $0x2000  }
0x154: {  	[sflag:s21] =	ssyncset.done $0x0  }
0x155: {  	[sflag:s21] =	ssyncadd.s32 $0xFFFFE000  }
0x156: {  	[tilespmem:s15], [sflag:$0x1] =	stream.indirect.gather [hbm4b:s4+s14], $0x80, s22, s14, $0xb8;
	[tilespmem:$0x1C400] =	vst v63  }
0x157: {  	_ = 	snop  }
0x158: {  	[tilespmem:s16], [sflag:$0x1] =	stream.indirect.gather [hbm4b:s4+s14], $0x80, s23, s14, $0xb8;
	[tilespmem:$0x1C400] =	vst v63  }
0x159: {  	_ = 	snop  }
0x15a: {  	[spmem:s2] =	stream.indirect.scatter.add.f32 [tilespmem:s18], [sflag:$0x3], $0x80, s26, s20, $0xb8;
	[tilespmem:$0x1C400] =	vst v63  }
0x15b: {  	_ =	swait.ge [sflag:s11], $0x4000  }
0x15c: {  	[sflag:s11] =	ssyncset.done $0x0  }
0x15d: {  	[sflag:s11] =	ssyncadd.s32 $0xFFFFC000  }
0x15e: {  	_ =	swait.ge [sflag:s17], $0x2000  }
0x15f: {  	[sflag:s17] =	ssyncset.done $0x0  }
0x160: {  	[sflag:s17] =	ssyncadd.s32 $0xFFFFE000  }
0x161: {  	_ =	swait.ge [sflag:s17], $0x2000  }
0x162: {  	[sflag:s17] =	ssyncset.done $0x0  }
0x163: {  	[sflag:s17] =	ssyncadd.s32 $0xFFFFE000  }
0x164: {  	[tilespmem:s18], [sflag:$0x2] =	stream.indirect.gather [hbm4b:s4+s14], $0x80, s28, s14, $0xb8;
	[tilespmem:$0x1C400] =	vst v63  }
0x165: {  	_ = 	snop  }
0x166: {  	[tilespmem:s19], [sflag:$0x2] =	stream.indirect.gather [hbm4b:s4+s14], $0x80, s29, s14, $0xb8;
	[tilespmem:$0x1C400] =	vst v63  }
0x167: {  	_ = 	snop  }
0x168: {  	[spmem:s2] =	stream.indirect.scatter.add.f32 [tilespmem:s15], [sflag:$0x3], $0x80, s30, s20, $0xb8;
	[tilespmem:$0x1C400] =	vst v63  }
0x169: {  	_ =	swait.ge [sflag:s11], $0x4000  }
0x16a: {  	[sflag:s11] =	ssyncset.done $0x0  }
0x16b: {  	[sflag:s11] =	ssyncadd.s32 $0xFFFFC000  }
0x16c: {  	_ =	swait.ge [sflag:s21], $0x2000  }
0x16d: {  	[sflag:s21] =	ssyncset.done $0x0  }
0x16e: {  	[sflag:s21] =	ssyncadd.s32 $0xFFFFE000  }
0x16f: {  	_ =	swait.ge [sflag:s21], $0x2000  }
0x170: {  	[sflag:s21] =	ssyncset.done $0x0  }
0x171: {  	[sflag:s21] =	ssyncadd.s32 $0xFFFFE000  }
0x172: {  	[tilespmem:s15], [sflag:$0x1] =	stream.indirect.gather [hbm4b:s4+s14], $0x80, s31, s14, $0xb8;
	[tilespmem:$0x1C400] =	vst v63  }
0x173: {  	_ = 	snop  }
0x174: {  	[tilespmem:s16], [sflag:$0x1] =	stream.indirect.gather [hbm4b:s4+s14], $0x80, s1, s14, $0xb8;
	[tilespmem:$0x1C400] =	vst v63  }
0x175: {  	_ = 	snop  }
0x176: {  	[spmem:s2] =	stream.indirect.scatter.add.f32 [tilespmem:s18], [sflag:$0x3], $0x80, s0, s20, $0xb8;
	[tilespmem:$0x1C400] =	vst v63  }
0x177: {  	_ =	swait.ge [sflag:s11], $0x4000  }
0x178: {  	[sflag:s11] =	ssyncset.done $0x0  }
0x179: {  	[sflag:s11] =	ssyncadd.s32 $0xFFFFC000  }
0x17a: {  	_ =	swait.ge [sflag:s17], $0x2000  }
0x17b: {  	[sflag:s17] =	ssyncset.done $0x0  }
0x17c: {  	[sflag:s17] =	ssyncadd.s32 $0xFFFFE000  }
0x17d: {  	_ =	swait.ge [sflag:s17], $0x2000  }
0x17e: {  	[sflag:s17] =	ssyncset.done $0x0  }
0x17f: {  	[sflag:s17] =	ssyncadd.s32 $0xFFFFE000  }
0x180: {  	[tilespmem:s18], [sflag:$0x2] =	stream.indirect.gather [hbm4b:s4+s14], $0x80, s5, s14, $0xb8;
	[tilespmem:$0x1C400] =	vst v63  }
0x181: {  	_ = 	snop  }
0x182: {  	[tilespmem:s19], [sflag:$0x2] =	stream.indirect.gather [hbm4b:s4+s14], $0x80, s7, s14, $0xb8;
	[tilespmem:$0x1C400] =	vst v63  }
0x183: {  	_ = 	snop  }
0x184: {  	[spmem:s2] =	stream.indirect.scatter.add.f32 [tilespmem:s15], [sflag:$0x3], $0x80, s8, s20, $0xb8;
	[tilespmem:$0x1C400] =	vst v63  }
0x185: {  	_ =	swait.ge [sflag:s11], $0x4000  }
0x186: {  	[sflag:s11] =	ssyncset.done $0x0  }
0x187: {  	[sflag:s11] =	ssyncadd.s32 $0xFFFFC000  }
0x188: {  	_ =	swait.ge [sflag:s21], $0x2000  }
0x189: {  	[sflag:s21] =	ssyncset.done $0x0  }
0x18a: {  	[sflag:s21] =	ssyncadd.s32 $0xFFFFE000  }
0x18b: {  	_ =	swait.ge [sflag:s21], $0x2000  }
0x18c: {  	[sflag:s21] =	ssyncset.done $0x0  }
0x18d: {  	[sflag:s21] =	ssyncadd.s32 $0xFFFFE000  }
0x18e: {  	[spmem:s2] =	stream.indirect.scatter.add.f32 [tilespmem:s18], [sflag:$0x3], $0x80, s9, s20, $0xb8;
	[tilespmem:$0x1C400] =	vst v63  }
0x18f: {  	_ =	swait.ge [sflag:s11], $0x4000  }
0x190: {  	[sflag:s11] =	ssyncset.done $0x0  }
0x191: {  	[sflag:s11] =	ssyncadd.s32 $0xFFFFC000  }
0x192: {  	[bflag:$0x0] =	sbarrier.arrive $0xFFFF  }
0x193: {  	s24 =	rddreg [dreg:$0xf]  }
0x194: {  	s10 =	rddreg [dreg:$0x10]  }
0x195: {  	s25 =	rddreg [dreg:$0x14]  }
0x196: {  	[hbm:s10], [sflag:s24] =	dma.local [spmem:s25], $0x2700  }
0x197: {  	_ =	swait.ge [sflag:s11], $0x2700  }
0x198: {  	[sflag:s11] =	ssyncset.done $0x0;
	s6 =	rddreg [dreg:$0x11]  }
0x199: {  	s10 =	rddreg [dreg:$0x15];
	[sflag:s11] =	ssyncadd.s32 $0xFFFFD900  }
0x19a: {  	[hbm:s6], [sflag:s24] =	dma.local @!p0 [spmem:s10], $0x100  }
0x19b: {  	s6 =	simm.s32 @!p0 $0x3  }
0x19c: {  	_ =	swait.ge @!p0 [sflag:s6], $0x100  }
0x19d: {  	s25 =	rddreg [dreg:$0x16]  }
0x19e: {  	s10 =	rddreg [dreg:$0x12];
	s25 =	sadd.s32 $0x1, s25  }
0x19f: {  	p1 =	sne.s32 s25, s10  }
.Ltmp1:
0x1a0: {  	_ = 	snop;
	(pc) =	sbr.rel @p1 .LBB2_1-.Ltmp1, $3  }
0x1a1: {  	_ =	sdelay $0x1  }
0x1a2: {  	[sflag:s6] =	ssyncset.done @!p0 $0x0  }
0x1a3: {  	[sflag:s6] =	ssyncadd.s32 @!p0 $0xFFFFFF00  }
0x1a4: {  	_ =	sfence.sel $0x180000  }
0x1a5: {  	[bflag:$0x0] =	sbarrier.arrive $0xFFFF  }
0x1a6: {  	_ =	strace $0x90000050  }
0x1a7: {  	s0 =	stileid.u32;
	[bflag:$0x2] =	sbarrier.arrive $0xFFFF  }
0x1a8: {  	p0 =	sne.s32 s0, $0x0;
	s0 =	rddreg [dreg:$0x2]  }
0x1a9: {  	s0 =	sadd.s32 @!p0 $0x100000, s0  }
0x1aa: {  	[sflag:s0] =	ssyncadd.tile.s32 @!p0 $0x1;
	_ =	shalt  }
.Lfunc_end2:
_tile_overlayer_lowered:
.L_overlay_start_2:
0x1ab: {  	(tag) =	ssettag $0x2  }
0x1ac: {  	s0 =	rddreg [dreg:$0x0];
	s2 =	stileid.u32  }
0x1ad: {  	s1 =	rddreg [dreg:$0x1];
	p0 =	sne.s32 s2, $0x0  }
0x1ae: {  	s3 =	rddreg [dreg:$0x2];
	[bflag:$0x3] =	sbarrier.arrive $0xFFFF;
	s2 =	simm.s32 @!p0 $0x1C03  }
0x1af: {  	[timem:s3], [sflag:s2] =	dma.local @!p0 [hbm:s0], s1  }
0x1b0: {  	s0 =	simm.s32 @!p0 $0x3  }
0x1b1: {  	_ =	swait.ge @!p0 [sflag:s0], s1  }
0x1b2: {  	s1 =	ssub.s32 @!p0 $0x0, s1;
	[sflag:s0] =	ssyncset.done @!p0 $0x0  }
0x1b3: {  	[sflag:s0] =	ssyncadd.s32 @!p0 s1  }
0x1b4: {  	[bflag:$0x3] =	sbarrier.arrive $0xFFFF  }
0x1b5: {  	_ =	shalt  }

</sc_bundles>
